<compile_context>
chip_gen: v7x
topology: tpu7x:2x2x1
jax: 0.10.2.dev20260603
libtpu: 0.0.44.dev20260713+nightly
codegen_flags: <defaults>
</compile_context>

<pallas_src>
import functools

import jax
import jax.numpy as jnp
from jax import lax
from jax.experimental import pallas as pl
from jax.experimental.pallas import tpu as pltpu
from jax.experimental.pallas import tpu_sc as plsc

K = 64
N = 32768
B = 128
NS = 16
CHUNK = N // NS
NV = CHUNK // 16
NCV = (NS * K) // 16


def _radix_select(bits_fn, nv, quota, hist_ref, tmp_ref):
    prefix = jnp.int32(0)
    q = jnp.int32(quota)
    zero16 = jnp.zeros((16,), jnp.int32)
    one16 = jnp.ones((16,), jnp.int32)
    lane = jnp.arange(16, dtype=jnp.int32)
    for level in range(4):
        shift = 24 - 8 * level
        nbsel = 4 if level == 0 else 16
        for j in range(nbsel):
            hist_ref[pl.ds(16 * j, 16)] = zero16

        if level == 0:
            @plsc.parallel_loop(0, nv, unroll=4)
            def _build(j):
                v = bits_fn(j)
                binv = (v >> shift) & 255
                plsc.addupdate_scatter(hist_ref, [binv], one16)
        else:
            pfx = prefix
            shift_ = shift

            @plsc.parallel_loop(0, nv, unroll=4)
            def _build(j, _pfx=pfx, _shift=shift_):
                v = bits_fn(j)
                ok = (v >> (_shift + 8)) == _pfx
                binv = (v >> _shift) & 255
                plsc.addupdate_scatter(hist_ref, [binv], one16, mask=ok)

        @plsc.parallel_loop(0, nbsel, unroll=4,
                            carry=(jnp.int32(0), zero16, zero16))
        def _sel(i, carry, _q=q, _nb=nbsel):
            above, b_accv, s_accv = carry
            i2 = _nb - 1 - i
            v = hist_ref[pl.ds(16 * i2, 16)]
            cs = plsc.cumsum(v)
            total = cs[15]
            sfx = (above + total) - cs
            cond = ((sfx < _q) & (sfx + v >= _q)).astype(jnp.int32)
            b_accv = b_accv + (i2 * 16 + lane) * cond
            s_accv = s_accv + sfx * cond
            return above + total, b_accv, s_accv

        _, b_accv, s_accv = _sel
        bstar = jnp.sum(b_accv)
        q = q - jnp.sum(s_accv)
        prefix = (prefix << 8) | bstar
    return prefix, q


def _compact(val_fn, idx_fn, nv, t_bits, need, outv_ref, outi_ref, tmp_ref):
    def one(j, eq_seen, sel_seen):
        xv = val_fn(j)
        bv = lax.bitcast_convert_type(xv, jnp.int32)
        gt = bv > t_bits
        eq = bv == t_bits
        eqi = eq.astype(jnp.int32)
        ecs = plsc.cumsum(eqi)
        eq_excl = ecs - eqi
        sel = gt | (eq & ((eq_seen + eq_excl) < need))
        seln = sel.astype(jnp.int32)
        scs = plsc.cumsum(seln)
        sel_excl = scs - seln
        slot = sel_seen + sel_excl
        plsc.store_scatter(outv_ref, [slot], xv, mask=sel)
        plsc.store_scatter(outi_ref, [slot], idx_fn(j), mask=sel)
        return eq_seen + ecs[15], sel_seen + scs[15]

    @plsc.parallel_loop(0, nv, unroll=4, carry=(jnp.int32(0), jnp.int32(0)))
    def _run(j, carry):
        eq_seen, sel_seen = carry
        return one(j, eq_seen, sel_seen)


def _sc_body(x_hbm, outv_hbm, outi_hbm, xb, hist, candv_l, candi_l,
             cand_sh_v, cand_sh_i, candv, candi, selv, seli, tmp):
    s = lax.axis_index("s")
    lane = jnp.arange(16, dtype=jnp.int32)

    pltpu.sync_copy(x_hbm.at[pl.ds(s * CHUNK, CHUNK)], xb)

    def my_bits(j):
        return lax.bitcast_convert_type(xb[pl.ds(16 * j, 16)], jnp.int32)

    t_loc, need_loc = _radix_select(my_bits, NV, K, hist, tmp)
    base = s * CHUNK
    _compact(lambda j: xb[pl.ds(16 * j, 16)],
             lambda j: base + j * 16 + lane,
             NV, t_loc, need_loc, candv_l, candi_l, tmp)

    pltpu.sync_copy(candv_l, cand_sh_v.at[pl.ds(s * K, K)])
    pltpu.sync_copy(candi_l, cand_sh_i.at[pl.ds(s * K, K)])
    plsc.subcore_barrier()
    pltpu.sync_copy(cand_sh_v, candv)
    pltpu.sync_copy(cand_sh_i, candi)

    def cand_bits(j):
        return lax.bitcast_convert_type(candv[pl.ds(16 * j, 16)], jnp.int32)

    t_g, need_g = _radix_select(cand_bits, NCV, K, hist, tmp)
    _compact(lambda j: candv[pl.ds(16 * j, 16)],
             lambda j: candi[pl.ds(16 * j, 16)],
             NCV, t_g, need_g, selv, seli, tmp)

    @pl.when(s == 0)
    def _out():
        pltpu.sync_copy(selv, outv_hbm)
        pltpu.sync_copy(seli, outi_hbm)


@functools.partial(
    pl.kernel,
    out_type=(jax.ShapeDtypeStruct((K,), jnp.float32),
              jax.ShapeDtypeStruct((K,), jnp.int32)),
    mesh=plsc.VectorSubcoreMesh(core_axis_name="c", subcore_axis_name="s",
                                num_cores=1),
    compiler_params=pltpu.CompilerParams(needs_layout_passes=False),
    scratch_types=[
        pltpu.VMEM((CHUNK,), jnp.float32),
        pltpu.VMEM((256,), jnp.int32),
        pltpu.VMEM((K,), jnp.float32),
        pltpu.VMEM((K,), jnp.int32),
        pltpu.VMEM_SHARED((NS * K,), jnp.float32),
        pltpu.VMEM_SHARED((NS * K,), jnp.int32),
        pltpu.VMEM((NS * K,), jnp.float32),
        pltpu.VMEM((NS * K,), jnp.int32),
        pltpu.VMEM((K,), jnp.float32),
        pltpu.VMEM((K,), jnp.int32),
        pltpu.VMEM((16,), jnp.int32),
    ],
)
def _sc_select(x_hbm, outv_hbm, outi_hbm, *rest):
    _sc_body(x_hbm, outv_hbm, outi_hbm, *rest)


GW = 32
GSTEPS = K // GW


def _gather_kernel(seli_ref, selv_ref, *refs):
    oracle_refs = refs[:GW]
    out_ref = refs[GW]
    acc_ref = refs[GW + 1]
    i = pl.program_id(0)

    @pl.when(i == 0)
    def _init():
        acc_ref[...] = jnp.zeros_like(acc_ref)

    lanes = lax.broadcasted_iota(jnp.int32, (B, 128), 1)
    ii = lax.broadcasted_iota(jnp.int32, (1, K), 1)
    acc = acc_ref[...]
    selvv = selv_ref[...]
    for u in range(GW):
        col = seli_ref[i * GW + u] % 128
        w = jnp.sum(jnp.where(ii == i * GW + u, selvv, 0.0))
        acc += jnp.where(lanes == col, oracle_refs[u][...], 0.0) * w
    acc_ref[...] = acc

    @pl.when(i == GSTEPS - 1)
    def _fin():
        sample = jnp.sum(acc_ref[...], axis=1, keepdims=True)
        out_ref[...] = jnp.sum(jnp.log(sample + 1e-10), keepdims=True) / B


def kernel(concat_output, oracle_prob, k):
    selv, seli = _sc_select(concat_output)
    def _mk_spec(u):
        return pl.BlockSpec((B, 128), lambda i, s, _u=u: (0, s[i * GW + _u] // 128))

    out = pl.pallas_call(
        _gather_kernel,
        grid_spec=pltpu.PrefetchScalarGridSpec(
            num_scalar_prefetch=1,
            grid=(GSTEPS,),
            in_specs=[pl.BlockSpec((1, K), lambda i, s: (0, 0))]
                     + [_mk_spec(u) for u in range(GW)],
            out_specs=pl.BlockSpec((1, 1), lambda i, s: (0, 0)),
            scratch_shapes=[pltpu.VMEM((B, 128), jnp.float32)],
        ),
        out_shape=jax.ShapeDtypeStruct((1, 1), jnp.float32),
    )(seli, selv.reshape(1, K), *([oracle_prob] * GW))
    return out[0, 0]

# --- scband reference (transcript-rebuilt; emitter-appended) ---
"""Pipeline reference for scband-decoder-33234456936687 (READ-ONLY COPY).

The authoritative reference and input builder live on the scoring server;
editing this copy changes nothing except your own understanding.
"""

import jax, jax.numpy as jnp
import numpy as np

K = 64
N = 32768
B = 128

def setup_inputs(seed: int = 0) -> dict:
    key = jax.random.key(seed)
    k1, k2 = jax.random.split(key, 2)
    # concat_output: encoder output in coefficient space, a probability vector over all
    # (node, category) intervention slots; total_dims = sum(coef_config) = 32768.
    concat_output = jax.random.uniform(k1, (N,), dtype=jnp.float32)
    concat_output = concat_output / jnp.sum(concat_output)
    # oracle_prob[b, j]: probability of sample b under intervention slot j
    # (stand-in for oracle.get_sample_probability(interv_locs, inputs); the oracle lookup
    # for the selected top-k slots becomes a gather over columns).
    oracle_prob = jax.random.uniform(k2, (B, N), dtype=jnp.float32)
    return {"concat_output": concat_output, "oracle_prob": oracle_prob, "k": K}

def reference(concat_output, oracle_prob, k):
    # sample_strategy == 'top-k': select top-|sparsity_factor| most probable interventions
    interv_loc_prob, indices = jax.lax.top_k(concat_output, K)
    # oracle.get_sample_probability(interv_locs, inputs) -> gather the per-sample
    # probabilities for the selected intervention locations: [B, k]
    sample_loc_prob = jnp.take(oracle_prob, indices, axis=1)
    # _calculate_sample_likliehood
    tolerance = 1e-10
    sample_prob = jnp.sum(interv_loc_prob[None, :] * sample_loc_prob, axis=1)
    sample_logprob = jnp.log(sample_prob + tolerance)
    all_sample_logprob = jnp.mean(sample_logprob) + 0.0 * (k - K)
    return all_sample_logprob

if __name__ == "__main__":
    import jax
    _d = setup_inputs()
    print(jax.jit(kernel)(*tuple(_d.values())))

</pallas_src>

<mosaic_0001>
#map = affine_map<(d0, d1) -> (0)>
module attributes {stable_mosaic.version = 14 : i64} {
  func.func @_sc_select(%arg0: i32, %arg1: i32, %arg2: memref<32768xf32, #tpu.memory_space<hbm>>, %arg3: memref<64xf32, #tpu.memory_space<hbm>>, %arg4: memref<64xi32, #tpu.memory_space<hbm>>, %arg5: memref<2048xf32, #tpu.memory_space<vmem>>, %arg6: memref<256xi32, #tpu.memory_space<vmem>>, %arg7: memref<64xf32, #tpu.memory_space<vmem>>, %arg8: memref<64xi32, #tpu.memory_space<vmem>>, %arg9: memref<1024xf32, #tpu.memory_space<vmem_shared>>, %arg10: memref<1024xi32, #tpu.memory_space<vmem_shared>>, %arg11: memref<1024xf32, #tpu.memory_space<vmem>>, %arg12: memref<1024xi32, #tpu.memory_space<vmem>>, %arg13: memref<64xf32, #tpu.memory_space<vmem>>, %arg14: memref<64xi32, #tpu.memory_space<vmem>>, %arg15: memref<16xi32, #tpu.memory_space<vmem>>) attributes {dimension_semantics = [#tpu.dimension_semantics<core_parallel>, #tpu.dimension_semantics<subcore_parallel>], iteration_bounds = array<i64: 1, 16>, scalar_prefetch = 0 : i64, scratch_operands = 11 : i64, tpu.core_type = #tpu.core_type<sc_vector_subcore>, window_params = [{transform_indices = #map}, {transform_indices = #map}, {transform_indices = #map}]} {
    %iota3A = tpu.iota {dimensions = array<i32: 0>} : vector<16xi32>
    %mul3A = arith.constant 2048 : i32
    %mul3A_0 = arith.muli %arg1, %mul3A : i32
    "tpu.region"() ({
      %run_scoped3A = tpu.sem_alloc : memref<!tpu.dma_semaphore, #tpu.memory_space<semaphore_mem>>
      %dma_start3A = tpu.memref_slice %arg2[%mul3A_0] : memref<32768xf32, #tpu.memory_space<hbm>> -> memref<2048xf32, #tpu.memory_space<hbm>>
      %dma_start3A_398 = tpu.memref_slice %arg2[%mul3A_0] : memref<32768xf32, #tpu.memory_space<hbm>> -> memref<2048xf32, #tpu.memory_space<hbm>>
      tpu.enqueue_dma source(%dma_start3A_398 : memref<2048xf32, #tpu.memory_space<hbm>>) target(%arg5 : memref<2048xf32, #tpu.memory_space<vmem>>) target_semaphore(%run_scoped3A : memref<!tpu.dma_semaphore, #tpu.memory_space<semaphore_mem>>)
      %dma_wait3A = tpu.memref_slice %arg2[%mul3A_0] : memref<32768xf32, #tpu.memory_space<hbm>> -> memref<2048xf32, #tpu.memory_space<hbm>>
      %dma_wait3A_399 = tpu.memref_slice %arg2[%mul3A_0] : memref<32768xf32, #tpu.memory_space<hbm>> -> memref<2048xf32, #tpu.memory_space<hbm>>
      tpu.wait_dma2 semaphore(%run_scoped3A : memref<!tpu.dma_semaphore, #tpu.memory_space<semaphore_mem>>) src(%dma_wait3A_399 : memref<2048xf32, #tpu.memory_space<hbm>>) dst(%arg5 : memref<2048xf32, #tpu.memory_space<vmem>>)
      tpu.yield
    }) : () -> ()
    %broadcast_in_dim3A = arith.constant 0 : i32
    %broadcast_in_dim3A_1 = vector.broadcast %broadcast_in_dim3A : i32 to vector<16xi32>
    %broadcast_in_dim3A_2 = arith.constant 1 : i32
    %broadcast_in_dim3A_3 = vector.broadcast %broadcast_in_dim3A_2 : i32 to vector<16xi32>
    %iota3A_4 = tpu.iota {dimensions = array<i32: 0>} : vector<16xi32>
    %swap3A = arith.constant 0 : index
    %swap3A_5 = tpu.vector_load %arg6[%swap3A] {strides = array<i32>} : memref<256xi32, #tpu.memory_space<vmem>>, vector<16xi32>,
    tpu.vector_store %arg6[%swap3A], %broadcast_in_dim3A_1 {strides = array<i32>} : memref<256xi32, #tpu.memory_space<vmem>>, vector<16xi32>,
    %swap3A_6 = arith.constant 16 : index
    %swap3A_7 = tpu.vector_load %arg6[%swap3A_6] {strides = array<i32>} : memref<256xi32, #tpu.memory_space<vmem>>, vector<16xi32>,
    tpu.vector_store %arg6[%swap3A_6], %broadcast_in_dim3A_1 {strides = array<i32>} : memref<256xi32, #tpu.memory_space<vmem>>, vector<16xi32>,
    %swap3A_8 = arith.constant 32 : index
    %swap3A_9 = tpu.vector_load %arg6[%swap3A_8] {strides = array<i32>} : memref<256xi32, #tpu.memory_space<vmem>>, vector<16xi32>,
    tpu.vector_store %arg6[%swap3A_8], %broadcast_in_dim3A_1 {strides = array<i32>} : memref<256xi32, #tpu.memory_space<vmem>>, vector<16xi32>,
    %swap3A_10 = arith.constant 48 : index
    %swap3A_11 = tpu.vector_load %arg6[%swap3A_10] {strides = array<i32>} : memref<256xi32, #tpu.memory_space<vmem>>, vector<16xi32>,
    tpu.vector_store %arg6[%swap3A_10], %broadcast_in_dim3A_1 {strides = array<i32>} : memref<256xi32, #tpu.memory_space<vmem>>, vector<16xi32>,
    %parallel_loop3A = arith.constant 0 : i32
    %parallel_loop3A_12 = arith.constant 128 : i32
    %parallel_loop3A_13 = arith.constant 1 : i32
    scf.for %parallel_loop3A_398 = %parallel_loop3A to %parallel_loop3A_12 step %parallel_loop3A_13  : i32 {
      %parallel_loop3A_399 = arith.constant 16 : i32
      %parallel_loop3A_400 = arith.muli %parallel_loop3A_399, %parallel_loop3A_398 : i32
      %parallel_loop3A_401 = arith.index_cast %parallel_loop3A_400 : i32 to index
      %parallel_loop3A_402 = tpu.vector_load %arg5[%parallel_loop3A_401] {strides = array<i32>} : memref<2048xf32, #tpu.memory_space<vmem>>, vector<16xf32>,
      %parallel_loop3A_403 = tpu.bitcast %parallel_loop3A_402 : vector<16xf32> -> vector<16xi32>
      %parallel_loop3A_404 = arith.constant 24 : i32
      %parallel_loop3A_405 = vector.broadcast %parallel_loop3A_404 : i32 to vector<16xi32>
      %parallel_loop3A_406 = arith.shrsi %parallel_loop3A_403, %parallel_loop3A_405 : vector<16xi32>
      %parallel_loop3A_407 = arith.constant 255 : i32
      %parallel_loop3A_408 = vector.broadcast %parallel_loop3A_407 : i32 to vector<16xi32>
      %parallel_loop3A_409 = arith.andi %parallel_loop3A_406, %parallel_loop3A_408 : vector<16xi32>
      tpu.vector_store_idx %arg6[%parallel_loop3A_409], %broadcast_in_dim3A_3 {add = true} : memref<256xi32, #tpu.memory_space<vmem>>[vector<16xi32>], vector<16xi32>,
    } {sc.loop_unroll_factor = 4 : i64, sc.parallel_access}
    %parallel_loop3A_14 = arith.constant 0 : i32
    %parallel_loop3A_15 = arith.constant 4 : i32
    %parallel_loop3A_16 = arith.constant 1 : i32
    %parallel_loop3A_17 = arith.constant 64 : i32
    %parallel_loop3A_18 = arith.constant 0 : i32
    %parallel_loop3A_19:3 = scf.for %parallel_loop3A_398 = %parallel_loop3A_14 to %parallel_loop3A_15 step %parallel_loop3A_16 iter_args(%parallel_loop3A_399 = %parallel_loop3A_18, %parallel_loop3A_400 = %broadcast_in_dim3A_1, %parallel_loop3A_401 = %broadcast_in_dim3A_1) -> (i32, vector<16xi32>, vector<16xi32>)  : i32 {
      %parallel_loop3A_402 = arith.constant 3 : i32
      %parallel_loop3A_403 = arith.subi %parallel_loop3A_402, %parallel_loop3A_398 : i32
      %parallel_loop3A_404 = arith.constant 16 : i32
      %parallel_loop3A_405 = arith.muli %parallel_loop3A_404, %parallel_loop3A_403 : i32
      %parallel_loop3A_406 = arith.index_cast %parallel_loop3A_405 : i32 to index
      %parallel_loop3A_407 = tpu.vector_load %arg6[%parallel_loop3A_406] {strides = array<i32>} : memref<256xi32, #tpu.memory_space<vmem>>, vector<16xi32>,
      %parallel_loop3A_408 = arith.constant true
      %parallel_loop3A_409 = vector.broadcast %parallel_loop3A_408 : i1 to vector<16xi1>
      %parallel_loop3A_410 = tpu.scan <sum>, %parallel_loop3A_407 masked %parallel_loop3A_409 : vector<16xi32>, vector<16xi1> -> vector<16xi32>
      %parallel_loop3A_411 = vector.extract_strided_slice %parallel_loop3A_410 {offsets = [15], sizes = [1], strides = [1]} : vector<16xi32> to vector<1xi32>
      %parallel_loop3A_412 = vector.extract %parallel_loop3A_411[0] : i32 from vector<1xi32>
      %parallel_loop3A_413 = arith.addi %parallel_loop3A_399, %parallel_loop3A_412 : i32
      %parallel_loop3A_414 = vector.broadcast %parallel_loop3A_413 : i32 to vector<16xi32>
      %parallel_loop3A_415 = arith.subi %parallel_loop3A_414, %parallel_loop3A_410 : vector<16xi32>
      %parallel_loop3A_416 = vector.broadcast %parallel_loop3A_17 : i32 to vector<16xi32>
      %parallel_loop3A_417 = arith.cmpi slt, %parallel_loop3A_415, %parallel_loop3A_416 : vector<16xi32>
      %parallel_loop3A_418 = arith.addi %parallel_loop3A_415, %parallel_loop3A_407 : vector<16xi32>
      %parallel_loop3A_419 = vector.broadcast %parallel_loop3A_17 : i32 to vector<16xi32>
      %parallel_loop3A_420 = arith.cmpi sge, %parallel_loop3A_418, %parallel_loop3A_419 : vector<16xi32>
      %parallel_loop3A_421 = arith.andi %parallel_loop3A_417, %parallel_loop3A_420 : vector<16xi1>
      %parallel_loop3A_422 = arith.extui %parallel_loop3A_421 : vector<16xi1> to vector<16xi32>
      %parallel_loop3A_423 = arith.constant 16 : i32
      %parallel_loop3A_424 = arith.muli %parallel_loop3A_403, %parallel_loop3A_423 : i32
      %parallel_loop3A_425 = vector.broadcast %parallel_loop3A_424 : i32 to vector<16xi32>
      %parallel_loop3A_426 = arith.addi %parallel_loop3A_425, %iota3A_4 : vector<16xi32>
      %parallel_loop3A_427 = arith.muli %parallel_loop3A_426, %parallel_loop3A_422 : vector<16xi32>
      %parallel_loop3A_428 = arith.addi %parallel_loop3A_400, %parallel_loop3A_427 : vector<16xi32>
      %parallel_loop3A_429 = arith.muli %parallel_loop3A_415, %parallel_loop3A_422 : vector<16xi32>
      %parallel_loop3A_430 = arith.addi %parallel_loop3A_401, %parallel_loop3A_429 : vector<16xi32>
      %parallel_loop3A_431 = arith.addi %parallel_loop3A_399, %parallel_loop3A_412 : i32
      scf.yield %parallel_loop3A_431, %parallel_loop3A_428, %parallel_loop3A_430 : i32, vector<16xi32>, vector<16xi32>
    } {sc.loop_unroll_factor = 4 : i64, sc.parallel_access}
    %reduce_sum3A = arith.constant true
    %reduce_sum3A_20 = vector.broadcast %reduce_sum3A : i1 to vector<16xi1>
    %reduce_sum3A_21 = tpu.scan <sum>, %parallel_loop3A_19#1 masked %reduce_sum3A_20 : vector<16xi32>, vector<16xi1> -> vector<16xi32>
    %reduce_sum3A_22 = vector.extract %reduce_sum3A_21[15] : i32 from vector<16xi32>
    %reduce_sum3A_23 = arith.constant true
    %reduce_sum3A_24 = vector.broadcast %reduce_sum3A_23 : i1 to vector<16xi1>
    %reduce_sum3A_25 = tpu.scan <sum>, %parallel_loop3A_19#2 masked %reduce_sum3A_24 : vector<16xi32>, vector<16xi1> -> vector<16xi32>
    %reduce_sum3A_26 = vector.extract %reduce_sum3A_25[15] : i32 from vector<16xi32>
    %sub3A = arith.constant 64 : i32
    %sub3A_27 = arith.subi %sub3A, %reduce_sum3A_26 : i32
    %shift_left3A = arith.constant 0 : i32
    %shift_left3A_28 = arith.constant 8 : i32
    %shift_left3A_29 = arith.shli %shift_left3A, %shift_left3A_28 : i32
    %or3A = arith.ori %shift_left3A_29, %reduce_sum3A_22 : i32
    %swap3A_30 = arith.constant 0 : index
    %swap3A_31 = tpu.vector_load %arg6[%swap3A_30] {strides = array<i32>} : memref<256xi32, #tpu.memory_space<vmem>>, vector<16xi32>,
    tpu.vector_store %arg6[%swap3A_30], %broadcast_in_dim3A_1 {strides = array<i32>} : memref<256xi32, #tpu.memory_space<vmem>>, vector<16xi32>,
    %swap3A_32 = arith.constant 16 : index
    %swap3A_33 = tpu.vector_load %arg6[%swap3A_32] {strides = array<i32>} : memref<256xi32, #tpu.memory_space<vmem>>, vector<16xi32>,
    tpu.vector_store %arg6[%swap3A_32], %broadcast_in_dim3A_1 {strides = array<i32>} : memref<256xi32, #tpu.memory_space<vmem>>, vector<16xi32>,
    %swap3A_34 = arith.constant 32 : index
    %swap3A_35 = tpu.vector_load %arg6[%swap3A_34] {strides = array<i32>} : memref<256xi32, #tpu.memory_space<vmem>>, vector<16xi32>,
    tpu.vector_store %arg6[%swap3A_34], %broadcast_in_dim3A_1 {strides = array<i32>} : memref<256xi32, #tpu.memory_space<vmem>>, vector<16xi32>,
    %swap3A_36 = arith.constant 48 : index
    %swap3A_37 = tpu.vector_load %arg6[%swap3A_36] {strides = array<i32>} : memref<256xi32, #tpu.memory_space<vmem>>, vector<16xi32>,
    tpu.vector_store %arg6[%swap3A_36], %broadcast_in_dim3A_1 {strides = array<i32>} : memref<256xi32, #tpu.memory_space<vmem>>, vector<16xi32>,
    %swap3A_38 = arith.constant 64 : index
    %swap3A_39 = tpu.vector_load %arg6[%swap3A_38] {strides = array<i32>} : memref<256xi32, #tpu.memory_space<vmem>>, vector<16xi32>,
    tpu.vector_store %arg6[%swap3A_38], %broadcast_in_dim3A_1 {strides = array<i32>} : memref<256xi32, #tpu.memory_space<vmem>>, vector<16xi32>,
    %swap3A_40 = arith.constant 80 : index
    %swap3A_41 = tpu.vector_load %arg6[%swap3A_40] {strides = array<i32>} : memref<256xi32, #tpu.memory_space<vmem>>, vector<16xi32>,
    tpu.vector_store %arg6[%swap3A_40], %broadcast_in_dim3A_1 {strides = array<i32>} : memref<256xi32, #tpu.memory_space<vmem>>, vector<16xi32>,
    %swap3A_42 = arith.constant 96 : index
    %swap3A_43 = tpu.vector_load %arg6[%swap3A_42] {strides = array<i32>} : memref<256xi32, #tpu.memory_space<vmem>>, vector<16xi32>,
    tpu.vector_store %arg6[%swap3A_42], %broadcast_in_dim3A_1 {strides = array<i32>} : memref<256xi32, #tpu.memory_space<vmem>>, vector<16xi32>,
    %swap3A_44 = arith.constant 112 : index
    %swap3A_45 = tpu.vector_load %arg6[%swap3A_44] {strides = array<i32>} : memref<256xi32, #tpu.memory_space<vmem>>, vector<16xi32>,
    tpu.vector_store %arg6[%swap3A_44], %broadcast_in_dim3A_1 {strides = array<i32>} : memref<256xi32, #tpu.memory_space<vmem>>, vector<16xi32>,
    %swap3A_46 = arith.constant 128 : index
    %swap3A_47 = tpu.vector_load %arg6[%swap3A_46] {strides = array<i32>} : memref<256xi32, #tpu.memory_space<vmem>>, vector<16xi32>,
    tpu.vector_store %arg6[%swap3A_46], %broadcast_in_dim3A_1 {strides = array<i32>} : memref<256xi32, #tpu.memory_space<vmem>>, vector<16xi32>,
    %swap3A_48 = arith.constant 144 : index
    %swap3A_49 = tpu.vector_load %arg6[%swap3A_48] {strides = array<i32>} : memref<256xi32, #tpu.memory_space<vmem>>, vector<16xi32>,
    tpu.vector_store %arg6[%swap3A_48], %broadcast_in_dim3A_1 {strides = array<i32>} : memref<256xi32, #tpu.memory_space<vmem>>, vector<16xi32>,
    %swap3A_50 = arith.constant 160 : index
    %swap3A_51 = tpu.vector_load %arg6[%swap3A_50] {strides = array<i32>} : memref<256xi32, #tpu.memory_space<vmem>>, vector<16xi32>,
    tpu.vector_store %arg6[%swap3A_50], %broadcast_in_dim3A_1 {strides = array<i32>} : memref<256xi32, #tpu.memory_space<vmem>>, vector<16xi32>,
    %swap3A_52 = arith.constant 176 : index
    %swap3A_53 = tpu.vector_load %arg6[%swap3A_52] {strides = array<i32>} : memref<256xi32, #tpu.memory_space<vmem>>, vector<16xi32>,
    tpu.vector_store %arg6[%swap3A_52], %broadcast_in_dim3A_1 {strides = array<i32>} : memref<256xi32, #tpu.memory_space<vmem>>, vector<16xi32>,
    %swap3A_54 = arith.constant 192 : index
    %swap3A_55 = tpu.vector_load %arg6[%swap3A_54] {strides = array<i32>} : memref<256xi32, #tpu.memory_space<vmem>>, vector<16xi32>,
    tpu.vector_store %arg6[%swap3A_54], %broadcast_in_dim3A_1 {strides = array<i32>} : memref<256xi32, #tpu.memory_space<vmem>>, vector<16xi32>,
    %swap3A_56 = arith.constant 208 : index
    %swap3A_57 = tpu.vector_load %arg6[%swap3A_56] {strides = array<i32>} : memref<256xi32, #tpu.memory_space<vmem>>, vector<16xi32>,
    tpu.vector_store %arg6[%swap3A_56], %broadcast_in_dim3A_1 {strides = array<i32>} : memref<256xi32, #tpu.memory_space<vmem>>, vector<16xi32>,
    %swap3A_58 = arith.constant 224 : index
    %swap3A_59 = tpu.vector_load %arg6[%swap3A_58] {strides = array<i32>} : memref<256xi32, #tpu.memory_space<vmem>>, vector<16xi32>,
    tpu.vector_store %arg6[%swap3A_58], %broadcast_in_dim3A_1 {strides = array<i32>} : memref<256xi32, #tpu.memory_space<vmem>>, vector<16xi32>,
    %swap3A_60 = arith.constant 240 : index
    %swap3A_61 = tpu.vector_load %arg6[%swap3A_60] {strides = array<i32>} : memref<256xi32, #tpu.memory_space<vmem>>, vector<16xi32>,
    tpu.vector_store %arg6[%swap3A_60], %broadcast_in_dim3A_1 {strides = array<i32>} : memref<256xi32, #tpu.memory_space<vmem>>, vector<16xi32>,
    %parallel_loop3A_62 = arith.constant 0 : i32
    %parallel_loop3A_63 = arith.constant 128 : i32
    %parallel_loop3A_64 = arith.constant 1 : i32
    scf.for %parallel_loop3A_398 = %parallel_loop3A_62 to %parallel_loop3A_63 step %parallel_loop3A_64  : i32 {
      %parallel_loop3A_399 = arith.constant 16 : i32
      %parallel_loop3A_400 = arith.muli %parallel_loop3A_399, %parallel_loop3A_398 : i32
      %parallel_loop3A_401 = arith.index_cast %parallel_loop3A_400 : i32 to index
      %parallel_loop3A_402 = tpu.vector_load %arg5[%parallel_loop3A_401] {strides = array<i32>} : memref<2048xf32, #tpu.memory_space<vmem>>, vector<16xf32>,
      %parallel_loop3A_403 = tpu.bitcast %parallel_loop3A_402 : vector<16xf32> -> vector<16xi32>
      %parallel_loop3A_404 = arith.constant 24 : i32
      %parallel_loop3A_405 = vector.broadcast %parallel_loop3A_404 : i32 to vector<16xi32>
      %parallel_loop3A_406 = arith.shrsi %parallel_loop3A_403, %parallel_loop3A_405 : vector<16xi32>
      %parallel_loop3A_407 = vector.broadcast %or3A : i32 to vector<16xi32>
      %parallel_loop3A_408 = arith.cmpi eq, %parallel_loop3A_406, %parallel_loop3A_407 : vector<16xi32>
      %parallel_loop3A_409 = arith.constant 16 : i32
      %parallel_loop3A_410 = vector.broadcast %parallel_loop3A_409 : i32 to vector<16xi32>
      %parallel_loop3A_411 = arith.shrsi %parallel_loop3A_403, %parallel_loop3A_410 : vector<16xi32>
      %parallel_loop3A_412 = arith.constant 255 : i32
      %parallel_loop3A_413 = vector.broadcast %parallel_loop3A_412 : i32 to vector<16xi32>
      %parallel_loop3A_414 = arith.andi %parallel_loop3A_411, %parallel_loop3A_413 : vector<16xi32>
      tpu.vector_store_idx %arg6[%parallel_loop3A_414], %broadcast_in_dim3A_3 masked %parallel_loop3A_408 {add = true} : memref<256xi32, #tpu.memory_space<vmem>>[vector<16xi32>], vector<16xi32>, vector<16xi1>
    } {sc.loop_unroll_factor = 4 : i64, sc.parallel_access}
    %parallel_loop3A_65 = arith.constant 0 : i32
    %parallel_loop3A_66 = arith.constant 16 : i32
    %parallel_loop3A_67 = arith.constant 1 : i32
    %parallel_loop3A_68 = arith.constant 0 : i32
    %parallel_loop3A_69:3 = scf.for %parallel_loop3A_398 = %parallel_loop3A_65 to %parallel_loop3A_66 step %parallel_loop3A_67 iter_args(%parallel_loop3A_399 = %parallel_loop3A_68, %parallel_loop3A_400 = %broadcast_in_dim3A_1, %parallel_loop3A_401 = %broadcast_in_dim3A_1) -> (i32, vector<16xi32>, vector<16xi32>)  : i32 {
      %parallel_loop3A_402 = arith.constant 15 : i32
      %parallel_loop3A_403 = arith.subi %parallel_loop3A_402, %parallel_loop3A_398 : i32
      %parallel_loop3A_404 = arith.constant 16 : i32
      %parallel_loop3A_405 = arith.muli %parallel_loop3A_404, %parallel_loop3A_403 : i32
      %parallel_loop3A_406 = arith.index_cast %parallel_loop3A_405 : i32 to index
      %parallel_loop3A_407 = tpu.vector_load %arg6[%parallel_loop3A_406] {strides = array<i32>} : memref<256xi32, #tpu.memory_space<vmem>>, vector<16xi32>,
      %parallel_loop3A_408 = arith.constant true
      %parallel_loop3A_409 = vector.broadcast %parallel_loop3A_408 : i1 to vector<16xi1>
      %parallel_loop3A_410 = tpu.scan <sum>, %parallel_loop3A_407 masked %parallel_loop3A_409 : vector<16xi32>, vector<16xi1> -> vector<16xi32>
      %parallel_loop3A_411 = vector.extract_strided_slice %parallel_loop3A_410 {offsets = [15], sizes = [1], strides = [1]} : vector<16xi32> to vector<1xi32>
      %parallel_loop3A_412 = vector.extract %parallel_loop3A_411[0] : i32 from vector<1xi32>
      %parallel_loop3A_413 = arith.addi %parallel_loop3A_399, %parallel_loop3A_412 : i32
      %parallel_loop3A_414 = vector.broadcast %parallel_loop3A_413 : i32 to vector<16xi32>
      %parallel_loop3A_415 = arith.subi %parallel_loop3A_414, %parallel_loop3A_410 : vector<16xi32>
      %parallel_loop3A_416 = vector.broadcast %sub3A_27 : i32 to vector<16xi32>
      %parallel_loop3A_417 = arith.cmpi slt, %parallel_loop3A_415, %parallel_loop3A_416 : vector<16xi32>
      %parallel_loop3A_418 = arith.addi %parallel_loop3A_415, %parallel_loop3A_407 : vector<16xi32>
      %parallel_loop3A_419 = vector.broadcast %sub3A_27 : i32 to vector<16xi32>
      %parallel_loop3A_420 = arith.cmpi sge, %parallel_loop3A_418, %parallel_loop3A_419 : vector<16xi32>
      %parallel_loop3A_421 = arith.andi %parallel_loop3A_417, %parallel_loop3A_420 : vector<16xi1>
      %parallel_loop3A_422 = arith.extui %parallel_loop3A_421 : vector<16xi1> to vector<16xi32>
      %parallel_loop3A_423 = arith.constant 16 : i32
      %parallel_loop3A_424 = arith.muli %parallel_loop3A_403, %parallel_loop3A_423 : i32
      %parallel_loop3A_425 = vector.broadcast %parallel_loop3A_424 : i32 to vector<16xi32>
      %parallel_loop3A_426 = arith.addi %parallel_loop3A_425, %iota3A_4 : vector<16xi32>
      %parallel_loop3A_427 = arith.muli %parallel_loop3A_426, %parallel_loop3A_422 : vector<16xi32>
      %parallel_loop3A_428 = arith.addi %parallel_loop3A_400, %parallel_loop3A_427 : vector<16xi32>
      %parallel_loop3A_429 = arith.muli %parallel_loop3A_415, %parallel_loop3A_422 : vector<16xi32>
      %parallel_loop3A_430 = arith.addi %parallel_loop3A_401, %parallel_loop3A_429 : vector<16xi32>
      %parallel_loop3A_431 = arith.addi %parallel_loop3A_399, %parallel_loop3A_412 : i32
      scf.yield %parallel_loop3A_431, %parallel_loop3A_428, %parallel_loop3A_430 : i32, vector<16xi32>, vector<16xi32>
    } {sc.loop_unroll_factor = 4 : i64, sc.parallel_access}
    %reduce_sum3A_70 = arith.constant true
    %reduce_sum3A_71 = vector.broadcast %reduce_sum3A_70 : i1 to vector<16xi1>
    %reduce_sum3A_72 = tpu.scan <sum>, %parallel_loop3A_69#1 masked %reduce_sum3A_71 : vector<16xi32>, vector<16xi1> -> vector<16xi32>
    %reduce_sum3A_73 = vector.extract %reduce_sum3A_72[15] : i32 from vector<16xi32>
    %reduce_sum3A_74 = arith.constant true
    %reduce_sum3A_75 = vector.broadcast %reduce_sum3A_74 : i1 to vector<16xi1>
    %reduce_sum3A_76 = tpu.scan <sum>, %parallel_loop3A_69#2 masked %reduce_sum3A_75 : vector<16xi32>, vector<16xi1> -> vector<16xi32>
    %reduce_sum3A_77 = vector.extract %reduce_sum3A_76[15] : i32 from vector<16xi32>
    %sub3A_78 = arith.subi %sub3A_27, %reduce_sum3A_77 : i32
    %shift_left3A_79 = arith.constant 8 : i32
    %shift_left3A_80 = arith.shli %or3A, %shift_left3A_79 : i32
    %or3A_81 = arith.ori %shift_left3A_80, %reduce_sum3A_73 : i32
    %swap3A_82 = arith.constant 0 : index
    %swap3A_83 = tpu.vector_load %arg6[%swap3A_82] {strides = array<i32>} : memref<256xi32, #tpu.memory_space<vmem>>, vector<16xi32>,
    tpu.vector_store %arg6[%swap3A_82], %broadcast_in_dim3A_1 {strides = array<i32>} : memref<256xi32, #tpu.memory_space<vmem>>, vector<16xi32>,
    %swap3A_84 = arith.constant 16 : index
    %swap3A_85 = tpu.vector_load %arg6[%swap3A_84] {strides = array<i32>} : memref<256xi32, #tpu.memory_space<vmem>>, vector<16xi32>,
    tpu.vector_store %arg6[%swap3A_84], %broadcast_in_dim3A_1 {strides = array<i32>} : memref<256xi32, #tpu.memory_space<vmem>>, vector<16xi32>,
    %swap3A_86 = arith.constant 32 : index
    %swap3A_87 = tpu.vector_load %arg6[%swap3A_86] {strides = array<i32>} : memref<256xi32, #tpu.memory_space<vmem>>, vector<16xi32>,
    tpu.vector_store %arg6[%swap3A_86], %broadcast_in_dim3A_1 {strides = array<i32>} : memref<256xi32, #tpu.memory_space<vmem>>, vector<16xi32>,
    %swap3A_88 = arith.constant 48 : index
    %swap3A_89 = tpu.vector_load %arg6[%swap3A_88] {strides = array<i32>} : memref<256xi32, #tpu.memory_space<vmem>>, vector<16xi32>,
    tpu.vector_store %arg6[%swap3A_88], %broadcast_in_dim3A_1 {strides = array<i32>} : memref<256xi32, #tpu.memory_space<vmem>>, vector<16xi32>,
    %swap3A_90 = arith.constant 64 : index
    %swap3A_91 = tpu.vector_load %arg6[%swap3A_90] {strides = array<i32>} : memref<256xi32, #tpu.memory_space<vmem>>, vector<16xi32>,
    tpu.vector_store %arg6[%swap3A_90], %broadcast_in_dim3A_1 {strides = array<i32>} : memref<256xi32, #tpu.memory_space<vmem>>, vector<16xi32>,
    %swap3A_92 = arith.constant 80 : index
    %swap3A_93 = tpu.vector_load %arg6[%swap3A_92] {strides = array<i32>} : memref<256xi32, #tpu.memory_space<vmem>>, vector<16xi32>,
    tpu.vector_store %arg6[%swap3A_92], %broadcast_in_dim3A_1 {strides = array<i32>} : memref<256xi32, #tpu.memory_space<vmem>>, vector<16xi32>,
    %swap3A_94 = arith.constant 96 : index
    %swap3A_95 = tpu.vector_load %arg6[%swap3A_94] {strides = array<i32>} : memref<256xi32, #tpu.memory_space<vmem>>, vector<16xi32>,
    tpu.vector_store %arg6[%swap3A_94], %broadcast_in_dim3A_1 {strides = array<i32>} : memref<256xi32, #tpu.memory_space<vmem>>, vector<16xi32>,
    %swap3A_96 = arith.constant 112 : index
    %swap3A_97 = tpu.vector_load %arg6[%swap3A_96] {strides = array<i32>} : memref<256xi32, #tpu.memory_space<vmem>>, vector<16xi32>,
    tpu.vector_store %arg6[%swap3A_96], %broadcast_in_dim3A_1 {strides = array<i32>} : memref<256xi32, #tpu.memory_space<vmem>>, vector<16xi32>,
    %swap3A_98 = arith.constant 128 : index
    %swap3A_99 = tpu.vector_load %arg6[%swap3A_98] {strides = array<i32>} : memref<256xi32, #tpu.memory_space<vmem>>, vector<16xi32>,
    tpu.vector_store %arg6[%swap3A_98], %broadcast_in_dim3A_1 {strides = array<i32>} : memref<256xi32, #tpu.memory_space<vmem>>, vector<16xi32>,
    %swap3A_100 = arith.constant 144 : index
    %swap3A_101 = tpu.vector_load %arg6[%swap3A_100] {strides = array<i32>} : memref<256xi32, #tpu.memory_space<vmem>>, vector<16xi32>,
    tpu.vector_store %arg6[%swap3A_100], %broadcast_in_dim3A_1 {strides = array<i32>} : memref<256xi32, #tpu.memory_space<vmem>>, vector<16xi32>,
    %swap3A_102 = arith.constant 160 : index
    %swap3A_103 = tpu.vector_load %arg6[%swap3A_102] {strides = array<i32>} : memref<256xi32, #tpu.memory_space<vmem>>, vector<16xi32>,
    tpu.vector_store %arg6[%swap3A_102], %broadcast_in_dim3A_1 {strides = array<i32>} : memref<256xi32, #tpu.memory_space<vmem>>, vector<16xi32>,
    %swap3A_104 = arith.constant 176 : index
    %swap3A_105 = tpu.vector_load %arg6[%swap3A_104] {strides = array<i32>} : memref<256xi32, #tpu.memory_space<vmem>>, vector<16xi32>,
    tpu.vector_store %arg6[%swap3A_104], %broadcast_in_dim3A_1 {strides = array<i32>} : memref<256xi32, #tpu.memory_space<vmem>>, vector<16xi32>,
    %swap3A_106 = arith.constant 192 : index
    %swap3A_107 = tpu.vector_load %arg6[%swap3A_106] {strides = array<i32>} : memref<256xi32, #tpu.memory_space<vmem>>, vector<16xi32>,
    tpu.vector_store %arg6[%swap3A_106], %broadcast_in_dim3A_1 {strides = array<i32>} : memref<256xi32, #tpu.memory_space<vmem>>, vector<16xi32>,
    %swap3A_108 = arith.constant 208 : index
    %swap3A_109 = tpu.vector_load %arg6[%swap3A_108] {strides = array<i32>} : memref<256xi32, #tpu.memory_space<vmem>>, vector<16xi32>,
    tpu.vector_store %arg6[%swap3A_108], %broadcast_in_dim3A_1 {strides = array<i32>} : memref<256xi32, #tpu.memory_space<vmem>>, vector<16xi32>,
    %swap3A_110 = arith.constant 224 : index
    %swap3A_111 = tpu.vector_load %arg6[%swap3A_110] {strides = array<i32>} : memref<256xi32, #tpu.memory_space<vmem>>, vector<16xi32>,
    tpu.vector_store %arg6[%swap3A_110], %broadcast_in_dim3A_1 {strides = array<i32>} : memref<256xi32, #tpu.memory_space<vmem>>, vector<16xi32>,
    %swap3A_112 = arith.constant 240 : index
    %swap3A_113 = tpu.vector_load %arg6[%swap3A_112] {strides = array<i32>} : memref<256xi32, #tpu.memory_space<vmem>>, vector<16xi32>,
    tpu.vector_store %arg6[%swap3A_112], %broadcast_in_dim3A_1 {strides = array<i32>} : memref<256xi32, #tpu.memory_space<vmem>>, vector<16xi32>,
    %parallel_loop3A_114 = arith.constant 0 : i32
    %parallel_loop3A_115 = arith.constant 128 : i32
    %parallel_loop3A_116 = arith.constant 1 : i32
    scf.for %parallel_loop3A_398 = %parallel_loop3A_114 to %parallel_loop3A_115 step %parallel_loop3A_116  : i32 {
      %parallel_loop3A_399 = arith.constant 16 : i32
      %parallel_loop3A_400 = arith.muli %parallel_loop3A_399, %parallel_loop3A_398 : i32
      %parallel_loop3A_401 = arith.index_cast %parallel_loop3A_400 : i32 to index
      %parallel_loop3A_402 = tpu.vector_load %arg5[%parallel_loop3A_401] {strides = array<i32>} : memref<2048xf32, #tpu.memory_space<vmem>>, vector<16xf32>,
      %parallel_loop3A_403 = tpu.bitcast %parallel_loop3A_402 : vector<16xf32> -> vector<16xi32>
      %parallel_loop3A_404 = arith.constant 16 : i32
      %parallel_loop3A_405 = vector.broadcast %parallel_loop3A_404 : i32 to vector<16xi32>
      %parallel_loop3A_406 = arith.shrsi %parallel_loop3A_403, %parallel_loop3A_405 : vector<16xi32>
      %parallel_loop3A_407 = vector.broadcast %or3A_81 : i32 to vector<16xi32>
      %parallel_loop3A_408 = arith.cmpi eq, %parallel_loop3A_406, %parallel_loop3A_407 : vector<16xi32>
      %parallel_loop3A_409 = arith.constant 8 : i32
      %parallel_loop3A_410 = vector.broadcast %parallel_loop3A_409 : i32 to vector<16xi32>
      %parallel_loop3A_411 = arith.shrsi %parallel_loop3A_403, %parallel_loop3A_410 : vector<16xi32>
      %parallel_loop3A_412 = arith.constant 255 : i32
      %parallel_loop3A_413 = vector.broadcast %parallel_loop3A_412 : i32 to vector<16xi32>
      %parallel_loop3A_414 = arith.andi %parallel_loop3A_411, %parallel_loop3A_413 : vector<16xi32>
      tpu.vector_store_idx %arg6[%parallel_loop3A_414], %broadcast_in_dim3A_3 masked %parallel_loop3A_408 {add = true} : memref<256xi32, #tpu.memory_space<vmem>>[vector<16xi32>], vector<16xi32>, vector<16xi1>
    } {sc.loop_unroll_factor = 4 : i64, sc.parallel_access}
    %parallel_loop3A_117 = arith.constant 0 : i32
    %parallel_loop3A_118 = arith.constant 16 : i32
    %parallel_loop3A_119 = arith.constant 1 : i32
    %parallel_loop3A_120 = arith.constant 0 : i32
    %parallel_loop3A_121:3 = scf.for %parallel_loop3A_398 = %parallel_loop3A_117 to %parallel_loop3A_118 step %parallel_loop3A_119 iter_args(%parallel_loop3A_399 = %parallel_loop3A_120, %parallel_loop3A_400 = %broadcast_in_dim3A_1, %parallel_loop3A_401 = %broadcast_in_dim3A_1) -> (i32, vector<16xi32>, vector<16xi32>)  : i32 {
      %parallel_loop3A_402 = arith.constant 15 : i32
      %parallel_loop3A_403 = arith.subi %parallel_loop3A_402, %parallel_loop3A_398 : i32
      %parallel_loop3A_404 = arith.constant 16 : i32
      %parallel_loop3A_405 = arith.muli %parallel_loop3A_404, %parallel_loop3A_403 : i32
      %parallel_loop3A_406 = arith.index_cast %parallel_loop3A_405 : i32 to index
      %parallel_loop3A_407 = tpu.vector_load %arg6[%parallel_loop3A_406] {strides = array<i32>} : memref<256xi32, #tpu.memory_space<vmem>>, vector<16xi32>,
      %parallel_loop3A_408 = arith.constant true
      %parallel_loop3A_409 = vector.broadcast %parallel_loop3A_408 : i1 to vector<16xi1>
      %parallel_loop3A_410 = tpu.scan <sum>, %parallel_loop3A_407 masked %parallel_loop3A_409 : vector<16xi32>, vector<16xi1> -> vector<16xi32>
      %parallel_loop3A_411 = vector.extract_strided_slice %parallel_loop3A_410 {offsets = [15], sizes = [1], strides = [1]} : vector<16xi32> to vector<1xi32>
      %parallel_loop3A_412 = vector.extract %parallel_loop3A_411[0] : i32 from vector<1xi32>
      %parallel_loop3A_413 = arith.addi %parallel_loop3A_399, %parallel_loop3A_412 : i32
      %parallel_loop3A_414 = vector.broadcast %parallel_loop3A_413 : i32 to vector<16xi32>
      %parallel_loop3A_415 = arith.subi %parallel_loop3A_414, %parallel_loop3A_410 : vector<16xi32>
      %parallel_loop3A_416 = vector.broadcast %sub3A_78 : i32 to vector<16xi32>
      %parallel_loop3A_417 = arith.cmpi slt, %parallel_loop3A_415, %parallel_loop3A_416 : vector<16xi32>
      %parallel_loop3A_418 = arith.addi %parallel_loop3A_415, %parallel_loop3A_407 : vector<16xi32>
      %parallel_loop3A_419 = vector.broadcast %sub3A_78 : i32 to vector<16xi32>
      %parallel_loop3A_420 = arith.cmpi sge, %parallel_loop3A_418, %parallel_loop3A_419 : vector<16xi32>
      %parallel_loop3A_421 = arith.andi %parallel_loop3A_417, %parallel_loop3A_420 : vector<16xi1>
      %parallel_loop3A_422 = arith.extui %parallel_loop3A_421 : vector<16xi1> to vector<16xi32>
      %parallel_loop3A_423 = arith.constant 16 : i32
      %parallel_loop3A_424 = arith.muli %parallel_loop3A_403, %parallel_loop3A_423 : i32
      %parallel_loop3A_425 = vector.broadcast %parallel_loop3A_424 : i32 to vector<16xi32>
      %parallel_loop3A_426 = arith.addi %parallel_loop3A_425, %iota3A_4 : vector<16xi32>
      %parallel_loop3A_427 = arith.muli %parallel_loop3A_426, %parallel_loop3A_422 : vector<16xi32>
      %parallel_loop3A_428 = arith.addi %parallel_loop3A_400, %parallel_loop3A_427 : vector<16xi32>
      %parallel_loop3A_429 = arith.muli %parallel_loop3A_415, %parallel_loop3A_422 : vector<16xi32>
      %parallel_loop3A_430 = arith.addi %parallel_loop3A_401, %parallel_loop3A_429 : vector<16xi32>
      %parallel_loop3A_431 = arith.addi %parallel_loop3A_399, %parallel_loop3A_412 : i32
      scf.yield %parallel_loop3A_431, %parallel_loop3A_428, %parallel_loop3A_430 : i32, vector<16xi32>, vector<16xi32>
    } {sc.loop_unroll_factor = 4 : i64, sc.parallel_access}
    %reduce_sum3A_122 = arith.constant true
    %reduce_sum3A_123 = vector.broadcast %reduce_sum3A_122 : i1 to vector<16xi1>
    %reduce_sum3A_124 = tpu.scan <sum>, %parallel_loop3A_121#1 masked %reduce_sum3A_123 : vector<16xi32>, vector<16xi1> -> vector<16xi32>
    %reduce_sum3A_125 = vector.extract %reduce_sum3A_124[15] : i32 from vector<16xi32>
    %reduce_sum3A_126 = arith.constant true
    %reduce_sum3A_127 = vector.broadcast %reduce_sum3A_126 : i1 to vector<16xi1>
    %reduce_sum3A_128 = tpu.scan <sum>, %parallel_loop3A_121#2 masked %reduce_sum3A_127 : vector<16xi32>, vector<16xi1> -> vector<16xi32>
    %reduce_sum3A_129 = vector.extract %reduce_sum3A_128[15] : i32 from vector<16xi32>
    %sub3A_130 = arith.subi %sub3A_78, %reduce_sum3A_129 : i32
    %shift_left3A_131 = arith.constant 8 : i32
    %shift_left3A_132 = arith.shli %or3A_81, %shift_left3A_131 : i32
    %or3A_133 = arith.ori %shift_left3A_132, %reduce_sum3A_125 : i32
    %swap3A_134 = arith.constant 0 : index
    %swap3A_135 = tpu.vector_load %arg6[%swap3A_134] {strides = array<i32>} : memref<256xi32, #tpu.memory_space<vmem>>, vector<16xi32>,
    tpu.vector_store %arg6[%swap3A_134], %broadcast_in_dim3A_1 {strides = array<i32>} : memref<256xi32, #tpu.memory_space<vmem>>, vector<16xi32>,
    %swap3A_136 = arith.constant 16 : index
    %swap3A_137 = tpu.vector_load %arg6[%swap3A_136] {strides = array<i32>} : memref<256xi32, #tpu.memory_space<vmem>>, vector<16xi32>,
    tpu.vector_store %arg6[%swap3A_136], %broadcast_in_dim3A_1 {strides = array<i32>} : memref<256xi32, #tpu.memory_space<vmem>>, vector<16xi32>,
    %swap3A_138 = arith.constant 32 : index
    %swap3A_139 = tpu.vector_load %arg6[%swap3A_138] {strides = array<i32>} : memref<256xi32, #tpu.memory_space<vmem>>, vector<16xi32>,
    tpu.vector_store %arg6[%swap3A_138], %broadcast_in_dim3A_1 {strides = array<i32>} : memref<256xi32, #tpu.memory_space<vmem>>, vector<16xi32>,
    %swap3A_140 = arith.constant 48 : index
    %swap3A_141 = tpu.vector_load %arg6[%swap3A_140] {strides = array<i32>} : memref<256xi32, #tpu.memory_space<vmem>>, vector<16xi32>,
    tpu.vector_store %arg6[%swap3A_140], %broadcast_in_dim3A_1 {strides = array<i32>} : memref<256xi32, #tpu.memory_space<vmem>>, vector<16xi32>,
    %swap3A_142 = arith.constant 64 : index
    %swap3A_143 = tpu.vector_load %arg6[%swap3A_142] {strides = array<i32>} : memref<256xi32, #tpu.memory_space<vmem>>, vector<16xi32>,
    tpu.vector_store %arg6[%swap3A_142], %broadcast_in_dim3A_1 {strides = array<i32>} : memref<256xi32, #tpu.memory_space<vmem>>, vector<16xi32>,
    %swap3A_144 = arith.constant 80 : index
    %swap3A_145 = tpu.vector_load %arg6[%swap3A_144] {strides = array<i32>} : memref<256xi32, #tpu.memory_space<vmem>>, vector<16xi32>,
    tpu.vector_store %arg6[%swap3A_144], %broadcast_in_dim3A_1 {strides = array<i32>} : memref<256xi32, #tpu.memory_space<vmem>>, vector<16xi32>,
    %swap3A_146 = arith.constant 96 : index
    %swap3A_147 = tpu.vector_load %arg6[%swap3A_146] {strides = array<i32>} : memref<256xi32, #tpu.memory_space<vmem>>, vector<16xi32>,
    tpu.vector_store %arg6[%swap3A_146], %broadcast_in_dim3A_1 {strides = array<i32>} : memref<256xi32, #tpu.memory_space<vmem>>, vector<16xi32>,
    %swap3A_148 = arith.constant 112 : index
    %swap3A_149 = tpu.vector_load %arg6[%swap3A_148] {strides = array<i32>} : memref<256xi32, #tpu.memory_space<vmem>>, vector<16xi32>,
    tpu.vector_store %arg6[%swap3A_148], %broadcast_in_dim3A_1 {strides = array<i32>} : memref<256xi32, #tpu.memory_space<vmem>>, vector<16xi32>,
    %swap3A_150 = arith.constant 128 : index
    %swap3A_151 = tpu.vector_load %arg6[%swap3A_150] {strides = array<i32>} : memref<256xi32, #tpu.memory_space<vmem>>, vector<16xi32>,
    tpu.vector_store %arg6[%swap3A_150], %broadcast_in_dim3A_1 {strides = array<i32>} : memref<256xi32, #tpu.memory_space<vmem>>, vector<16xi32>,
    %swap3A_152 = arith.constant 144 : index
    %swap3A_153 = tpu.vector_load %arg6[%swap3A_152] {strides = array<i32>} : memref<256xi32, #tpu.memory_space<vmem>>, vector<16xi32>,
    tpu.vector_store %arg6[%swap3A_152], %broadcast_in_dim3A_1 {strides = array<i32>} : memref<256xi32, #tpu.memory_space<vmem>>, vector<16xi32>,
    %swap3A_154 = arith.constant 160 : index
    %swap3A_155 = tpu.vector_load %arg6[%swap3A_154] {strides = array<i32>} : memref<256xi32, #tpu.memory_space<vmem>>, vector<16xi32>,
    tpu.vector_store %arg6[%swap3A_154], %broadcast_in_dim3A_1 {strides = array<i32>} : memref<256xi32, #tpu.memory_space<vmem>>, vector<16xi32>,
    %swap3A_156 = arith.constant 176 : index
    %swap3A_157 = tpu.vector_load %arg6[%swap3A_156] {strides = array<i32>} : memref<256xi32, #tpu.memory_space<vmem>>, vector<16xi32>,
    tpu.vector_store %arg6[%swap3A_156], %broadcast_in_dim3A_1 {strides = array<i32>} : memref<256xi32, #tpu.memory_space<vmem>>, vector<16xi32>,
    %swap3A_158 = arith.constant 192 : index
    %swap3A_159 = tpu.vector_load %arg6[%swap3A_158] {strides = array<i32>} : memref<256xi32, #tpu.memory_space<vmem>>, vector<16xi32>,
    tpu.vector_store %arg6[%swap3A_158], %broadcast_in_dim3A_1 {strides = array<i32>} : memref<256xi32, #tpu.memory_space<vmem>>, vector<16xi32>,
    %swap3A_160 = arith.constant 208 : index
    %swap3A_161 = tpu.vector_load %arg6[%swap3A_160] {strides = array<i32>} : memref<256xi32, #tpu.memory_space<vmem>>, vector<16xi32>,
    tpu.vector_store %arg6[%swap3A_160], %broadcast_in_dim3A_1 {strides = array<i32>} : memref<256xi32, #tpu.memory_space<vmem>>, vector<16xi32>,
    %swap3A_162 = arith.constant 224 : index
    %swap3A_163 = tpu.vector_load %arg6[%swap3A_162] {strides = array<i32>} : memref<256xi32, #tpu.memory_space<vmem>>, vector<16xi32>,
    tpu.vector_store %arg6[%swap3A_162], %broadcast_in_dim3A_1 {strides = array<i32>} : memref<256xi32, #tpu.memory_space<vmem>>, vector<16xi32>,
    %swap3A_164 = arith.constant 240 : index
    %swap3A_165 = tpu.vector_load %arg6[%swap3A_164] {strides = array<i32>} : memref<256xi32, #tpu.memory_space<vmem>>, vector<16xi32>,
    tpu.vector_store %arg6[%swap3A_164], %broadcast_in_dim3A_1 {strides = array<i32>} : memref<256xi32, #tpu.memory_space<vmem>>, vector<16xi32>,
    %parallel_loop3A_166 = arith.constant 0 : i32
    %parallel_loop3A_167 = arith.constant 128 : i32
    %parallel_loop3A_168 = arith.constant 1 : i32
    scf.for %parallel_loop3A_398 = %parallel_loop3A_166 to %parallel_loop3A_167 step %parallel_loop3A_168  : i32 {
      %parallel_loop3A_399 = arith.constant 16 : i32
      %parallel_loop3A_400 = arith.muli %parallel_loop3A_399, %parallel_loop3A_398 : i32
      %parallel_loop3A_401 = arith.index_cast %parallel_loop3A_400 : i32 to index
      %parallel_loop3A_402 = tpu.vector_load %arg5[%parallel_loop3A_401] {strides = array<i32>} : memref<2048xf32, #tpu.memory_space<vmem>>, vector<16xf32>,
      %parallel_loop3A_403 = tpu.bitcast %parallel_loop3A_402 : vector<16xf32> -> vector<16xi32>
      %parallel_loop3A_404 = arith.constant 8 : i32
      %parallel_loop3A_405 = vector.broadcast %parallel_loop3A_404 : i32 to vector<16xi32>
      %parallel_loop3A_406 = arith.shrsi %parallel_loop3A_403, %parallel_loop3A_405 : vector<16xi32>
      %parallel_loop3A_407 = vector.broadcast %or3A_133 : i32 to vector<16xi32>
      %parallel_loop3A_408 = arith.cmpi eq, %parallel_loop3A_406, %parallel_loop3A_407 : vector<16xi32>
      %parallel_loop3A_409 = arith.constant 0 : i32
      %parallel_loop3A_410 = vector.broadcast %parallel_loop3A_409 : i32 to vector<16xi32>
      %parallel_loop3A_411 = arith.shrsi %parallel_loop3A_403, %parallel_loop3A_410 : vector<16xi32>
      %parallel_loop3A_412 = arith.constant 255 : i32
      %parallel_loop3A_413 = vector.broadcast %parallel_loop3A_412 : i32 to vector<16xi32>
      %parallel_loop3A_414 = arith.andi %parallel_loop3A_411, %parallel_loop3A_413 : vector<16xi32>
      tpu.vector_store_idx %arg6[%parallel_loop3A_414], %broadcast_in_dim3A_3 masked %parallel_loop3A_408 {add = true} : memref<256xi32, #tpu.memory_space<vmem>>[vector<16xi32>], vector<16xi32>, vector<16xi1>
    } {sc.loop_unroll_factor = 4 : i64, sc.parallel_access}
    %parallel_loop3A_169 = arith.constant 0 : i32
    %parallel_loop3A_170 = arith.constant 16 : i32
    %parallel_loop3A_171 = arith.constant 1 : i32
    %parallel_loop3A_172 = arith.constant 0 : i32
    %parallel_loop3A_173:3 = scf.for %parallel_loop3A_398 = %parallel_loop3A_169 to %parallel_loop3A_170 step %parallel_loop3A_171 iter_args(%parallel_loop3A_399 = %parallel_loop3A_172, %parallel_loop3A_400 = %broadcast_in_dim3A_1, %parallel_loop3A_401 = %broadcast_in_dim3A_1) -> (i32, vector<16xi32>, vector<16xi32>)  : i32 {
      %parallel_loop3A_402 = arith.constant 15 : i32
      %parallel_loop3A_403 = arith.subi %parallel_loop3A_402, %parallel_loop3A_398 : i32
      %parallel_loop3A_404 = arith.constant 16 : i32
      %parallel_loop3A_405 = arith.muli %parallel_loop3A_404, %parallel_loop3A_403 : i32
      %parallel_loop3A_406 = arith.index_cast %parallel_loop3A_405 : i32 to index
      %parallel_loop3A_407 = tpu.vector_load %arg6[%parallel_loop3A_406] {strides = array<i32>} : memref<256xi32, #tpu.memory_space<vmem>>, vector<16xi32>,
      %parallel_loop3A_408 = arith.constant true
      %parallel_loop3A_409 = vector.broadcast %parallel_loop3A_408 : i1 to vector<16xi1>
      %parallel_loop3A_410 = tpu.scan <sum>, %parallel_loop3A_407 masked %parallel_loop3A_409 : vector<16xi32>, vector<16xi1> -> vector<16xi32>
      %parallel_loop3A_411 = vector.extract_strided_slice %parallel_loop3A_410 {offsets = [15], sizes = [1], strides = [1]} : vector<16xi32> to vector<1xi32>
      %parallel_loop3A_412 = vector.extract %parallel_loop3A_411[0] : i32 from vector<1xi32>
      %parallel_loop3A_413 = arith.addi %parallel_loop3A_399, %parallel_loop3A_412 : i32
      %parallel_loop3A_414 = vector.broadcast %parallel_loop3A_413 : i32 to vector<16xi32>
      %parallel_loop3A_415 = arith.subi %parallel_loop3A_414, %parallel_loop3A_410 : vector<16xi32>
      %parallel_loop3A_416 = vector.broadcast %sub3A_130 : i32 to vector<16xi32>
      %parallel_loop3A_417 = arith.cmpi slt, %parallel_loop3A_415, %parallel_loop3A_416 : vector<16xi32>
      %parallel_loop3A_418 = arith.addi %parallel_loop3A_415, %parallel_loop3A_407 : vector<16xi32>
      %parallel_loop3A_419 = vector.broadcast %sub3A_130 : i32 to vector<16xi32>
      %parallel_loop3A_420 = arith.cmpi sge, %parallel_loop3A_418, %parallel_loop3A_419 : vector<16xi32>
      %parallel_loop3A_421 = arith.andi %parallel_loop3A_417, %parallel_loop3A_420 : vector<16xi1>
      %parallel_loop3A_422 = arith.extui %parallel_loop3A_421 : vector<16xi1> to vector<16xi32>
      %parallel_loop3A_423 = arith.constant 16 : i32
      %parallel_loop3A_424 = arith.muli %parallel_loop3A_403, %parallel_loop3A_423 : i32
      %parallel_loop3A_425 = vector.broadcast %parallel_loop3A_424 : i32 to vector<16xi32>
      %parallel_loop3A_426 = arith.addi %parallel_loop3A_425, %iota3A_4 : vector<16xi32>
      %parallel_loop3A_427 = arith.muli %parallel_loop3A_426, %parallel_loop3A_422 : vector<16xi32>
      %parallel_loop3A_428 = arith.addi %parallel_loop3A_400, %parallel_loop3A_427 : vector<16xi32>
      %parallel_loop3A_429 = arith.muli %parallel_loop3A_415, %parallel_loop3A_422 : vector<16xi32>
      %parallel_loop3A_430 = arith.addi %parallel_loop3A_401, %parallel_loop3A_429 : vector<16xi32>
      %parallel_loop3A_431 = arith.addi %parallel_loop3A_399, %parallel_loop3A_412 : i32
      scf.yield %parallel_loop3A_431, %parallel_loop3A_428, %parallel_loop3A_430 : i32, vector<16xi32>, vector<16xi32>
    } {sc.loop_unroll_factor = 4 : i64, sc.parallel_access}
    %reduce_sum3A_174 = arith.constant true
    %reduce_sum3A_175 = vector.broadcast %reduce_sum3A_174 : i1 to vector<16xi1>
    %reduce_sum3A_176 = tpu.scan <sum>, %parallel_loop3A_173#1 masked %reduce_sum3A_175 : vector<16xi32>, vector<16xi1> -> vector<16xi32>
    %reduce_sum3A_177 = vector.extract %reduce_sum3A_176[15] : i32 from vector<16xi32>
    %reduce_sum3A_178 = arith.constant true
    %reduce_sum3A_179 = vector.broadcast %reduce_sum3A_178 : i1 to vector<16xi1>
    %reduce_sum3A_180 = tpu.scan <sum>, %parallel_loop3A_173#2 masked %reduce_sum3A_179 : vector<16xi32>, vector<16xi1> -> vector<16xi32>
    %reduce_sum3A_181 = vector.extract %reduce_sum3A_180[15] : i32 from vector<16xi32>
    %sub3A_182 = arith.subi %sub3A_130, %reduce_sum3A_181 : i32
    %shift_left3A_183 = arith.constant 8 : i32
    %shift_left3A_184 = arith.shli %or3A_133, %shift_left3A_183 : i32
    %or3A_185 = arith.ori %shift_left3A_184, %reduce_sum3A_177 : i32
    %mul3A_186 = arith.constant 2048 : i32
    %mul3A_187 = arith.muli %arg1, %mul3A_186 : i32
    %parallel_loop3A_188 = arith.constant 0 : i32
    %parallel_loop3A_189 = arith.constant 128 : i32
    %parallel_loop3A_190 = arith.constant 1 : i32
    %parallel_loop3A_191 = arith.constant 0 : i32
    %parallel_loop3A_192 = arith.constant 0 : i32
    %parallel_loop3A_193:2 = scf.for %parallel_loop3A_398 = %parallel_loop3A_188 to %parallel_loop3A_189 step %parallel_loop3A_190 iter_args(%parallel_loop3A_399 = %parallel_loop3A_191, %parallel_loop3A_400 = %parallel_loop3A_192) -> (i32, i32)  : i32 {
      %parallel_loop3A_401 = arith.constant 16 : i32
      %parallel_loop3A_402 = arith.muli %parallel_loop3A_401, %parallel_loop3A_398 : i32
      %parallel_loop3A_403 = arith.index_cast %parallel_loop3A_402 : i32 to index
      %parallel_loop3A_404 = tpu.vector_load %arg5[%parallel_loop3A_403] {strides = array<i32>} : memref<2048xf32, #tpu.memory_space<vmem>>, vector<16xf32>,
      %parallel_loop3A_405 = tpu.bitcast %parallel_loop3A_404 : vector<16xf32> -> vector<16xi32>
      %parallel_loop3A_406 = vector.broadcast %or3A_185 : i32 to vector<16xi32>
      %parallel_loop3A_407 = arith.cmpi sgt, %parallel_loop3A_405, %parallel_loop3A_406 : vector<16xi32>
      %parallel_loop3A_408 = vector.broadcast %or3A_185 : i32 to vector<16xi32>
      %parallel_loop3A_409 = arith.cmpi eq, %parallel_loop3A_405, %parallel_loop3A_408 : vector<16xi32>
      %parallel_loop3A_410 = arith.extui %parallel_loop3A_409 : vector<16xi1> to vector<16xi32>
      %parallel_loop3A_411 = arith.constant true
      %parallel_loop3A_412 = vector.broadcast %parallel_loop3A_411 : i1 to vector<16xi1>
      %parallel_loop3A_413 = tpu.scan <sum>, %parallel_loop3A_410 masked %parallel_loop3A_412 : vector<16xi32>, vector<16xi1> -> vector<16xi32>
      %parallel_loop3A_414 = arith.subi %parallel_loop3A_413, %parallel_loop3A_410 : vector<16xi32>
      %parallel_loop3A_415 = vector.broadcast %parallel_loop3A_399 : i32 to vector<16xi32>
      %parallel_loop3A_416 = arith.addi %parallel_loop3A_415, %parallel_loop3A_414 : vector<16xi32>
      %parallel_loop3A_417 = vector.broadcast %sub3A_182 : i32 to vector<16xi32>
      %parallel_loop3A_418 = arith.cmpi slt, %parallel_loop3A_416, %parallel_loop3A_417 : vector<16xi32>
      %parallel_loop3A_419 = arith.andi %parallel_loop3A_409, %parallel_loop3A_418 : vector<16xi1>
      %parallel_loop3A_420 = arith.ori %parallel_loop3A_407, %parallel_loop3A_419 : vector<16xi1>
      %parallel_loop3A_421 = arith.extui %parallel_loop3A_420 : vector<16xi1> to vector<16xi32>
      %parallel_loop3A_422 = arith.constant true
      %parallel_loop3A_423 = vector.broadcast %parallel_loop3A_422 : i1 to vector<16xi1>
      %parallel_loop3A_424 = tpu.scan <sum>, %parallel_loop3A_421 masked %parallel_loop3A_423 : vector<16xi32>, vector<16xi1> -> vector<16xi32>
      %parallel_loop3A_425 = arith.subi %parallel_loop3A_424, %parallel_loop3A_421 : vector<16xi32>
      %parallel_loop3A_426 = vector.broadcast %parallel_loop3A_400 : i32 to vector<16xi32>
      %parallel_loop3A_427 = arith.addi %parallel_loop3A_426, %parallel_loop3A_425 : vector<16xi32>
      tpu.vector_store_idx %arg7[%parallel_loop3A_427], %parallel_loop3A_404 masked %parallel_loop3A_420 : memref<64xf32, #tpu.memory_space<vmem>>[vector<16xi32>], vector<16xf32>, vector<16xi1>
      %parallel_loop3A_428 = arith.constant 16 : i32
      %parallel_loop3A_429 = arith.muli %parallel_loop3A_398, %parallel_loop3A_428 : i32
      %parallel_loop3A_430 = arith.addi %mul3A_187, %parallel_loop3A_429 : i32
      %parallel_loop3A_431 = vector.broadcast %parallel_loop3A_430 : i32 to vector<16xi32>
      %parallel_loop3A_432 = arith.addi %parallel_loop3A_431, %iota3A : vector<16xi32>
      tpu.vector_store_idx %arg8[%parallel_loop3A_427], %parallel_loop3A_432 masked %parallel_loop3A_420 : memref<64xi32, #tpu.memory_space<vmem>>[vector<16xi32>], vector<16xi32>, vector<16xi1>
      %parallel_loop3A_433 = vector.extract_strided_slice %parallel_loop3A_413 {offsets = [15], sizes = [1], strides = [1]} : vector<16xi32> to vector<1xi32>
      %parallel_loop3A_434 = vector.extract %parallel_loop3A_433[0] : i32 from vector<1xi32>
      %parallel_loop3A_435 = arith.addi %parallel_loop3A_399, %parallel_loop3A_434 : i32
      %parallel_loop3A_436 = vector.extract_strided_slice %parallel_loop3A_424 {offsets = [15], sizes = [1], strides = [1]} : vector<16xi32> to vector<1xi32>
      %parallel_loop3A_437 = vector.extract %parallel_loop3A_436[0] : i32 from vector<1xi32>
      %parallel_loop3A_438 = arith.addi %parallel_loop3A_400, %parallel_loop3A_437 : i32
      scf.yield %parallel_loop3A_435, %parallel_loop3A_438 : i32, i32
    } {sc.loop_unroll_factor = 4 : i64, sc.parallel_access}
    %mul3A_194 = arith.constant 64 : i32
    %mul3A_195 = arith.muli %arg1, %mul3A_194 : i32
    "tpu.region"() ({
      %run_scoped3A = tpu.sem_alloc : memref<!tpu.dma_semaphore, #tpu.memory_space<semaphore_mem>>
      %dma_start3A = tpu.memref_slice %arg9[%mul3A_195] : memref<1024xf32, #tpu.memory_space<vmem_shared>> -> memref<64xf32, #tpu.memory_space<vmem_shared>>
      %dma_start3A_398 = tpu.memref_slice %arg9[%mul3A_195] : memref<1024xf32, #tpu.memory_space<vmem_shared>> -> memref<64xf32, #tpu.memory_space<vmem_shared>>
      tpu.enqueue_dma source(%arg7 : memref<64xf32, #tpu.memory_space<vmem>>) target(%dma_start3A_398 : memref<64xf32, #tpu.memory_space<vmem_shared>>) target_semaphore(%run_scoped3A : memref<!tpu.dma_semaphore, #tpu.memory_space<semaphore_mem>>)
      %dma_wait3A = tpu.memref_slice %arg9[%mul3A_195] : memref<1024xf32, #tpu.memory_space<vmem_shared>> -> memref<64xf32, #tpu.memory_space<vmem_shared>>
      %dma_wait3A_399 = tpu.memref_slice %arg9[%mul3A_195] : memref<1024xf32, #tpu.memory_space<vmem_shared>> -> memref<64xf32, #tpu.memory_space<vmem_shared>>
      tpu.wait_dma2 semaphore(%run_scoped3A : memref<!tpu.dma_semaphore, #tpu.memory_space<semaphore_mem>>) src(%arg7 : memref<64xf32, #tpu.memory_space<vmem>>) dst(%dma_wait3A_399 : memref<64xf32, #tpu.memory_space<vmem_shared>>)
      tpu.yield
    }) : () -> ()
    %mul3A_196 = arith.constant 64 : i32
    %mul3A_197 = arith.muli %arg1, %mul3A_196 : i32
    "tpu.region"() ({
      %run_scoped3A = tpu.sem_alloc : memref<!tpu.dma_semaphore, #tpu.memory_space<semaphore_mem>>
      %dma_start3A = tpu.memref_slice %arg10[%mul3A_197] : memref<1024xi32, #tpu.memory_space<vmem_shared>> -> memref<64xi32, #tpu.memory_space<vmem_shared>>
      %dma_start3A_398 = tpu.memref_slice %arg10[%mul3A_197] : memref<1024xi32, #tpu.memory_space<vmem_shared>> -> memref<64xi32, #tpu.memory_space<vmem_shared>>
      tpu.enqueue_dma source(%arg8 : memref<64xi32, #tpu.memory_space<vmem>>) target(%dma_start3A_398 : memref<64xi32, #tpu.memory_space<vmem_shared>>) target_semaphore(%run_scoped3A : memref<!tpu.dma_semaphore, #tpu.memory_space<semaphore_mem>>)
      %dma_wait3A = tpu.memref_slice %arg10[%mul3A_197] : memref<1024xi32, #tpu.memory_space<vmem_shared>> -> memref<64xi32, #tpu.memory_space<vmem_shared>>
      %dma_wait3A_399 = tpu.memref_slice %arg10[%mul3A_197] : memref<1024xi32, #tpu.memory_space<vmem_shared>> -> memref<64xi32, #tpu.memory_space<vmem_shared>>
      tpu.wait_dma2 semaphore(%run_scoped3A : memref<!tpu.dma_semaphore, #tpu.memory_space<semaphore_mem>>) src(%arg8 : memref<64xi32, #tpu.memory_space<vmem>>) dst(%dma_wait3A_399 : memref<64xi32, #tpu.memory_space<vmem_shared>>)
      tpu.yield
    }) : () -> ()
    %barrier3A = arith.constant 0 : index
    tpu.barrier barrier_id(%barrier3A)
    "tpu.region"() ({
      %run_scoped3A = tpu.sem_alloc : memref<!tpu.dma_semaphore, #tpu.memory_space<semaphore_mem>>
      tpu.enqueue_dma source(%arg9 : memref<1024xf32, #tpu.memory_space<vmem_shared>>) target(%arg11 : memref<1024xf32, #tpu.memory_space<vmem>>) target_semaphore(%run_scoped3A : memref<!tpu.dma_semaphore, #tpu.memory_space<semaphore_mem>>)
      tpu.wait_dma2 semaphore(%run_scoped3A : memref<!tpu.dma_semaphore, #tpu.memory_space<semaphore_mem>>) src(%arg9 : memref<1024xf32, #tpu.memory_space<vmem_shared>>) dst(%arg11 : memref<1024xf32, #tpu.memory_space<vmem>>)
      tpu.yield
    }) : () -> ()
    "tpu.region"() ({
      %run_scoped3A = tpu.sem_alloc : memref<!tpu.dma_semaphore, #tpu.memory_space<semaphore_mem>>
      tpu.enqueue_dma source(%arg10 : memref<1024xi32, #tpu.memory_space<vmem_shared>>) target(%arg12 : memref<1024xi32, #tpu.memory_space<vmem>>) target_semaphore(%run_scoped3A : memref<!tpu.dma_semaphore, #tpu.memory_space<semaphore_mem>>)
      tpu.wait_dma2 semaphore(%run_scoped3A : memref<!tpu.dma_semaphore, #tpu.memory_space<semaphore_mem>>) src(%arg10 : memref<1024xi32, #tpu.memory_space<vmem_shared>>) dst(%arg12 : memref<1024xi32, #tpu.memory_space<vmem>>)
      tpu.yield
    }) : () -> ()
    %broadcast_in_dim3A_198 = arith.constant 0 : i32
    %broadcast_in_dim3A_199 = vector.broadcast %broadcast_in_dim3A_198 : i32 to vector<16xi32>
    %broadcast_in_dim3A_200 = arith.constant 1 : i32
    %broadcast_in_dim3A_201 = vector.broadcast %broadcast_in_dim3A_200 : i32 to vector<16xi32>
    %iota3A_202 = tpu.iota {dimensions = array<i32: 0>} : vector<16xi32>
    %swap3A_203 = arith.constant 0 : index
    %swap3A_204 = tpu.vector_load %arg6[%swap3A_203] {strides = array<i32>} : memref<256xi32, #tpu.memory_space<vmem>>, vector<16xi32>,
    tpu.vector_store %arg6[%swap3A_203], %broadcast_in_dim3A_199 {strides = array<i32>} : memref<256xi32, #tpu.memory_space<vmem>>, vector<16xi32>,
    %swap3A_205 = arith.constant 16 : index
    %swap3A_206 = tpu.vector_load %arg6[%swap3A_205] {strides = array<i32>} : memref<256xi32, #tpu.memory_space<vmem>>, vector<16xi32>,
    tpu.vector_store %arg6[%swap3A_205], %broadcast_in_dim3A_199 {strides = array<i32>} : memref<256xi32, #tpu.memory_space<vmem>>, vector<16xi32>,
    %swap3A_207 = arith.constant 32 : index
    %swap3A_208 = tpu.vector_load %arg6[%swap3A_207] {strides = array<i32>} : memref<256xi32, #tpu.memory_space<vmem>>, vector<16xi32>,
    tpu.vector_store %arg6[%swap3A_207], %broadcast_in_dim3A_199 {strides = array<i32>} : memref<256xi32, #tpu.memory_space<vmem>>, vector<16xi32>,
    %swap3A_209 = arith.constant 48 : index
    %swap3A_210 = tpu.vector_load %arg6[%swap3A_209] {strides = array<i32>} : memref<256xi32, #tpu.memory_space<vmem>>, vector<16xi32>,
    tpu.vector_store %arg6[%swap3A_209], %broadcast_in_dim3A_199 {strides = array<i32>} : memref<256xi32, #tpu.memory_space<vmem>>, vector<16xi32>,
    %parallel_loop3A_211 = arith.constant 0 : i32
    %parallel_loop3A_212 = arith.constant 64 : i32
    %parallel_loop3A_213 = arith.constant 1 : i32
    scf.for %parallel_loop3A_398 = %parallel_loop3A_211 to %parallel_loop3A_212 step %parallel_loop3A_213  : i32 {
      %parallel_loop3A_399 = arith.constant 16 : i32
      %parallel_loop3A_400 = arith.muli %parallel_loop3A_399, %parallel_loop3A_398 : i32
      %parallel_loop3A_401 = arith.index_cast %parallel_loop3A_400 : i32 to index
      %parallel_loop3A_402 = tpu.vector_load %arg11[%parallel_loop3A_401] {strides = array<i32>} : memref<1024xf32, #tpu.memory_space<vmem>>, vector<16xf32>,
      %parallel_loop3A_403 = tpu.bitcast %parallel_loop3A_402 : vector<16xf32> -> vector<16xi32>
      %parallel_loop3A_404 = arith.constant 24 : i32
      %parallel_loop3A_405 = vector.broadcast %parallel_loop3A_404 : i32 to vector<16xi32>
      %parallel_loop3A_406 = arith.shrsi %parallel_loop3A_403, %parallel_loop3A_405 : vector<16xi32>
      %parallel_loop3A_407 = arith.constant 255 : i32
      %parallel_loop3A_408 = vector.broadcast %parallel_loop3A_407 : i32 to vector<16xi32>
      %parallel_loop3A_409 = arith.andi %parallel_loop3A_406, %parallel_loop3A_408 : vector<16xi32>
      tpu.vector_store_idx %arg6[%parallel_loop3A_409], %broadcast_in_dim3A_201 {add = true} : memref<256xi32, #tpu.memory_space<vmem>>[vector<16xi32>], vector<16xi32>,
    } {sc.loop_unroll_factor = 4 : i64, sc.parallel_access}
    %parallel_loop3A_214 = arith.constant 0 : i32
    %parallel_loop3A_215 = arith.constant 4 : i32
    %parallel_loop3A_216 = arith.constant 1 : i32
    %parallel_loop3A_217 = arith.constant 64 : i32
    %parallel_loop3A_218 = arith.constant 0 : i32
    %parallel_loop3A_219:3 = scf.for %parallel_loop3A_398 = %parallel_loop3A_214 to %parallel_loop3A_215 step %parallel_loop3A_216 iter_args(%parallel_loop3A_399 = %parallel_loop3A_218, %parallel_loop3A_400 = %broadcast_in_dim3A_199, %parallel_loop3A_401 = %broadcast_in_dim3A_199) -> (i32, vector<16xi32>, vector<16xi32>)  : i32 {
      %parallel_loop3A_402 = arith.constant 3 : i32
      %parallel_loop3A_403 = arith.subi %parallel_loop3A_402, %parallel_loop3A_398 : i32
      %parallel_loop3A_404 = arith.constant 16 : i32
      %parallel_loop3A_405 = arith.muli %parallel_loop3A_404, %parallel_loop3A_403 : i32
      %parallel_loop3A_406 = arith.index_cast %parallel_loop3A_405 : i32 to index
      %parallel_loop3A_407 = tpu.vector_load %arg6[%parallel_loop3A_406] {strides = array<i32>} : memref<256xi32, #tpu.memory_space<vmem>>, vector<16xi32>,
      %parallel_loop3A_408 = arith.constant true
      %parallel_loop3A_409 = vector.broadcast %parallel_loop3A_408 : i1 to vector<16xi1>
      %parallel_loop3A_410 = tpu.scan <sum>, %parallel_loop3A_407 masked %parallel_loop3A_409 : vector<16xi32>, vector<16xi1> -> vector<16xi32>
      %parallel_loop3A_411 = vector.extract_strided_slice %parallel_loop3A_410 {offsets = [15], sizes = [1], strides = [1]} : vector<16xi32> to vector<1xi32>
      %parallel_loop3A_412 = vector.extract %parallel_loop3A_411[0] : i32 from vector<1xi32>
      %parallel_loop3A_413 = arith.addi %parallel_loop3A_399, %parallel_loop3A_412 : i32
      %parallel_loop3A_414 = vector.broadcast %parallel_loop3A_413 : i32 to vector<16xi32>
      %parallel_loop3A_415 = arith.subi %parallel_loop3A_414, %parallel_loop3A_410 : vector<16xi32>
      %parallel_loop3A_416 = vector.broadcast %parallel_loop3A_217 : i32 to vector<16xi32>
      %parallel_loop3A_417 = arith.cmpi slt, %parallel_loop3A_415, %parallel_loop3A_416 : vector<16xi32>
      %parallel_loop3A_418 = arith.addi %parallel_loop3A_415, %parallel_loop3A_407 : vector<16xi32>
      %parallel_loop3A_419 = vector.broadcast %parallel_loop3A_217 : i32 to vector<16xi32>
      %parallel_loop3A_420 = arith.cmpi sge, %parallel_loop3A_418, %parallel_loop3A_419 : vector<16xi32>
      %parallel_loop3A_421 = arith.andi %parallel_loop3A_417, %parallel_loop3A_420 : vector<16xi1>
      %parallel_loop3A_422 = arith.extui %parallel_loop3A_421 : vector<16xi1> to vector<16xi32>
      %parallel_loop3A_423 = arith.constant 16 : i32
      %parallel_loop3A_424 = arith.muli %parallel_loop3A_403, %parallel_loop3A_423 : i32
      %parallel_loop3A_425 = vector.broadcast %parallel_loop3A_424 : i32 to vector<16xi32>
      %parallel_loop3A_426 = arith.addi %parallel_loop3A_425, %iota3A_202 : vector<16xi32>
      %parallel_loop3A_427 = arith.muli %parallel_loop3A_426, %parallel_loop3A_422 : vector<16xi32>
      %parallel_loop3A_428 = arith.addi %parallel_loop3A_400, %parallel_loop3A_427 : vector<16xi32>
      %parallel_loop3A_429 = arith.muli %parallel_loop3A_415, %parallel_loop3A_422 : vector<16xi32>
      %parallel_loop3A_430 = arith.addi %parallel_loop3A_401, %parallel_loop3A_429 : vector<16xi32>
      %parallel_loop3A_431 = arith.addi %parallel_loop3A_399, %parallel_loop3A_412 : i32
      scf.yield %parallel_loop3A_431, %parallel_loop3A_428, %parallel_loop3A_430 : i32, vector<16xi32>, vector<16xi32>
    } {sc.loop_unroll_factor = 4 : i64, sc.parallel_access}
    %reduce_sum3A_220 = arith.constant true
    %reduce_sum3A_221 = vector.broadcast %reduce_sum3A_220 : i1 to vector<16xi1>
    %reduce_sum3A_222 = tpu.scan <sum>, %parallel_loop3A_219#1 masked %reduce_sum3A_221 : vector<16xi32>, vector<16xi1> -> vector<16xi32>
    %reduce_sum3A_223 = vector.extract %reduce_sum3A_222[15] : i32 from vector<16xi32>
    %reduce_sum3A_224 = arith.constant true
    %reduce_sum3A_225 = vector.broadcast %reduce_sum3A_224 : i1 to vector<16xi1>
    %reduce_sum3A_226 = tpu.scan <sum>, %parallel_loop3A_219#2 masked %reduce_sum3A_225 : vector<16xi32>, vector<16xi1> -> vector<16xi32>
    %reduce_sum3A_227 = vector.extract %reduce_sum3A_226[15] : i32 from vector<16xi32>
    %sub3A_228 = arith.constant 64 : i32
    %sub3A_229 = arith.subi %sub3A_228, %reduce_sum3A_227 : i32
    %shift_left3A_230 = arith.constant 0 : i32
    %shift_left3A_231 = arith.constant 8 : i32
    %shift_left3A_232 = arith.shli %shift_left3A_230, %shift_left3A_231 : i32
    %or3A_233 = arith.ori %shift_left3A_232, %reduce_sum3A_223 : i32
    %swap3A_234 = arith.constant 0 : index
    %swap3A_235 = tpu.vector_load %arg6[%swap3A_234] {strides = array<i32>} : memref<256xi32, #tpu.memory_space<vmem>>, vector<16xi32>,
    tpu.vector_store %arg6[%swap3A_234], %broadcast_in_dim3A_199 {strides = array<i32>} : memref<256xi32, #tpu.memory_space<vmem>>, vector<16xi32>,
    %swap3A_236 = arith.constant 16 : index
    %swap3A_237 = tpu.vector_load %arg6[%swap3A_236] {strides = array<i32>} : memref<256xi32, #tpu.memory_space<vmem>>, vector<16xi32>,
    tpu.vector_store %arg6[%swap3A_236], %broadcast_in_dim3A_199 {strides = array<i32>} : memref<256xi32, #tpu.memory_space<vmem>>, vector<16xi32>,
    %swap3A_238 = arith.constant 32 : index
    %swap3A_239 = tpu.vector_load %arg6[%swap3A_238] {strides = array<i32>} : memref<256xi32, #tpu.memory_space<vmem>>, vector<16xi32>,
    tpu.vector_store %arg6[%swap3A_238], %broadcast_in_dim3A_199 {strides = array<i32>} : memref<256xi32, #tpu.memory_space<vmem>>, vector<16xi32>,
    %swap3A_240 = arith.constant 48 : index
    %swap3A_241 = tpu.vector_load %arg6[%swap3A_240] {strides = array<i32>} : memref<256xi32, #tpu.memory_space<vmem>>, vector<16xi32>,
    tpu.vector_store %arg6[%swap3A_240], %broadcast_in_dim3A_199 {strides = array<i32>} : memref<256xi32, #tpu.memory_space<vmem>>, vector<16xi32>,
    %swap3A_242 = arith.constant 64 : index
    %swap3A_243 = tpu.vector_load %arg6[%swap3A_242] {strides = array<i32>} : memref<256xi32, #tpu.memory_space<vmem>>, vector<16xi32>,
    tpu.vector_store %arg6[%swap3A_242], %broadcast_in_dim3A_199 {strides = array<i32>} : memref<256xi32, #tpu.memory_space<vmem>>, vector<16xi32>,
    %swap3A_244 = arith.constant 80 : index
    %swap3A_245 = tpu.vector_load %arg6[%swap3A_244] {strides = array<i32>} : memref<256xi32, #tpu.memory_space<vmem>>, vector<16xi32>,
    tpu.vector_store %arg6[%swap3A_244], %broadcast_in_dim3A_199 {strides = array<i32>} : memref<256xi32, #tpu.memory_space<vmem>>, vector<16xi32>,
    %swap3A_246 = arith.constant 96 : index
    %swap3A_247 = tpu.vector_load %arg6[%swap3A_246] {strides = array<i32>} : memref<256xi32, #tpu.memory_space<vmem>>, vector<16xi32>,
    tpu.vector_store %arg6[%swap3A_246], %broadcast_in_dim3A_199 {strides = array<i32>} : memref<256xi32, #tpu.memory_space<vmem>>, vector<16xi32>,
    %swap3A_248 = arith.constant 112 : index
    %swap3A_249 = tpu.vector_load %arg6[%swap3A_248] {strides = array<i32>} : memref<256xi32, #tpu.memory_space<vmem>>, vector<16xi32>,
    tpu.vector_store %arg6[%swap3A_248], %broadcast_in_dim3A_199 {strides = array<i32>} : memref<256xi32, #tpu.memory_space<vmem>>, vector<16xi32>,
    %swap3A_250 = arith.constant 128 : index
    %swap3A_251 = tpu.vector_load %arg6[%swap3A_250] {strides = array<i32>} : memref<256xi32, #tpu.memory_space<vmem>>, vector<16xi32>,
    tpu.vector_store %arg6[%swap3A_250], %broadcast_in_dim3A_199 {strides = array<i32>} : memref<256xi32, #tpu.memory_space<vmem>>, vector<16xi32>,
    %swap3A_252 = arith.constant 144 : index
    %swap3A_253 = tpu.vector_load %arg6[%swap3A_252] {strides = array<i32>} : memref<256xi32, #tpu.memory_space<vmem>>, vector<16xi32>,
    tpu.vector_store %arg6[%swap3A_252], %broadcast_in_dim3A_199 {strides = array<i32>} : memref<256xi32, #tpu.memory_space<vmem>>, vector<16xi32>,
    %swap3A_254 = arith.constant 160 : index
    %swap3A_255 = tpu.vector_load %arg6[%swap3A_254] {strides = array<i32>} : memref<256xi32, #tpu.memory_space<vmem>>, vector<16xi32>,
    tpu.vector_store %arg6[%swap3A_254], %broadcast_in_dim3A_199 {strides = array<i32>} : memref<256xi32, #tpu.memory_space<vmem>>, vector<16xi32>,
    %swap3A_256 = arith.constant 176 : index
    %swap3A_257 = tpu.vector_load %arg6[%swap3A_256] {strides = array<i32>} : memref<256xi32, #tpu.memory_space<vmem>>, vector<16xi32>,
    tpu.vector_store %arg6[%swap3A_256], %broadcast_in_dim3A_199 {strides = array<i32>} : memref<256xi32, #tpu.memory_space<vmem>>, vector<16xi32>,
    %swap3A_258 = arith.constant 192 : index
    %swap3A_259 = tpu.vector_load %arg6[%swap3A_258] {strides = array<i32>} : memref<256xi32, #tpu.memory_space<vmem>>, vector<16xi32>,
    tpu.vector_store %arg6[%swap3A_258], %broadcast_in_dim3A_199 {strides = array<i32>} : memref<256xi32, #tpu.memory_space<vmem>>, vector<16xi32>,
    %swap3A_260 = arith.constant 208 : index
    %swap3A_261 = tpu.vector_load %arg6[%swap3A_260] {strides = array<i32>} : memref<256xi32, #tpu.memory_space<vmem>>, vector<16xi32>,
    tpu.vector_store %arg6[%swap3A_260], %broadcast_in_dim3A_199 {strides = array<i32>} : memref<256xi32, #tpu.memory_space<vmem>>, vector<16xi32>,
    %swap3A_262 = arith.constant 224 : index
    %swap3A_263 = tpu.vector_load %arg6[%swap3A_262] {strides = array<i32>} : memref<256xi32, #tpu.memory_space<vmem>>, vector<16xi32>,
    tpu.vector_store %arg6[%swap3A_262], %broadcast_in_dim3A_199 {strides = array<i32>} : memref<256xi32, #tpu.memory_space<vmem>>, vector<16xi32>,
    %swap3A_264 = arith.constant 240 : index
    %swap3A_265 = tpu.vector_load %arg6[%swap3A_264] {strides = array<i32>} : memref<256xi32, #tpu.memory_space<vmem>>, vector<16xi32>,
    tpu.vector_store %arg6[%swap3A_264], %broadcast_in_dim3A_199 {strides = array<i32>} : memref<256xi32, #tpu.memory_space<vmem>>, vector<16xi32>,
    %parallel_loop3A_266 = arith.constant 0 : i32
    %parallel_loop3A_267 = arith.constant 64 : i32
    %parallel_loop3A_268 = arith.constant 1 : i32
    scf.for %parallel_loop3A_398 = %parallel_loop3A_266 to %parallel_loop3A_267 step %parallel_loop3A_268  : i32 {
      %parallel_loop3A_399 = arith.constant 16 : i32
      %parallel_loop3A_400 = arith.muli %parallel_loop3A_399, %parallel_loop3A_398 : i32
      %parallel_loop3A_401 = arith.index_cast %parallel_loop3A_400 : i32 to index
      %parallel_loop3A_402 = tpu.vector_load %arg11[%parallel_loop3A_401] {strides = array<i32>} : memref<1024xf32, #tpu.memory_space<vmem>>, vector<16xf32>,
      %parallel_loop3A_403 = tpu.bitcast %parallel_loop3A_402 : vector<16xf32> -> vector<16xi32>
      %parallel_loop3A_404 = arith.constant 24 : i32
      %parallel_loop3A_405 = vector.broadcast %parallel_loop3A_404 : i32 to vector<16xi32>
      %parallel_loop3A_406 = arith.shrsi %parallel_loop3A_403, %parallel_loop3A_405 : vector<16xi32>
      %parallel_loop3A_407 = vector.broadcast %or3A_233 : i32 to vector<16xi32>
      %parallel_loop3A_408 = arith.cmpi eq, %parallel_loop3A_406, %parallel_loop3A_407 : vector<16xi32>
      %parallel_loop3A_409 = arith.constant 16 : i32
      %parallel_loop3A_410 = vector.broadcast %parallel_loop3A_409 : i32 to vector<16xi32>
      %parallel_loop3A_411 = arith.shrsi %parallel_loop3A_403, %parallel_loop3A_410 : vector<16xi32>
      %parallel_loop3A_412 = arith.constant 255 : i32
      %parallel_loop3A_413 = vector.broadcast %parallel_loop3A_412 : i32 to vector<16xi32>
      %parallel_loop3A_414 = arith.andi %parallel_loop3A_411, %parallel_loop3A_413 : vector<16xi32>
      tpu.vector_store_idx %arg6[%parallel_loop3A_414], %broadcast_in_dim3A_201 masked %parallel_loop3A_408 {add = true} : memref<256xi32, #tpu.memory_space<vmem>>[vector<16xi32>], vector<16xi32>, vector<16xi1>
    } {sc.loop_unroll_factor = 4 : i64, sc.parallel_access}
    %parallel_loop3A_269 = arith.constant 0 : i32
    %parallel_loop3A_270 = arith.constant 16 : i32
    %parallel_loop3A_271 = arith.constant 1 : i32
    %parallel_loop3A_272 = arith.constant 0 : i32
    %parallel_loop3A_273:3 = scf.for %parallel_loop3A_398 = %parallel_loop3A_269 to %parallel_loop3A_270 step %parallel_loop3A_271 iter_args(%parallel_loop3A_399 = %parallel_loop3A_272, %parallel_loop3A_400 = %broadcast_in_dim3A_199, %parallel_loop3A_401 = %broadcast_in_dim3A_199) -> (i32, vector<16xi32>, vector<16xi32>)  : i32 {
      %parallel_loop3A_402 = arith.constant 15 : i32
      %parallel_loop3A_403 = arith.subi %parallel_loop3A_402, %parallel_loop3A_398 : i32
      %parallel_loop3A_404 = arith.constant 16 : i32
      %parallel_loop3A_405 = arith.muli %parallel_loop3A_404, %parallel_loop3A_403 : i32
      %parallel_loop3A_406 = arith.index_cast %parallel_loop3A_405 : i32 to index
      %parallel_loop3A_407 = tpu.vector_load %arg6[%parallel_loop3A_406] {strides = array<i32>} : memref<256xi32, #tpu.memory_space<vmem>>, vector<16xi32>,
      %parallel_loop3A_408 = arith.constant true
      %parallel_loop3A_409 = vector.broadcast %parallel_loop3A_408 : i1 to vector<16xi1>
      %parallel_loop3A_410 = tpu.scan <sum>, %parallel_loop3A_407 masked %parallel_loop3A_409 : vector<16xi32>, vector<16xi1> -> vector<16xi32>
      %parallel_loop3A_411 = vector.extract_strided_slice %parallel_loop3A_410 {offsets = [15], sizes = [1], strides = [1]} : vector<16xi32> to vector<1xi32>
      %parallel_loop3A_412 = vector.extract %parallel_loop3A_411[0] : i32 from vector<1xi32>
      %parallel_loop3A_413 = arith.addi %parallel_loop3A_399, %parallel_loop3A_412 : i32
      %parallel_loop3A_414 = vector.broadcast %parallel_loop3A_413 : i32 to vector<16xi32>
      %parallel_loop3A_415 = arith.subi %parallel_loop3A_414, %parallel_loop3A_410 : vector<16xi32>
      %parallel_loop3A_416 = vector.broadcast %sub3A_229 : i32 to vector<16xi32>
      %parallel_loop3A_417 = arith.cmpi slt, %parallel_loop3A_415, %parallel_loop3A_416 : vector<16xi32>
      %parallel_loop3A_418 = arith.addi %parallel_loop3A_415, %parallel_loop3A_407 : vector<16xi32>
      %parallel_loop3A_419 = vector.broadcast %sub3A_229 : i32 to vector<16xi32>
      %parallel_loop3A_420 = arith.cmpi sge, %parallel_loop3A_418, %parallel_loop3A_419 : vector<16xi32>
      %parallel_loop3A_421 = arith.andi %parallel_loop3A_417, %parallel_loop3A_420 : vector<16xi1>
      %parallel_loop3A_422 = arith.extui %parallel_loop3A_421 : vector<16xi1> to vector<16xi32>
      %parallel_loop3A_423 = arith.constant 16 : i32
      %parallel_loop3A_424 = arith.muli %parallel_loop3A_403, %parallel_loop3A_423 : i32
      %parallel_loop3A_425 = vector.broadcast %parallel_loop3A_424 : i32 to vector<16xi32>
      %parallel_loop3A_426 = arith.addi %parallel_loop3A_425, %iota3A_202 : vector<16xi32>
      %parallel_loop3A_427 = arith.muli %parallel_loop3A_426, %parallel_loop3A_422 : vector<16xi32>
      %parallel_loop3A_428 = arith.addi %parallel_loop3A_400, %parallel_loop3A_427 : vector<16xi32>
      %parallel_loop3A_429 = arith.muli %parallel_loop3A_415, %parallel_loop3A_422 : vector<16xi32>
      %parallel_loop3A_430 = arith.addi %parallel_loop3A_401, %parallel_loop3A_429 : vector<16xi32>
      %parallel_loop3A_431 = arith.addi %parallel_loop3A_399, %parallel_loop3A_412 : i32
      scf.yield %parallel_loop3A_431, %parallel_loop3A_428, %parallel_loop3A_430 : i32, vector<16xi32>, vector<16xi32>
    } {sc.loop_unroll_factor = 4 : i64, sc.parallel_access}
    %reduce_sum3A_274 = arith.constant true
    %reduce_sum3A_275 = vector.broadcast %reduce_sum3A_274 : i1 to vector<16xi1>
    %reduce_sum3A_276 = tpu.scan <sum>, %parallel_loop3A_273#1 masked %reduce_sum3A_275 : vector<16xi32>, vector<16xi1> -> vector<16xi32>
    %reduce_sum3A_277 = vector.extract %reduce_sum3A_276[15] : i32 from vector<16xi32>
    %reduce_sum3A_278 = arith.constant true
    %reduce_sum3A_279 = vector.broadcast %reduce_sum3A_278 : i1 to vector<16xi1>
    %reduce_sum3A_280 = tpu.scan <sum>, %parallel_loop3A_273#2 masked %reduce_sum3A_279 : vector<16xi32>, vector<16xi1> -> vector<16xi32>
    %reduce_sum3A_281 = vector.extract %reduce_sum3A_280[15] : i32 from vector<16xi32>
    %sub3A_282 = arith.subi %sub3A_229, %reduce_sum3A_281 : i32
    %shift_left3A_283 = arith.constant 8 : i32
    %shift_left3A_284 = arith.shli %or3A_233, %shift_left3A_283 : i32
    %or3A_285 = arith.ori %shift_left3A_284, %reduce_sum3A_277 : i32
    %swap3A_286 = arith.constant 0 : index
    %swap3A_287 = tpu.vector_load %arg6[%swap3A_286] {strides = array<i32>} : memref<256xi32, #tpu.memory_space<vmem>>, vector<16xi32>,
    tpu.vector_store %arg6[%swap3A_286], %broadcast_in_dim3A_199 {strides = array<i32>} : memref<256xi32, #tpu.memory_space<vmem>>, vector<16xi32>,
    %swap3A_288 = arith.constant 16 : index
    %swap3A_289 = tpu.vector_load %arg6[%swap3A_288] {strides = array<i32>} : memref<256xi32, #tpu.memory_space<vmem>>, vector<16xi32>,
    tpu.vector_store %arg6[%swap3A_288], %broadcast_in_dim3A_199 {strides = array<i32>} : memref<256xi32, #tpu.memory_space<vmem>>, vector<16xi32>,
    %swap3A_290 = arith.constant 32 : index
    %swap3A_291 = tpu.vector_load %arg6[%swap3A_290] {strides = array<i32>} : memref<256xi32, #tpu.memory_space<vmem>>, vector<16xi32>,
    tpu.vector_store %arg6[%swap3A_290], %broadcast_in_dim3A_199 {strides = array<i32>} : memref<256xi32, #tpu.memory_space<vmem>>, vector<16xi32>,
    %swap3A_292 = arith.constant 48 : index
    %swap3A_293 = tpu.vector_load %arg6[%swap3A_292] {strides = array<i32>} : memref<256xi32, #tpu.memory_space<vmem>>, vector<16xi32>,
    tpu.vector_store %arg6[%swap3A_292], %broadcast_in_dim3A_199 {strides = array<i32>} : memref<256xi32, #tpu.memory_space<vmem>>, vector<16xi32>,
    %swap3A_294 = arith.constant 64 : index
    %swap3A_295 = tpu.vector_load %arg6[%swap3A_294] {strides = array<i32>} : memref<256xi32, #tpu.memory_space<vmem>>, vector<16xi32>,
    tpu.vector_store %arg6[%swap3A_294], %broadcast_in_dim3A_199 {strides = array<i32>} : memref<256xi32, #tpu.memory_space<vmem>>, vector<16xi32>,
    %swap3A_296 = arith.constant 80 : index
    %swap3A_297 = tpu.vector_load %arg6[%swap3A_296] {strides = array<i32>} : memref<256xi32, #tpu.memory_space<vmem>>, vector<16xi32>,
    tpu.vector_store %arg6[%swap3A_296], %broadcast_in_dim3A_199 {strides = array<i32>} : memref<256xi32, #tpu.memory_space<vmem>>, vector<16xi32>,
    %swap3A_298 = arith.constant 96 : index
    %swap3A_299 = tpu.vector_load %arg6[%swap3A_298] {strides = array<i32>} : memref<256xi32, #tpu.memory_space<vmem>>, vector<16xi32>,
    tpu.vector_store %arg6[%swap3A_298], %broadcast_in_dim3A_199 {strides = array<i32>} : memref<256xi32, #tpu.memory_space<vmem>>, vector<16xi32>,
    %swap3A_300 = arith.constant 112 : index
    %swap3A_301 = tpu.vector_load %arg6[%swap3A_300] {strides = array<i32>} : memref<256xi32, #tpu.memory_space<vmem>>, vector<16xi32>,
    tpu.vector_store %arg6[%swap3A_300], %broadcast_in_dim3A_199 {strides = array<i32>} : memref<256xi32, #tpu.memory_space<vmem>>, vector<16xi32>,
    %swap3A_302 = arith.constant 128 : index
    %swap3A_303 = tpu.vector_load %arg6[%swap3A_302] {strides = array<i32>} : memref<256xi32, #tpu.memory_space<vmem>>, vector<16xi32>,
    tpu.vector_store %arg6[%swap3A_302], %broadcast_in_dim3A_199 {strides = array<i32>} : memref<256xi32, #tpu.memory_space<vmem>>, vector<16xi32>,
    %swap3A_304 = arith.constant 144 : index
    %swap3A_305 = tpu.vector_load %arg6[%swap3A_304] {strides = array<i32>} : memref<256xi32, #tpu.memory_space<vmem>>, vector<16xi32>,
    tpu.vector_store %arg6[%swap3A_304], %broadcast_in_dim3A_199 {strides = array<i32>} : memref<256xi32, #tpu.memory_space<vmem>>, vector<16xi32>,
    %swap3A_306 = arith.constant 160 : index
    %swap3A_307 = tpu.vector_load %arg6[%swap3A_306] {strides = array<i32>} : memref<256xi32, #tpu.memory_space<vmem>>, vector<16xi32>,
    tpu.vector_store %arg6[%swap3A_306], %broadcast_in_dim3A_199 {strides = array<i32>} : memref<256xi32, #tpu.memory_space<vmem>>, vector<16xi32>,
    %swap3A_308 = arith.constant 176 : index
    %swap3A_309 = tpu.vector_load %arg6[%swap3A_308] {strides = array<i32>} : memref<256xi32, #tpu.memory_space<vmem>>, vector<16xi32>,
    tpu.vector_store %arg6[%swap3A_308], %broadcast_in_dim3A_199 {strides = array<i32>} : memref<256xi32, #tpu.memory_space<vmem>>, vector<16xi32>,
    %swap3A_310 = arith.constant 192 : index
    %swap3A_311 = tpu.vector_load %arg6[%swap3A_310] {strides = array<i32>} : memref<256xi32, #tpu.memory_space<vmem>>, vector<16xi32>,
    tpu.vector_store %arg6[%swap3A_310], %broadcast_in_dim3A_199 {strides = array<i32>} : memref<256xi32, #tpu.memory_space<vmem>>, vector<16xi32>,
    %swap3A_312 = arith.constant 208 : index
    %swap3A_313 = tpu.vector_load %arg6[%swap3A_312] {strides = array<i32>} : memref<256xi32, #tpu.memory_space<vmem>>, vector<16xi32>,
    tpu.vector_store %arg6[%swap3A_312], %broadcast_in_dim3A_199 {strides = array<i32>} : memref<256xi32, #tpu.memory_space<vmem>>, vector<16xi32>,
    %swap3A_314 = arith.constant 224 : index
    %swap3A_315 = tpu.vector_load %arg6[%swap3A_314] {strides = array<i32>} : memref<256xi32, #tpu.memory_space<vmem>>, vector<16xi32>,
    tpu.vector_store %arg6[%swap3A_314], %broadcast_in_dim3A_199 {strides = array<i32>} : memref<256xi32, #tpu.memory_space<vmem>>, vector<16xi32>,
    %swap3A_316 = arith.constant 240 : index
    %swap3A_317 = tpu.vector_load %arg6[%swap3A_316] {strides = array<i32>} : memref<256xi32, #tpu.memory_space<vmem>>, vector<16xi32>,
    tpu.vector_store %arg6[%swap3A_316], %broadcast_in_dim3A_199 {strides = array<i32>} : memref<256xi32, #tpu.memory_space<vmem>>, vector<16xi32>,
    %parallel_loop3A_318 = arith.constant 0 : i32
    %parallel_loop3A_319 = arith.constant 64 : i32
    %parallel_loop3A_320 = arith.constant 1 : i32
    scf.for %parallel_loop3A_398 = %parallel_loop3A_318 to %parallel_loop3A_319 step %parallel_loop3A_320  : i32 {
      %parallel_loop3A_399 = arith.constant 16 : i32
      %parallel_loop3A_400 = arith.muli %parallel_loop3A_399, %parallel_loop3A_398 : i32
      %parallel_loop3A_401 = arith.index_cast %parallel_loop3A_400 : i32 to index
      %parallel_loop3A_402 = tpu.vector_load %arg11[%parallel_loop3A_401] {strides = array<i32>} : memref<1024xf32, #tpu.memory_space<vmem>>, vector<16xf32>,
      %parallel_loop3A_403 = tpu.bitcast %parallel_loop3A_402 : vector<16xf32> -> vector<16xi32>
      %parallel_loop3A_404 = arith.constant 16 : i32
      %parallel_loop3A_405 = vector.broadcast %parallel_loop3A_404 : i32 to vector<16xi32>
      %parallel_loop3A_406 = arith.shrsi %parallel_loop3A_403, %parallel_loop3A_405 : vector<16xi32>
      %parallel_loop3A_407 = vector.broadcast %or3A_285 : i32 to vector<16xi32>
      %parallel_loop3A_408 = arith.cmpi eq, %parallel_loop3A_406, %parallel_loop3A_407 : vector<16xi32>
      %parallel_loop3A_409 = arith.constant 8 : i32
      %parallel_loop3A_410 = vector.broadcast %parallel_loop3A_409 : i32 to vector<16xi32>
      %parallel_loop3A_411 = arith.shrsi %parallel_loop3A_403, %parallel_loop3A_410 : vector<16xi32>
      %parallel_loop3A_412 = arith.constant 255 : i32
      %parallel_loop3A_413 = vector.broadcast %parallel_loop3A_412 : i32 to vector<16xi32>
      %parallel_loop3A_414 = arith.andi %parallel_loop3A_411, %parallel_loop3A_413 : vector<16xi32>
      tpu.vector_store_idx %arg6[%parallel_loop3A_414], %broadcast_in_dim3A_201 masked %parallel_loop3A_408 {add = true} : memref<256xi32, #tpu.memory_space<vmem>>[vector<16xi32>], vector<16xi32>, vector<16xi1>
    } {sc.loop_unroll_factor = 4 : i64, sc.parallel_access}
    %parallel_loop3A_321 = arith.constant 0 : i32
    %parallel_loop3A_322 = arith.constant 16 : i32
    %parallel_loop3A_323 = arith.constant 1 : i32
    %parallel_loop3A_324 = arith.constant 0 : i32
    %parallel_loop3A_325:3 = scf.for %parallel_loop3A_398 = %parallel_loop3A_321 to %parallel_loop3A_322 step %parallel_loop3A_323 iter_args(%parallel_loop3A_399 = %parallel_loop3A_324, %parallel_loop3A_400 = %broadcast_in_dim3A_199, %parallel_loop3A_401 = %broadcast_in_dim3A_199) -> (i32, vector<16xi32>, vector<16xi32>)  : i32 {
      %parallel_loop3A_402 = arith.constant 15 : i32
      %parallel_loop3A_403 = arith.subi %parallel_loop3A_402, %parallel_loop3A_398 : i32
      %parallel_loop3A_404 = arith.constant 16 : i32
      %parallel_loop3A_405 = arith.muli %parallel_loop3A_404, %parallel_loop3A_403 : i32
      %parallel_loop3A_406 = arith.index_cast %parallel_loop3A_405 : i32 to index
      %parallel_loop3A_407 = tpu.vector_load %arg6[%parallel_loop3A_406] {strides = array<i32>} : memref<256xi32, #tpu.memory_space<vmem>>, vector<16xi32>,
      %parallel_loop3A_408 = arith.constant true
      %parallel_loop3A_409 = vector.broadcast %parallel_loop3A_408 : i1 to vector<16xi1>
      %parallel_loop3A_410 = tpu.scan <sum>, %parallel_loop3A_407 masked %parallel_loop3A_409 : vector<16xi32>, vector<16xi1> -> vector<16xi32>
      %parallel_loop3A_411 = vector.extract_strided_slice %parallel_loop3A_410 {offsets = [15], sizes = [1], strides = [1]} : vector<16xi32> to vector<1xi32>
      %parallel_loop3A_412 = vector.extract %parallel_loop3A_411[0] : i32 from vector<1xi32>
      %parallel_loop3A_413 = arith.addi %parallel_loop3A_399, %parallel_loop3A_412 : i32
      %parallel_loop3A_414 = vector.broadcast %parallel_loop3A_413 : i32 to vector<16xi32>
      %parallel_loop3A_415 = arith.subi %parallel_loop3A_414, %parallel_loop3A_410 : vector<16xi32>
      %parallel_loop3A_416 = vector.broadcast %sub3A_282 : i32 to vector<16xi32>
      %parallel_loop3A_417 = arith.cmpi slt, %parallel_loop3A_415, %parallel_loop3A_416 : vector<16xi32>
      %parallel_loop3A_418 = arith.addi %parallel_loop3A_415, %parallel_loop3A_407 : vector<16xi32>
      %parallel_loop3A_419 = vector.broadcast %sub3A_282 : i32 to vector<16xi32>
      %parallel_loop3A_420 = arith.cmpi sge, %parallel_loop3A_418, %parallel_loop3A_419 : vector<16xi32>
      %parallel_loop3A_421 = arith.andi %parallel_loop3A_417, %parallel_loop3A_420 : vector<16xi1>
      %parallel_loop3A_422 = arith.extui %parallel_loop3A_421 : vector<16xi1> to vector<16xi32>
      %parallel_loop3A_423 = arith.constant 16 : i32
      %parallel_loop3A_424 = arith.muli %parallel_loop3A_403, %parallel_loop3A_423 : i32
      %parallel_loop3A_425 = vector.broadcast %parallel_loop3A_424 : i32 to vector<16xi32>
      %parallel_loop3A_426 = arith.addi %parallel_loop3A_425, %iota3A_202 : vector<16xi32>
      %parallel_loop3A_427 = arith.muli %parallel_loop3A_426, %parallel_loop3A_422 : vector<16xi32>
      %parallel_loop3A_428 = arith.addi %parallel_loop3A_400, %parallel_loop3A_427 : vector<16xi32>
      %parallel_loop3A_429 = arith.muli %parallel_loop3A_415, %parallel_loop3A_422 : vector<16xi32>
      %parallel_loop3A_430 = arith.addi %parallel_loop3A_401, %parallel_loop3A_429 : vector<16xi32>
      %parallel_loop3A_431 = arith.addi %parallel_loop3A_399, %parallel_loop3A_412 : i32
      scf.yield %parallel_loop3A_431, %parallel_loop3A_428, %parallel_loop3A_430 : i32, vector<16xi32>, vector<16xi32>
    } {sc.loop_unroll_factor = 4 : i64, sc.parallel_access}
    %reduce_sum3A_326 = arith.constant true
    %reduce_sum3A_327 = vector.broadcast %reduce_sum3A_326 : i1 to vector<16xi1>
    %reduce_sum3A_328 = tpu.scan <sum>, %parallel_loop3A_325#1 masked %reduce_sum3A_327 : vector<16xi32>, vector<16xi1> -> vector<16xi32>
    %reduce_sum3A_329 = vector.extract %reduce_sum3A_328[15] : i32 from vector<16xi32>
    %reduce_sum3A_330 = arith.constant true
    %reduce_sum3A_331 = vector.broadcast %reduce_sum3A_330 : i1 to vector<16xi1>
    %reduce_sum3A_332 = tpu.scan <sum>, %parallel_loop3A_325#2 masked %reduce_sum3A_331 : vector<16xi32>, vector<16xi1> -> vector<16xi32>
    %reduce_sum3A_333 = vector.extract %reduce_sum3A_332[15] : i32 from vector<16xi32>
    %sub3A_334 = arith.subi %sub3A_282, %reduce_sum3A_333 : i32
    %shift_left3A_335 = arith.constant 8 : i32
    %shift_left3A_336 = arith.shli %or3A_285, %shift_left3A_335 : i32
    %or3A_337 = arith.ori %shift_left3A_336, %reduce_sum3A_329 : i32
    %swap3A_338 = arith.constant 0 : index
    %swap3A_339 = tpu.vector_load %arg6[%swap3A_338] {strides = array<i32>} : memref<256xi32, #tpu.memory_space<vmem>>, vector<16xi32>,
    tpu.vector_store %arg6[%swap3A_338], %broadcast_in_dim3A_199 {strides = array<i32>} : memref<256xi32, #tpu.memory_space<vmem>>, vector<16xi32>,
    %swap3A_340 = arith.constant 16 : index
    %swap3A_341 = tpu.vector_load %arg6[%swap3A_340] {strides = array<i32>} : memref<256xi32, #tpu.memory_space<vmem>>, vector<16xi32>,
    tpu.vector_store %arg6[%swap3A_340], %broadcast_in_dim3A_199 {strides = array<i32>} : memref<256xi32, #tpu.memory_space<vmem>>, vector<16xi32>,
    %swap3A_342 = arith.constant 32 : index
    %swap3A_343 = tpu.vector_load %arg6[%swap3A_342] {strides = array<i32>} : memref<256xi32, #tpu.memory_space<vmem>>, vector<16xi32>,
    tpu.vector_store %arg6[%swap3A_342], %broadcast_in_dim3A_199 {strides = array<i32>} : memref<256xi32, #tpu.memory_space<vmem>>, vector<16xi32>,
    %swap3A_344 = arith.constant 48 : index
    %swap3A_345 = tpu.vector_load %arg6[%swap3A_344] {strides = array<i32>} : memref<256xi32, #tpu.memory_space<vmem>>, vector<16xi32>,
    tpu.vector_store %arg6[%swap3A_344], %broadcast_in_dim3A_199 {strides = array<i32>} : memref<256xi32, #tpu.memory_space<vmem>>, vector<16xi32>,
    %swap3A_346 = arith.constant 64 : index
    %swap3A_347 = tpu.vector_load %arg6[%swap3A_346] {strides = array<i32>} : memref<256xi32, #tpu.memory_space<vmem>>, vector<16xi32>,
    tpu.vector_store %arg6[%swap3A_346], %broadcast_in_dim3A_199 {strides = array<i32>} : memref<256xi32, #tpu.memory_space<vmem>>, vector<16xi32>,
    %swap3A_348 = arith.constant 80 : index
    %swap3A_349 = tpu.vector_load %arg6[%swap3A_348] {strides = array<i32>} : memref<256xi32, #tpu.memory_space<vmem>>, vector<16xi32>,
    tpu.vector_store %arg6[%swap3A_348], %broadcast_in_dim3A_199 {strides = array<i32>} : memref<256xi32, #tpu.memory_space<vmem>>, vector<16xi32>,
    %swap3A_350 = arith.constant 96 : index
    %swap3A_351 = tpu.vector_load %arg6[%swap3A_350] {strides = array<i32>} : memref<256xi32, #tpu.memory_space<vmem>>, vector<16xi32>,
    tpu.vector_store %arg6[%swap3A_350], %broadcast_in_dim3A_199 {strides = array<i32>} : memref<256xi32, #tpu.memory_space<vmem>>, vector<16xi32>,
    %swap3A_352 = arith.constant 112 : index
    %swap3A_353 = tpu.vector_load %arg6[%swap3A_352] {strides = array<i32>} : memref<256xi32, #tpu.memory_space<vmem>>, vector<16xi32>,
    tpu.vector_store %arg6[%swap3A_352], %broadcast_in_dim3A_199 {strides = array<i32>} : memref<256xi32, #tpu.memory_space<vmem>>, vector<16xi32>,
    %swap3A_354 = arith.constant 128 : index
    %swap3A_355 = tpu.vector_load %arg6[%swap3A_354] {strides = array<i32>} : memref<256xi32, #tpu.memory_space<vmem>>, vector<16xi32>,
    tpu.vector_store %arg6[%swap3A_354], %broadcast_in_dim3A_199 {strides = array<i32>} : memref<256xi32, #tpu.memory_space<vmem>>, vector<16xi32>,
    %swap3A_356 = arith.constant 144 : index
    %swap3A_357 = tpu.vector_load %arg6[%swap3A_356] {strides = array<i32>} : memref<256xi32, #tpu.memory_space<vmem>>, vector<16xi32>,
    tpu.vector_store %arg6[%swap3A_356], %broadcast_in_dim3A_199 {strides = array<i32>} : memref<256xi32, #tpu.memory_space<vmem>>, vector<16xi32>,
    %swap3A_358 = arith.constant 160 : index
    %swap3A_359 = tpu.vector_load %arg6[%swap3A_358] {strides = array<i32>} : memref<256xi32, #tpu.memory_space<vmem>>, vector<16xi32>,
    tpu.vector_store %arg6[%swap3A_358], %broadcast_in_dim3A_199 {strides = array<i32>} : memref<256xi32, #tpu.memory_space<vmem>>, vector<16xi32>,
    %swap3A_360 = arith.constant 176 : index
    %swap3A_361 = tpu.vector_load %arg6[%swap3A_360] {strides = array<i32>} : memref<256xi32, #tpu.memory_space<vmem>>, vector<16xi32>,
    tpu.vector_store %arg6[%swap3A_360], %broadcast_in_dim3A_199 {strides = array<i32>} : memref<256xi32, #tpu.memory_space<vmem>>, vector<16xi32>,
    %swap3A_362 = arith.constant 192 : index
    %swap3A_363 = tpu.vector_load %arg6[%swap3A_362] {strides = array<i32>} : memref<256xi32, #tpu.memory_space<vmem>>, vector<16xi32>,
    tpu.vector_store %arg6[%swap3A_362], %broadcast_in_dim3A_199 {strides = array<i32>} : memref<256xi32, #tpu.memory_space<vmem>>, vector<16xi32>,
    %swap3A_364 = arith.constant 208 : index
    %swap3A_365 = tpu.vector_load %arg6[%swap3A_364] {strides = array<i32>} : memref<256xi32, #tpu.memory_space<vmem>>, vector<16xi32>,
    tpu.vector_store %arg6[%swap3A_364], %broadcast_in_dim3A_199 {strides = array<i32>} : memref<256xi32, #tpu.memory_space<vmem>>, vector<16xi32>,
    %swap3A_366 = arith.constant 224 : index
    %swap3A_367 = tpu.vector_load %arg6[%swap3A_366] {strides = array<i32>} : memref<256xi32, #tpu.memory_space<vmem>>, vector<16xi32>,
    tpu.vector_store %arg6[%swap3A_366], %broadcast_in_dim3A_199 {strides = array<i32>} : memref<256xi32, #tpu.memory_space<vmem>>, vector<16xi32>,
    %swap3A_368 = arith.constant 240 : index
    %swap3A_369 = tpu.vector_load %arg6[%swap3A_368] {strides = array<i32>} : memref<256xi32, #tpu.memory_space<vmem>>, vector<16xi32>,
    tpu.vector_store %arg6[%swap3A_368], %broadcast_in_dim3A_199 {strides = array<i32>} : memref<256xi32, #tpu.memory_space<vmem>>, vector<16xi32>,
    %parallel_loop3A_370 = arith.constant 0 : i32
    %parallel_loop3A_371 = arith.constant 64 : i32
    %parallel_loop3A_372 = arith.constant 1 : i32
    scf.for %parallel_loop3A_398 = %parallel_loop3A_370 to %parallel_loop3A_371 step %parallel_loop3A_372  : i32 {
      %parallel_loop3A_399 = arith.constant 16 : i32
      %parallel_loop3A_400 = arith.muli %parallel_loop3A_399, %parallel_loop3A_398 : i32
      %parallel_loop3A_401 = arith.index_cast %parallel_loop3A_400 : i32 to index
      %parallel_loop3A_402 = tpu.vector_load %arg11[%parallel_loop3A_401] {strides = array<i32>} : memref<1024xf32, #tpu.memory_space<vmem>>, vector<16xf32>,
      %parallel_loop3A_403 = tpu.bitcast %parallel_loop3A_402 : vector<16xf32> -> vector<16xi32>
      %parallel_loop3A_404 = arith.constant 8 : i32
      %parallel_loop3A_405 = vector.broadcast %parallel_loop3A_404 : i32 to vector<16xi32>
      %parallel_loop3A_406 = arith.shrsi %parallel_loop3A_403, %parallel_loop3A_405 : vector<16xi32>
      %parallel_loop3A_407 = vector.broadcast %or3A_337 : i32 to vector<16xi32>
      %parallel_loop3A_408 = arith.cmpi eq, %parallel_loop3A_406, %parallel_loop3A_407 : vector<16xi32>
      %parallel_loop3A_409 = arith.constant 0 : i32
      %parallel_loop3A_410 = vector.broadcast %parallel_loop3A_409 : i32 to vector<16xi32>
      %parallel_loop3A_411 = arith.shrsi %parallel_loop3A_403, %parallel_loop3A_410 : vector<16xi32>
      %parallel_loop3A_412 = arith.constant 255 : i32
      %parallel_loop3A_413 = vector.broadcast %parallel_loop3A_412 : i32 to vector<16xi32>
      %parallel_loop3A_414 = arith.andi %parallel_loop3A_411, %parallel_loop3A_413 : vector<16xi32>
      tpu.vector_store_idx %arg6[%parallel_loop3A_414], %broadcast_in_dim3A_201 masked %parallel_loop3A_408 {add = true} : memref<256xi32, #tpu.memory_space<vmem>>[vector<16xi32>], vector<16xi32>, vector<16xi1>
    } {sc.loop_unroll_factor = 4 : i64, sc.parallel_access}
    %parallel_loop3A_373 = arith.constant 0 : i32
    %parallel_loop3A_374 = arith.constant 16 : i32
    %parallel_loop3A_375 = arith.constant 1 : i32
    %parallel_loop3A_376 = arith.constant 0 : i32
    %parallel_loop3A_377:3 = scf.for %parallel_loop3A_398 = %parallel_loop3A_373 to %parallel_loop3A_374 step %parallel_loop3A_375 iter_args(%parallel_loop3A_399 = %parallel_loop3A_376, %parallel_loop3A_400 = %broadcast_in_dim3A_199, %parallel_loop3A_401 = %broadcast_in_dim3A_199) -> (i32, vector<16xi32>, vector<16xi32>)  : i32 {
      %parallel_loop3A_402 = arith.constant 15 : i32
      %parallel_loop3A_403 = arith.subi %parallel_loop3A_402, %parallel_loop3A_398 : i32
      %parallel_loop3A_404 = arith.constant 16 : i32
      %parallel_loop3A_405 = arith.muli %parallel_loop3A_404, %parallel_loop3A_403 : i32
      %parallel_loop3A_406 = arith.index_cast %parallel_loop3A_405 : i32 to index
      %parallel_loop3A_407 = tpu.vector_load %arg6[%parallel_loop3A_406] {strides = array<i32>} : memref<256xi32, #tpu.memory_space<vmem>>, vector<16xi32>,
      %parallel_loop3A_408 = arith.constant true
      %parallel_loop3A_409 = vector.broadcast %parallel_loop3A_408 : i1 to vector<16xi1>
      %parallel_loop3A_410 = tpu.scan <sum>, %parallel_loop3A_407 masked %parallel_loop3A_409 : vector<16xi32>, vector<16xi1> -> vector<16xi32>
      %parallel_loop3A_411 = vector.extract_strided_slice %parallel_loop3A_410 {offsets = [15], sizes = [1], strides = [1]} : vector<16xi32> to vector<1xi32>
      %parallel_loop3A_412 = vector.extract %parallel_loop3A_411[0] : i32 from vector<1xi32>
      %parallel_loop3A_413 = arith.addi %parallel_loop3A_399, %parallel_loop3A_412 : i32
      %parallel_loop3A_414 = vector.broadcast %parallel_loop3A_413 : i32 to vector<16xi32>
      %parallel_loop3A_415 = arith.subi %parallel_loop3A_414, %parallel_loop3A_410 : vector<16xi32>
      %parallel_loop3A_416 = vector.broadcast %sub3A_334 : i32 to vector<16xi32>
      %parallel_loop3A_417 = arith.cmpi slt, %parallel_loop3A_415, %parallel_loop3A_416 : vector<16xi32>
      %parallel_loop3A_418 = arith.addi %parallel_loop3A_415, %parallel_loop3A_407 : vector<16xi32>
      %parallel_loop3A_419 = vector.broadcast %sub3A_334 : i32 to vector<16xi32>
      %parallel_loop3A_420 = arith.cmpi sge, %parallel_loop3A_418, %parallel_loop3A_419 : vector<16xi32>
      %parallel_loop3A_421 = arith.andi %parallel_loop3A_417, %parallel_loop3A_420 : vector<16xi1>
      %parallel_loop3A_422 = arith.extui %parallel_loop3A_421 : vector<16xi1> to vector<16xi32>
      %parallel_loop3A_423 = arith.constant 16 : i32
      %parallel_loop3A_424 = arith.muli %parallel_loop3A_403, %parallel_loop3A_423 : i32
      %parallel_loop3A_425 = vector.broadcast %parallel_loop3A_424 : i32 to vector<16xi32>
      %parallel_loop3A_426 = arith.addi %parallel_loop3A_425, %iota3A_202 : vector<16xi32>
      %parallel_loop3A_427 = arith.muli %parallel_loop3A_426, %parallel_loop3A_422 : vector<16xi32>
      %parallel_loop3A_428 = arith.addi %parallel_loop3A_400, %parallel_loop3A_427 : vector<16xi32>
      %parallel_loop3A_429 = arith.muli %parallel_loop3A_415, %parallel_loop3A_422 : vector<16xi32>
      %parallel_loop3A_430 = arith.addi %parallel_loop3A_401, %parallel_loop3A_429 : vector<16xi32>
      %parallel_loop3A_431 = arith.addi %parallel_loop3A_399, %parallel_loop3A_412 : i32
      scf.yield %parallel_loop3A_431, %parallel_loop3A_428, %parallel_loop3A_430 : i32, vector<16xi32>, vector<16xi32>
    } {sc.loop_unroll_factor = 4 : i64, sc.parallel_access}
    %reduce_sum3A_378 = arith.constant true
    %reduce_sum3A_379 = vector.broadcast %reduce_sum3A_378 : i1 to vector<16xi1>
    %reduce_sum3A_380 = tpu.scan <sum>, %parallel_loop3A_377#1 masked %reduce_sum3A_379 : vector<16xi32>, vector<16xi1> -> vector<16xi32>
    %reduce_sum3A_381 = vector.extract %reduce_sum3A_380[15] : i32 from vector<16xi32>
    %reduce_sum3A_382 = arith.constant true
    %reduce_sum3A_383 = vector.broadcast %reduce_sum3A_382 : i1 to vector<16xi1>
    %reduce_sum3A_384 = tpu.scan <sum>, %parallel_loop3A_377#2 masked %reduce_sum3A_383 : vector<16xi32>, vector<16xi1> -> vector<16xi32>
    %reduce_sum3A_385 = vector.extract %reduce_sum3A_384[15] : i32 from vector<16xi32>
    %sub3A_386 = arith.subi %sub3A_334, %reduce_sum3A_385 : i32
    %shift_left3A_387 = arith.constant 8 : i32
    %shift_left3A_388 = arith.shli %or3A_337, %shift_left3A_387 : i32
    %or3A_389 = arith.ori %shift_left3A_388, %reduce_sum3A_381 : i32
    %parallel_loop3A_390 = arith.constant 0 : i32
    %parallel_loop3A_391 = arith.constant 64 : i32
    %parallel_loop3A_392 = arith.constant 1 : i32
    %parallel_loop3A_393 = arith.constant 0 : i32
    %parallel_loop3A_394 = arith.constant 0 : i32
    %parallel_loop3A_395:2 = scf.for %parallel_loop3A_398 = %parallel_loop3A_390 to %parallel_loop3A_391 step %parallel_loop3A_392 iter_args(%parallel_loop3A_399 = %parallel_loop3A_393, %parallel_loop3A_400 = %parallel_loop3A_394) -> (i32, i32)  : i32 {
      %parallel_loop3A_401 = arith.constant 16 : i32
      %parallel_loop3A_402 = arith.muli %parallel_loop3A_401, %parallel_loop3A_398 : i32
      %parallel_loop3A_403 = arith.index_cast %parallel_loop3A_402 : i32 to index
      %parallel_loop3A_404 = tpu.vector_load %arg11[%parallel_loop3A_403] {strides = array<i32>} : memref<1024xf32, #tpu.memory_space<vmem>>, vector<16xf32>,
      %parallel_loop3A_405 = tpu.bitcast %parallel_loop3A_404 : vector<16xf32> -> vector<16xi32>
      %parallel_loop3A_406 = vector.broadcast %or3A_389 : i32 to vector<16xi32>
      %parallel_loop3A_407 = arith.cmpi sgt, %parallel_loop3A_405, %parallel_loop3A_406 : vector<16xi32>
      %parallel_loop3A_408 = vector.broadcast %or3A_389 : i32 to vector<16xi32>
      %parallel_loop3A_409 = arith.cmpi eq, %parallel_loop3A_405, %parallel_loop3A_408 : vector<16xi32>
      %parallel_loop3A_410 = arith.extui %parallel_loop3A_409 : vector<16xi1> to vector<16xi32>
      %parallel_loop3A_411 = arith.constant true
      %parallel_loop3A_412 = vector.broadcast %parallel_loop3A_411 : i1 to vector<16xi1>
      %parallel_loop3A_413 = tpu.scan <sum>, %parallel_loop3A_410 masked %parallel_loop3A_412 : vector<16xi32>, vector<16xi1> -> vector<16xi32>
      %parallel_loop3A_414 = arith.subi %parallel_loop3A_413, %parallel_loop3A_410 : vector<16xi32>
      %parallel_loop3A_415 = vector.broadcast %parallel_loop3A_399 : i32 to vector<16xi32>
      %parallel_loop3A_416 = arith.addi %parallel_loop3A_415, %parallel_loop3A_414 : vector<16xi32>
      %parallel_loop3A_417 = vector.broadcast %sub3A_386 : i32 to vector<16xi32>
      %parallel_loop3A_418 = arith.cmpi slt, %parallel_loop3A_416, %parallel_loop3A_417 : vector<16xi32>
      %parallel_loop3A_419 = arith.andi %parallel_loop3A_409, %parallel_loop3A_418 : vector<16xi1>
      %parallel_loop3A_420 = arith.ori %parallel_loop3A_407, %parallel_loop3A_419 : vector<16xi1>
      %parallel_loop3A_421 = arith.extui %parallel_loop3A_420 : vector<16xi1> to vector<16xi32>
      %parallel_loop3A_422 = arith.constant true
      %parallel_loop3A_423 = vector.broadcast %parallel_loop3A_422 : i1 to vector<16xi1>
      %parallel_loop3A_424 = tpu.scan <sum>, %parallel_loop3A_421 masked %parallel_loop3A_423 : vector<16xi32>, vector<16xi1> -> vector<16xi32>
      %parallel_loop3A_425 = arith.subi %parallel_loop3A_424, %parallel_loop3A_421 : vector<16xi32>
      %parallel_loop3A_426 = vector.broadcast %parallel_loop3A_400 : i32 to vector<16xi32>
      %parallel_loop3A_427 = arith.addi %parallel_loop3A_426, %parallel_loop3A_425 : vector<16xi32>
      tpu.vector_store_idx %arg13[%parallel_loop3A_427], %parallel_loop3A_404 masked %parallel_loop3A_420 : memref<64xf32, #tpu.memory_space<vmem>>[vector<16xi32>], vector<16xf32>, vector<16xi1>
      %parallel_loop3A_428 = arith.constant 16 : i32
      %parallel_loop3A_429 = arith.muli %parallel_loop3A_428, %parallel_loop3A_398 : i32
      %parallel_loop3A_430 = arith.index_cast %parallel_loop3A_429 : i32 to index
      %parallel_loop3A_431 = tpu.vector_load %arg12[%parallel_loop3A_430] {strides = array<i32>} : memref<1024xi32, #tpu.memory_space<vmem>>, vector<16xi32>,
      tpu.vector_store_idx %arg14[%parallel_loop3A_427], %parallel_loop3A_431 masked %parallel_loop3A_420 : memref<64xi32, #tpu.memory_space<vmem>>[vector<16xi32>], vector<16xi32>, vector<16xi1>
      %parallel_loop3A_432 = vector.extract_strided_slice %parallel_loop3A_413 {offsets = [15], sizes = [1], strides = [1]} : vector<16xi32> to vector<1xi32>
      %parallel_loop3A_433 = vector.extract %parallel_loop3A_432[0] : i32 from vector<1xi32>
      %parallel_loop3A_434 = arith.addi %parallel_loop3A_399, %parallel_loop3A_433 : i32
      %parallel_loop3A_435 = vector.extract_strided_slice %parallel_loop3A_424 {offsets = [15], sizes = [1], strides = [1]} : vector<16xi32> to vector<1xi32>
      %parallel_loop3A_436 = vector.extract %parallel_loop3A_435[0] : i32 from vector<1xi32>
      %parallel_loop3A_437 = arith.addi %parallel_loop3A_400, %parallel_loop3A_436 : i32
      scf.yield %parallel_loop3A_434, %parallel_loop3A_437 : i32, i32
    } {sc.loop_unroll_factor = 4 : i64, sc.parallel_access}
    %eq3A = arith.constant 0 : i32
    %eq3A_396 = arith.cmpi eq, %arg1, %eq3A : i32
    %convert_element_type3A = arith.extui %eq3A_396 : i1 to i32
    %cond3A = arith.constant 0 : i32
    %cond3A_397 = arith.cmpi ne, %convert_element_type3A, %cond3A : i32
    scf.if %cond3A_397 {
      "tpu.region"() ({
        %run_scoped3A = tpu.sem_alloc : memref<!tpu.dma_semaphore, #tpu.memory_space<semaphore_mem>>
        tpu.enqueue_dma source(%arg13 : memref<64xf32, #tpu.memory_space<vmem>>) target(%arg3 : memref<64xf32, #tpu.memory_space<hbm>>) target_semaphore(%run_scoped3A : memref<!tpu.dma_semaphore, #tpu.memory_space<semaphore_mem>>)
        tpu.wait_dma2 semaphore(%run_scoped3A : memref<!tpu.dma_semaphore, #tpu.memory_space<semaphore_mem>>) src(%arg13 : memref<64xf32, #tpu.memory_space<vmem>>) dst(%arg3 : memref<64xf32, #tpu.memory_space<hbm>>)
        tpu.yield
      }) : () -> ()
      "tpu.region"() ({
        %run_scoped3A = tpu.sem_alloc : memref<!tpu.dma_semaphore, #tpu.memory_space<semaphore_mem>>
        tpu.enqueue_dma source(%arg14 : memref<64xi32, #tpu.memory_space<vmem>>) target(%arg4 : memref<64xi32, #tpu.memory_space<hbm>>) target_semaphore(%run_scoped3A : memref<!tpu.dma_semaphore, #tpu.memory_space<semaphore_mem>>)
        tpu.wait_dma2 semaphore(%run_scoped3A : memref<!tpu.dma_semaphore, #tpu.memory_space<semaphore_mem>>) src(%arg14 : memref<64xi32, #tpu.memory_space<vmem>>) dst(%arg4 : memref<64xi32, #tpu.memory_space<hbm>>)
        tpu.yield
      }) : () -> ()
    } else {
    }
    return
  }
}

module attributes {stable_mosaic.version = 14 : i64} {
  func.func @_gather_kernel(%arg0: i32, %arg1: memref<64xi32, #tpu.memory_space<smem>>, %arg2: memref<1x64xf32, #tpu.memory_space<vmem>>, %arg3: memref<128x128xf32, #tpu.memory_space<vmem>>, %arg4: memref<128x128xf32, #tpu.memory_space<vmem>>, %arg5: memref<128x128xf32, #tpu.memory_space<vmem>>, %arg6: memref<128x128xf32, #tpu.memory_space<vmem>>, %arg7: memref<128x128xf32, #tpu.memory_space<vmem>>, %arg8: memref<128x128xf32, #tpu.memory_space<vmem>>, %arg9: memref<128x128xf32, #tpu.memory_space<vmem>>, %arg10: memref<128x128xf32, #tpu.memory_space<vmem>>, %arg11: memref<128x128xf32, #tpu.memory_space<vmem>>, %arg12: memref<128x128xf32, #tpu.memory_space<vmem>>, %arg13: memref<128x128xf32, #tpu.memory_space<vmem>>, %arg14: memref<128x128xf32, #tpu.memory_space<vmem>>, %arg15: memref<128x128xf32, #tpu.memory_space<vmem>>, %arg16: memref<128x128xf32, #tpu.memory_space<vmem>>, %arg17: memref<128x128xf32, #tpu.memory_space<vmem>>, %arg18: memref<128x128xf32, #tpu.memory_space<vmem>>, %arg19: memref<128x128xf32, #tpu.memory_space<vmem>>, %arg20: memref<128x128xf32, #tpu.memory_space<vmem>>, %arg21: memref<128x128xf32, #tpu.memory_space<vmem>>, %arg22: memref<128x128xf32, #tpu.memory_space<vmem>>, %arg23: memref<128x128xf32, #tpu.memory_space<vmem>>, %arg24: memref<128x128xf32, #tpu.memory_space<vmem>>, %arg25: memref<128x128xf32, #tpu.memory_space<vmem>>, %arg26: memref<128x128xf32, #tpu.memory_space<vmem>>, %arg27: memref<128x128xf32, #tpu.memory_space<vmem>>, %arg28: memref<128x128xf32, #tpu.memory_space<vmem>>, %arg29: memref<128x128xf32, #tpu.memory_space<vmem>>, %arg30: memref<128x128xf32, #tpu.memory_space<vmem>>, %arg31: memref<128x128xf32, #tpu.memory_space<vmem>>, %arg32: memref<128x128xf32, #tpu.memory_space<vmem>>, %arg33: memref<128x128xf32, #tpu.memory_space<vmem>>, %arg34: memref<128x128xf32, #tpu.memory_space<vmem>>, %arg35: memref<1x1xf32, #tpu.memory_space<vmem>>, %arg36: memref<128x128xf32, #tpu.memory_space<vmem>>) attributes {dimension_semantics = [#tpu.dimension_semantics<arbitrary>], iteration_bounds = array<i64: 2>, scalar_prefetch = 1 : i64, scratch_operands = 1 : i64, tpu.core_type = #tpu.core_type<tc>, window_params = [{pipeline_mode = #tpu.pipeline_mode<synchronous>, transform_indices = @transform_0, window_bounds = array<i64: 1, 64>}, {transform_indices = @transform_1, window_bounds = array<i64: 128, 128>}, {transform_indices = @transform_2, window_bounds = array<i64: 128, 128>}, {transform_indices = @transform_3, window_bounds = array<i64: 128, 128>}, {transform_indices = @transform_4, window_bounds = array<i64: 128, 128>}, {transform_indices = @transform_5, window_bounds = array<i64: 128, 128>}, {transform_indices = @transform_6, window_bounds = array<i64: 128, 128>}, {transform_indices = @transform_7, window_bounds = array<i64: 128, 128>}, {transform_indices = @transform_8, window_bounds = array<i64: 128, 128>}, {transform_indices = @transform_9, window_bounds = array<i64: 128, 128>}, {transform_indices = @transform_10, window_bounds = array<i64: 128, 128>}, {transform_indices = @transform_11, window_bounds = array<i64: 128, 128>}, {transform_indices = @transform_12, window_bounds = array<i64: 128, 128>}, {transform_indices = @transform_13, window_bounds = array<i64: 128, 128>}, {transform_indices = @transform_14, window_bounds = array<i64: 128, 128>}, {transform_indices = @transform_15, window_bounds = array<i64: 128, 128>}, {transform_indices = @transform_16, window_bounds = array<i64: 128, 128>}, {transform_indices = @transform_17, window_bounds = array<i64: 128, 128>}, {transform_indices = @transform_18, window_bounds = array<i64: 128, 128>}, {transform_indices = @transform_19, window_bounds = array<i64: 128, 128>}, {transform_indices = @transform_20, window_bounds = array<i64: 128, 128>}, {transform_indices = @transform_21, window_bounds = array<i64: 128, 128>}, {transform_indices = @transform_22, window_bounds = array<i64: 128, 128>}, {transform_indices = @transform_23, window_bounds = array<i64: 128, 128>}, {transform_indices = @transform_24, window_bounds = array<i64: 128, 128>}, {transform_indices = @transform_25, window_bounds = array<i64: 128, 128>}, {transform_indices = @transform_26, window_bounds = array<i64: 128, 128>}, {transform_indices = @transform_27, window_bounds = array<i64: 128, 128>}, {transform_indices = @transform_28, window_bounds = array<i64: 128, 128>}, {transform_indices = @transform_29, window_bounds = array<i64: 128, 128>}, {transform_indices = @transform_30, window_bounds = array<i64: 128, 128>}, {transform_indices = @transform_31, window_bounds = array<i64: 128, 128>}, {transform_indices = @transform_32, window_bounds = array<i64: 128, 128>}, {pipeline_mode = #tpu.pipeline_mode<synchronous>, transform_indices = @transform_33, window_bounds = array<i64: 1, 1>}]} {
    %eq3A = arith.constant 0 : i32
    %eq3A_0 = arith.cmpi eq, %arg0, %eq3A : i32
    %convert_element_type3A = arith.extui %eq3A_0 : i1 to i32
    %cond3A = arith.constant 0 : i32
    %cond3A_1 = arith.cmpi ne, %convert_element_type3A, %cond3A : i32
    scf.if %cond3A_1 {
      %broadcast_in_dim3A_1509 = arith.constant 0.000000e+00 : f32
      %broadcast_in_dim3A_1510 = vector.broadcast %broadcast_in_dim3A_1509 : f32 to vector<128x128xf32>
      %swap3A_1511 = arith.constant 0 : index
      %swap3A_1512 = arith.constant 0 : index
      %swap3A_1513 = vector.load %arg36[%swap3A_1511, %swap3A_1512] : memref<128x128xf32, #tpu.memory_space<vmem>>, vector<128x128xf32>
      tpu.vector_store %arg36[%swap3A_1511, %swap3A_1512], %broadcast_in_dim3A_1510 {strides = array<i32>} : memref<128x128xf32, #tpu.memory_space<vmem>>, vector<128x128xf32>,
    } else {
    }
    %iota3A = tpu.iota {dimensions = array<i32: 1>} : vector<128x128xi32>
    %iota3A_2 = tpu.iota {dimensions = array<i32: 1>} : vector<1x64xi32>
    %get3A = arith.constant 0 : index
    %get3A_3 = arith.constant 0 : index
    %get3A_4 = vector.load %arg36[%get3A, %get3A_3] : memref<128x128xf32, #tpu.memory_space<vmem>>, vector<128x128xf32>
    %get3A_5 = arith.constant 0 : index
    %get3A_6 = arith.constant 0 : index
    %get3A_7 = vector.load %arg2[%get3A_5, %get3A_6] : memref<1x64xf32, #tpu.memory_space<vmem>>, vector<1x64xf32>
    %mul3A = arith.constant 32 : i32
    %mul3A_8 = arith.muli %arg0, %mul3A : i32
    %add3A = arith.constant 0 : i32
    %add3A_9 = arith.addi %mul3A_8, %add3A : i32
    %get3A_10 = arith.index_cast %add3A_9 : i32 to index
    %get3A_11 = memref.load %arg1[%get3A_10] : memref<64xi32, #tpu.memory_space<smem>>
    %jit3A = arith.constant 128 : i32
    %eq3A_12 = arith.constant 0 : i32
    %eq3A_13 = arith.cmpi eq, %jit3A, %eq3A_12 : i32
    %jit3A_14 = arith.constant 1 : i32
    %select_n3A = arith.select %eq3A_13, %jit3A_14, %jit3A : i32
    %rem3A = arith.remsi %get3A_11, %select_n3A : i32
    %ne3A = arith.constant 0 : i32
    %ne3A_15 = arith.cmpi ne, %rem3A, %ne3A : i32
    %lt3A = arith.constant 0 : i32
    %lt3A_16 = arith.cmpi slt, %rem3A, %lt3A : i32
    %lt3A_17 = arith.constant 0 : i32
    %lt3A_18 = arith.cmpi slt, %select_n3A, %lt3A_17 : i32
    %ne3A_19 = arith.xori %lt3A_16, %lt3A_18 : i1
    %and3A = arith.andi %ne3A_19, %ne3A_15 : i1
    %add3A_20 = arith.addi %rem3A, %select_n3A : i32
    %select_n3A_21 = arith.select %and3A, %add3A_20, %rem3A : i32
    %mul3A_22 = arith.constant 32 : i32
    %mul3A_23 = arith.muli %arg0, %mul3A_22 : i32
    %add3A_24 = arith.constant 0 : i32
    %add3A_25 = arith.addi %mul3A_23, %add3A_24 : i32
    %eq3A_26 = vector.broadcast %add3A_25 : i32 to vector<1x64xi32>
    %eq3A_27 = arith.cmpi eq, %iota3A_2, %eq3A_26 : vector<1x64xi32>
    %jit3A_28 = arith.constant 0.000000e+00 : f32
    %broadcast_in_dim3A = vector.broadcast %jit3A_28 : f32 to vector<1x64xf32>
    %select_n3A_29 = arith.select %eq3A_27, %get3A_7, %broadcast_in_dim3A : vector<1x64xi1>, vector<1x64xf32>
    %reduce_sum3A = vector.shape_cast %select_n3A_29 : vector<1x64xf32> to vector<1x1x64xf32>
    %reduce_sum3A_30 = arith.constant dense<0.000000e+00> : vector<1xf32>
    %reduce_sum3A_31 = vector.multi_reduction <add>, %reduce_sum3A, %reduce_sum3A_30 [1, 2] : vector<1x1x64xf32> to vector<1xf32>
    %reduce_sum3A_32 = vector.shape_cast %reduce_sum3A_31 : vector<1xf32> to vector<1x1x1xf32>
    %reduce_sum3A_33 = vector.extract %reduce_sum3A_32[0, 0, 0] : f32 from vector<1x1x1xf32>
    %eq3A_34 = vector.broadcast %select_n3A_21 : i32 to vector<128x128xi32>
    %eq3A_35 = arith.cmpi eq, %iota3A, %eq3A_34 : vector<128x128xi32>
    %get3A_36 = arith.constant 0 : index
    %get3A_37 = arith.constant 0 : index
    %get3A_38 = vector.load %arg3[%get3A_36, %get3A_37] : memref<128x128xf32, #tpu.memory_space<vmem>>, vector<128x128xf32>
    %jit3A_39 = arith.constant 0.000000e+00 : f32
    %broadcast_in_dim3A_40 = vector.broadcast %jit3A_39 : f32 to vector<128x128xf32>
    %select_n3A_41 = arith.select %eq3A_35, %get3A_38, %broadcast_in_dim3A_40 : vector<128x128xi1>, vector<128x128xf32>
    %mul3A_42 = vector.broadcast %reduce_sum3A_33 : f32 to vector<128x128xf32>
    %mul3A_43 = arith.mulf %select_n3A_41, %mul3A_42 : vector<128x128xf32>
    %add3A_44 = arith.addf %get3A_4, %mul3A_43 : vector<128x128xf32>
    %mul3A_45 = arith.constant 32 : i32
    %mul3A_46 = arith.muli %arg0, %mul3A_45 : i32
    %add3A_47 = arith.constant 1 : i32
    %add3A_48 = arith.addi %mul3A_46, %add3A_47 : i32
    %get3A_49 = arith.index_cast %add3A_48 : i32 to index
    %get3A_50 = memref.load %arg1[%get3A_49] : memref<64xi32, #tpu.memory_space<smem>>
    %jit3A_51 = arith.constant 128 : i32
    %eq3A_52 = arith.constant 0 : i32
    %eq3A_53 = arith.cmpi eq, %jit3A_51, %eq3A_52 : i32
    %jit3A_54 = arith.constant 1 : i32
    %select_n3A_55 = arith.select %eq3A_53, %jit3A_54, %jit3A_51 : i32
    %rem3A_56 = arith.remsi %get3A_50, %select_n3A_55 : i32
    %ne3A_57 = arith.constant 0 : i32
    %ne3A_58 = arith.cmpi ne, %rem3A_56, %ne3A_57 : i32
    %lt3A_59 = arith.constant 0 : i32
    %lt3A_60 = arith.cmpi slt, %rem3A_56, %lt3A_59 : i32
    %lt3A_61 = arith.constant 0 : i32
    %lt3A_62 = arith.cmpi slt, %select_n3A_55, %lt3A_61 : i32
    %ne3A_63 = arith.xori %lt3A_60, %lt3A_62 : i1
    %and3A_64 = arith.andi %ne3A_63, %ne3A_58 : i1
    %add3A_65 = arith.addi %rem3A_56, %select_n3A_55 : i32
    %select_n3A_66 = arith.select %and3A_64, %add3A_65, %rem3A_56 : i32
    %mul3A_67 = arith.constant 32 : i32
    %mul3A_68 = arith.muli %arg0, %mul3A_67 : i32
    %add3A_69 = arith.constant 1 : i32
    %add3A_70 = arith.addi %mul3A_68, %add3A_69 : i32
    %eq3A_71 = vector.broadcast %add3A_70 : i32 to vector<1x64xi32>
    %eq3A_72 = arith.cmpi eq, %iota3A_2, %eq3A_71 : vector<1x64xi32>
    %jit3A_73 = arith.constant 0.000000e+00 : f32
    %broadcast_in_dim3A_74 = vector.broadcast %jit3A_73 : f32 to vector<1x64xf32>
    %select_n3A_75 = arith.select %eq3A_72, %get3A_7, %broadcast_in_dim3A_74 : vector<1x64xi1>, vector<1x64xf32>
    %reduce_sum3A_76 = vector.shape_cast %select_n3A_75 : vector<1x64xf32> to vector<1x1x64xf32>
    %reduce_sum3A_77 = arith.constant dense<0.000000e+00> : vector<1xf32>
    %reduce_sum3A_78 = vector.multi_reduction <add>, %reduce_sum3A_76, %reduce_sum3A_77 [1, 2] : vector<1x1x64xf32> to vector<1xf32>
    %reduce_sum3A_79 = vector.shape_cast %reduce_sum3A_78 : vector<1xf32> to vector<1x1x1xf32>
    %reduce_sum3A_80 = vector.extract %reduce_sum3A_79[0, 0, 0] : f32 from vector<1x1x1xf32>
    %eq3A_81 = vector.broadcast %select_n3A_66 : i32 to vector<128x128xi32>
    %eq3A_82 = arith.cmpi eq, %iota3A, %eq3A_81 : vector<128x128xi32>
    %get3A_83 = arith.constant 0 : index
    %get3A_84 = arith.constant 0 : index
    %get3A_85 = vector.load %arg4[%get3A_83, %get3A_84] : memref<128x128xf32, #tpu.memory_space<vmem>>, vector<128x128xf32>
    %jit3A_86 = arith.constant 0.000000e+00 : f32
    %broadcast_in_dim3A_87 = vector.broadcast %jit3A_86 : f32 to vector<128x128xf32>
    %select_n3A_88 = arith.select %eq3A_82, %get3A_85, %broadcast_in_dim3A_87 : vector<128x128xi1>, vector<128x128xf32>
    %mul3A_89 = vector.broadcast %reduce_sum3A_80 : f32 to vector<128x128xf32>
    %mul3A_90 = arith.mulf %select_n3A_88, %mul3A_89 : vector<128x128xf32>
    %add3A_91 = arith.addf %add3A_44, %mul3A_90 : vector<128x128xf32>
    %mul3A_92 = arith.constant 32 : i32
    %mul3A_93 = arith.muli %arg0, %mul3A_92 : i32
    %add3A_94 = arith.constant 2 : i32
    %add3A_95 = arith.addi %mul3A_93, %add3A_94 : i32
    %get3A_96 = arith.index_cast %add3A_95 : i32 to index
    %get3A_97 = memref.load %arg1[%get3A_96] : memref<64xi32, #tpu.memory_space<smem>>
    %jit3A_98 = arith.constant 128 : i32
    %eq3A_99 = arith.constant 0 : i32
    %eq3A_100 = arith.cmpi eq, %jit3A_98, %eq3A_99 : i32
    %jit3A_101 = arith.constant 1 : i32
    %select_n3A_102 = arith.select %eq3A_100, %jit3A_101, %jit3A_98 : i32
    %rem3A_103 = arith.remsi %get3A_97, %select_n3A_102 : i32
    %ne3A_104 = arith.constant 0 : i32
    %ne3A_105 = arith.cmpi ne, %rem3A_103, %ne3A_104 : i32
    %lt3A_106 = arith.constant 0 : i32
    %lt3A_107 = arith.cmpi slt, %rem3A_103, %lt3A_106 : i32
    %lt3A_108 = arith.constant 0 : i32
    %lt3A_109 = arith.cmpi slt, %select_n3A_102, %lt3A_108 : i32
    %ne3A_110 = arith.xori %lt3A_107, %lt3A_109 : i1
    %and3A_111 = arith.andi %ne3A_110, %ne3A_105 : i1
    %add3A_112 = arith.addi %rem3A_103, %select_n3A_102 : i32
    %select_n3A_113 = arith.select %and3A_111, %add3A_112, %rem3A_103 : i32
    %mul3A_114 = arith.constant 32 : i32
    %mul3A_115 = arith.muli %arg0, %mul3A_114 : i32
    %add3A_116 = arith.constant 2 : i32
    %add3A_117 = arith.addi %mul3A_115, %add3A_116 : i32
    %eq3A_118 = vector.broadcast %add3A_117 : i32 to vector<1x64xi32>
    %eq3A_119 = arith.cmpi eq, %iota3A_2, %eq3A_118 : vector<1x64xi32>
    %jit3A_120 = arith.constant 0.000000e+00 : f32
    %broadcast_in_dim3A_121 = vector.broadcast %jit3A_120 : f32 to vector<1x64xf32>
    %select_n3A_122 = arith.select %eq3A_119, %get3A_7, %broadcast_in_dim3A_121 : vector<1x64xi1>, vector<1x64xf32>
    %reduce_sum3A_123 = vector.shape_cast %select_n3A_122 : vector<1x64xf32> to vector<1x1x64xf32>
    %reduce_sum3A_124 = arith.constant dense<0.000000e+00> : vector<1xf32>
    %reduce_sum3A_125 = vector.multi_reduction <add>, %reduce_sum3A_123, %reduce_sum3A_124 [1, 2] : vector<1x1x64xf32> to vector<1xf32>
    %reduce_sum3A_126 = vector.shape_cast %reduce_sum3A_125 : vector<1xf32> to vector<1x1x1xf32>
    %reduce_sum3A_127 = vector.extract %reduce_sum3A_126[0, 0, 0] : f32 from vector<1x1x1xf32>
    %eq3A_128 = vector.broadcast %select_n3A_113 : i32 to vector<128x128xi32>
    %eq3A_129 = arith.cmpi eq, %iota3A, %eq3A_128 : vector<128x128xi32>
    %get3A_130 = arith.constant 0 : index
    %get3A_131 = arith.constant 0 : index
    %get3A_132 = vector.load %arg5[%get3A_130, %get3A_131] : memref<128x128xf32, #tpu.memory_space<vmem>>, vector<128x128xf32>
    %jit3A_133 = arith.constant 0.000000e+00 : f32
    %broadcast_in_dim3A_134 = vector.broadcast %jit3A_133 : f32 to vector<128x128xf32>
    %select_n3A_135 = arith.select %eq3A_129, %get3A_132, %broadcast_in_dim3A_134 : vector<128x128xi1>, vector<128x128xf32>
    %mul3A_136 = vector.broadcast %reduce_sum3A_127 : f32 to vector<128x128xf32>
    %mul3A_137 = arith.mulf %select_n3A_135, %mul3A_136 : vector<128x128xf32>
    %add3A_138 = arith.addf %add3A_91, %mul3A_137 : vector<128x128xf32>
    %mul3A_139 = arith.constant 32 : i32
    %mul3A_140 = arith.muli %arg0, %mul3A_139 : i32
    %add3A_141 = arith.constant 3 : i32
    %add3A_142 = arith.addi %mul3A_140, %add3A_141 : i32
    %get3A_143 = arith.index_cast %add3A_142 : i32 to index
    %get3A_144 = memref.load %arg1[%get3A_143] : memref<64xi32, #tpu.memory_space<smem>>
    %jit3A_145 = arith.constant 128 : i32
    %eq3A_146 = arith.constant 0 : i32
    %eq3A_147 = arith.cmpi eq, %jit3A_145, %eq3A_146 : i32
    %jit3A_148 = arith.constant 1 : i32
    %select_n3A_149 = arith.select %eq3A_147, %jit3A_148, %jit3A_145 : i32
    %rem3A_150 = arith.remsi %get3A_144, %select_n3A_149 : i32
    %ne3A_151 = arith.constant 0 : i32
    %ne3A_152 = arith.cmpi ne, %rem3A_150, %ne3A_151 : i32
    %lt3A_153 = arith.constant 0 : i32
    %lt3A_154 = arith.cmpi slt, %rem3A_150, %lt3A_153 : i32
    %lt3A_155 = arith.constant 0 : i32
    %lt3A_156 = arith.cmpi slt, %select_n3A_149, %lt3A_155 : i32
    %ne3A_157 = arith.xori %lt3A_154, %lt3A_156 : i1
    %and3A_158 = arith.andi %ne3A_157, %ne3A_152 : i1
    %add3A_159 = arith.addi %rem3A_150, %select_n3A_149 : i32
    %select_n3A_160 = arith.select %and3A_158, %add3A_159, %rem3A_150 : i32
    %mul3A_161 = arith.constant 32 : i32
    %mul3A_162 = arith.muli %arg0, %mul3A_161 : i32
    %add3A_163 = arith.constant 3 : i32
    %add3A_164 = arith.addi %mul3A_162, %add3A_163 : i32
    %eq3A_165 = vector.broadcast %add3A_164 : i32 to vector<1x64xi32>
    %eq3A_166 = arith.cmpi eq, %iota3A_2, %eq3A_165 : vector<1x64xi32>
    %jit3A_167 = arith.constant 0.000000e+00 : f32
    %broadcast_in_dim3A_168 = vector.broadcast %jit3A_167 : f32 to vector<1x64xf32>
    %select_n3A_169 = arith.select %eq3A_166, %get3A_7, %broadcast_in_dim3A_168 : vector<1x64xi1>, vector<1x64xf32>
    %reduce_sum3A_170 = vector.shape_cast %select_n3A_169 : vector<1x64xf32> to vector<1x1x64xf32>
    %reduce_sum3A_171 = arith.constant dense<0.000000e+00> : vector<1xf32>
    %reduce_sum3A_172 = vector.multi_reduction <add>, %reduce_sum3A_170, %reduce_sum3A_171 [1, 2] : vector<1x1x64xf32> to vector<1xf32>
    %reduce_sum3A_173 = vector.shape_cast %reduce_sum3A_172 : vector<1xf32> to vector<1x1x1xf32>
    %reduce_sum3A_174 = vector.extract %reduce_sum3A_173[0, 0, 0] : f32 from vector<1x1x1xf32>
    %eq3A_175 = vector.broadcast %select_n3A_160 : i32 to vector<128x128xi32>
    %eq3A_176 = arith.cmpi eq, %iota3A, %eq3A_175 : vector<128x128xi32>
    %get3A_177 = arith.constant 0 : index
    %get3A_178 = arith.constant 0 : index
    %get3A_179 = vector.load %arg6[%get3A_177, %get3A_178] : memref<128x128xf32, #tpu.memory_space<vmem>>, vector<128x128xf32>
    %jit3A_180 = arith.constant 0.000000e+00 : f32
    %broadcast_in_dim3A_181 = vector.broadcast %jit3A_180 : f32 to vector<128x128xf32>
    %select_n3A_182 = arith.select %eq3A_176, %get3A_179, %broadcast_in_dim3A_181 : vector<128x128xi1>, vector<128x128xf32>
    %mul3A_183 = vector.broadcast %reduce_sum3A_174 : f32 to vector<128x128xf32>
    %mul3A_184 = arith.mulf %select_n3A_182, %mul3A_183 : vector<128x128xf32>
    %add3A_185 = arith.addf %add3A_138, %mul3A_184 : vector<128x128xf32>
    %mul3A_186 = arith.constant 32 : i32
    %mul3A_187 = arith.muli %arg0, %mul3A_186 : i32
    %add3A_188 = arith.constant 4 : i32
    %add3A_189 = arith.addi %mul3A_187, %add3A_188 : i32
    %get3A_190 = arith.index_cast %add3A_189 : i32 to index
    %get3A_191 = memref.load %arg1[%get3A_190] : memref<64xi32, #tpu.memory_space<smem>>
    %jit3A_192 = arith.constant 128 : i32
    %eq3A_193 = arith.constant 0 : i32
    %eq3A_194 = arith.cmpi eq, %jit3A_192, %eq3A_193 : i32
    %jit3A_195 = arith.constant 1 : i32
    %select_n3A_196 = arith.select %eq3A_194, %jit3A_195, %jit3A_192 : i32
    %rem3A_197 = arith.remsi %get3A_191, %select_n3A_196 : i32
    %ne3A_198 = arith.constant 0 : i32
    %ne3A_199 = arith.cmpi ne, %rem3A_197, %ne3A_198 : i32
    %lt3A_200 = arith.constant 0 : i32
    %lt3A_201 = arith.cmpi slt, %rem3A_197, %lt3A_200 : i32
    %lt3A_202 = arith.constant 0 : i32
    %lt3A_203 = arith.cmpi slt, %select_n3A_196, %lt3A_202 : i32
    %ne3A_204 = arith.xori %lt3A_201, %lt3A_203 : i1
    %and3A_205 = arith.andi %ne3A_204, %ne3A_199 : i1
    %add3A_206 = arith.addi %rem3A_197, %select_n3A_196 : i32
    %select_n3A_207 = arith.select %and3A_205, %add3A_206, %rem3A_197 : i32
    %mul3A_208 = arith.constant 32 : i32
    %mul3A_209 = arith.muli %arg0, %mul3A_208 : i32
    %add3A_210 = arith.constant 4 : i32
    %add3A_211 = arith.addi %mul3A_209, %add3A_210 : i32
    %eq3A_212 = vector.broadcast %add3A_211 : i32 to vector<1x64xi32>
    %eq3A_213 = arith.cmpi eq, %iota3A_2, %eq3A_212 : vector<1x64xi32>
    %jit3A_214 = arith.constant 0.000000e+00 : f32
    %broadcast_in_dim3A_215 = vector.broadcast %jit3A_214 : f32 to vector<1x64xf32>
    %select_n3A_216 = arith.select %eq3A_213, %get3A_7, %broadcast_in_dim3A_215 : vector<1x64xi1>, vector<1x64xf32>
    %reduce_sum3A_217 = vector.shape_cast %select_n3A_216 : vector<1x64xf32> to vector<1x1x64xf32>
    %reduce_sum3A_218 = arith.constant dense<0.000000e+00> : vector<1xf32>
    %reduce_sum3A_219 = vector.multi_reduction <add>, %reduce_sum3A_217, %reduce_sum3A_218 [1, 2] : vector<1x1x64xf32> to vector<1xf32>
    %reduce_sum3A_220 = vector.shape_cast %reduce_sum3A_219 : vector<1xf32> to vector<1x1x1xf32>
    %reduce_sum3A_221 = vector.extract %reduce_sum3A_220[0, 0, 0] : f32 from vector<1x1x1xf32>
    %eq3A_222 = vector.broadcast %select_n3A_207 : i32 to vector<128x128xi32>
    %eq3A_223 = arith.cmpi eq, %iota3A, %eq3A_222 : vector<128x128xi32>
    %get3A_224 = arith.constant 0 : index
    %get3A_225 = arith.constant 0 : index
    %get3A_226 = vector.load %arg7[%get3A_224, %get3A_225] : memref<128x128xf32, #tpu.memory_space<vmem>>, vector<128x128xf32>
    %jit3A_227 = arith.constant 0.000000e+00 : f32
    %broadcast_in_dim3A_228 = vector.broadcast %jit3A_227 : f32 to vector<128x128xf32>
    %select_n3A_229 = arith.select %eq3A_223, %get3A_226, %broadcast_in_dim3A_228 : vector<128x128xi1>, vector<128x128xf32>
    %mul3A_230 = vector.broadcast %reduce_sum3A_221 : f32 to vector<128x128xf32>
    %mul3A_231 = arith.mulf %select_n3A_229, %mul3A_230 : vector<128x128xf32>
    %add3A_232 = arith.addf %add3A_185, %mul3A_231 : vector<128x128xf32>
    %mul3A_233 = arith.constant 32 : i32
    %mul3A_234 = arith.muli %arg0, %mul3A_233 : i32
    %add3A_235 = arith.constant 5 : i32
    %add3A_236 = arith.addi %mul3A_234, %add3A_235 : i32
    %get3A_237 = arith.index_cast %add3A_236 : i32 to index
    %get3A_238 = memref.load %arg1[%get3A_237] : memref<64xi32, #tpu.memory_space<smem>>
    %jit3A_239 = arith.constant 128 : i32
    %eq3A_240 = arith.constant 0 : i32
    %eq3A_241 = arith.cmpi eq, %jit3A_239, %eq3A_240 : i32
    %jit3A_242 = arith.constant 1 : i32
    %select_n3A_243 = arith.select %eq3A_241, %jit3A_242, %jit3A_239 : i32
    %rem3A_244 = arith.remsi %get3A_238, %select_n3A_243 : i32
    %ne3A_245 = arith.constant 0 : i32
    %ne3A_246 = arith.cmpi ne, %rem3A_244, %ne3A_245 : i32
    %lt3A_247 = arith.constant 0 : i32
    %lt3A_248 = arith.cmpi slt, %rem3A_244, %lt3A_247 : i32
    %lt3A_249 = arith.constant 0 : i32
    %lt3A_250 = arith.cmpi slt, %select_n3A_243, %lt3A_249 : i32
    %ne3A_251 = arith.xori %lt3A_248, %lt3A_250 : i1
    %and3A_252 = arith.andi %ne3A_251, %ne3A_246 : i1
    %add3A_253 = arith.addi %rem3A_244, %select_n3A_243 : i32
    %select_n3A_254 = arith.select %and3A_252, %add3A_253, %rem3A_244 : i32
    %mul3A_255 = arith.constant 32 : i32
    %mul3A_256 = arith.muli %arg0, %mul3A_255 : i32
    %add3A_257 = arith.constant 5 : i32
    %add3A_258 = arith.addi %mul3A_256, %add3A_257 : i32
    %eq3A_259 = vector.broadcast %add3A_258 : i32 to vector<1x64xi32>
    %eq3A_260 = arith.cmpi eq, %iota3A_2, %eq3A_259 : vector<1x64xi32>
    %jit3A_261 = arith.constant 0.000000e+00 : f32
    %broadcast_in_dim3A_262 = vector.broadcast %jit3A_261 : f32 to vector<1x64xf32>
    %select_n3A_263 = arith.select %eq3A_260, %get3A_7, %broadcast_in_dim3A_262 : vector<1x64xi1>, vector<1x64xf32>
    %reduce_sum3A_264 = vector.shape_cast %select_n3A_263 : vector<1x64xf32> to vector<1x1x64xf32>
    %reduce_sum3A_265 = arith.constant dense<0.000000e+00> : vector<1xf32>
    %reduce_sum3A_266 = vector.multi_reduction <add>, %reduce_sum3A_264, %reduce_sum3A_265 [1, 2] : vector<1x1x64xf32> to vector<1xf32>
    %reduce_sum3A_267 = vector.shape_cast %reduce_sum3A_266 : vector<1xf32> to vector<1x1x1xf32>
    %reduce_sum3A_268 = vector.extract %reduce_sum3A_267[0, 0, 0] : f32 from vector<1x1x1xf32>
    %eq3A_269 = vector.broadcast %select_n3A_254 : i32 to vector<128x128xi32>
    %eq3A_270 = arith.cmpi eq, %iota3A, %eq3A_269 : vector<128x128xi32>
    %get3A_271 = arith.constant 0 : index
    %get3A_272 = arith.constant 0 : index
    %get3A_273 = vector.load %arg8[%get3A_271, %get3A_272] : memref<128x128xf32, #tpu.memory_space<vmem>>, vector<128x128xf32>
    %jit3A_274 = arith.constant 0.000000e+00 : f32
    %broadcast_in_dim3A_275 = vector.broadcast %jit3A_274 : f32 to vector<128x128xf32>
    %select_n3A_276 = arith.select %eq3A_270, %get3A_273, %broadcast_in_dim3A_275 : vector<128x128xi1>, vector<128x128xf32>
    %mul3A_277 = vector.broadcast %reduce_sum3A_268 : f32 to vector<128x128xf32>
    %mul3A_278 = arith.mulf %select_n3A_276, %mul3A_277 : vector<128x128xf32>
    %add3A_279 = arith.addf %add3A_232, %mul3A_278 : vector<128x128xf32>
    %mul3A_280 = arith.constant 32 : i32
    %mul3A_281 = arith.muli %arg0, %mul3A_280 : i32
    %add3A_282 = arith.constant 6 : i32
    %add3A_283 = arith.addi %mul3A_281, %add3A_282 : i32
    %get3A_284 = arith.index_cast %add3A_283 : i32 to index
    %get3A_285 = memref.load %arg1[%get3A_284] : memref<64xi32, #tpu.memory_space<smem>>
    %jit3A_286 = arith.constant 128 : i32
    %eq3A_287 = arith.constant 0 : i32
    %eq3A_288 = arith.cmpi eq, %jit3A_286, %eq3A_287 : i32
    %jit3A_289 = arith.constant 1 : i32
    %select_n3A_290 = arith.select %eq3A_288, %jit3A_289, %jit3A_286 : i32
    %rem3A_291 = arith.remsi %get3A_285, %select_n3A_290 : i32
    %ne3A_292 = arith.constant 0 : i32
    %ne3A_293 = arith.cmpi ne, %rem3A_291, %ne3A_292 : i32
    %lt3A_294 = arith.constant 0 : i32
    %lt3A_295 = arith.cmpi slt, %rem3A_291, %lt3A_294 : i32
    %lt3A_296 = arith.constant 0 : i32
    %lt3A_297 = arith.cmpi slt, %select_n3A_290, %lt3A_296 : i32
    %ne3A_298 = arith.xori %lt3A_295, %lt3A_297 : i1
    %and3A_299 = arith.andi %ne3A_298, %ne3A_293 : i1
    %add3A_300 = arith.addi %rem3A_291, %select_n3A_290 : i32
    %select_n3A_301 = arith.select %and3A_299, %add3A_300, %rem3A_291 : i32
    %mul3A_302 = arith.constant 32 : i32
    %mul3A_303 = arith.muli %arg0, %mul3A_302 : i32
    %add3A_304 = arith.constant 6 : i32
    %add3A_305 = arith.addi %mul3A_303, %add3A_304 : i32
    %eq3A_306 = vector.broadcast %add3A_305 : i32 to vector<1x64xi32>
    %eq3A_307 = arith.cmpi eq, %iota3A_2, %eq3A_306 : vector<1x64xi32>
    %jit3A_308 = arith.constant 0.000000e+00 : f32
    %broadcast_in_dim3A_309 = vector.broadcast %jit3A_308 : f32 to vector<1x64xf32>
    %select_n3A_310 = arith.select %eq3A_307, %get3A_7, %broadcast_in_dim3A_309 : vector<1x64xi1>, vector<1x64xf32>
    %reduce_sum3A_311 = vector.shape_cast %select_n3A_310 : vector<1x64xf32> to vector<1x1x64xf32>
    %reduce_sum3A_312 = arith.constant dense<0.000000e+00> : vector<1xf32>
    %reduce_sum3A_313 = vector.multi_reduction <add>, %reduce_sum3A_311, %reduce_sum3A_312 [1, 2] : vector<1x1x64xf32> to vector<1xf32>
    %reduce_sum3A_314 = vector.shape_cast %reduce_sum3A_313 : vector<1xf32> to vector<1x1x1xf32>
    %reduce_sum3A_315 = vector.extract %reduce_sum3A_314[0, 0, 0] : f32 from vector<1x1x1xf32>
    %eq3A_316 = vector.broadcast %select_n3A_301 : i32 to vector<128x128xi32>
    %eq3A_317 = arith.cmpi eq, %iota3A, %eq3A_316 : vector<128x128xi32>
    %get3A_318 = arith.constant 0 : index
    %get3A_319 = arith.constant 0 : index
    %get3A_320 = vector.load %arg9[%get3A_318, %get3A_319] : memref<128x128xf32, #tpu.memory_space<vmem>>, vector<128x128xf32>
    %jit3A_321 = arith.constant 0.000000e+00 : f32
    %broadcast_in_dim3A_322 = vector.broadcast %jit3A_321 : f32 to vector<128x128xf32>
    %select_n3A_323 = arith.select %eq3A_317, %get3A_320, %broadcast_in_dim3A_322 : vector<128x128xi1>, vector<128x128xf32>
    %mul3A_324 = vector.broadcast %reduce_sum3A_315 : f32 to vector<128x128xf32>
    %mul3A_325 = arith.mulf %select_n3A_323, %mul3A_324 : vector<128x128xf32>
    %add3A_326 = arith.addf %add3A_279, %mul3A_325 : vector<128x128xf32>
    %mul3A_327 = arith.constant 32 : i32
    %mul3A_328 = arith.muli %arg0, %mul3A_327 : i32
    %add3A_329 = arith.constant 7 : i32
    %add3A_330 = arith.addi %mul3A_328, %add3A_329 : i32
    %get3A_331 = arith.index_cast %add3A_330 : i32 to index
    %get3A_332 = memref.load %arg1[%get3A_331] : memref<64xi32, #tpu.memory_space<smem>>
    %jit3A_333 = arith.constant 128 : i32
    %eq3A_334 = arith.constant 0 : i32
    %eq3A_335 = arith.cmpi eq, %jit3A_333, %eq3A_334 : i32
    %jit3A_336 = arith.constant 1 : i32
    %select_n3A_337 = arith.select %eq3A_335, %jit3A_336, %jit3A_333 : i32
    %rem3A_338 = arith.remsi %get3A_332, %select_n3A_337 : i32
    %ne3A_339 = arith.constant 0 : i32
    %ne3A_340 = arith.cmpi ne, %rem3A_338, %ne3A_339 : i32
    %lt3A_341 = arith.constant 0 : i32
    %lt3A_342 = arith.cmpi slt, %rem3A_338, %lt3A_341 : i32
    %lt3A_343 = arith.constant 0 : i32
    %lt3A_344 = arith.cmpi slt, %select_n3A_337, %lt3A_343 : i32
    %ne3A_345 = arith.xori %lt3A_342, %lt3A_344 : i1
    %and3A_346 = arith.andi %ne3A_345, %ne3A_340 : i1
    %add3A_347 = arith.addi %rem3A_338, %select_n3A_337 : i32
    %select_n3A_348 = arith.select %and3A_346, %add3A_347, %rem3A_338 : i32
    %mul3A_349 = arith.constant 32 : i32
    %mul3A_350 = arith.muli %arg0, %mul3A_349 : i32
    %add3A_351 = arith.constant 7 : i32
    %add3A_352 = arith.addi %mul3A_350, %add3A_351 : i32
    %eq3A_353 = vector.broadcast %add3A_352 : i32 to vector<1x64xi32>
    %eq3A_354 = arith.cmpi eq, %iota3A_2, %eq3A_353 : vector<1x64xi32>
    %jit3A_355 = arith.constant 0.000000e+00 : f32
    %broadcast_in_dim3A_356 = vector.broadcast %jit3A_355 : f32 to vector<1x64xf32>
    %select_n3A_357 = arith.select %eq3A_354, %get3A_7, %broadcast_in_dim3A_356 : vector<1x64xi1>, vector<1x64xf32>
    %reduce_sum3A_358 = vector.shape_cast %select_n3A_357 : vector<1x64xf32> to vector<1x1x64xf32>
    %reduce_sum3A_359 = arith.constant dense<0.000000e+00> : vector<1xf32>
    %reduce_sum3A_360 = vector.multi_reduction <add>, %reduce_sum3A_358, %reduce_sum3A_359 [1, 2] : vector<1x1x64xf32> to vector<1xf32>
    %reduce_sum3A_361 = vector.shape_cast %reduce_sum3A_360 : vector<1xf32> to vector<1x1x1xf32>
    %reduce_sum3A_362 = vector.extract %reduce_sum3A_361[0, 0, 0] : f32 from vector<1x1x1xf32>
    %eq3A_363 = vector.broadcast %select_n3A_348 : i32 to vector<128x128xi32>
    %eq3A_364 = arith.cmpi eq, %iota3A, %eq3A_363 : vector<128x128xi32>
    %get3A_365 = arith.constant 0 : index
    %get3A_366 = arith.constant 0 : index
    %get3A_367 = vector.load %arg10[%get3A_365, %get3A_366] : memref<128x128xf32, #tpu.memory_space<vmem>>, vector<128x128xf32>
    %jit3A_368 = arith.constant 0.000000e+00 : f32
    %broadcast_in_dim3A_369 = vector.broadcast %jit3A_368 : f32 to vector<128x128xf32>
    %select_n3A_370 = arith.select %eq3A_364, %get3A_367, %broadcast_in_dim3A_369 : vector<128x128xi1>, vector<128x128xf32>
    %mul3A_371 = vector.broadcast %reduce_sum3A_362 : f32 to vector<128x128xf32>
    %mul3A_372 = arith.mulf %select_n3A_370, %mul3A_371 : vector<128x128xf32>
    %add3A_373 = arith.addf %add3A_326, %mul3A_372 : vector<128x128xf32>
    %mul3A_374 = arith.constant 32 : i32
    %mul3A_375 = arith.muli %arg0, %mul3A_374 : i32
    %add3A_376 = arith.constant 8 : i32
    %add3A_377 = arith.addi %mul3A_375, %add3A_376 : i32
    %get3A_378 = arith.index_cast %add3A_377 : i32 to index
    %get3A_379 = memref.load %arg1[%get3A_378] : memref<64xi32, #tpu.memory_space<smem>>
    %jit3A_380 = arith.constant 128 : i32
    %eq3A_381 = arith.constant 0 : i32
    %eq3A_382 = arith.cmpi eq, %jit3A_380, %eq3A_381 : i32
    %jit3A_383 = arith.constant 1 : i32
    %select_n3A_384 = arith.select %eq3A_382, %jit3A_383, %jit3A_380 : i32
    %rem3A_385 = arith.remsi %get3A_379, %select_n3A_384 : i32
    %ne3A_386 = arith.constant 0 : i32
    %ne3A_387 = arith.cmpi ne, %rem3A_385, %ne3A_386 : i32
    %lt3A_388 = arith.constant 0 : i32
    %lt3A_389 = arith.cmpi slt, %rem3A_385, %lt3A_388 : i32
    %lt3A_390 = arith.constant 0 : i32
    %lt3A_391 = arith.cmpi slt, %select_n3A_384, %lt3A_390 : i32
    %ne3A_392 = arith.xori %lt3A_389, %lt3A_391 : i1
    %and3A_393 = arith.andi %ne3A_392, %ne3A_387 : i1
    %add3A_394 = arith.addi %rem3A_385, %select_n3A_384 : i32
    %select_n3A_395 = arith.select %and3A_393, %add3A_394, %rem3A_385 : i32
    %mul3A_396 = arith.constant 32 : i32
    %mul3A_397 = arith.muli %arg0, %mul3A_396 : i32
    %add3A_398 = arith.constant 8 : i32
    %add3A_399 = arith.addi %mul3A_397, %add3A_398 : i32
    %eq3A_400 = vector.broadcast %add3A_399 : i32 to vector<1x64xi32>
    %eq3A_401 = arith.cmpi eq, %iota3A_2, %eq3A_400 : vector<1x64xi32>
    %jit3A_402 = arith.constant 0.000000e+00 : f32
    %broadcast_in_dim3A_403 = vector.broadcast %jit3A_402 : f32 to vector<1x64xf32>
    %select_n3A_404 = arith.select %eq3A_401, %get3A_7, %broadcast_in_dim3A_403 : vector<1x64xi1>, vector<1x64xf32>
    %reduce_sum3A_405 = vector.shape_cast %select_n3A_404 : vector<1x64xf32> to vector<1x1x64xf32>
    %reduce_sum3A_406 = arith.constant dense<0.000000e+00> : vector<1xf32>
    %reduce_sum3A_407 = vector.multi_reduction <add>, %reduce_sum3A_405, %reduce_sum3A_406 [1, 2] : vector<1x1x64xf32> to vector<1xf32>
    %reduce_sum3A_408 = vector.shape_cast %reduce_sum3A_407 : vector<1xf32> to vector<1x1x1xf32>
    %reduce_sum3A_409 = vector.extract %reduce_sum3A_408[0, 0, 0] : f32 from vector<1x1x1xf32>
    %eq3A_410 = vector.broadcast %select_n3A_395 : i32 to vector<128x128xi32>
    %eq3A_411 = arith.cmpi eq, %iota3A, %eq3A_410 : vector<128x128xi32>
    %get3A_412 = arith.constant 0 : index
    %get3A_413 = arith.constant 0 : index
    %get3A_414 = vector.load %arg11[%get3A_412, %get3A_413] : memref<128x128xf32, #tpu.memory_space<vmem>>, vector<128x128xf32>
    %jit3A_415 = arith.constant 0.000000e+00 : f32
    %broadcast_in_dim3A_416 = vector.broadcast %jit3A_415 : f32 to vector<128x128xf32>
    %select_n3A_417 = arith.select %eq3A_411, %get3A_414, %broadcast_in_dim3A_416 : vector<128x128xi1>, vector<128x128xf32>
    %mul3A_418 = vector.broadcast %reduce_sum3A_409 : f32 to vector<128x128xf32>
    %mul3A_419 = arith.mulf %select_n3A_417, %mul3A_418 : vector<128x128xf32>
    %add3A_420 = arith.addf %add3A_373, %mul3A_419 : vector<128x128xf32>
    %mul3A_421 = arith.constant 32 : i32
    %mul3A_422 = arith.muli %arg0, %mul3A_421 : i32
    %add3A_423 = arith.constant 9 : i32
    %add3A_424 = arith.addi %mul3A_422, %add3A_423 : i32
    %get3A_425 = arith.index_cast %add3A_424 : i32 to index
    %get3A_426 = memref.load %arg1[%get3A_425] : memref<64xi32, #tpu.memory_space<smem>>
    %jit3A_427 = arith.constant 128 : i32
    %eq3A_428 = arith.constant 0 : i32
    %eq3A_429 = arith.cmpi eq, %jit3A_427, %eq3A_428 : i32
    %jit3A_430 = arith.constant 1 : i32
    %select_n3A_431 = arith.select %eq3A_429, %jit3A_430, %jit3A_427 : i32
    %rem3A_432 = arith.remsi %get3A_426, %select_n3A_431 : i32
    %ne3A_433 = arith.constant 0 : i32
    %ne3A_434 = arith.cmpi ne, %rem3A_432, %ne3A_433 : i32
    %lt3A_435 = arith.constant 0 : i32
    %lt3A_436 = arith.cmpi slt, %rem3A_432, %lt3A_435 : i32
    %lt3A_437 = arith.constant 0 : i32
    %lt3A_438 = arith.cmpi slt, %select_n3A_431, %lt3A_437 : i32
    %ne3A_439 = arith.xori %lt3A_436, %lt3A_438 : i1
    %and3A_440 = arith.andi %ne3A_439, %ne3A_434 : i1
    %add3A_441 = arith.addi %rem3A_432, %select_n3A_431 : i32
    %select_n3A_442 = arith.select %and3A_440, %add3A_441, %rem3A_432 : i32
    %mul3A_443 = arith.constant 32 : i32
    %mul3A_444 = arith.muli %arg0, %mul3A_443 : i32
    %add3A_445 = arith.constant 9 : i32
    %add3A_446 = arith.addi %mul3A_444, %add3A_445 : i32
    %eq3A_447 = vector.broadcast %add3A_446 : i32 to vector<1x64xi32>
    %eq3A_448 = arith.cmpi eq, %iota3A_2, %eq3A_447 : vector<1x64xi32>
    %jit3A_449 = arith.constant 0.000000e+00 : f32
    %broadcast_in_dim3A_450 = vector.broadcast %jit3A_449 : f32 to vector<1x64xf32>
    %select_n3A_451 = arith.select %eq3A_448, %get3A_7, %broadcast_in_dim3A_450 : vector<1x64xi1>, vector<1x64xf32>
    %reduce_sum3A_452 = vector.shape_cast %select_n3A_451 : vector<1x64xf32> to vector<1x1x64xf32>
    %reduce_sum3A_453 = arith.constant dense<0.000000e+00> : vector<1xf32>
    %reduce_sum3A_454 = vector.multi_reduction <add>, %reduce_sum3A_452, %reduce_sum3A_453 [1, 2] : vector<1x1x64xf32> to vector<1xf32>
    %reduce_sum3A_455 = vector.shape_cast %reduce_sum3A_454 : vector<1xf32> to vector<1x1x1xf32>
    %reduce_sum3A_456 = vector.extract %reduce_sum3A_455[0, 0, 0] : f32 from vector<1x1x1xf32>
    %eq3A_457 = vector.broadcast %select_n3A_442 : i32 to vector<128x128xi32>
    %eq3A_458 = arith.cmpi eq, %iota3A, %eq3A_457 : vector<128x128xi32>
    %get3A_459 = arith.constant 0 : index
    %get3A_460 = arith.constant 0 : index
    %get3A_461 = vector.load %arg12[%get3A_459, %get3A_460] : memref<128x128xf32, #tpu.memory_space<vmem>>, vector<128x128xf32>
    %jit3A_462 = arith.constant 0.000000e+00 : f32
    %broadcast_in_dim3A_463 = vector.broadcast %jit3A_462 : f32 to vector<128x128xf32>
    %select_n3A_464 = arith.select %eq3A_458, %get3A_461, %broadcast_in_dim3A_463 : vector<128x128xi1>, vector<128x128xf32>
    %mul3A_465 = vector.broadcast %reduce_sum3A_456 : f32 to vector<128x128xf32>
    %mul3A_466 = arith.mulf %select_n3A_464, %mul3A_465 : vector<128x128xf32>
    %add3A_467 = arith.addf %add3A_420, %mul3A_466 : vector<128x128xf32>
    %mul3A_468 = arith.constant 32 : i32
    %mul3A_469 = arith.muli %arg0, %mul3A_468 : i32
    %add3A_470 = arith.constant 10 : i32
    %add3A_471 = arith.addi %mul3A_469, %add3A_470 : i32
    %get3A_472 = arith.index_cast %add3A_471 : i32 to index
    %get3A_473 = memref.load %arg1[%get3A_472] : memref<64xi32, #tpu.memory_space<smem>>
    %jit3A_474 = arith.constant 128 : i32
    %eq3A_475 = arith.constant 0 : i32
    %eq3A_476 = arith.cmpi eq, %jit3A_474, %eq3A_475 : i32
    %jit3A_477 = arith.constant 1 : i32
    %select_n3A_478 = arith.select %eq3A_476, %jit3A_477, %jit3A_474 : i32
    %rem3A_479 = arith.remsi %get3A_473, %select_n3A_478 : i32
    %ne3A_480 = arith.constant 0 : i32
    %ne3A_481 = arith.cmpi ne, %rem3A_479, %ne3A_480 : i32
    %lt3A_482 = arith.constant 0 : i32
    %lt3A_483 = arith.cmpi slt, %rem3A_479, %lt3A_482 : i32
    %lt3A_484 = arith.constant 0 : i32
    %lt3A_485 = arith.cmpi slt, %select_n3A_478, %lt3A_484 : i32
    %ne3A_486 = arith.xori %lt3A_483, %lt3A_485 : i1
    %and3A_487 = arith.andi %ne3A_486, %ne3A_481 : i1
    %add3A_488 = arith.addi %rem3A_479, %select_n3A_478 : i32
    %select_n3A_489 = arith.select %and3A_487, %add3A_488, %rem3A_479 : i32
    %mul3A_490 = arith.constant 32 : i32
    %mul3A_491 = arith.muli %arg0, %mul3A_490 : i32
    %add3A_492 = arith.constant 10 : i32
    %add3A_493 = arith.addi %mul3A_491, %add3A_492 : i32
    %eq3A_494 = vector.broadcast %add3A_493 : i32 to vector<1x64xi32>
    %eq3A_495 = arith.cmpi eq, %iota3A_2, %eq3A_494 : vector<1x64xi32>
    %jit3A_496 = arith.constant 0.000000e+00 : f32
    %broadcast_in_dim3A_497 = vector.broadcast %jit3A_496 : f32 to vector<1x64xf32>
    %select_n3A_498 = arith.select %eq3A_495, %get3A_7, %broadcast_in_dim3A_497 : vector<1x64xi1>, vector<1x64xf32>
    %reduce_sum3A_499 = vector.shape_cast %select_n3A_498 : vector<1x64xf32> to vector<1x1x64xf32>
    %reduce_sum3A_500 = arith.constant dense<0.000000e+00> : vector<1xf32>
    %reduce_sum3A_501 = vector.multi_reduction <add>, %reduce_sum3A_499, %reduce_sum3A_500 [1, 2] : vector<1x1x64xf32> to vector<1xf32>
    %reduce_sum3A_502 = vector.shape_cast %reduce_sum3A_501 : vector<1xf32> to vector<1x1x1xf32>
    %reduce_sum3A_503 = vector.extract %reduce_sum3A_502[0, 0, 0] : f32 from vector<1x1x1xf32>
    %eq3A_504 = vector.broadcast %select_n3A_489 : i32 to vector<128x128xi32>
    %eq3A_505 = arith.cmpi eq, %iota3A, %eq3A_504 : vector<128x128xi32>
    %get3A_506 = arith.constant 0 : index
    %get3A_507 = arith.constant 0 : index
    %get3A_508 = vector.load %arg13[%get3A_506, %get3A_507] : memref<128x128xf32, #tpu.memory_space<vmem>>, vector<128x128xf32>
    %jit3A_509 = arith.constant 0.000000e+00 : f32
    %broadcast_in_dim3A_510 = vector.broadcast %jit3A_509 : f32 to vector<128x128xf32>
    %select_n3A_511 = arith.select %eq3A_505, %get3A_508, %broadcast_in_dim3A_510 : vector<128x128xi1>, vector<128x128xf32>
    %mul3A_512 = vector.broadcast %reduce_sum3A_503 : f32 to vector<128x128xf32>
    %mul3A_513 = arith.mulf %select_n3A_511, %mul3A_512 : vector<128x128xf32>
    %add3A_514 = arith.addf %add3A_467, %mul3A_513 : vector<128x128xf32>
    %mul3A_515 = arith.constant 32 : i32
    %mul3A_516 = arith.muli %arg0, %mul3A_515 : i32
    %add3A_517 = arith.constant 11 : i32
    %add3A_518 = arith.addi %mul3A_516, %add3A_517 : i32
    %get3A_519 = arith.index_cast %add3A_518 : i32 to index
    %get3A_520 = memref.load %arg1[%get3A_519] : memref<64xi32, #tpu.memory_space<smem>>
    %jit3A_521 = arith.constant 128 : i32
    %eq3A_522 = arith.constant 0 : i32
    %eq3A_523 = arith.cmpi eq, %jit3A_521, %eq3A_522 : i32
    %jit3A_524 = arith.constant 1 : i32
    %select_n3A_525 = arith.select %eq3A_523, %jit3A_524, %jit3A_521 : i32
    %rem3A_526 = arith.remsi %get3A_520, %select_n3A_525 : i32
    %ne3A_527 = arith.constant 0 : i32
    %ne3A_528 = arith.cmpi ne, %rem3A_526, %ne3A_527 : i32
    %lt3A_529 = arith.constant 0 : i32
    %lt3A_530 = arith.cmpi slt, %rem3A_526, %lt3A_529 : i32
    %lt3A_531 = arith.constant 0 : i32
    %lt3A_532 = arith.cmpi slt, %select_n3A_525, %lt3A_531 : i32
    %ne3A_533 = arith.xori %lt3A_530, %lt3A_532 : i1
    %and3A_534 = arith.andi %ne3A_533, %ne3A_528 : i1
    %add3A_535 = arith.addi %rem3A_526, %select_n3A_525 : i32
    %select_n3A_536 = arith.select %and3A_534, %add3A_535, %rem3A_526 : i32
    %mul3A_537 = arith.constant 32 : i32
    %mul3A_538 = arith.muli %arg0, %mul3A_537 : i32
    %add3A_539 = arith.constant 11 : i32
    %add3A_540 = arith.addi %mul3A_538, %add3A_539 : i32
    %eq3A_541 = vector.broadcast %add3A_540 : i32 to vector<1x64xi32>
    %eq3A_542 = arith.cmpi eq, %iota3A_2, %eq3A_541 : vector<1x64xi32>
    %jit3A_543 = arith.constant 0.000000e+00 : f32
    %broadcast_in_dim3A_544 = vector.broadcast %jit3A_543 : f32 to vector<1x64xf32>
    %select_n3A_545 = arith.select %eq3A_542, %get3A_7, %broadcast_in_dim3A_544 : vector<1x64xi1>, vector<1x64xf32>
    %reduce_sum3A_546 = vector.shape_cast %select_n3A_545 : vector<1x64xf32> to vector<1x1x64xf32>
    %reduce_sum3A_547 = arith.constant dense<0.000000e+00> : vector<1xf32>
    %reduce_sum3A_548 = vector.multi_reduction <add>, %reduce_sum3A_546, %reduce_sum3A_547 [1, 2] : vector<1x1x64xf32> to vector<1xf32>
    %reduce_sum3A_549 = vector.shape_cast %reduce_sum3A_548 : vector<1xf32> to vector<1x1x1xf32>
    %reduce_sum3A_550 = vector.extract %reduce_sum3A_549[0, 0, 0] : f32 from vector<1x1x1xf32>
    %eq3A_551 = vector.broadcast %select_n3A_536 : i32 to vector<128x128xi32>
    %eq3A_552 = arith.cmpi eq, %iota3A, %eq3A_551 : vector<128x128xi32>
    %get3A_553 = arith.constant 0 : index
    %get3A_554 = arith.constant 0 : index
    %get3A_555 = vector.load %arg14[%get3A_553, %get3A_554] : memref<128x128xf32, #tpu.memory_space<vmem>>, vector<128x128xf32>
    %jit3A_556 = arith.constant 0.000000e+00 : f32
    %broadcast_in_dim3A_557 = vector.broadcast %jit3A_556 : f32 to vector<128x128xf32>
    %select_n3A_558 = arith.select %eq3A_552, %get3A_555, %broadcast_in_dim3A_557 : vector<128x128xi1>, vector<128x128xf32>
    %mul3A_559 = vector.broadcast %reduce_sum3A_550 : f32 to vector<128x128xf32>
    %mul3A_560 = arith.mulf %select_n3A_558, %mul3A_559 : vector<128x128xf32>
    %add3A_561 = arith.addf %add3A_514, %mul3A_560 : vector<128x128xf32>
    %mul3A_562 = arith.constant 32 : i32
    %mul3A_563 = arith.muli %arg0, %mul3A_562 : i32
    %add3A_564 = arith.constant 12 : i32
    %add3A_565 = arith.addi %mul3A_563, %add3A_564 : i32
    %get3A_566 = arith.index_cast %add3A_565 : i32 to index
    %get3A_567 = memref.load %arg1[%get3A_566] : memref<64xi32, #tpu.memory_space<smem>>
    %jit3A_568 = arith.constant 128 : i32
    %eq3A_569 = arith.constant 0 : i32
    %eq3A_570 = arith.cmpi eq, %jit3A_568, %eq3A_569 : i32
    %jit3A_571 = arith.constant 1 : i32
    %select_n3A_572 = arith.select %eq3A_570, %jit3A_571, %jit3A_568 : i32
    %rem3A_573 = arith.remsi %get3A_567, %select_n3A_572 : i32
    %ne3A_574 = arith.constant 0 : i32
    %ne3A_575 = arith.cmpi ne, %rem3A_573, %ne3A_574 : i32
    %lt3A_576 = arith.constant 0 : i32
    %lt3A_577 = arith.cmpi slt, %rem3A_573, %lt3A_576 : i32
    %lt3A_578 = arith.constant 0 : i32
    %lt3A_579 = arith.cmpi slt, %select_n3A_572, %lt3A_578 : i32
    %ne3A_580 = arith.xori %lt3A_577, %lt3A_579 : i1
    %and3A_581 = arith.andi %ne3A_580, %ne3A_575 : i1
    %add3A_582 = arith.addi %rem3A_573, %select_n3A_572 : i32
    %select_n3A_583 = arith.select %and3A_581, %add3A_582, %rem3A_573 : i32
    %mul3A_584 = arith.constant 32 : i32
    %mul3A_585 = arith.muli %arg0, %mul3A_584 : i32
    %add3A_586 = arith.constant 12 : i32
    %add3A_587 = arith.addi %mul3A_585, %add3A_586 : i32
    %eq3A_588 = vector.broadcast %add3A_587 : i32 to vector<1x64xi32>
    %eq3A_589 = arith.cmpi eq, %iota3A_2, %eq3A_588 : vector<1x64xi32>
    %jit3A_590 = arith.constant 0.000000e+00 : f32
    %broadcast_in_dim3A_591 = vector.broadcast %jit3A_590 : f32 to vector<1x64xf32>
    %select_n3A_592 = arith.select %eq3A_589, %get3A_7, %broadcast_in_dim3A_591 : vector<1x64xi1>, vector<1x64xf32>
    %reduce_sum3A_593 = vector.shape_cast %select_n3A_592 : vector<1x64xf32> to vector<1x1x64xf32>
    %reduce_sum3A_594 = arith.constant dense<0.000000e+00> : vector<1xf32>
    %reduce_sum3A_595 = vector.multi_reduction <add>, %reduce_sum3A_593, %reduce_sum3A_594 [1, 2] : vector<1x1x64xf32> to vector<1xf32>
    %reduce_sum3A_596 = vector.shape_cast %reduce_sum3A_595 : vector<1xf32> to vector<1x1x1xf32>
    %reduce_sum3A_597 = vector.extract %reduce_sum3A_596[0, 0, 0] : f32 from vector<1x1x1xf32>
    %eq3A_598 = vector.broadcast %select_n3A_583 : i32 to vector<128x128xi32>
    %eq3A_599 = arith.cmpi eq, %iota3A, %eq3A_598 : vector<128x128xi32>
    %get3A_600 = arith.constant 0 : index
    %get3A_601 = arith.constant 0 : index
    %get3A_602 = vector.load %arg15[%get3A_600, %get3A_601] : memref<128x128xf32, #tpu.memory_space<vmem>>, vector<128x128xf32>
    %jit3A_603 = arith.constant 0.000000e+00 : f32
    %broadcast_in_dim3A_604 = vector.broadcast %jit3A_603 : f32 to vector<128x128xf32>
    %select_n3A_605 = arith.select %eq3A_599, %get3A_602, %broadcast_in_dim3A_604 : vector<128x128xi1>, vector<128x128xf32>
    %mul3A_606 = vector.broadcast %reduce_sum3A_597 : f32 to vector<128x128xf32>
    %mul3A_607 = arith.mulf %select_n3A_605, %mul3A_606 : vector<128x128xf32>
    %add3A_608 = arith.addf %add3A_561, %mul3A_607 : vector<128x128xf32>
    %mul3A_609 = arith.constant 32 : i32
    %mul3A_610 = arith.muli %arg0, %mul3A_609 : i32
    %add3A_611 = arith.constant 13 : i32
    %add3A_612 = arith.addi %mul3A_610, %add3A_611 : i32
    %get3A_613 = arith.index_cast %add3A_612 : i32 to index
    %get3A_614 = memref.load %arg1[%get3A_613] : memref<64xi32, #tpu.memory_space<smem>>
    %jit3A_615 = arith.constant 128 : i32
    %eq3A_616 = arith.constant 0 : i32
    %eq3A_617 = arith.cmpi eq, %jit3A_615, %eq3A_616 : i32
    %jit3A_618 = arith.constant 1 : i32
    %select_n3A_619 = arith.select %eq3A_617, %jit3A_618, %jit3A_615 : i32
    %rem3A_620 = arith.remsi %get3A_614, %select_n3A_619 : i32
    %ne3A_621 = arith.constant 0 : i32
    %ne3A_622 = arith.cmpi ne, %rem3A_620, %ne3A_621 : i32
    %lt3A_623 = arith.constant 0 : i32
    %lt3A_624 = arith.cmpi slt, %rem3A_620, %lt3A_623 : i32
    %lt3A_625 = arith.constant 0 : i32
    %lt3A_626 = arith.cmpi slt, %select_n3A_619, %lt3A_625 : i32
    %ne3A_627 = arith.xori %lt3A_624, %lt3A_626 : i1
    %and3A_628 = arith.andi %ne3A_627, %ne3A_622 : i1
    %add3A_629 = arith.addi %rem3A_620, %select_n3A_619 : i32
    %select_n3A_630 = arith.select %and3A_628, %add3A_629, %rem3A_620 : i32
    %mul3A_631 = arith.constant 32 : i32
    %mul3A_632 = arith.muli %arg0, %mul3A_631 : i32
    %add3A_633 = arith.constant 13 : i32
    %add3A_634 = arith.addi %mul3A_632, %add3A_633 : i32
    %eq3A_635 = vector.broadcast %add3A_634 : i32 to vector<1x64xi32>
    %eq3A_636 = arith.cmpi eq, %iota3A_2, %eq3A_635 : vector<1x64xi32>
    %jit3A_637 = arith.constant 0.000000e+00 : f32
    %broadcast_in_dim3A_638 = vector.broadcast %jit3A_637 : f32 to vector<1x64xf32>
    %select_n3A_639 = arith.select %eq3A_636, %get3A_7, %broadcast_in_dim3A_638 : vector<1x64xi1>, vector<1x64xf32>
    %reduce_sum3A_640 = vector.shape_cast %select_n3A_639 : vector<1x64xf32> to vector<1x1x64xf32>
    %reduce_sum3A_641 = arith.constant dense<0.000000e+00> : vector<1xf32>
    %reduce_sum3A_642 = vector.multi_reduction <add>, %reduce_sum3A_640, %reduce_sum3A_641 [1, 2] : vector<1x1x64xf32> to vector<1xf32>
    %reduce_sum3A_643 = vector.shape_cast %reduce_sum3A_642 : vector<1xf32> to vector<1x1x1xf32>
    %reduce_sum3A_644 = vector.extract %reduce_sum3A_643[0, 0, 0] : f32 from vector<1x1x1xf32>
    %eq3A_645 = vector.broadcast %select_n3A_630 : i32 to vector<128x128xi32>
    %eq3A_646 = arith.cmpi eq, %iota3A, %eq3A_645 : vector<128x128xi32>
    %get3A_647 = arith.constant 0 : index
    %get3A_648 = arith.constant 0 : index
    %get3A_649 = vector.load %arg16[%get3A_647, %get3A_648] : memref<128x128xf32, #tpu.memory_space<vmem>>, vector<128x128xf32>
    %jit3A_650 = arith.constant 0.000000e+00 : f32
    %broadcast_in_dim3A_651 = vector.broadcast %jit3A_650 : f32 to vector<128x128xf32>
    %select_n3A_652 = arith.select %eq3A_646, %get3A_649, %broadcast_in_dim3A_651 : vector<128x128xi1>, vector<128x128xf32>
    %mul3A_653 = vector.broadcast %reduce_sum3A_644 : f32 to vector<128x128xf32>
    %mul3A_654 = arith.mulf %select_n3A_652, %mul3A_653 : vector<128x128xf32>
    %add3A_655 = arith.addf %add3A_608, %mul3A_654 : vector<128x128xf32>
    %mul3A_656 = arith.constant 32 : i32
    %mul3A_657 = arith.muli %arg0, %mul3A_656 : i32
    %add3A_658 = arith.constant 14 : i32
    %add3A_659 = arith.addi %mul3A_657, %add3A_658 : i32
    %get3A_660 = arith.index_cast %add3A_659 : i32 to index
    %get3A_661 = memref.load %arg1[%get3A_660] : memref<64xi32, #tpu.memory_space<smem>>
    %jit3A_662 = arith.constant 128 : i32
    %eq3A_663 = arith.constant 0 : i32
    %eq3A_664 = arith.cmpi eq, %jit3A_662, %eq3A_663 : i32
    %jit3A_665 = arith.constant 1 : i32
    %select_n3A_666 = arith.select %eq3A_664, %jit3A_665, %jit3A_662 : i32
    %rem3A_667 = arith.remsi %get3A_661, %select_n3A_666 : i32
    %ne3A_668 = arith.constant 0 : i32
    %ne3A_669 = arith.cmpi ne, %rem3A_667, %ne3A_668 : i32
    %lt3A_670 = arith.constant 0 : i32
    %lt3A_671 = arith.cmpi slt, %rem3A_667, %lt3A_670 : i32
    %lt3A_672 = arith.constant 0 : i32
    %lt3A_673 = arith.cmpi slt, %select_n3A_666, %lt3A_672 : i32
    %ne3A_674 = arith.xori %lt3A_671, %lt3A_673 : i1
    %and3A_675 = arith.andi %ne3A_674, %ne3A_669 : i1
    %add3A_676 = arith.addi %rem3A_667, %select_n3A_666 : i32
    %select_n3A_677 = arith.select %and3A_675, %add3A_676, %rem3A_667 : i32
    %mul3A_678 = arith.constant 32 : i32
    %mul3A_679 = arith.muli %arg0, %mul3A_678 : i32
    %add3A_680 = arith.constant 14 : i32
    %add3A_681 = arith.addi %mul3A_679, %add3A_680 : i32
    %eq3A_682 = vector.broadcast %add3A_681 : i32 to vector<1x64xi32>
    %eq3A_683 = arith.cmpi eq, %iota3A_2, %eq3A_682 : vector<1x64xi32>
    %jit3A_684 = arith.constant 0.000000e+00 : f32
    %broadcast_in_dim3A_685 = vector.broadcast %jit3A_684 : f32 to vector<1x64xf32>
    %select_n3A_686 = arith.select %eq3A_683, %get3A_7, %broadcast_in_dim3A_685 : vector<1x64xi1>, vector<1x64xf32>
    %reduce_sum3A_687 = vector.shape_cast %select_n3A_686 : vector<1x64xf32> to vector<1x1x64xf32>
    %reduce_sum3A_688 = arith.constant dense<0.000000e+00> : vector<1xf32>
    %reduce_sum3A_689 = vector.multi_reduction <add>, %reduce_sum3A_687, %reduce_sum3A_688 [1, 2] : vector<1x1x64xf32> to vector<1xf32>
    %reduce_sum3A_690 = vector.shape_cast %reduce_sum3A_689 : vector<1xf32> to vector<1x1x1xf32>
    %reduce_sum3A_691 = vector.extract %reduce_sum3A_690[0, 0, 0] : f32 from vector<1x1x1xf32>
    %eq3A_692 = vector.broadcast %select_n3A_677 : i32 to vector<128x128xi32>
    %eq3A_693 = arith.cmpi eq, %iota3A, %eq3A_692 : vector<128x128xi32>
    %get3A_694 = arith.constant 0 : index
    %get3A_695 = arith.constant 0 : index
    %get3A_696 = vector.load %arg17[%get3A_694, %get3A_695] : memref<128x128xf32, #tpu.memory_space<vmem>>, vector<128x128xf32>
    %jit3A_697 = arith.constant 0.000000e+00 : f32
    %broadcast_in_dim3A_698 = vector.broadcast %jit3A_697 : f32 to vector<128x128xf32>
    %select_n3A_699 = arith.select %eq3A_693, %get3A_696, %broadcast_in_dim3A_698 : vector<128x128xi1>, vector<128x128xf32>
    %mul3A_700 = vector.broadcast %reduce_sum3A_691 : f32 to vector<128x128xf32>
    %mul3A_701 = arith.mulf %select_n3A_699, %mul3A_700 : vector<128x128xf32>
    %add3A_702 = arith.addf %add3A_655, %mul3A_701 : vector<128x128xf32>
    %mul3A_703 = arith.constant 32 : i32
    %mul3A_704 = arith.muli %arg0, %mul3A_703 : i32
    %add3A_705 = arith.constant 15 : i32
    %add3A_706 = arith.addi %mul3A_704, %add3A_705 : i32
    %get3A_707 = arith.index_cast %add3A_706 : i32 to index
    %get3A_708 = memref.load %arg1[%get3A_707] : memref<64xi32, #tpu.memory_space<smem>>
    %jit3A_709 = arith.constant 128 : i32
    %eq3A_710 = arith.constant 0 : i32
    %eq3A_711 = arith.cmpi eq, %jit3A_709, %eq3A_710 : i32
    %jit3A_712 = arith.constant 1 : i32
    %select_n3A_713 = arith.select %eq3A_711, %jit3A_712, %jit3A_709 : i32
    %rem3A_714 = arith.remsi %get3A_708, %select_n3A_713 : i32
    %ne3A_715 = arith.constant 0 : i32
    %ne3A_716 = arith.cmpi ne, %rem3A_714, %ne3A_715 : i32
    %lt3A_717 = arith.constant 0 : i32
    %lt3A_718 = arith.cmpi slt, %rem3A_714, %lt3A_717 : i32
    %lt3A_719 = arith.constant 0 : i32
    %lt3A_720 = arith.cmpi slt, %select_n3A_713, %lt3A_719 : i32
    %ne3A_721 = arith.xori %lt3A_718, %lt3A_720 : i1
    %and3A_722 = arith.andi %ne3A_721, %ne3A_716 : i1
    %add3A_723 = arith.addi %rem3A_714, %select_n3A_713 : i32
    %select_n3A_724 = arith.select %and3A_722, %add3A_723, %rem3A_714 : i32
    %mul3A_725 = arith.constant 32 : i32
    %mul3A_726 = arith.muli %arg0, %mul3A_725 : i32
    %add3A_727 = arith.constant 15 : i32
    %add3A_728 = arith.addi %mul3A_726, %add3A_727 : i32
    %eq3A_729 = vector.broadcast %add3A_728 : i32 to vector<1x64xi32>
    %eq3A_730 = arith.cmpi eq, %iota3A_2, %eq3A_729 : vector<1x64xi32>
    %jit3A_731 = arith.constant 0.000000e+00 : f32
    %broadcast_in_dim3A_732 = vector.broadcast %jit3A_731 : f32 to vector<1x64xf32>
    %select_n3A_733 = arith.select %eq3A_730, %get3A_7, %broadcast_in_dim3A_732 : vector<1x64xi1>, vector<1x64xf32>
    %reduce_sum3A_734 = vector.shape_cast %select_n3A_733 : vector<1x64xf32> to vector<1x1x64xf32>
    %reduce_sum3A_735 = arith.constant dense<0.000000e+00> : vector<1xf32>
    %reduce_sum3A_736 = vector.multi_reduction <add>, %reduce_sum3A_734, %reduce_sum3A_735 [1, 2] : vector<1x1x64xf32> to vector<1xf32>
    %reduce_sum3A_737 = vector.shape_cast %reduce_sum3A_736 : vector<1xf32> to vector<1x1x1xf32>
    %reduce_sum3A_738 = vector.extract %reduce_sum3A_737[0, 0, 0] : f32 from vector<1x1x1xf32>
    %eq3A_739 = vector.broadcast %select_n3A_724 : i32 to vector<128x128xi32>
    %eq3A_740 = arith.cmpi eq, %iota3A, %eq3A_739 : vector<128x128xi32>
    %get3A_741 = arith.constant 0 : index
    %get3A_742 = arith.constant 0 : index
    %get3A_743 = vector.load %arg18[%get3A_741, %get3A_742] : memref<128x128xf32, #tpu.memory_space<vmem>>, vector<128x128xf32>
    %jit3A_744 = arith.constant 0.000000e+00 : f32
    %broadcast_in_dim3A_745 = vector.broadcast %jit3A_744 : f32 to vector<128x128xf32>
    %select_n3A_746 = arith.select %eq3A_740, %get3A_743, %broadcast_in_dim3A_745 : vector<128x128xi1>, vector<128x128xf32>
    %mul3A_747 = vector.broadcast %reduce_sum3A_738 : f32 to vector<128x128xf32>
    %mul3A_748 = arith.mulf %select_n3A_746, %mul3A_747 : vector<128x128xf32>
    %add3A_749 = arith.addf %add3A_702, %mul3A_748 : vector<128x128xf32>
    %mul3A_750 = arith.constant 32 : i32
    %mul3A_751 = arith.muli %arg0, %mul3A_750 : i32
    %add3A_752 = arith.constant 16 : i32
    %add3A_753 = arith.addi %mul3A_751, %add3A_752 : i32
    %get3A_754 = arith.index_cast %add3A_753 : i32 to index
    %get3A_755 = memref.load %arg1[%get3A_754] : memref<64xi32, #tpu.memory_space<smem>>
    %jit3A_756 = arith.constant 128 : i32
    %eq3A_757 = arith.constant 0 : i32
    %eq3A_758 = arith.cmpi eq, %jit3A_756, %eq3A_757 : i32
    %jit3A_759 = arith.constant 1 : i32
    %select_n3A_760 = arith.select %eq3A_758, %jit3A_759, %jit3A_756 : i32
    %rem3A_761 = arith.remsi %get3A_755, %select_n3A_760 : i32
    %ne3A_762 = arith.constant 0 : i32
    %ne3A_763 = arith.cmpi ne, %rem3A_761, %ne3A_762 : i32
    %lt3A_764 = arith.constant 0 : i32
    %lt3A_765 = arith.cmpi slt, %rem3A_761, %lt3A_764 : i32
    %lt3A_766 = arith.constant 0 : i32
    %lt3A_767 = arith.cmpi slt, %select_n3A_760, %lt3A_766 : i32
    %ne3A_768 = arith.xori %lt3A_765, %lt3A_767 : i1
    %and3A_769 = arith.andi %ne3A_768, %ne3A_763 : i1
    %add3A_770 = arith.addi %rem3A_761, %select_n3A_760 : i32
    %select_n3A_771 = arith.select %and3A_769, %add3A_770, %rem3A_761 : i32
    %mul3A_772 = arith.constant 32 : i32
    %mul3A_773 = arith.muli %arg0, %mul3A_772 : i32
    %add3A_774 = arith.constant 16 : i32
    %add3A_775 = arith.addi %mul3A_773, %add3A_774 : i32
    %eq3A_776 = vector.broadcast %add3A_775 : i32 to vector<1x64xi32>
    %eq3A_777 = arith.cmpi eq, %iota3A_2, %eq3A_776 : vector<1x64xi32>
    %jit3A_778 = arith.constant 0.000000e+00 : f32
    %broadcast_in_dim3A_779 = vector.broadcast %jit3A_778 : f32 to vector<1x64xf32>
    %select_n3A_780 = arith.select %eq3A_777, %get3A_7, %broadcast_in_dim3A_779 : vector<1x64xi1>, vector<1x64xf32>
    %reduce_sum3A_781 = vector.shape_cast %select_n3A_780 : vector<1x64xf32> to vector<1x1x64xf32>
    %reduce_sum3A_782 = arith.constant dense<0.000000e+00> : vector<1xf32>
    %reduce_sum3A_783 = vector.multi_reduction <add>, %reduce_sum3A_781, %reduce_sum3A_782 [1, 2] : vector<1x1x64xf32> to vector<1xf32>
    %reduce_sum3A_784 = vector.shape_cast %reduce_sum3A_783 : vector<1xf32> to vector<1x1x1xf32>
    %reduce_sum3A_785 = vector.extract %reduce_sum3A_784[0, 0, 0] : f32 from vector<1x1x1xf32>
    %eq3A_786 = vector.broadcast %select_n3A_771 : i32 to vector<128x128xi32>
    %eq3A_787 = arith.cmpi eq, %iota3A, %eq3A_786 : vector<128x128xi32>
    %get3A_788 = arith.constant 0 : index
    %get3A_789 = arith.constant 0 : index
    %get3A_790 = vector.load %arg19[%get3A_788, %get3A_789] : memref<128x128xf32, #tpu.memory_space<vmem>>, vector<128x128xf32>
    %jit3A_791 = arith.constant 0.000000e+00 : f32
    %broadcast_in_dim3A_792 = vector.broadcast %jit3A_791 : f32 to vector<128x128xf32>
    %select_n3A_793 = arith.select %eq3A_787, %get3A_790, %broadcast_in_dim3A_792 : vector<128x128xi1>, vector<128x128xf32>
    %mul3A_794 = vector.broadcast %reduce_sum3A_785 : f32 to vector<128x128xf32>
    %mul3A_795 = arith.mulf %select_n3A_793, %mul3A_794 : vector<128x128xf32>
    %add3A_796 = arith.addf %add3A_749, %mul3A_795 : vector<128x128xf32>
    %mul3A_797 = arith.constant 32 : i32
    %mul3A_798 = arith.muli %arg0, %mul3A_797 : i32
    %add3A_799 = arith.constant 17 : i32
    %add3A_800 = arith.addi %mul3A_798, %add3A_799 : i32
    %get3A_801 = arith.index_cast %add3A_800 : i32 to index
    %get3A_802 = memref.load %arg1[%get3A_801] : memref<64xi32, #tpu.memory_space<smem>>
    %jit3A_803 = arith.constant 128 : i32
    %eq3A_804 = arith.constant 0 : i32
    %eq3A_805 = arith.cmpi eq, %jit3A_803, %eq3A_804 : i32
    %jit3A_806 = arith.constant 1 : i32
    %select_n3A_807 = arith.select %eq3A_805, %jit3A_806, %jit3A_803 : i32
    %rem3A_808 = arith.remsi %get3A_802, %select_n3A_807 : i32
    %ne3A_809 = arith.constant 0 : i32
    %ne3A_810 = arith.cmpi ne, %rem3A_808, %ne3A_809 : i32
    %lt3A_811 = arith.constant 0 : i32
    %lt3A_812 = arith.cmpi slt, %rem3A_808, %lt3A_811 : i32
    %lt3A_813 = arith.constant 0 : i32
    %lt3A_814 = arith.cmpi slt, %select_n3A_807, %lt3A_813 : i32
    %ne3A_815 = arith.xori %lt3A_812, %lt3A_814 : i1
    %and3A_816 = arith.andi %ne3A_815, %ne3A_810 : i1
    %add3A_817 = arith.addi %rem3A_808, %select_n3A_807 : i32
    %select_n3A_818 = arith.select %and3A_816, %add3A_817, %rem3A_808 : i32
    %mul3A_819 = arith.constant 32 : i32
    %mul3A_820 = arith.muli %arg0, %mul3A_819 : i32
    %add3A_821 = arith.constant 17 : i32
    %add3A_822 = arith.addi %mul3A_820, %add3A_821 : i32
    %eq3A_823 = vector.broadcast %add3A_822 : i32 to vector<1x64xi32>
    %eq3A_824 = arith.cmpi eq, %iota3A_2, %eq3A_823 : vector<1x64xi32>
    %jit3A_825 = arith.constant 0.000000e+00 : f32
    %broadcast_in_dim3A_826 = vector.broadcast %jit3A_825 : f32 to vector<1x64xf32>
    %select_n3A_827 = arith.select %eq3A_824, %get3A_7, %broadcast_in_dim3A_826 : vector<1x64xi1>, vector<1x64xf32>
    %reduce_sum3A_828 = vector.shape_cast %select_n3A_827 : vector<1x64xf32> to vector<1x1x64xf32>
    %reduce_sum3A_829 = arith.constant dense<0.000000e+00> : vector<1xf32>
    %reduce_sum3A_830 = vector.multi_reduction <add>, %reduce_sum3A_828, %reduce_sum3A_829 [1, 2] : vector<1x1x64xf32> to vector<1xf32>
    %reduce_sum3A_831 = vector.shape_cast %reduce_sum3A_830 : vector<1xf32> to vector<1x1x1xf32>
    %reduce_sum3A_832 = vector.extract %reduce_sum3A_831[0, 0, 0] : f32 from vector<1x1x1xf32>
    %eq3A_833 = vector.broadcast %select_n3A_818 : i32 to vector<128x128xi32>
    %eq3A_834 = arith.cmpi eq, %iota3A, %eq3A_833 : vector<128x128xi32>
    %get3A_835 = arith.constant 0 : index
    %get3A_836 = arith.constant 0 : index
    %get3A_837 = vector.load %arg20[%get3A_835, %get3A_836] : memref<128x128xf32, #tpu.memory_space<vmem>>, vector<128x128xf32>
    %jit3A_838 = arith.constant 0.000000e+00 : f32
    %broadcast_in_dim3A_839 = vector.broadcast %jit3A_838 : f32 to vector<128x128xf32>
    %select_n3A_840 = arith.select %eq3A_834, %get3A_837, %broadcast_in_dim3A_839 : vector<128x128xi1>, vector<128x128xf32>
    %mul3A_841 = vector.broadcast %reduce_sum3A_832 : f32 to vector<128x128xf32>
    %mul3A_842 = arith.mulf %select_n3A_840, %mul3A_841 : vector<128x128xf32>
    %add3A_843 = arith.addf %add3A_796, %mul3A_842 : vector<128x128xf32>
    %mul3A_844 = arith.constant 32 : i32
    %mul3A_845 = arith.muli %arg0, %mul3A_844 : i32
    %add3A_846 = arith.constant 18 : i32
    %add3A_847 = arith.addi %mul3A_845, %add3A_846 : i32
    %get3A_848 = arith.index_cast %add3A_847 : i32 to index
    %get3A_849 = memref.load %arg1[%get3A_848] : memref<64xi32, #tpu.memory_space<smem>>
    %jit3A_850 = arith.constant 128 : i32
    %eq3A_851 = arith.constant 0 : i32
    %eq3A_852 = arith.cmpi eq, %jit3A_850, %eq3A_851 : i32
    %jit3A_853 = arith.constant 1 : i32
    %select_n3A_854 = arith.select %eq3A_852, %jit3A_853, %jit3A_850 : i32
    %rem3A_855 = arith.remsi %get3A_849, %select_n3A_854 : i32
    %ne3A_856 = arith.constant 0 : i32
    %ne3A_857 = arith.cmpi ne, %rem3A_855, %ne3A_856 : i32
    %lt3A_858 = arith.constant 0 : i32
    %lt3A_859 = arith.cmpi slt, %rem3A_855, %lt3A_858 : i32
    %lt3A_860 = arith.constant 0 : i32
    %lt3A_861 = arith.cmpi slt, %select_n3A_854, %lt3A_860 : i32
    %ne3A_862 = arith.xori %lt3A_859, %lt3A_861 : i1
    %and3A_863 = arith.andi %ne3A_862, %ne3A_857 : i1
    %add3A_864 = arith.addi %rem3A_855, %select_n3A_854 : i32
    %select_n3A_865 = arith.select %and3A_863, %add3A_864, %rem3A_855 : i32
    %mul3A_866 = arith.constant 32 : i32
    %mul3A_867 = arith.muli %arg0, %mul3A_866 : i32
    %add3A_868 = arith.constant 18 : i32
    %add3A_869 = arith.addi %mul3A_867, %add3A_868 : i32
    %eq3A_870 = vector.broadcast %add3A_869 : i32 to vector<1x64xi32>
    %eq3A_871 = arith.cmpi eq, %iota3A_2, %eq3A_870 : vector<1x64xi32>
    %jit3A_872 = arith.constant 0.000000e+00 : f32
    %broadcast_in_dim3A_873 = vector.broadcast %jit3A_872 : f32 to vector<1x64xf32>
    %select_n3A_874 = arith.select %eq3A_871, %get3A_7, %broadcast_in_dim3A_873 : vector<1x64xi1>, vector<1x64xf32>
    %reduce_sum3A_875 = vector.shape_cast %select_n3A_874 : vector<1x64xf32> to vector<1x1x64xf32>
    %reduce_sum3A_876 = arith.constant dense<0.000000e+00> : vector<1xf32>
    %reduce_sum3A_877 = vector.multi_reduction <add>, %reduce_sum3A_875, %reduce_sum3A_876 [1, 2] : vector<1x1x64xf32> to vector<1xf32>
    %reduce_sum3A_878 = vector.shape_cast %reduce_sum3A_877 : vector<1xf32> to vector<1x1x1xf32>
    %reduce_sum3A_879 = vector.extract %reduce_sum3A_878[0, 0, 0] : f32 from vector<1x1x1xf32>
    %eq3A_880 = vector.broadcast %select_n3A_865 : i32 to vector<128x128xi32>
    %eq3A_881 = arith.cmpi eq, %iota3A, %eq3A_880 : vector<128x128xi32>
    %get3A_882 = arith.constant 0 : index
    %get3A_883 = arith.constant 0 : index
    %get3A_884 = vector.load %arg21[%get3A_882, %get3A_883] : memref<128x128xf32, #tpu.memory_space<vmem>>, vector<128x128xf32>
    %jit3A_885 = arith.constant 0.000000e+00 : f32
    %broadcast_in_dim3A_886 = vector.broadcast %jit3A_885 : f32 to vector<128x128xf32>
    %select_n3A_887 = arith.select %eq3A_881, %get3A_884, %broadcast_in_dim3A_886 : vector<128x128xi1>, vector<128x128xf32>
    %mul3A_888 = vector.broadcast %reduce_sum3A_879 : f32 to vector<128x128xf32>
    %mul3A_889 = arith.mulf %select_n3A_887, %mul3A_888 : vector<128x128xf32>
    %add3A_890 = arith.addf %add3A_843, %mul3A_889 : vector<128x128xf32>
    %mul3A_891 = arith.constant 32 : i32
    %mul3A_892 = arith.muli %arg0, %mul3A_891 : i32
    %add3A_893 = arith.constant 19 : i32
    %add3A_894 = arith.addi %mul3A_892, %add3A_893 : i32
    %get3A_895 = arith.index_cast %add3A_894 : i32 to index
    %get3A_896 = memref.load %arg1[%get3A_895] : memref<64xi32, #tpu.memory_space<smem>>
    %jit3A_897 = arith.constant 128 : i32
    %eq3A_898 = arith.constant 0 : i32
    %eq3A_899 = arith.cmpi eq, %jit3A_897, %eq3A_898 : i32
    %jit3A_900 = arith.constant 1 : i32
    %select_n3A_901 = arith.select %eq3A_899, %jit3A_900, %jit3A_897 : i32
    %rem3A_902 = arith.remsi %get3A_896, %select_n3A_901 : i32
    %ne3A_903 = arith.constant 0 : i32
    %ne3A_904 = arith.cmpi ne, %rem3A_902, %ne3A_903 : i32
    %lt3A_905 = arith.constant 0 : i32
    %lt3A_906 = arith.cmpi slt, %rem3A_902, %lt3A_905 : i32
    %lt3A_907 = arith.constant 0 : i32
    %lt3A_908 = arith.cmpi slt, %select_n3A_901, %lt3A_907 : i32
    %ne3A_909 = arith.xori %lt3A_906, %lt3A_908 : i1
    %and3A_910 = arith.andi %ne3A_909, %ne3A_904 : i1
    %add3A_911 = arith.addi %rem3A_902, %select_n3A_901 : i32
    %select_n3A_912 = arith.select %and3A_910, %add3A_911, %rem3A_902 : i32
    %mul3A_913 = arith.constant 32 : i32
    %mul3A_914 = arith.muli %arg0, %mul3A_913 : i32
    %add3A_915 = arith.constant 19 : i32
    %add3A_916 = arith.addi %mul3A_914, %add3A_915 : i32
    %eq3A_917 = vector.broadcast %add3A_916 : i32 to vector<1x64xi32>
    %eq3A_918 = arith.cmpi eq, %iota3A_2, %eq3A_917 : vector<1x64xi32>
    %jit3A_919 = arith.constant 0.000000e+00 : f32
    %broadcast_in_dim3A_920 = vector.broadcast %jit3A_919 : f32 to vector<1x64xf32>
    %select_n3A_921 = arith.select %eq3A_918, %get3A_7, %broadcast_in_dim3A_920 : vector<1x64xi1>, vector<1x64xf32>
    %reduce_sum3A_922 = vector.shape_cast %select_n3A_921 : vector<1x64xf32> to vector<1x1x64xf32>
    %reduce_sum3A_923 = arith.constant dense<0.000000e+00> : vector<1xf32>
    %reduce_sum3A_924 = vector.multi_reduction <add>, %reduce_sum3A_922, %reduce_sum3A_923 [1, 2] : vector<1x1x64xf32> to vector<1xf32>
    %reduce_sum3A_925 = vector.shape_cast %reduce_sum3A_924 : vector<1xf32> to vector<1x1x1xf32>
    %reduce_sum3A_926 = vector.extract %reduce_sum3A_925[0, 0, 0] : f32 from vector<1x1x1xf32>
    %eq3A_927 = vector.broadcast %select_n3A_912 : i32 to vector<128x128xi32>
    %eq3A_928 = arith.cmpi eq, %iota3A, %eq3A_927 : vector<128x128xi32>
    %get3A_929 = arith.constant 0 : index
    %get3A_930 = arith.constant 0 : index
    %get3A_931 = vector.load %arg22[%get3A_929, %get3A_930] : memref<128x128xf32, #tpu.memory_space<vmem>>, vector<128x128xf32>
    %jit3A_932 = arith.constant 0.000000e+00 : f32
    %broadcast_in_dim3A_933 = vector.broadcast %jit3A_932 : f32 to vector<128x128xf32>
    %select_n3A_934 = arith.select %eq3A_928, %get3A_931, %broadcast_in_dim3A_933 : vector<128x128xi1>, vector<128x128xf32>
    %mul3A_935 = vector.broadcast %reduce_sum3A_926 : f32 to vector<128x128xf32>
    %mul3A_936 = arith.mulf %select_n3A_934, %mul3A_935 : vector<128x128xf32>
    %add3A_937 = arith.addf %add3A_890, %mul3A_936 : vector<128x128xf32>
    %mul3A_938 = arith.constant 32 : i32
    %mul3A_939 = arith.muli %arg0, %mul3A_938 : i32
    %add3A_940 = arith.constant 20 : i32
    %add3A_941 = arith.addi %mul3A_939, %add3A_940 : i32
    %get3A_942 = arith.index_cast %add3A_941 : i32 to index
    %get3A_943 = memref.load %arg1[%get3A_942] : memref<64xi32, #tpu.memory_space<smem>>
    %jit3A_944 = arith.constant 128 : i32
    %eq3A_945 = arith.constant 0 : i32
    %eq3A_946 = arith.cmpi eq, %jit3A_944, %eq3A_945 : i32
    %jit3A_947 = arith.constant 1 : i32
    %select_n3A_948 = arith.select %eq3A_946, %jit3A_947, %jit3A_944 : i32
    %rem3A_949 = arith.remsi %get3A_943, %select_n3A_948 : i32
    %ne3A_950 = arith.constant 0 : i32
    %ne3A_951 = arith.cmpi ne, %rem3A_949, %ne3A_950 : i32
    %lt3A_952 = arith.constant 0 : i32
    %lt3A_953 = arith.cmpi slt, %rem3A_949, %lt3A_952 : i32
    %lt3A_954 = arith.constant 0 : i32
    %lt3A_955 = arith.cmpi slt, %select_n3A_948, %lt3A_954 : i32
    %ne3A_956 = arith.xori %lt3A_953, %lt3A_955 : i1
    %and3A_957 = arith.andi %ne3A_956, %ne3A_951 : i1
    %add3A_958 = arith.addi %rem3A_949, %select_n3A_948 : i32
    %select_n3A_959 = arith.select %and3A_957, %add3A_958, %rem3A_949 : i32
    %mul3A_960 = arith.constant 32 : i32
    %mul3A_961 = arith.muli %arg0, %mul3A_960 : i32
    %add3A_962 = arith.constant 20 : i32
    %add3A_963 = arith.addi %mul3A_961, %add3A_962 : i32
    %eq3A_964 = vector.broadcast %add3A_963 : i32 to vector<1x64xi32>
    %eq3A_965 = arith.cmpi eq, %iota3A_2, %eq3A_964 : vector<1x64xi32>
    %jit3A_966 = arith.constant 0.000000e+00 : f32
    %broadcast_in_dim3A_967 = vector.broadcast %jit3A_966 : f32 to vector<1x64xf32>
    %select_n3A_968 = arith.select %eq3A_965, %get3A_7, %broadcast_in_dim3A_967 : vector<1x64xi1>, vector<1x64xf32>
    %reduce_sum3A_969 = vector.shape_cast %select_n3A_968 : vector<1x64xf32> to vector<1x1x64xf32>
    %reduce_sum3A_970 = arith.constant dense<0.000000e+00> : vector<1xf32>
    %reduce_sum3A_971 = vector.multi_reduction <add>, %reduce_sum3A_969, %reduce_sum3A_970 [1, 2] : vector<1x1x64xf32> to vector<1xf32>
    %reduce_sum3A_972 = vector.shape_cast %reduce_sum3A_971 : vector<1xf32> to vector<1x1x1xf32>
    %reduce_sum3A_973 = vector.extract %reduce_sum3A_972[0, 0, 0] : f32 from vector<1x1x1xf32>
    %eq3A_974 = vector.broadcast %select_n3A_959 : i32 to vector<128x128xi32>
    %eq3A_975 = arith.cmpi eq, %iota3A, %eq3A_974 : vector<128x128xi32>
    %get3A_976 = arith.constant 0 : index
    %get3A_977 = arith.constant 0 : index
    %get3A_978 = vector.load %arg23[%get3A_976, %get3A_977] : memref<128x128xf32, #tpu.memory_space<vmem>>, vector<128x128xf32>
    %jit3A_979 = arith.constant 0.000000e+00 : f32
    %broadcast_in_dim3A_980 = vector.broadcast %jit3A_979 : f32 to vector<128x128xf32>
    %select_n3A_981 = arith.select %eq3A_975, %get3A_978, %broadcast_in_dim3A_980 : vector<128x128xi1>, vector<128x128xf32>
    %mul3A_982 = vector.broadcast %reduce_sum3A_973 : f32 to vector<128x128xf32>
    %mul3A_983 = arith.mulf %select_n3A_981, %mul3A_982 : vector<128x128xf32>
    %add3A_984 = arith.addf %add3A_937, %mul3A_983 : vector<128x128xf32>
    %mul3A_985 = arith.constant 32 : i32
    %mul3A_986 = arith.muli %arg0, %mul3A_985 : i32
    %add3A_987 = arith.constant 21 : i32
    %add3A_988 = arith.addi %mul3A_986, %add3A_987 : i32
    %get3A_989 = arith.index_cast %add3A_988 : i32 to index
    %get3A_990 = memref.load %arg1[%get3A_989] : memref<64xi32, #tpu.memory_space<smem>>
    %jit3A_991 = arith.constant 128 : i32
    %eq3A_992 = arith.constant 0 : i32
    %eq3A_993 = arith.cmpi eq, %jit3A_991, %eq3A_992 : i32
    %jit3A_994 = arith.constant 1 : i32
    %select_n3A_995 = arith.select %eq3A_993, %jit3A_994, %jit3A_991 : i32
    %rem3A_996 = arith.remsi %get3A_990, %select_n3A_995 : i32
    %ne3A_997 = arith.constant 0 : i32
    %ne3A_998 = arith.cmpi ne, %rem3A_996, %ne3A_997 : i32
    %lt3A_999 = arith.constant 0 : i32
    %lt3A_1000 = arith.cmpi slt, %rem3A_996, %lt3A_999 : i32
    %lt3A_1001 = arith.constant 0 : i32
    %lt3A_1002 = arith.cmpi slt, %select_n3A_995, %lt3A_1001 : i32
    %ne3A_1003 = arith.xori %lt3A_1000, %lt3A_1002 : i1
    %and3A_1004 = arith.andi %ne3A_1003, %ne3A_998 : i1
    %add3A_1005 = arith.addi %rem3A_996, %select_n3A_995 : i32
    %select_n3A_1006 = arith.select %and3A_1004, %add3A_1005, %rem3A_996 : i32
    %mul3A_1007 = arith.constant 32 : i32
    %mul3A_1008 = arith.muli %arg0, %mul3A_1007 : i32
    %add3A_1009 = arith.constant 21 : i32
    %add3A_1010 = arith.addi %mul3A_1008, %add3A_1009 : i32
    %eq3A_1011 = vector.broadcast %add3A_1010 : i32 to vector<1x64xi32>
    %eq3A_1012 = arith.cmpi eq, %iota3A_2, %eq3A_1011 : vector<1x64xi32>
    %jit3A_1013 = arith.constant 0.000000e+00 : f32
    %broadcast_in_dim3A_1014 = vector.broadcast %jit3A_1013 : f32 to vector<1x64xf32>
    %select_n3A_1015 = arith.select %eq3A_1012, %get3A_7, %broadcast_in_dim3A_1014 : vector<1x64xi1>, vector<1x64xf32>
    %reduce_sum3A_1016 = vector.shape_cast %select_n3A_1015 : vector<1x64xf32> to vector<1x1x64xf32>
    %reduce_sum3A_1017 = arith.constant dense<0.000000e+00> : vector<1xf32>
    %reduce_sum3A_1018 = vector.multi_reduction <add>, %reduce_sum3A_1016, %reduce_sum3A_1017 [1, 2] : vector<1x1x64xf32> to vector<1xf32>
    %reduce_sum3A_1019 = vector.shape_cast %reduce_sum3A_1018 : vector<1xf32> to vector<1x1x1xf32>
    %reduce_sum3A_1020 = vector.extract %reduce_sum3A_1019[0, 0, 0] : f32 from vector<1x1x1xf32>
    %eq3A_1021 = vector.broadcast %select_n3A_1006 : i32 to vector<128x128xi32>
    %eq3A_1022 = arith.cmpi eq, %iota3A, %eq3A_1021 : vector<128x128xi32>
    %get3A_1023 = arith.constant 0 : index
    %get3A_1024 = arith.constant 0 : index
    %get3A_1025 = vector.load %arg24[%get3A_1023, %get3A_1024] : memref<128x128xf32, #tpu.memory_space<vmem>>, vector<128x128xf32>
    %jit3A_1026 = arith.constant 0.000000e+00 : f32
    %broadcast_in_dim3A_1027 = vector.broadcast %jit3A_1026 : f32 to vector<128x128xf32>
    %select_n3A_1028 = arith.select %eq3A_1022, %get3A_1025, %broadcast_in_dim3A_1027 : vector<128x128xi1>, vector<128x128xf32>
    %mul3A_1029 = vector.broadcast %reduce_sum3A_1020 : f32 to vector<128x128xf32>
    %mul3A_1030 = arith.mulf %select_n3A_1028, %mul3A_1029 : vector<128x128xf32>
    %add3A_1031 = arith.addf %add3A_984, %mul3A_1030 : vector<128x128xf32>
    %mul3A_1032 = arith.constant 32 : i32
    %mul3A_1033 = arith.muli %arg0, %mul3A_1032 : i32
    %add3A_1034 = arith.constant 22 : i32
    %add3A_1035 = arith.addi %mul3A_1033, %add3A_1034 : i32
    %get3A_1036 = arith.index_cast %add3A_1035 : i32 to index
    %get3A_1037 = memref.load %arg1[%get3A_1036] : memref<64xi32, #tpu.memory_space<smem>>
    %jit3A_1038 = arith.constant 128 : i32
    %eq3A_1039 = arith.constant 0 : i32
    %eq3A_1040 = arith.cmpi eq, %jit3A_1038, %eq3A_1039 : i32
    %jit3A_1041 = arith.constant 1 : i32
    %select_n3A_1042 = arith.select %eq3A_1040, %jit3A_1041, %jit3A_1038 : i32
    %rem3A_1043 = arith.remsi %get3A_1037, %select_n3A_1042 : i32
    %ne3A_1044 = arith.constant 0 : i32
    %ne3A_1045 = arith.cmpi ne, %rem3A_1043, %ne3A_1044 : i32
    %lt3A_1046 = arith.constant 0 : i32
    %lt3A_1047 = arith.cmpi slt, %rem3A_1043, %lt3A_1046 : i32
    %lt3A_1048 = arith.constant 0 : i32
    %lt3A_1049 = arith.cmpi slt, %select_n3A_1042, %lt3A_1048 : i32
    %ne3A_1050 = arith.xori %lt3A_1047, %lt3A_1049 : i1
    %and3A_1051 = arith.andi %ne3A_1050, %ne3A_1045 : i1
    %add3A_1052 = arith.addi %rem3A_1043, %select_n3A_1042 : i32
    %select_n3A_1053 = arith.select %and3A_1051, %add3A_1052, %rem3A_1043 : i32
    %mul3A_1054 = arith.constant 32 : i32
    %mul3A_1055 = arith.muli %arg0, %mul3A_1054 : i32
    %add3A_1056 = arith.constant 22 : i32
    %add3A_1057 = arith.addi %mul3A_1055, %add3A_1056 : i32
    %eq3A_1058 = vector.broadcast %add3A_1057 : i32 to vector<1x64xi32>
    %eq3A_1059 = arith.cmpi eq, %iota3A_2, %eq3A_1058 : vector<1x64xi32>
    %jit3A_1060 = arith.constant 0.000000e+00 : f32
    %broadcast_in_dim3A_1061 = vector.broadcast %jit3A_1060 : f32 to vector<1x64xf32>
    %select_n3A_1062 = arith.select %eq3A_1059, %get3A_7, %broadcast_in_dim3A_1061 : vector<1x64xi1>, vector<1x64xf32>
    %reduce_sum3A_1063 = vector.shape_cast %select_n3A_1062 : vector<1x64xf32> to vector<1x1x64xf32>
    %reduce_sum3A_1064 = arith.constant dense<0.000000e+00> : vector<1xf32>
    %reduce_sum3A_1065 = vector.multi_reduction <add>, %reduce_sum3A_1063, %reduce_sum3A_1064 [1, 2] : vector<1x1x64xf32> to vector<1xf32>
    %reduce_sum3A_1066 = vector.shape_cast %reduce_sum3A_1065 : vector<1xf32> to vector<1x1x1xf32>
    %reduce_sum3A_1067 = vector.extract %reduce_sum3A_1066[0, 0, 0] : f32 from vector<1x1x1xf32>
    %eq3A_1068 = vector.broadcast %select_n3A_1053 : i32 to vector<128x128xi32>
    %eq3A_1069 = arith.cmpi eq, %iota3A, %eq3A_1068 : vector<128x128xi32>
    %get3A_1070 = arith.constant 0 : index
    %get3A_1071 = arith.constant 0 : index
    %get3A_1072 = vector.load %arg25[%get3A_1070, %get3A_1071] : memref<128x128xf32, #tpu.memory_space<vmem>>, vector<128x128xf32>
    %jit3A_1073 = arith.constant 0.000000e+00 : f32
    %broadcast_in_dim3A_1074 = vector.broadcast %jit3A_1073 : f32 to vector<128x128xf32>
    %select_n3A_1075 = arith.select %eq3A_1069, %get3A_1072, %broadcast_in_dim3A_1074 : vector<128x128xi1>, vector<128x128xf32>
    %mul3A_1076 = vector.broadcast %reduce_sum3A_1067 : f32 to vector<128x128xf32>
    %mul3A_1077 = arith.mulf %select_n3A_1075, %mul3A_1076 : vector<128x128xf32>
    %add3A_1078 = arith.addf %add3A_1031, %mul3A_1077 : vector<128x128xf32>
    %mul3A_1079 = arith.constant 32 : i32
    %mul3A_1080 = arith.muli %arg0, %mul3A_1079 : i32
    %add3A_1081 = arith.constant 23 : i32
    %add3A_1082 = arith.addi %mul3A_1080, %add3A_1081 : i32
    %get3A_1083 = arith.index_cast %add3A_1082 : i32 to index
    %get3A_1084 = memref.load %arg1[%get3A_1083] : memref<64xi32, #tpu.memory_space<smem>>
    %jit3A_1085 = arith.constant 128 : i32
    %eq3A_1086 = arith.constant 0 : i32
    %eq3A_1087 = arith.cmpi eq, %jit3A_1085, %eq3A_1086 : i32
    %jit3A_1088 = arith.constant 1 : i32
    %select_n3A_1089 = arith.select %eq3A_1087, %jit3A_1088, %jit3A_1085 : i32
    %rem3A_1090 = arith.remsi %get3A_1084, %select_n3A_1089 : i32
    %ne3A_1091 = arith.constant 0 : i32
    %ne3A_1092 = arith.cmpi ne, %rem3A_1090, %ne3A_1091 : i32
    %lt3A_1093 = arith.constant 0 : i32
    %lt3A_1094 = arith.cmpi slt, %rem3A_1090, %lt3A_1093 : i32
    %lt3A_1095 = arith.constant 0 : i32
    %lt3A_1096 = arith.cmpi slt, %select_n3A_1089, %lt3A_1095 : i32
    %ne3A_1097 = arith.xori %lt3A_1094, %lt3A_1096 : i1
    %and3A_1098 = arith.andi %ne3A_1097, %ne3A_1092 : i1
    %add3A_1099 = arith.addi %rem3A_1090, %select_n3A_1089 : i32
    %select_n3A_1100 = arith.select %and3A_1098, %add3A_1099, %rem3A_1090 : i32
    %mul3A_1101 = arith.constant 32 : i32
    %mul3A_1102 = arith.muli %arg0, %mul3A_1101 : i32
    %add3A_1103 = arith.constant 23 : i32
    %add3A_1104 = arith.addi %mul3A_1102, %add3A_1103 : i32
    %eq3A_1105 = vector.broadcast %add3A_1104 : i32 to vector<1x64xi32>
    %eq3A_1106 = arith.cmpi eq, %iota3A_2, %eq3A_1105 : vector<1x64xi32>
    %jit3A_1107 = arith.constant 0.000000e+00 : f32
    %broadcast_in_dim3A_1108 = vector.broadcast %jit3A_1107 : f32 to vector<1x64xf32>
    %select_n3A_1109 = arith.select %eq3A_1106, %get3A_7, %broadcast_in_dim3A_1108 : vector<1x64xi1>, vector<1x64xf32>
    %reduce_sum3A_1110 = vector.shape_cast %select_n3A_1109 : vector<1x64xf32> to vector<1x1x64xf32>
    %reduce_sum3A_1111 = arith.constant dense<0.000000e+00> : vector<1xf32>
    %reduce_sum3A_1112 = vector.multi_reduction <add>, %reduce_sum3A_1110, %reduce_sum3A_1111 [1, 2] : vector<1x1x64xf32> to vector<1xf32>
    %reduce_sum3A_1113 = vector.shape_cast %reduce_sum3A_1112 : vector<1xf32> to vector<1x1x1xf32>
    %reduce_sum3A_1114 = vector.extract %reduce_sum3A_1113[0, 0, 0] : f32 from vector<1x1x1xf32>
    %eq3A_1115 = vector.broadcast %select_n3A_1100 : i32 to vector<128x128xi32>
    %eq3A_1116 = arith.cmpi eq, %iota3A, %eq3A_1115 : vector<128x128xi32>
    %get3A_1117 = arith.constant 0 : index
    %get3A_1118 = arith.constant 0 : index
    %get3A_1119 = vector.load %arg26[%get3A_1117, %get3A_1118] : memref<128x128xf32, #tpu.memory_space<vmem>>, vector<128x128xf32>
    %jit3A_1120 = arith.constant 0.000000e+00 : f32
    %broadcast_in_dim3A_1121 = vector.broadcast %jit3A_1120 : f32 to vector<128x128xf32>
    %select_n3A_1122 = arith.select %eq3A_1116, %get3A_1119, %broadcast_in_dim3A_1121 : vector<128x128xi1>, vector<128x128xf32>
    %mul3A_1123 = vector.broadcast %reduce_sum3A_1114 : f32 to vector<128x128xf32>
    %mul3A_1124 = arith.mulf %select_n3A_1122, %mul3A_1123 : vector<128x128xf32>
    %add3A_1125 = arith.addf %add3A_1078, %mul3A_1124 : vector<128x128xf32>
    %mul3A_1126 = arith.constant 32 : i32
    %mul3A_1127 = arith.muli %arg0, %mul3A_1126 : i32
    %add3A_1128 = arith.constant 24 : i32
    %add3A_1129 = arith.addi %mul3A_1127, %add3A_1128 : i32
    %get3A_1130 = arith.index_cast %add3A_1129 : i32 to index
    %get3A_1131 = memref.load %arg1[%get3A_1130] : memref<64xi32, #tpu.memory_space<smem>>
    %jit3A_1132 = arith.constant 128 : i32
    %eq3A_1133 = arith.constant 0 : i32
    %eq3A_1134 = arith.cmpi eq, %jit3A_1132, %eq3A_1133 : i32
    %jit3A_1135 = arith.constant 1 : i32
    %select_n3A_1136 = arith.select %eq3A_1134, %jit3A_1135, %jit3A_1132 : i32
    %rem3A_1137 = arith.remsi %get3A_1131, %select_n3A_1136 : i32
    %ne3A_1138 = arith.constant 0 : i32
    %ne3A_1139 = arith.cmpi ne, %rem3A_1137, %ne3A_1138 : i32
    %lt3A_1140 = arith.constant 0 : i32
    %lt3A_1141 = arith.cmpi slt, %rem3A_1137, %lt3A_1140 : i32
    %lt3A_1142 = arith.constant 0 : i32
    %lt3A_1143 = arith.cmpi slt, %select_n3A_1136, %lt3A_1142 : i32
    %ne3A_1144 = arith.xori %lt3A_1141, %lt3A_1143 : i1
    %and3A_1145 = arith.andi %ne3A_1144, %ne3A_1139 : i1
    %add3A_1146 = arith.addi %rem3A_1137, %select_n3A_1136 : i32
    %select_n3A_1147 = arith.select %and3A_1145, %add3A_1146, %rem3A_1137 : i32
    %mul3A_1148 = arith.constant 32 : i32
    %mul3A_1149 = arith.muli %arg0, %mul3A_1148 : i32
    %add3A_1150 = arith.constant 24 : i32
    %add3A_1151 = arith.addi %mul3A_1149, %add3A_1150 : i32
    %eq3A_1152 = vector.broadcast %add3A_1151 : i32 to vector<1x64xi32>
    %eq3A_1153 = arith.cmpi eq, %iota3A_2, %eq3A_1152 : vector<1x64xi32>
    %jit3A_1154 = arith.constant 0.000000e+00 : f32
    %broadcast_in_dim3A_1155 = vector.broadcast %jit3A_1154 : f32 to vector<1x64xf32>
    %select_n3A_1156 = arith.select %eq3A_1153, %get3A_7, %broadcast_in_dim3A_1155 : vector<1x64xi1>, vector<1x64xf32>
    %reduce_sum3A_1157 = vector.shape_cast %select_n3A_1156 : vector<1x64xf32> to vector<1x1x64xf32>
    %reduce_sum3A_1158 = arith.constant dense<0.000000e+00> : vector<1xf32>
    %reduce_sum3A_1159 = vector.multi_reduction <add>, %reduce_sum3A_1157, %reduce_sum3A_1158 [1, 2] : vector<1x1x64xf32> to vector<1xf32>
    %reduce_sum3A_1160 = vector.shape_cast %reduce_sum3A_1159 : vector<1xf32> to vector<1x1x1xf32>
    %reduce_sum3A_1161 = vector.extract %reduce_sum3A_1160[0, 0, 0] : f32 from vector<1x1x1xf32>
    %eq3A_1162 = vector.broadcast %select_n3A_1147 : i32 to vector<128x128xi32>
    %eq3A_1163 = arith.cmpi eq, %iota3A, %eq3A_1162 : vector<128x128xi32>
    %get3A_1164 = arith.constant 0 : index
    %get3A_1165 = arith.constant 0 : index
    %get3A_1166 = vector.load %arg27[%get3A_1164, %get3A_1165] : memref<128x128xf32, #tpu.memory_space<vmem>>, vector<128x128xf32>
    %jit3A_1167 = arith.constant 0.000000e+00 : f32
    %broadcast_in_dim3A_1168 = vector.broadcast %jit3A_1167 : f32 to vector<128x128xf32>
    %select_n3A_1169 = arith.select %eq3A_1163, %get3A_1166, %broadcast_in_dim3A_1168 : vector<128x128xi1>, vector<128x128xf32>
    %mul3A_1170 = vector.broadcast %reduce_sum3A_1161 : f32 to vector<128x128xf32>
    %mul3A_1171 = arith.mulf %select_n3A_1169, %mul3A_1170 : vector<128x128xf32>
    %add3A_1172 = arith.addf %add3A_1125, %mul3A_1171 : vector<128x128xf32>
    %mul3A_1173 = arith.constant 32 : i32
    %mul3A_1174 = arith.muli %arg0, %mul3A_1173 : i32
    %add3A_1175 = arith.constant 25 : i32
    %add3A_1176 = arith.addi %mul3A_1174, %add3A_1175 : i32
    %get3A_1177 = arith.index_cast %add3A_1176 : i32 to index
    %get3A_1178 = memref.load %arg1[%get3A_1177] : memref<64xi32, #tpu.memory_space<smem>>
    %jit3A_1179 = arith.constant 128 : i32
    %eq3A_1180 = arith.constant 0 : i32
    %eq3A_1181 = arith.cmpi eq, %jit3A_1179, %eq3A_1180 : i32
    %jit3A_1182 = arith.constant 1 : i32
    %select_n3A_1183 = arith.select %eq3A_1181, %jit3A_1182, %jit3A_1179 : i32
    %rem3A_1184 = arith.remsi %get3A_1178, %select_n3A_1183 : i32
    %ne3A_1185 = arith.constant 0 : i32
    %ne3A_1186 = arith.cmpi ne, %rem3A_1184, %ne3A_1185 : i32
    %lt3A_1187 = arith.constant 0 : i32
    %lt3A_1188 = arith.cmpi slt, %rem3A_1184, %lt3A_1187 : i32
    %lt3A_1189 = arith.constant 0 : i32
    %lt3A_1190 = arith.cmpi slt, %select_n3A_1183, %lt3A_1189 : i32
    %ne3A_1191 = arith.xori %lt3A_1188, %lt3A_1190 : i1
    %and3A_1192 = arith.andi %ne3A_1191, %ne3A_1186 : i1
    %add3A_1193 = arith.addi %rem3A_1184, %select_n3A_1183 : i32
    %select_n3A_1194 = arith.select %and3A_1192, %add3A_1193, %rem3A_1184 : i32
    %mul3A_1195 = arith.constant 32 : i32
    %mul3A_1196 = arith.muli %arg0, %mul3A_1195 : i32
    %add3A_1197 = arith.constant 25 : i32
    %add3A_1198 = arith.addi %mul3A_1196, %add3A_1197 : i32
    %eq3A_1199 = vector.broadcast %add3A_1198 : i32 to vector<1x64xi32>
    %eq3A_1200 = arith.cmpi eq, %iota3A_2, %eq3A_1199 : vector<1x64xi32>
    %jit3A_1201 = arith.constant 0.000000e+00 : f32
    %broadcast_in_dim3A_1202 = vector.broadcast %jit3A_1201 : f32 to vector<1x64xf32>
    %select_n3A_1203 = arith.select %eq3A_1200, %get3A_7, %broadcast_in_dim3A_1202 : vector<1x64xi1>, vector<1x64xf32>
    %reduce_sum3A_1204 = vector.shape_cast %select_n3A_1203 : vector<1x64xf32> to vector<1x1x64xf32>
    %reduce_sum3A_1205 = arith.constant dense<0.000000e+00> : vector<1xf32>
    %reduce_sum3A_1206 = vector.multi_reduction <add>, %reduce_sum3A_1204, %reduce_sum3A_1205 [1, 2] : vector<1x1x64xf32> to vector<1xf32>
    %reduce_sum3A_1207 = vector.shape_cast %reduce_sum3A_1206 : vector<1xf32> to vector<1x1x1xf32>
    %reduce_sum3A_1208 = vector.extract %reduce_sum3A_1207[0, 0, 0] : f32 from vector<1x1x1xf32>
    %eq3A_1209 = vector.broadcast %select_n3A_1194 : i32 to vector<128x128xi32>
    %eq3A_1210 = arith.cmpi eq, %iota3A, %eq3A_1209 : vector<128x128xi32>
    %get3A_1211 = arith.constant 0 : index
    %get3A_1212 = arith.constant 0 : index
    %get3A_1213 = vector.load %arg28[%get3A_1211, %get3A_1212] : memref<128x128xf32, #tpu.memory_space<vmem>>, vector<128x128xf32>
    %jit3A_1214 = arith.constant 0.000000e+00 : f32
    %broadcast_in_dim3A_1215 = vector.broadcast %jit3A_1214 : f32 to vector<128x128xf32>
    %select_n3A_1216 = arith.select %eq3A_1210, %get3A_1213, %broadcast_in_dim3A_1215 : vector<128x128xi1>, vector<128x128xf32>
    %mul3A_1217 = vector.broadcast %reduce_sum3A_1208 : f32 to vector<128x128xf32>
    %mul3A_1218 = arith.mulf %select_n3A_1216, %mul3A_1217 : vector<128x128xf32>
    %add3A_1219 = arith.addf %add3A_1172, %mul3A_1218 : vector<128x128xf32>
    %mul3A_1220 = arith.constant 32 : i32
    %mul3A_1221 = arith.muli %arg0, %mul3A_1220 : i32
    %add3A_1222 = arith.constant 26 : i32
    %add3A_1223 = arith.addi %mul3A_1221, %add3A_1222 : i32
    %get3A_1224 = arith.index_cast %add3A_1223 : i32 to index
    %get3A_1225 = memref.load %arg1[%get3A_1224] : memref<64xi32, #tpu.memory_space<smem>>
    %jit3A_1226 = arith.constant 128 : i32
    %eq3A_1227 = arith.constant 0 : i32
    %eq3A_1228 = arith.cmpi eq, %jit3A_1226, %eq3A_1227 : i32
    %jit3A_1229 = arith.constant 1 : i32
    %select_n3A_1230 = arith.select %eq3A_1228, %jit3A_1229, %jit3A_1226 : i32
    %rem3A_1231 = arith.remsi %get3A_1225, %select_n3A_1230 : i32
    %ne3A_1232 = arith.constant 0 : i32
    %ne3A_1233 = arith.cmpi ne, %rem3A_1231, %ne3A_1232 : i32
    %lt3A_1234 = arith.constant 0 : i32
    %lt3A_1235 = arith.cmpi slt, %rem3A_1231, %lt3A_1234 : i32
    %lt3A_1236 = arith.constant 0 : i32
    %lt3A_1237 = arith.cmpi slt, %select_n3A_1230, %lt3A_1236 : i32
    %ne3A_1238 = arith.xori %lt3A_1235, %lt3A_1237 : i1
    %and3A_1239 = arith.andi %ne3A_1238, %ne3A_1233 : i1
    %add3A_1240 = arith.addi %rem3A_1231, %select_n3A_1230 : i32
    %select_n3A_1241 = arith.select %and3A_1239, %add3A_1240, %rem3A_1231 : i32
    %mul3A_1242 = arith.constant 32 : i32
    %mul3A_1243 = arith.muli %arg0, %mul3A_1242 : i32
    %add3A_1244 = arith.constant 26 : i32
    %add3A_1245 = arith.addi %mul3A_1243, %add3A_1244 : i32
    %eq3A_1246 = vector.broadcast %add3A_1245 : i32 to vector<1x64xi32>
    %eq3A_1247 = arith.cmpi eq, %iota3A_2, %eq3A_1246 : vector<1x64xi32>
    %jit3A_1248 = arith.constant 0.000000e+00 : f32
    %broadcast_in_dim3A_1249 = vector.broadcast %jit3A_1248 : f32 to vector<1x64xf32>
    %select_n3A_1250 = arith.select %eq3A_1247, %get3A_7, %broadcast_in_dim3A_1249 : vector<1x64xi1>, vector<1x64xf32>
    %reduce_sum3A_1251 = vector.shape_cast %select_n3A_1250 : vector<1x64xf32> to vector<1x1x64xf32>
    %reduce_sum3A_1252 = arith.constant dense<0.000000e+00> : vector<1xf32>
    %reduce_sum3A_1253 = vector.multi_reduction <add>, %reduce_sum3A_1251, %reduce_sum3A_1252 [1, 2] : vector<1x1x64xf32> to vector<1xf32>
    %reduce_sum3A_1254 = vector.shape_cast %reduce_sum3A_1253 : vector<1xf32> to vector<1x1x1xf32>
    %reduce_sum3A_1255 = vector.extract %reduce_sum3A_1254[0, 0, 0] : f32 from vector<1x1x1xf32>
    %eq3A_1256 = vector.broadcast %select_n3A_1241 : i32 to vector<128x128xi32>
    %eq3A_1257 = arith.cmpi eq, %iota3A, %eq3A_1256 : vector<128x128xi32>
    %get3A_1258 = arith.constant 0 : index
    %get3A_1259 = arith.constant 0 : index
    %get3A_1260 = vector.load %arg29[%get3A_1258, %get3A_1259] : memref<128x128xf32, #tpu.memory_space<vmem>>, vector<128x128xf32>
    %jit3A_1261 = arith.constant 0.000000e+00 : f32
    %broadcast_in_dim3A_1262 = vector.broadcast %jit3A_1261 : f32 to vector<128x128xf32>
    %select_n3A_1263 = arith.select %eq3A_1257, %get3A_1260, %broadcast_in_dim3A_1262 : vector<128x128xi1>, vector<128x128xf32>
    %mul3A_1264 = vector.broadcast %reduce_sum3A_1255 : f32 to vector<128x128xf32>
    %mul3A_1265 = arith.mulf %select_n3A_1263, %mul3A_1264 : vector<128x128xf32>
    %add3A_1266 = arith.addf %add3A_1219, %mul3A_1265 : vector<128x128xf32>
    %mul3A_1267 = arith.constant 32 : i32
    %mul3A_1268 = arith.muli %arg0, %mul3A_1267 : i32
    %add3A_1269 = arith.constant 27 : i32
    %add3A_1270 = arith.addi %mul3A_1268, %add3A_1269 : i32
    %get3A_1271 = arith.index_cast %add3A_1270 : i32 to index
    %get3A_1272 = memref.load %arg1[%get3A_1271] : memref<64xi32, #tpu.memory_space<smem>>
    %jit3A_1273 = arith.constant 128 : i32
    %eq3A_1274 = arith.constant 0 : i32
    %eq3A_1275 = arith.cmpi eq, %jit3A_1273, %eq3A_1274 : i32
    %jit3A_1276 = arith.constant 1 : i32
    %select_n3A_1277 = arith.select %eq3A_1275, %jit3A_1276, %jit3A_1273 : i32
    %rem3A_1278 = arith.remsi %get3A_1272, %select_n3A_1277 : i32
    %ne3A_1279 = arith.constant 0 : i32
    %ne3A_1280 = arith.cmpi ne, %rem3A_1278, %ne3A_1279 : i32
    %lt3A_1281 = arith.constant 0 : i32
    %lt3A_1282 = arith.cmpi slt, %rem3A_1278, %lt3A_1281 : i32
    %lt3A_1283 = arith.constant 0 : i32
    %lt3A_1284 = arith.cmpi slt, %select_n3A_1277, %lt3A_1283 : i32
    %ne3A_1285 = arith.xori %lt3A_1282, %lt3A_1284 : i1
    %and3A_1286 = arith.andi %ne3A_1285, %ne3A_1280 : i1
    %add3A_1287 = arith.addi %rem3A_1278, %select_n3A_1277 : i32
    %select_n3A_1288 = arith.select %and3A_1286, %add3A_1287, %rem3A_1278 : i32
    %mul3A_1289 = arith.constant 32 : i32
    %mul3A_1290 = arith.muli %arg0, %mul3A_1289 : i32
    %add3A_1291 = arith.constant 27 : i32
    %add3A_1292 = arith.addi %mul3A_1290, %add3A_1291 : i32
    %eq3A_1293 = vector.broadcast %add3A_1292 : i32 to vector<1x64xi32>
    %eq3A_1294 = arith.cmpi eq, %iota3A_2, %eq3A_1293 : vector<1x64xi32>
    %jit3A_1295 = arith.constant 0.000000e+00 : f32
    %broadcast_in_dim3A_1296 = vector.broadcast %jit3A_1295 : f32 to vector<1x64xf32>
    %select_n3A_1297 = arith.select %eq3A_1294, %get3A_7, %broadcast_in_dim3A_1296 : vector<1x64xi1>, vector<1x64xf32>
    %reduce_sum3A_1298 = vector.shape_cast %select_n3A_1297 : vector<1x64xf32> to vector<1x1x64xf32>
    %reduce_sum3A_1299 = arith.constant dense<0.000000e+00> : vector<1xf32>
    %reduce_sum3A_1300 = vector.multi_reduction <add>, %reduce_sum3A_1298, %reduce_sum3A_1299 [1, 2] : vector<1x1x64xf32> to vector<1xf32>
    %reduce_sum3A_1301 = vector.shape_cast %reduce_sum3A_1300 : vector<1xf32> to vector<1x1x1xf32>
    %reduce_sum3A_1302 = vector.extract %reduce_sum3A_1301[0, 0, 0] : f32 from vector<1x1x1xf32>
    %eq3A_1303 = vector.broadcast %select_n3A_1288 : i32 to vector<128x128xi32>
    %eq3A_1304 = arith.cmpi eq, %iota3A, %eq3A_1303 : vector<128x128xi32>
    %get3A_1305 = arith.constant 0 : index
    %get3A_1306 = arith.constant 0 : index
    %get3A_1307 = vector.load %arg30[%get3A_1305, %get3A_1306] : memref<128x128xf32, #tpu.memory_space<vmem>>, vector<128x128xf32>
    %jit3A_1308 = arith.constant 0.000000e+00 : f32
    %broadcast_in_dim3A_1309 = vector.broadcast %jit3A_1308 : f32 to vector<128x128xf32>
    %select_n3A_1310 = arith.select %eq3A_1304, %get3A_1307, %broadcast_in_dim3A_1309 : vector<128x128xi1>, vector<128x128xf32>
    %mul3A_1311 = vector.broadcast %reduce_sum3A_1302 : f32 to vector<128x128xf32>
    %mul3A_1312 = arith.mulf %select_n3A_1310, %mul3A_1311 : vector<128x128xf32>
    %add3A_1313 = arith.addf %add3A_1266, %mul3A_1312 : vector<128x128xf32>
    %mul3A_1314 = arith.constant 32 : i32
    %mul3A_1315 = arith.muli %arg0, %mul3A_1314 : i32
    %add3A_1316 = arith.constant 28 : i32
    %add3A_1317 = arith.addi %mul3A_1315, %add3A_1316 : i32
    %get3A_1318 = arith.index_cast %add3A_1317 : i32 to index
    %get3A_1319 = memref.load %arg1[%get3A_1318] : memref<64xi32, #tpu.memory_space<smem>>
    %jit3A_1320 = arith.constant 128 : i32
    %eq3A_1321 = arith.constant 0 : i32
    %eq3A_1322 = arith.cmpi eq, %jit3A_1320, %eq3A_1321 : i32
    %jit3A_1323 = arith.constant 1 : i32
    %select_n3A_1324 = arith.select %eq3A_1322, %jit3A_1323, %jit3A_1320 : i32
    %rem3A_1325 = arith.remsi %get3A_1319, %select_n3A_1324 : i32
    %ne3A_1326 = arith.constant 0 : i32
    %ne3A_1327 = arith.cmpi ne, %rem3A_1325, %ne3A_1326 : i32
    %lt3A_1328 = arith.constant 0 : i32
    %lt3A_1329 = arith.cmpi slt, %rem3A_1325, %lt3A_1328 : i32
    %lt3A_1330 = arith.constant 0 : i32
    %lt3A_1331 = arith.cmpi slt, %select_n3A_1324, %lt3A_1330 : i32
    %ne3A_1332 = arith.xori %lt3A_1329, %lt3A_1331 : i1
    %and3A_1333 = arith.andi %ne3A_1332, %ne3A_1327 : i1
    %add3A_1334 = arith.addi %rem3A_1325, %select_n3A_1324 : i32
    %select_n3A_1335 = arith.select %and3A_1333, %add3A_1334, %rem3A_1325 : i32
    %mul3A_1336 = arith.constant 32 : i32
    %mul3A_1337 = arith.muli %arg0, %mul3A_1336 : i32
    %add3A_1338 = arith.constant 28 : i32
    %add3A_1339 = arith.addi %mul3A_1337, %add3A_1338 : i32
    %eq3A_1340 = vector.broadcast %add3A_1339 : i32 to vector<1x64xi32>
    %eq3A_1341 = arith.cmpi eq, %iota3A_2, %eq3A_1340 : vector<1x64xi32>
    %jit3A_1342 = arith.constant 0.000000e+00 : f32
    %broadcast_in_dim3A_1343 = vector.broadcast %jit3A_1342 : f32 to vector<1x64xf32>
    %select_n3A_1344 = arith.select %eq3A_1341, %get3A_7, %broadcast_in_dim3A_1343 : vector<1x64xi1>, vector<1x64xf32>
    %reduce_sum3A_1345 = vector.shape_cast %select_n3A_1344 : vector<1x64xf32> to vector<1x1x64xf32>
    %reduce_sum3A_1346 = arith.constant dense<0.000000e+00> : vector<1xf32>
    %reduce_sum3A_1347 = vector.multi_reduction <add>, %reduce_sum3A_1345, %reduce_sum3A_1346 [1, 2] : vector<1x1x64xf32> to vector<1xf32>
    %reduce_sum3A_1348 = vector.shape_cast %reduce_sum3A_1347 : vector<1xf32> to vector<1x1x1xf32>
    %reduce_sum3A_1349 = vector.extract %reduce_sum3A_1348[0, 0, 0] : f32 from vector<1x1x1xf32>
    %eq3A_1350 = vector.broadcast %select_n3A_1335 : i32 to vector<128x128xi32>
    %eq3A_1351 = arith.cmpi eq, %iota3A, %eq3A_1350 : vector<128x128xi32>
    %get3A_1352 = arith.constant 0 : index
    %get3A_1353 = arith.constant 0 : index
    %get3A_1354 = vector.load %arg31[%get3A_1352, %get3A_1353] : memref<128x128xf32, #tpu.memory_space<vmem>>, vector<128x128xf32>
    %jit3A_1355 = arith.constant 0.000000e+00 : f32
    %broadcast_in_dim3A_1356 = vector.broadcast %jit3A_1355 : f32 to vector<128x128xf32>
    %select_n3A_1357 = arith.select %eq3A_1351, %get3A_1354, %broadcast_in_dim3A_1356 : vector<128x128xi1>, vector<128x128xf32>
    %mul3A_1358 = vector.broadcast %reduce_sum3A_1349 : f32 to vector<128x128xf32>
    %mul3A_1359 = arith.mulf %select_n3A_1357, %mul3A_1358 : vector<128x128xf32>
    %add3A_1360 = arith.addf %add3A_1313, %mul3A_1359 : vector<128x128xf32>
    %mul3A_1361 = arith.constant 32 : i32
    %mul3A_1362 = arith.muli %arg0, %mul3A_1361 : i32
    %add3A_1363 = arith.constant 29 : i32
    %add3A_1364 = arith.addi %mul3A_1362, %add3A_1363 : i32
    %get3A_1365 = arith.index_cast %add3A_1364 : i32 to index
    %get3A_1366 = memref.load %arg1[%get3A_1365] : memref<64xi32, #tpu.memory_space<smem>>
    %jit3A_1367 = arith.constant 128 : i32
    %eq3A_1368 = arith.constant 0 : i32
    %eq3A_1369 = arith.cmpi eq, %jit3A_1367, %eq3A_1368 : i32
    %jit3A_1370 = arith.constant 1 : i32
    %select_n3A_1371 = arith.select %eq3A_1369, %jit3A_1370, %jit3A_1367 : i32
    %rem3A_1372 = arith.remsi %get3A_1366, %select_n3A_1371 : i32
    %ne3A_1373 = arith.constant 0 : i32
    %ne3A_1374 = arith.cmpi ne, %rem3A_1372, %ne3A_1373 : i32
    %lt3A_1375 = arith.constant 0 : i32
    %lt3A_1376 = arith.cmpi slt, %rem3A_1372, %lt3A_1375 : i32
    %lt3A_1377 = arith.constant 0 : i32
    %lt3A_1378 = arith.cmpi slt, %select_n3A_1371, %lt3A_1377 : i32
    %ne3A_1379 = arith.xori %lt3A_1376, %lt3A_1378 : i1
    %and3A_1380 = arith.andi %ne3A_1379, %ne3A_1374 : i1
    %add3A_1381 = arith.addi %rem3A_1372, %select_n3A_1371 : i32
    %select_n3A_1382 = arith.select %and3A_1380, %add3A_1381, %rem3A_1372 : i32
    %mul3A_1383 = arith.constant 32 : i32
    %mul3A_1384 = arith.muli %arg0, %mul3A_1383 : i32
    %add3A_1385 = arith.constant 29 : i32
    %add3A_1386 = arith.addi %mul3A_1384, %add3A_1385 : i32
    %eq3A_1387 = vector.broadcast %add3A_1386 : i32 to vector<1x64xi32>
    %eq3A_1388 = arith.cmpi eq, %iota3A_2, %eq3A_1387 : vector<1x64xi32>
    %jit3A_1389 = arith.constant 0.000000e+00 : f32
    %broadcast_in_dim3A_1390 = vector.broadcast %jit3A_1389 : f32 to vector<1x64xf32>
    %select_n3A_1391 = arith.select %eq3A_1388, %get3A_7, %broadcast_in_dim3A_1390 : vector<1x64xi1>, vector<1x64xf32>
    %reduce_sum3A_1392 = vector.shape_cast %select_n3A_1391 : vector<1x64xf32> to vector<1x1x64xf32>
    %reduce_sum3A_1393 = arith.constant dense<0.000000e+00> : vector<1xf32>
    %reduce_sum3A_1394 = vector.multi_reduction <add>, %reduce_sum3A_1392, %reduce_sum3A_1393 [1, 2] : vector<1x1x64xf32> to vector<1xf32>
    %reduce_sum3A_1395 = vector.shape_cast %reduce_sum3A_1394 : vector<1xf32> to vector<1x1x1xf32>
    %reduce_sum3A_1396 = vector.extract %reduce_sum3A_1395[0, 0, 0] : f32 from vector<1x1x1xf32>
    %eq3A_1397 = vector.broadcast %select_n3A_1382 : i32 to vector<128x128xi32>
    %eq3A_1398 = arith.cmpi eq, %iota3A, %eq3A_1397 : vector<128x128xi32>
    %get3A_1399 = arith.constant 0 : index
    %get3A_1400 = arith.constant 0 : index
    %get3A_1401 = vector.load %arg32[%get3A_1399, %get3A_1400] : memref<128x128xf32, #tpu.memory_space<vmem>>, vector<128x128xf32>
    %jit3A_1402 = arith.constant 0.000000e+00 : f32
    %broadcast_in_dim3A_1403 = vector.broadcast %jit3A_1402 : f32 to vector<128x128xf32>
    %select_n3A_1404 = arith.select %eq3A_1398, %get3A_1401, %broadcast_in_dim3A_1403 : vector<128x128xi1>, vector<128x128xf32>
    %mul3A_1405 = vector.broadcast %reduce_sum3A_1396 : f32 to vector<128x128xf32>
    %mul3A_1406 = arith.mulf %select_n3A_1404, %mul3A_1405 : vector<128x128xf32>
    %add3A_1407 = arith.addf %add3A_1360, %mul3A_1406 : vector<128x128xf32>
    %mul3A_1408 = arith.constant 32 : i32
    %mul3A_1409 = arith.muli %arg0, %mul3A_1408 : i32
    %add3A_1410 = arith.constant 30 : i32
    %add3A_1411 = arith.addi %mul3A_1409, %add3A_1410 : i32
    %get3A_1412 = arith.index_cast %add3A_1411 : i32 to index
    %get3A_1413 = memref.load %arg1[%get3A_1412] : memref<64xi32, #tpu.memory_space<smem>>
    %jit3A_1414 = arith.constant 128 : i32
    %eq3A_1415 = arith.constant 0 : i32
    %eq3A_1416 = arith.cmpi eq, %jit3A_1414, %eq3A_1415 : i32
    %jit3A_1417 = arith.constant 1 : i32
    %select_n3A_1418 = arith.select %eq3A_1416, %jit3A_1417, %jit3A_1414 : i32
    %rem3A_1419 = arith.remsi %get3A_1413, %select_n3A_1418 : i32
    %ne3A_1420 = arith.constant 0 : i32
    %ne3A_1421 = arith.cmpi ne, %rem3A_1419, %ne3A_1420 : i32
    %lt3A_1422 = arith.constant 0 : i32
    %lt3A_1423 = arith.cmpi slt, %rem3A_1419, %lt3A_1422 : i32
    %lt3A_1424 = arith.constant 0 : i32
    %lt3A_1425 = arith.cmpi slt, %select_n3A_1418, %lt3A_1424 : i32
    %ne3A_1426 = arith.xori %lt3A_1423, %lt3A_1425 : i1
    %and3A_1427 = arith.andi %ne3A_1426, %ne3A_1421 : i1
    %add3A_1428 = arith.addi %rem3A_1419, %select_n3A_1418 : i32
    %select_n3A_1429 = arith.select %and3A_1427, %add3A_1428, %rem3A_1419 : i32
    %mul3A_1430 = arith.constant 32 : i32
    %mul3A_1431 = arith.muli %arg0, %mul3A_1430 : i32
    %add3A_1432 = arith.constant 30 : i32
    %add3A_1433 = arith.addi %mul3A_1431, %add3A_1432 : i32
    %eq3A_1434 = vector.broadcast %add3A_1433 : i32 to vector<1x64xi32>
    %eq3A_1435 = arith.cmpi eq, %iota3A_2, %eq3A_1434 : vector<1x64xi32>
    %jit3A_1436 = arith.constant 0.000000e+00 : f32
    %broadcast_in_dim3A_1437 = vector.broadcast %jit3A_1436 : f32 to vector<1x64xf32>
    %select_n3A_1438 = arith.select %eq3A_1435, %get3A_7, %broadcast_in_dim3A_1437 : vector<1x64xi1>, vector<1x64xf32>
    %reduce_sum3A_1439 = vector.shape_cast %select_n3A_1438 : vector<1x64xf32> to vector<1x1x64xf32>
    %reduce_sum3A_1440 = arith.constant dense<0.000000e+00> : vector<1xf32>
    %reduce_sum3A_1441 = vector.multi_reduction <add>, %reduce_sum3A_1439, %reduce_sum3A_1440 [1, 2] : vector<1x1x64xf32> to vector<1xf32>
    %reduce_sum3A_1442 = vector.shape_cast %reduce_sum3A_1441 : vector<1xf32> to vector<1x1x1xf32>
    %reduce_sum3A_1443 = vector.extract %reduce_sum3A_1442[0, 0, 0] : f32 from vector<1x1x1xf32>
    %eq3A_1444 = vector.broadcast %select_n3A_1429 : i32 to vector<128x128xi32>
    %eq3A_1445 = arith.cmpi eq, %iota3A, %eq3A_1444 : vector<128x128xi32>
    %get3A_1446 = arith.constant 0 : index
    %get3A_1447 = arith.constant 0 : index
    %get3A_1448 = vector.load %arg33[%get3A_1446, %get3A_1447] : memref<128x128xf32, #tpu.memory_space<vmem>>, vector<128x128xf32>
    %jit3A_1449 = arith.constant 0.000000e+00 : f32
    %broadcast_in_dim3A_1450 = vector.broadcast %jit3A_1449 : f32 to vector<128x128xf32>
    %select_n3A_1451 = arith.select %eq3A_1445, %get3A_1448, %broadcast_in_dim3A_1450 : vector<128x128xi1>, vector<128x128xf32>
    %mul3A_1452 = vector.broadcast %reduce_sum3A_1443 : f32 to vector<128x128xf32>
    %mul3A_1453 = arith.mulf %select_n3A_1451, %mul3A_1452 : vector<128x128xf32>
    %add3A_1454 = arith.addf %add3A_1407, %mul3A_1453 : vector<128x128xf32>
    %mul3A_1455 = arith.constant 32 : i32
    %mul3A_1456 = arith.muli %arg0, %mul3A_1455 : i32
    %add3A_1457 = arith.constant 31 : i32
    %add3A_1458 = arith.addi %mul3A_1456, %add3A_1457 : i32
    %get3A_1459 = arith.index_cast %add3A_1458 : i32 to index
    %get3A_1460 = memref.load %arg1[%get3A_1459] : memref<64xi32, #tpu.memory_space<smem>>
    %jit3A_1461 = arith.constant 128 : i32
    %eq3A_1462 = arith.constant 0 : i32
    %eq3A_1463 = arith.cmpi eq, %jit3A_1461, %eq3A_1462 : i32
    %jit3A_1464 = arith.constant 1 : i32
    %select_n3A_1465 = arith.select %eq3A_1463, %jit3A_1464, %jit3A_1461 : i32
    %rem3A_1466 = arith.remsi %get3A_1460, %select_n3A_1465 : i32
    %ne3A_1467 = arith.constant 0 : i32
    %ne3A_1468 = arith.cmpi ne, %rem3A_1466, %ne3A_1467 : i32
    %lt3A_1469 = arith.constant 0 : i32
    %lt3A_1470 = arith.cmpi slt, %rem3A_1466, %lt3A_1469 : i32
    %lt3A_1471 = arith.constant 0 : i32
    %lt3A_1472 = arith.cmpi slt, %select_n3A_1465, %lt3A_1471 : i32
    %ne3A_1473 = arith.xori %lt3A_1470, %lt3A_1472 : i1
    %and3A_1474 = arith.andi %ne3A_1473, %ne3A_1468 : i1
    %add3A_1475 = arith.addi %rem3A_1466, %select_n3A_1465 : i32
    %select_n3A_1476 = arith.select %and3A_1474, %add3A_1475, %rem3A_1466 : i32
    %mul3A_1477 = arith.constant 32 : i32
    %mul3A_1478 = arith.muli %arg0, %mul3A_1477 : i32
    %add3A_1479 = arith.constant 31 : i32
    %add3A_1480 = arith.addi %mul3A_1478, %add3A_1479 : i32
    %eq3A_1481 = vector.broadcast %add3A_1480 : i32 to vector<1x64xi32>
    %eq3A_1482 = arith.cmpi eq, %iota3A_2, %eq3A_1481 : vector<1x64xi32>
    %jit3A_1483 = arith.constant 0.000000e+00 : f32
    %broadcast_in_dim3A_1484 = vector.broadcast %jit3A_1483 : f32 to vector<1x64xf32>
    %select_n3A_1485 = arith.select %eq3A_1482, %get3A_7, %broadcast_in_dim3A_1484 : vector<1x64xi1>, vector<1x64xf32>
    %reduce_sum3A_1486 = vector.shape_cast %select_n3A_1485 : vector<1x64xf32> to vector<1x1x64xf32>
    %reduce_sum3A_1487 = arith.constant dense<0.000000e+00> : vector<1xf32>
    %reduce_sum3A_1488 = vector.multi_reduction <add>, %reduce_sum3A_1486, %reduce_sum3A_1487 [1, 2] : vector<1x1x64xf32> to vector<1xf32>
    %reduce_sum3A_1489 = vector.shape_cast %reduce_sum3A_1488 : vector<1xf32> to vector<1x1x1xf32>
    %reduce_sum3A_1490 = vector.extract %reduce_sum3A_1489[0, 0, 0] : f32 from vector<1x1x1xf32>
    %eq3A_1491 = vector.broadcast %select_n3A_1476 : i32 to vector<128x128xi32>
    %eq3A_1492 = arith.cmpi eq, %iota3A, %eq3A_1491 : vector<128x128xi32>
    %get3A_1493 = arith.constant 0 : index
    %get3A_1494 = arith.constant 0 : index
    %get3A_1495 = vector.load %arg34[%get3A_1493, %get3A_1494] : memref<128x128xf32, #tpu.memory_space<vmem>>, vector<128x128xf32>
    %jit3A_1496 = arith.constant 0.000000e+00 : f32
    %broadcast_in_dim3A_1497 = vector.broadcast %jit3A_1496 : f32 to vector<128x128xf32>
    %select_n3A_1498 = arith.select %eq3A_1492, %get3A_1495, %broadcast_in_dim3A_1497 : vector<128x128xi1>, vector<128x128xf32>
    %mul3A_1499 = vector.broadcast %reduce_sum3A_1490 : f32 to vector<128x128xf32>
    %mul3A_1500 = arith.mulf %select_n3A_1498, %mul3A_1499 : vector<128x128xf32>
    %add3A_1501 = arith.addf %add3A_1454, %mul3A_1500 : vector<128x128xf32>
    %swap3A = arith.constant 0 : index
    %swap3A_1502 = arith.constant 0 : index
    %swap3A_1503 = vector.load %arg36[%swap3A, %swap3A_1502] : memref<128x128xf32, #tpu.memory_space<vmem>>, vector<128x128xf32>
    tpu.vector_store %arg36[%swap3A, %swap3A_1502], %add3A_1501 {strides = array<i32>} : memref<128x128xf32, #tpu.memory_space<vmem>>, vector<128x128xf32>,
    %eq3A_1504 = arith.constant 1 : i32
    %eq3A_1505 = arith.cmpi eq, %arg0, %eq3A_1504 : i32
    %convert_element_type3A_1506 = arith.extui %eq3A_1505 : i1 to i32
    %cond3A_1507 = arith.constant 0 : i32
    %cond3A_1508 = arith.cmpi ne, %convert_element_type3A_1506, %cond3A_1507 : i32
    scf.if %cond3A_1508 {
      %get3A_1509 = arith.constant 0 : index
      %get3A_1510 = arith.constant 0 : index
      %get3A_1511 = vector.load %arg36[%get3A_1509, %get3A_1510] : memref<128x128xf32, #tpu.memory_space<vmem>>, vector<128x128xf32>
      %reduce_sum3A_1512 = arith.constant dense<0.000000e+00> : vector<128xf32>
      %reduce_sum3A_1513 = vector.multi_reduction <add>, %get3A_1511, %reduce_sum3A_1512 [1] : vector<128x128xf32> to vector<128xf32>
      %broadcast_in_dim3A_1514 = vector.shape_cast %reduce_sum3A_1513 : vector<128xf32> to vector<128x1xf32>
      %add3A_1515 = arith.constant 1.000000e-10 : f32
      %add3A_1516 = vector.broadcast %add3A_1515 : f32 to vector<128x1xf32>
      %add3A_1517 = arith.addf %broadcast_in_dim3A_1514, %add3A_1516 : vector<128x1xf32>
      %log3A = math.log %add3A_1517 : vector<128x1xf32>
      %reduce_sum3A_1518 = vector.shape_cast %log3A : vector<128x1xf32> to vector<1x128x1xf32>
      %reduce_sum3A_1519 = arith.constant dense<0.000000e+00> : vector<1xf32>
      %reduce_sum3A_1520 = vector.multi_reduction <add>, %reduce_sum3A_1518, %reduce_sum3A_1519 [1, 2] : vector<1x128x1xf32> to vector<1xf32>
      %reduce_sum3A_1521 = vector.shape_cast %reduce_sum3A_1520 : vector<1xf32> to vector<1x1x1xf32>
      %reduce_sum3A_1522 = vector.extract %reduce_sum3A_1521[0, 0, 0] : f32 from vector<1x1x1xf32>
      %broadcast_in_dim3A_1523 = vector.broadcast %reduce_sum3A_1522 : f32 to vector<1x1xf32>
      %div3A = arith.constant 1.280000e+02 : f32
      %div3A_1524 = vector.broadcast %div3A : f32 to vector<1x1xf32>
      %div3A_1525 = arith.divf %broadcast_in_dim3A_1523, %div3A_1524 : vector<1x1xf32>
      %swap3A_1526 = arith.constant 0 : index
      %swap3A_1527 = arith.constant 0 : index
      %swap3A_1528 = vector.load %arg35[%swap3A_1526, %swap3A_1527] : memref<1x1xf32, #tpu.memory_space<vmem>>, vector<1x1xf32>
      tpu.vector_store %arg35[%swap3A_1526, %swap3A_1527], %div3A_1525 {strides = array<i32>} : memref<1x1xf32, #tpu.memory_space<vmem>>, vector<1x1xf32>,
    } else {
    }
    return
  }
  func.func @transform_0(%arg0: i32, %arg1: memref<64xi32, #tpu.memory_space<smem>>) -> (i32, i32) {
    %c0_i32 = arith.constant 0 : i32
    %c0_i32_0 = arith.constant 0 : i32
    %c0_i32_1 = arith.constant 0 : i32
    return %c0_i32, %c0_i32_0 : i32, i32
  }
  func.func @transform_1(%arg0: i32, %arg1: memref<64xi32, #tpu.memory_space<smem>>) -> (i32, i32) {
    %mul3A = arith.constant 32 : i32
    %mul3A_0 = arith.muli %arg0, %mul3A : i32
    %add3A = arith.constant 0 : i32
    %add3A_1 = arith.addi %mul3A_0, %add3A : i32
    %get3A = arith.index_cast %add3A_1 : i32 to index
    %get3A_2 = memref.load %arg1[%get3A] : memref<64xi32, #tpu.memory_space<smem>>
    %jit3A = arith.constant 128 : i32
    %div3A = arith.divsi %get3A_2, %jit3A : i32
    %sign3A = arith.constant 0 : i32
    %sign3A_3 = arith.cmpi sgt, %get3A_2, %sign3A : i32
    %sign3A_4 = arith.extui %sign3A_3 : i1 to i32
    %sign3A_5 = arith.constant 0 : i32
    %sign3A_6 = arith.cmpi slt, %get3A_2, %sign3A_5 : i32
    %sign3A_7 = arith.extui %sign3A_6 : i1 to i32
    %sign3A_8 = arith.subi %sign3A_4, %sign3A_7 : i32
    %sign3A_9 = arith.constant 0 : i32
    %sign3A_10 = arith.cmpi sgt, %jit3A, %sign3A_9 : i32
    %sign3A_11 = arith.extui %sign3A_10 : i1 to i32
    %sign3A_12 = arith.constant 0 : i32
    %sign3A_13 = arith.cmpi slt, %jit3A, %sign3A_12 : i32
    %sign3A_14 = arith.extui %sign3A_13 : i1 to i32
    %sign3A_15 = arith.subi %sign3A_11, %sign3A_14 : i32
    %ne3A = arith.cmpi ne, %sign3A_8, %sign3A_15 : i32
    %rem3A = arith.remsi %get3A_2, %jit3A : i32
    %ne3A_16 = arith.constant 0 : i32
    %ne3A_17 = arith.cmpi ne, %rem3A, %ne3A_16 : i32
    %and3A = arith.andi %ne3A, %ne3A_17 : i1
    %sub3A = arith.constant 1 : i32
    %sub3A_18 = arith.subi %div3A, %sub3A : i32
    %select_n3A = arith.select %and3A, %sub3A_18, %div3A : i32
    %c0_i32 = arith.constant 0 : i32
    %c0_i32_19 = arith.constant 0 : i32
    return %c0_i32, %select_n3A : i32, i32
  }
  func.func @transform_2(%arg0: i32, %arg1: memref<64xi32, #tpu.memory_space<smem>>) -> (i32, i32) {
    %mul3A = arith.constant 32 : i32
    %mul3A_0 = arith.muli %arg0, %mul3A : i32
    %add3A = arith.constant 1 : i32
    %add3A_1 = arith.addi %mul3A_0, %add3A : i32
    %get3A = arith.index_cast %add3A_1 : i32 to index
    %get3A_2 = memref.load %arg1[%get3A] : memref<64xi32, #tpu.memory_space<smem>>
    %jit3A = arith.constant 128 : i32
    %div3A = arith.divsi %get3A_2, %jit3A : i32
    %sign3A = arith.constant 0 : i32
    %sign3A_3 = arith.cmpi sgt, %get3A_2, %sign3A : i32
    %sign3A_4 = arith.extui %sign3A_3 : i1 to i32
    %sign3A_5 = arith.constant 0 : i32
    %sign3A_6 = arith.cmpi slt, %get3A_2, %sign3A_5 : i32
    %sign3A_7 = arith.extui %sign3A_6 : i1 to i32
    %sign3A_8 = arith.subi %sign3A_4, %sign3A_7 : i32
    %sign3A_9 = arith.constant 0 : i32
    %sign3A_10 = arith.cmpi sgt, %jit3A, %sign3A_9 : i32
    %sign3A_11 = arith.extui %sign3A_10 : i1 to i32
    %sign3A_12 = arith.constant 0 : i32
    %sign3A_13 = arith.cmpi slt, %jit3A, %sign3A_12 : i32
    %sign3A_14 = arith.extui %sign3A_13 : i1 to i32
    %sign3A_15 = arith.subi %sign3A_11, %sign3A_14 : i32
    %ne3A = arith.cmpi ne, %sign3A_8, %sign3A_15 : i32
    %rem3A = arith.remsi %get3A_2, %jit3A : i32
    %ne3A_16 = arith.constant 0 : i32
    %ne3A_17 = arith.cmpi ne, %rem3A, %ne3A_16 : i32
    %and3A = arith.andi %ne3A, %ne3A_17 : i1
    %sub3A = arith.constant 1 : i32
    %sub3A_18 = arith.subi %div3A, %sub3A : i32
    %select_n3A = arith.select %and3A, %sub3A_18, %div3A : i32
    %c0_i32 = arith.constant 0 : i32
    %c0_i32_19 = arith.constant 0 : i32
    return %c0_i32, %select_n3A : i32, i32
  }
  func.func @transform_3(%arg0: i32, %arg1: memref<64xi32, #tpu.memory_space<smem>>) -> (i32, i32) {
    %mul3A = arith.constant 32 : i32
    %mul3A_0 = arith.muli %arg0, %mul3A : i32
    %add3A = arith.constant 2 : i32
    %add3A_1 = arith.addi %mul3A_0, %add3A : i32
    %get3A = arith.index_cast %add3A_1 : i32 to index
    %get3A_2 = memref.load %arg1[%get3A] : memref<64xi32, #tpu.memory_space<smem>>
    %jit3A = arith.constant 128 : i32
    %div3A = arith.divsi %get3A_2, %jit3A : i32
    %sign3A = arith.constant 0 : i32
    %sign3A_3 = arith.cmpi sgt, %get3A_2, %sign3A : i32
    %sign3A_4 = arith.extui %sign3A_3 : i1 to i32
    %sign3A_5 = arith.constant 0 : i32
    %sign3A_6 = arith.cmpi slt, %get3A_2, %sign3A_5 : i32
    %sign3A_7 = arith.extui %sign3A_6 : i1 to i32
    %sign3A_8 = arith.subi %sign3A_4, %sign3A_7 : i32
    %sign3A_9 = arith.constant 0 : i32
    %sign3A_10 = arith.cmpi sgt, %jit3A, %sign3A_9 : i32
    %sign3A_11 = arith.extui %sign3A_10 : i1 to i32
    %sign3A_12 = arith.constant 0 : i32
    %sign3A_13 = arith.cmpi slt, %jit3A, %sign3A_12 : i32
    %sign3A_14 = arith.extui %sign3A_13 : i1 to i32
    %sign3A_15 = arith.subi %sign3A_11, %sign3A_14 : i32
    %ne3A = arith.cmpi ne, %sign3A_8, %sign3A_15 : i32
    %rem3A = arith.remsi %get3A_2, %jit3A : i32
    %ne3A_16 = arith.constant 0 : i32
    %ne3A_17 = arith.cmpi ne, %rem3A, %ne3A_16 : i32
    %and3A = arith.andi %ne3A, %ne3A_17 : i1
    %sub3A = arith.constant 1 : i32
    %sub3A_18 = arith.subi %div3A, %sub3A : i32
    %select_n3A = arith.select %and3A, %sub3A_18, %div3A : i32
    %c0_i32 = arith.constant 0 : i32
    %c0_i32_19 = arith.constant 0 : i32
    return %c0_i32, %select_n3A : i32, i32
  }
  func.func @transform_4(%arg0: i32, %arg1: memref<64xi32, #tpu.memory_space<smem>>) -> (i32, i32) {
    %mul3A = arith.constant 32 : i32
    %mul3A_0 = arith.muli %arg0, %mul3A : i32
    %add3A = arith.constant 3 : i32
    %add3A_1 = arith.addi %mul3A_0, %add3A : i32
    %get3A = arith.index_cast %add3A_1 : i32 to index
    %get3A_2 = memref.load %arg1[%get3A] : memref<64xi32, #tpu.memory_space<smem>>
    %jit3A = arith.constant 128 : i32
    %div3A = arith.divsi %get3A_2, %jit3A : i32
    %sign3A = arith.constant 0 : i32
    %sign3A_3 = arith.cmpi sgt, %get3A_2, %sign3A : i32
    %sign3A_4 = arith.extui %sign3A_3 : i1 to i32
    %sign3A_5 = arith.constant 0 : i32
    %sign3A_6 = arith.cmpi slt, %get3A_2, %sign3A_5 : i32
    %sign3A_7 = arith.extui %sign3A_6 : i1 to i32
    %sign3A_8 = arith.subi %sign3A_4, %sign3A_7 : i32
    %sign3A_9 = arith.constant 0 : i32
    %sign3A_10 = arith.cmpi sgt, %jit3A, %sign3A_9 : i32
    %sign3A_11 = arith.extui %sign3A_10 : i1 to i32
    %sign3A_12 = arith.constant 0 : i32
    %sign3A_13 = arith.cmpi slt, %jit3A, %sign3A_12 : i32
    %sign3A_14 = arith.extui %sign3A_13 : i1 to i32
    %sign3A_15 = arith.subi %sign3A_11, %sign3A_14 : i32
    %ne3A = arith.cmpi ne, %sign3A_8, %sign3A_15 : i32
    %rem3A = arith.remsi %get3A_2, %jit3A : i32
    %ne3A_16 = arith.constant 0 : i32
    %ne3A_17 = arith.cmpi ne, %rem3A, %ne3A_16 : i32
    %and3A = arith.andi %ne3A, %ne3A_17 : i1
    %sub3A = arith.constant 1 : i32
    %sub3A_18 = arith.subi %div3A, %sub3A : i32
    %select_n3A = arith.select %and3A, %sub3A_18, %div3A : i32
    %c0_i32 = arith.constant 0 : i32
    %c0_i32_19 = arith.constant 0 : i32
    return %c0_i32, %select_n3A : i32, i32
  }
  func.func @transform_5(%arg0: i32, %arg1: memref<64xi32, #tpu.memory_space<smem>>) -> (i32, i32) {
    %mul3A = arith.constant 32 : i32
    %mul3A_0 = arith.muli %arg0, %mul3A : i32
    %add3A = arith.constant 4 : i32
    %add3A_1 = arith.addi %mul3A_0, %add3A : i32
    %get3A = arith.index_cast %add3A_1 : i32 to index
    %get3A_2 = memref.load %arg1[%get3A] : memref<64xi32, #tpu.memory_space<smem>>
    %jit3A = arith.constant 128 : i32
    %div3A = arith.divsi %get3A_2, %jit3A : i32
    %sign3A = arith.constant 0 : i32
    %sign3A_3 = arith.cmpi sgt, %get3A_2, %sign3A : i32
    %sign3A_4 = arith.extui %sign3A_3 : i1 to i32
    %sign3A_5 = arith.constant 0 : i32
    %sign3A_6 = arith.cmpi slt, %get3A_2, %sign3A_5 : i32
    %sign3A_7 = arith.extui %sign3A_6 : i1 to i32
    %sign3A_8 = arith.subi %sign3A_4, %sign3A_7 : i32
    %sign3A_9 = arith.constant 0 : i32
    %sign3A_10 = arith.cmpi sgt, %jit3A, %sign3A_9 : i32
    %sign3A_11 = arith.extui %sign3A_10 : i1 to i32
    %sign3A_12 = arith.constant 0 : i32
    %sign3A_13 = arith.cmpi slt, %jit3A, %sign3A_12 : i32
    %sign3A_14 = arith.extui %sign3A_13 : i1 to i32
    %sign3A_15 = arith.subi %sign3A_11, %sign3A_14 : i32
    %ne3A = arith.cmpi ne, %sign3A_8, %sign3A_15 : i32
    %rem3A = arith.remsi %get3A_2, %jit3A : i32
    %ne3A_16 = arith.constant 0 : i32
    %ne3A_17 = arith.cmpi ne, %rem3A, %ne3A_16 : i32
    %and3A = arith.andi %ne3A, %ne3A_17 : i1
    %sub3A = arith.constant 1 : i32
    %sub3A_18 = arith.subi %div3A, %sub3A : i32
    %select_n3A = arith.select %and3A, %sub3A_18, %div3A : i32
    %c0_i32 = arith.constant 0 : i32
    %c0_i32_19 = arith.constant 0 : i32
    return %c0_i32, %select_n3A : i32, i32
  }
  func.func @transform_6(%arg0: i32, %arg1: memref<64xi32, #tpu.memory_space<smem>>) -> (i32, i32) {
    %mul3A = arith.constant 32 : i32
    %mul3A_0 = arith.muli %arg0, %mul3A : i32
    %add3A = arith.constant 5 : i32
    %add3A_1 = arith.addi %mul3A_0, %add3A : i32
    %get3A = arith.index_cast %add3A_1 : i32 to index
    %get3A_2 = memref.load %arg1[%get3A] : memref<64xi32, #tpu.memory_space<smem>>
    %jit3A = arith.constant 128 : i32
    %div3A = arith.divsi %get3A_2, %jit3A : i32
    %sign3A = arith.constant 0 : i32
    %sign3A_3 = arith.cmpi sgt, %get3A_2, %sign3A : i32
    %sign3A_4 = arith.extui %sign3A_3 : i1 to i32
    %sign3A_5 = arith.constant 0 : i32
    %sign3A_6 = arith.cmpi slt, %get3A_2, %sign3A_5 : i32
    %sign3A_7 = arith.extui %sign3A_6 : i1 to i32
    %sign3A_8 = arith.subi %sign3A_4, %sign3A_7 : i32
    %sign3A_9 = arith.constant 0 : i32
    %sign3A_10 = arith.cmpi sgt, %jit3A, %sign3A_9 : i32
    %sign3A_11 = arith.extui %sign3A_10 : i1 to i32
    %sign3A_12 = arith.constant 0 : i32
    %sign3A_13 = arith.cmpi slt, %jit3A, %sign3A_12 : i32
    %sign3A_14 = arith.extui %sign3A_13 : i1 to i32
    %sign3A_15 = arith.subi %sign3A_11, %sign3A_14 : i32
    %ne3A = arith.cmpi ne, %sign3A_8, %sign3A_15 : i32
    %rem3A = arith.remsi %get3A_2, %jit3A : i32
    %ne3A_16 = arith.constant 0 : i32
    %ne3A_17 = arith.cmpi ne, %rem3A, %ne3A_16 : i32
    %and3A = arith.andi %ne3A, %ne3A_17 : i1
    %sub3A = arith.constant 1 : i32
    %sub3A_18 = arith.subi %div3A, %sub3A : i32
    %select_n3A = arith.select %and3A, %sub3A_18, %div3A : i32
    %c0_i32 = arith.constant 0 : i32
    %c0_i32_19 = arith.constant 0 : i32
    return %c0_i32, %select_n3A : i32, i32
  }
  func.func @transform_7(%arg0: i32, %arg1: memref<64xi32, #tpu.memory_space<smem>>) -> (i32, i32) {
    %mul3A = arith.constant 32 : i32
    %mul3A_0 = arith.muli %arg0, %mul3A : i32
    %add3A = arith.constant 6 : i32
    %add3A_1 = arith.addi %mul3A_0, %add3A : i32
    %get3A = arith.index_cast %add3A_1 : i32 to index
    %get3A_2 = memref.load %arg1[%get3A] : memref<64xi32, #tpu.memory_space<smem>>
    %jit3A = arith.constant 128 : i32
    %div3A = arith.divsi %get3A_2, %jit3A : i32
    %sign3A = arith.constant 0 : i32
    %sign3A_3 = arith.cmpi sgt, %get3A_2, %sign3A : i32
    %sign3A_4 = arith.extui %sign3A_3 : i1 to i32
    %sign3A_5 = arith.constant 0 : i32
    %sign3A_6 = arith.cmpi slt, %get3A_2, %sign3A_5 : i32
    %sign3A_7 = arith.extui %sign3A_6 : i1 to i32
    %sign3A_8 = arith.subi %sign3A_4, %sign3A_7 : i32
    %sign3A_9 = arith.constant 0 : i32
    %sign3A_10 = arith.cmpi sgt, %jit3A, %sign3A_9 : i32
    %sign3A_11 = arith.extui %sign3A_10 : i1 to i32
    %sign3A_12 = arith.constant 0 : i32
    %sign3A_13 = arith.cmpi slt, %jit3A, %sign3A_12 : i32
    %sign3A_14 = arith.extui %sign3A_13 : i1 to i32
    %sign3A_15 = arith.subi %sign3A_11, %sign3A_14 : i32
    %ne3A = arith.cmpi ne, %sign3A_8, %sign3A_15 : i32
    %rem3A = arith.remsi %get3A_2, %jit3A : i32
    %ne3A_16 = arith.constant 0 : i32
    %ne3A_17 = arith.cmpi ne, %rem3A, %ne3A_16 : i32
    %and3A = arith.andi %ne3A, %ne3A_17 : i1
    %sub3A = arith.constant 1 : i32
    %sub3A_18 = arith.subi %div3A, %sub3A : i32
    %select_n3A = arith.select %and3A, %sub3A_18, %div3A : i32
    %c0_i32 = arith.constant 0 : i32
    %c0_i32_19 = arith.constant 0 : i32
    return %c0_i32, %select_n3A : i32, i32
  }
  func.func @transform_8(%arg0: i32, %arg1: memref<64xi32, #tpu.memory_space<smem>>) -> (i32, i32) {
    %mul3A = arith.constant 32 : i32
    %mul3A_0 = arith.muli %arg0, %mul3A : i32
    %add3A = arith.constant 7 : i32
    %add3A_1 = arith.addi %mul3A_0, %add3A : i32
    %get3A = arith.index_cast %add3A_1 : i32 to index
    %get3A_2 = memref.load %arg1[%get3A] : memref<64xi32, #tpu.memory_space<smem>>
    %jit3A = arith.constant 128 : i32
    %div3A = arith.divsi %get3A_2, %jit3A : i32
    %sign3A = arith.constant 0 : i32
    %sign3A_3 = arith.cmpi sgt, %get3A_2, %sign3A : i32
    %sign3A_4 = arith.extui %sign3A_3 : i1 to i32
    %sign3A_5 = arith.constant 0 : i32
    %sign3A_6 = arith.cmpi slt, %get3A_2, %sign3A_5 : i32
    %sign3A_7 = arith.extui %sign3A_6 : i1 to i32
    %sign3A_8 = arith.subi %sign3A_4, %sign3A_7 : i32
    %sign3A_9 = arith.constant 0 : i32
    %sign3A_10 = arith.cmpi sgt, %jit3A, %sign3A_9 : i32
    %sign3A_11 = arith.extui %sign3A_10 : i1 to i32
    %sign3A_12 = arith.constant 0 : i32
    %sign3A_13 = arith.cmpi slt, %jit3A, %sign3A_12 : i32
    %sign3A_14 = arith.extui %sign3A_13 : i1 to i32
    %sign3A_15 = arith.subi %sign3A_11, %sign3A_14 : i32
    %ne3A = arith.cmpi ne, %sign3A_8, %sign3A_15 : i32
    %rem3A = arith.remsi %get3A_2, %jit3A : i32
    %ne3A_16 = arith.constant 0 : i32
    %ne3A_17 = arith.cmpi ne, %rem3A, %ne3A_16 : i32
    %and3A = arith.andi %ne3A, %ne3A_17 : i1
    %sub3A = arith.constant 1 : i32
    %sub3A_18 = arith.subi %div3A, %sub3A : i32
    %select_n3A = arith.select %and3A, %sub3A_18, %div3A : i32
    %c0_i32 = arith.constant 0 : i32
    %c0_i32_19 = arith.constant 0 : i32
    return %c0_i32, %select_n3A : i32, i32
  }
  func.func @transform_9(%arg0: i32, %arg1: memref<64xi32, #tpu.memory_space<smem>>) -> (i32, i32) {
    %mul3A = arith.constant 32 : i32
    %mul3A_0 = arith.muli %arg0, %mul3A : i32
    %add3A = arith.constant 8 : i32
    %add3A_1 = arith.addi %mul3A_0, %add3A : i32
    %get3A = arith.index_cast %add3A_1 : i32 to index
    %get3A_2 = memref.load %arg1[%get3A] : memref<64xi32, #tpu.memory_space<smem>>
    %jit3A = arith.constant 128 : i32
    %div3A = arith.divsi %get3A_2, %jit3A : i32
    %sign3A = arith.constant 0 : i32
    %sign3A_3 = arith.cmpi sgt, %get3A_2, %sign3A : i32
    %sign3A_4 = arith.extui %sign3A_3 : i1 to i32
    %sign3A_5 = arith.constant 0 : i32
    %sign3A_6 = arith.cmpi slt, %get3A_2, %sign3A_5 : i32
    %sign3A_7 = arith.extui %sign3A_6 : i1 to i32
    %sign3A_8 = arith.subi %sign3A_4, %sign3A_7 : i32
    %sign3A_9 = arith.constant 0 : i32
    %sign3A_10 = arith.cmpi sgt, %jit3A, %sign3A_9 : i32
    %sign3A_11 = arith.extui %sign3A_10 : i1 to i32
    %sign3A_12 = arith.constant 0 : i32
    %sign3A_13 = arith.cmpi slt, %jit3A, %sign3A_12 : i32
    %sign3A_14 = arith.extui %sign3A_13 : i1 to i32
    %sign3A_15 = arith.subi %sign3A_11, %sign3A_14 : i32
    %ne3A = arith.cmpi ne, %sign3A_8, %sign3A_15 : i32
    %rem3A = arith.remsi %get3A_2, %jit3A : i32
    %ne3A_16 = arith.constant 0 : i32
    %ne3A_17 = arith.cmpi ne, %rem3A, %ne3A_16 : i32
    %and3A = arith.andi %ne3A, %ne3A_17 : i1
    %sub3A = arith.constant 1 : i32
    %sub3A_18 = arith.subi %div3A, %sub3A : i32
    %select_n3A = arith.select %and3A, %sub3A_18, %div3A : i32
    %c0_i32 = arith.constant 0 : i32
    %c0_i32_19 = arith.constant 0 : i32
    return %c0_i32, %select_n3A : i32, i32
  }
  func.func @transform_10(%arg0: i32, %arg1: memref<64xi32, #tpu.memory_space<smem>>) -> (i32, i32) {
    %mul3A = arith.constant 32 : i32
    %mul3A_0 = arith.muli %arg0, %mul3A : i32
    %add3A = arith.constant 9 : i32
    %add3A_1 = arith.addi %mul3A_0, %add3A : i32
    %get3A = arith.index_cast %add3A_1 : i32 to index
    %get3A_2 = memref.load %arg1[%get3A] : memref<64xi32, #tpu.memory_space<smem>>
    %jit3A = arith.constant 128 : i32
    %div3A = arith.divsi %get3A_2, %jit3A : i32
    %sign3A = arith.constant 0 : i32
    %sign3A_3 = arith.cmpi sgt, %get3A_2, %sign3A : i32
    %sign3A_4 = arith.extui %sign3A_3 : i1 to i32
    %sign3A_5 = arith.constant 0 : i32
    %sign3A_6 = arith.cmpi slt, %get3A_2, %sign3A_5 : i32
    %sign3A_7 = arith.extui %sign3A_6 : i1 to i32
    %sign3A_8 = arith.subi %sign3A_4, %sign3A_7 : i32
    %sign3A_9 = arith.constant 0 : i32
    %sign3A_10 = arith.cmpi sgt, %jit3A, %sign3A_9 : i32
    %sign3A_11 = arith.extui %sign3A_10 : i1 to i32
    %sign3A_12 = arith.constant 0 : i32
    %sign3A_13 = arith.cmpi slt, %jit3A, %sign3A_12 : i32
    %sign3A_14 = arith.extui %sign3A_13 : i1 to i32
    %sign3A_15 = arith.subi %sign3A_11, %sign3A_14 : i32
    %ne3A = arith.cmpi ne, %sign3A_8, %sign3A_15 : i32
    %rem3A = arith.remsi %get3A_2, %jit3A : i32
    %ne3A_16 = arith.constant 0 : i32
    %ne3A_17 = arith.cmpi ne, %rem3A, %ne3A_16 : i32
    %and3A = arith.andi %ne3A, %ne3A_17 : i1
    %sub3A = arith.constant 1 : i32
    %sub3A_18 = arith.subi %div3A, %sub3A : i32
    %select_n3A = arith.select %and3A, %sub3A_18, %div3A : i32
    %c0_i32 = arith.constant 0 : i32
    %c0_i32_19 = arith.constant 0 : i32
    return %c0_i32, %select_n3A : i32, i32
  }
  func.func @transform_11(%arg0: i32, %arg1: memref<64xi32, #tpu.memory_space<smem>>) -> (i32, i32) {
    %mul3A = arith.constant 32 : i32
    %mul3A_0 = arith.muli %arg0, %mul3A : i32
    %add3A = arith.constant 10 : i32
    %add3A_1 = arith.addi %mul3A_0, %add3A : i32
    %get3A = arith.index_cast %add3A_1 : i32 to index
    %get3A_2 = memref.load %arg1[%get3A] : memref<64xi32, #tpu.memory_space<smem>>
    %jit3A = arith.constant 128 : i32
    %div3A = arith.divsi %get3A_2, %jit3A : i32
    %sign3A = arith.constant 0 : i32
    %sign3A_3 = arith.cmpi sgt, %get3A_2, %sign3A : i32
    %sign3A_4 = arith.extui %sign3A_3 : i1 to i32
    %sign3A_5 = arith.constant 0 : i32
    %sign3A_6 = arith.cmpi slt, %get3A_2, %sign3A_5 : i32
    %sign3A_7 = arith.extui %sign3A_6 : i1 to i32
    %sign3A_8 = arith.subi %sign3A_4, %sign3A_7 : i32
    %sign3A_9 = arith.constant 0 : i32
    %sign3A_10 = arith.cmpi sgt, %jit3A, %sign3A_9 : i32
    %sign3A_11 = arith.extui %sign3A_10 : i1 to i32
    %sign3A_12 = arith.constant 0 : i32
    %sign3A_13 = arith.cmpi slt, %jit3A, %sign3A_12 : i32
    %sign3A_14 = arith.extui %sign3A_13 : i1 to i32
    %sign3A_15 = arith.subi %sign3A_11, %sign3A_14 : i32
    %ne3A = arith.cmpi ne, %sign3A_8, %sign3A_15 : i32
    %rem3A = arith.remsi %get3A_2, %jit3A : i32
    %ne3A_16 = arith.constant 0 : i32
    %ne3A_17 = arith.cmpi ne, %rem3A, %ne3A_16 : i32
    %and3A = arith.andi %ne3A, %ne3A_17 : i1
    %sub3A = arith.constant 1 : i32
    %sub3A_18 = arith.subi %div3A, %sub3A : i32
    %select_n3A = arith.select %and3A, %sub3A_18, %div3A : i32
    %c0_i32 = arith.constant 0 : i32
    %c0_i32_19 = arith.constant 0 : i32
    return %c0_i32, %select_n3A : i32, i32
  }
  func.func @transform_12(%arg0: i32, %arg1: memref<64xi32, #tpu.memory_space<smem>>) -> (i32, i32) {
    %mul3A = arith.constant 32 : i32
    %mul3A_0 = arith.muli %arg0, %mul3A : i32
    %add3A = arith.constant 11 : i32
    %add3A_1 = arith.addi %mul3A_0, %add3A : i32
    %get3A = arith.index_cast %add3A_1 : i32 to index
    %get3A_2 = memref.load %arg1[%get3A] : memref<64xi32, #tpu.memory_space<smem>>
    %jit3A = arith.constant 128 : i32
    %div3A = arith.divsi %get3A_2, %jit3A : i32
    %sign3A = arith.constant 0 : i32
    %sign3A_3 = arith.cmpi sgt, %get3A_2, %sign3A : i32
    %sign3A_4 = arith.extui %sign3A_3 : i1 to i32
    %sign3A_5 = arith.constant 0 : i32
    %sign3A_6 = arith.cmpi slt, %get3A_2, %sign3A_5 : i32
    %sign3A_7 = arith.extui %sign3A_6 : i1 to i32
    %sign3A_8 = arith.subi %sign3A_4, %sign3A_7 : i32
    %sign3A_9 = arith.constant 0 : i32
    %sign3A_10 = arith.cmpi sgt, %jit3A, %sign3A_9 : i32
    %sign3A_11 = arith.extui %sign3A_10 : i1 to i32
    %sign3A_12 = arith.constant 0 : i32
    %sign3A_13 = arith.cmpi slt, %jit3A, %sign3A_12 : i32
    %sign3A_14 = arith.extui %sign3A_13 : i1 to i32
    %sign3A_15 = arith.subi %sign3A_11, %sign3A_14 : i32
    %ne3A = arith.cmpi ne, %sign3A_8, %sign3A_15 : i32
    %rem3A = arith.remsi %get3A_2, %jit3A : i32
    %ne3A_16 = arith.constant 0 : i32
    %ne3A_17 = arith.cmpi ne, %rem3A, %ne3A_16 : i32
    %and3A = arith.andi %ne3A, %ne3A_17 : i1
    %sub3A = arith.constant 1 : i32
    %sub3A_18 = arith.subi %div3A, %sub3A : i32
    %select_n3A = arith.select %and3A, %sub3A_18, %div3A : i32
    %c0_i32 = arith.constant 0 : i32
    %c0_i32_19 = arith.constant 0 : i32
    return %c0_i32, %select_n3A : i32, i32
  }
  func.func @transform_13(%arg0: i32, %arg1: memref<64xi32, #tpu.memory_space<smem>>) -> (i32, i32) {
    %mul3A = arith.constant 32 : i32
    %mul3A_0 = arith.muli %arg0, %mul3A : i32
    %add3A = arith.constant 12 : i32
    %add3A_1 = arith.addi %mul3A_0, %add3A : i32
    %get3A = arith.index_cast %add3A_1 : i32 to index
    %get3A_2 = memref.load %arg1[%get3A] : memref<64xi32, #tpu.memory_space<smem>>
    %jit3A = arith.constant 128 : i32
    %div3A = arith.divsi %get3A_2, %jit3A : i32
    %sign3A = arith.constant 0 : i32
    %sign3A_3 = arith.cmpi sgt, %get3A_2, %sign3A : i32
    %sign3A_4 = arith.extui %sign3A_3 : i1 to i32
    %sign3A_5 = arith.constant 0 : i32
    %sign3A_6 = arith.cmpi slt, %get3A_2, %sign3A_5 : i32
    %sign3A_7 = arith.extui %sign3A_6 : i1 to i32
    %sign3A_8 = arith.subi %sign3A_4, %sign3A_7 : i32
    %sign3A_9 = arith.constant 0 : i32
    %sign3A_10 = arith.cmpi sgt, %jit3A, %sign3A_9 : i32
    %sign3A_11 = arith.extui %sign3A_10 : i1 to i32
    %sign3A_12 = arith.constant 0 : i32
    %sign3A_13 = arith.cmpi slt, %jit3A, %sign3A_12 : i32
    %sign3A_14 = arith.extui %sign3A_13 : i1 to i32
    %sign3A_15 = arith.subi %sign3A_11, %sign3A_14 : i32
    %ne3A = arith.cmpi ne, %sign3A_8, %sign3A_15 : i32
    %rem3A = arith.remsi %get3A_2, %jit3A : i32
    %ne3A_16 = arith.constant 0 : i32
    %ne3A_17 = arith.cmpi ne, %rem3A, %ne3A_16 : i32
    %and3A = arith.andi %ne3A, %ne3A_17 : i1
    %sub3A = arith.constant 1 : i32
    %sub3A_18 = arith.subi %div3A, %sub3A : i32
    %select_n3A = arith.select %and3A, %sub3A_18, %div3A : i32
    %c0_i32 = arith.constant 0 : i32
    %c0_i32_19 = arith.constant 0 : i32
    return %c0_i32, %select_n3A : i32, i32
  }
  func.func @transform_14(%arg0: i32, %arg1: memref<64xi32, #tpu.memory_space<smem>>) -> (i32, i32) {
    %mul3A = arith.constant 32 : i32
    %mul3A_0 = arith.muli %arg0, %mul3A : i32
    %add3A = arith.constant 13 : i32
    %add3A_1 = arith.addi %mul3A_0, %add3A : i32
    %get3A = arith.index_cast %add3A_1 : i32 to index
    %get3A_2 = memref.load %arg1[%get3A] : memref<64xi32, #tpu.memory_space<smem>>
    %jit3A = arith.constant 128 : i32
    %div3A = arith.divsi %get3A_2, %jit3A : i32
    %sign3A = arith.constant 0 : i32
    %sign3A_3 = arith.cmpi sgt, %get3A_2, %sign3A : i32
    %sign3A_4 = arith.extui %sign3A_3 : i1 to i32
    %sign3A_5 = arith.constant 0 : i32
    %sign3A_6 = arith.cmpi slt, %get3A_2, %sign3A_5 : i32
    %sign3A_7 = arith.extui %sign3A_6 : i1 to i32
    %sign3A_8 = arith.subi %sign3A_4, %sign3A_7 : i32
    %sign3A_9 = arith.constant 0 : i32
    %sign3A_10 = arith.cmpi sgt, %jit3A, %sign3A_9 : i32
    %sign3A_11 = arith.extui %sign3A_10 : i1 to i32
    %sign3A_12 = arith.constant 0 : i32
    %sign3A_13 = arith.cmpi slt, %jit3A, %sign3A_12 : i32
    %sign3A_14 = arith.extui %sign3A_13 : i1 to i32
    %sign3A_15 = arith.subi %sign3A_11, %sign3A_14 : i32
    %ne3A = arith.cmpi ne, %sign3A_8, %sign3A_15 : i32
    %rem3A = arith.remsi %get3A_2, %jit3A : i32
    %ne3A_16 = arith.constant 0 : i32
    %ne3A_17 = arith.cmpi ne, %rem3A, %ne3A_16 : i32
    %and3A = arith.andi %ne3A, %ne3A_17 : i1
    %sub3A = arith.constant 1 : i32
    %sub3A_18 = arith.subi %div3A, %sub3A : i32
    %select_n3A = arith.select %and3A, %sub3A_18, %div3A : i32
    %c0_i32 = arith.constant 0 : i32
    %c0_i32_19 = arith.constant 0 : i32
    return %c0_i32, %select_n3A : i32, i32
  }
  func.func @transform_15(%arg0: i32, %arg1: memref<64xi32, #tpu.memory_space<smem>>) -> (i32, i32) {
    %mul3A = arith.constant 32 : i32
    %mul3A_0 = arith.muli %arg0, %mul3A : i32
    %add3A = arith.constant 14 : i32
    %add3A_1 = arith.addi %mul3A_0, %add3A : i32
    %get3A = arith.index_cast %add3A_1 : i32 to index
    %get3A_2 = memref.load %arg1[%get3A] : memref<64xi32, #tpu.memory_space<smem>>
    %jit3A = arith.constant 128 : i32
    %div3A = arith.divsi %get3A_2, %jit3A : i32
    %sign3A = arith.constant 0 : i32
    %sign3A_3 = arith.cmpi sgt, %get3A_2, %sign3A : i32
    %sign3A_4 = arith.extui %sign3A_3 : i1 to i32
    %sign3A_5 = arith.constant 0 : i32
    %sign3A_6 = arith.cmpi slt, %get3A_2, %sign3A_5 : i32
    %sign3A_7 = arith.extui %sign3A_6 : i1 to i32
    %sign3A_8 = arith.subi %sign3A_4, %sign3A_7 : i32
    %sign3A_9 = arith.constant 0 : i32
    %sign3A_10 = arith.cmpi sgt, %jit3A, %sign3A_9 : i32
    %sign3A_11 = arith.extui %sign3A_10 : i1 to i32
    %sign3A_12 = arith.constant 0 : i32
    %sign3A_13 = arith.cmpi slt, %jit3A, %sign3A_12 : i32
    %sign3A_14 = arith.extui %sign3A_13 : i1 to i32
    %sign3A_15 = arith.subi %sign3A_11, %sign3A_14 : i32
    %ne3A = arith.cmpi ne, %sign3A_8, %sign3A_15 : i32
    %rem3A = arith.remsi %get3A_2, %jit3A : i32
    %ne3A_16 = arith.constant 0 : i32
    %ne3A_17 = arith.cmpi ne, %rem3A, %ne3A_16 : i32
    %and3A = arith.andi %ne3A, %ne3A_17 : i1
    %sub3A = arith.constant 1 : i32
    %sub3A_18 = arith.subi %div3A, %sub3A : i32
    %select_n3A = arith.select %and3A, %sub3A_18, %div3A : i32
    %c0_i32 = arith.constant 0 : i32
    %c0_i32_19 = arith.constant 0 : i32
    return %c0_i32, %select_n3A : i32, i32
  }
  func.func @transform_16(%arg0: i32, %arg1: memref<64xi32, #tpu.memory_space<smem>>) -> (i32, i32) {
    %mul3A = arith.constant 32 : i32
    %mul3A_0 = arith.muli %arg0, %mul3A : i32
    %add3A = arith.constant 15 : i32
    %add3A_1 = arith.addi %mul3A_0, %add3A : i32
    %get3A = arith.index_cast %add3A_1 : i32 to index
    %get3A_2 = memref.load %arg1[%get3A] : memref<64xi32, #tpu.memory_space<smem>>
    %jit3A = arith.constant 128 : i32
    %div3A = arith.divsi %get3A_2, %jit3A : i32
    %sign3A = arith.constant 0 : i32
    %sign3A_3 = arith.cmpi sgt, %get3A_2, %sign3A : i32
    %sign3A_4 = arith.extui %sign3A_3 : i1 to i32
    %sign3A_5 = arith.constant 0 : i32
    %sign3A_6 = arith.cmpi slt, %get3A_2, %sign3A_5 : i32
    %sign3A_7 = arith.extui %sign3A_6 : i1 to i32
    %sign3A_8 = arith.subi %sign3A_4, %sign3A_7 : i32
    %sign3A_9 = arith.constant 0 : i32
    %sign3A_10 = arith.cmpi sgt, %jit3A, %sign3A_9 : i32
    %sign3A_11 = arith.extui %sign3A_10 : i1 to i32
    %sign3A_12 = arith.constant 0 : i32
    %sign3A_13 = arith.cmpi slt, %jit3A, %sign3A_12 : i32
    %sign3A_14 = arith.extui %sign3A_13 : i1 to i32
    %sign3A_15 = arith.subi %sign3A_11, %sign3A_14 : i32
    %ne3A = arith.cmpi ne, %sign3A_8, %sign3A_15 : i32
    %rem3A = arith.remsi %get3A_2, %jit3A : i32
    %ne3A_16 = arith.constant 0 : i32
    %ne3A_17 = arith.cmpi ne, %rem3A, %ne3A_16 : i32
    %and3A = arith.andi %ne3A, %ne3A_17 : i1
    %sub3A = arith.constant 1 : i32
    %sub3A_18 = arith.subi %div3A, %sub3A : i32
    %select_n3A = arith.select %and3A, %sub3A_18, %div3A : i32
    %c0_i32 = arith.constant 0 : i32
    %c0_i32_19 = arith.constant 0 : i32
    return %c0_i32, %select_n3A : i32, i32
  }
  func.func @transform_17(%arg0: i32, %arg1: memref<64xi32, #tpu.memory_space<smem>>) -> (i32, i32) {
    %mul3A = arith.constant 32 : i32
    %mul3A_0 = arith.muli %arg0, %mul3A : i32
    %add3A = arith.constant 16 : i32
    %add3A_1 = arith.addi %mul3A_0, %add3A : i32
    %get3A = arith.index_cast %add3A_1 : i32 to index
    %get3A_2 = memref.load %arg1[%get3A] : memref<64xi32, #tpu.memory_space<smem>>
    %jit3A = arith.constant 128 : i32
    %div3A = arith.divsi %get3A_2, %jit3A : i32
    %sign3A = arith.constant 0 : i32
    %sign3A_3 = arith.cmpi sgt, %get3A_2, %sign3A : i32
    %sign3A_4 = arith.extui %sign3A_3 : i1 to i32
    %sign3A_5 = arith.constant 0 : i32
    %sign3A_6 = arith.cmpi slt, %get3A_2, %sign3A_5 : i32
    %sign3A_7 = arith.extui %sign3A_6 : i1 to i32
    %sign3A_8 = arith.subi %sign3A_4, %sign3A_7 : i32
    %sign3A_9 = arith.constant 0 : i32
    %sign3A_10 = arith.cmpi sgt, %jit3A, %sign3A_9 : i32
    %sign3A_11 = arith.extui %sign3A_10 : i1 to i32
    %sign3A_12 = arith.constant 0 : i32
    %sign3A_13 = arith.cmpi slt, %jit3A, %sign3A_12 : i32
    %sign3A_14 = arith.extui %sign3A_13 : i1 to i32
    %sign3A_15 = arith.subi %sign3A_11, %sign3A_14 : i32
    %ne3A = arith.cmpi ne, %sign3A_8, %sign3A_15 : i32
    %rem3A = arith.remsi %get3A_2, %jit3A : i32
    %ne3A_16 = arith.constant 0 : i32
    %ne3A_17 = arith.cmpi ne, %rem3A, %ne3A_16 : i32
    %and3A = arith.andi %ne3A, %ne3A_17 : i1
    %sub3A = arith.constant 1 : i32
    %sub3A_18 = arith.subi %div3A, %sub3A : i32
    %select_n3A = arith.select %and3A, %sub3A_18, %div3A : i32
    %c0_i32 = arith.constant 0 : i32
    %c0_i32_19 = arith.constant 0 : i32
    return %c0_i32, %select_n3A : i32, i32
  }
  func.func @transform_18(%arg0: i32, %arg1: memref<64xi32, #tpu.memory_space<smem>>) -> (i32, i32) {
    %mul3A = arith.constant 32 : i32
    %mul3A_0 = arith.muli %arg0, %mul3A : i32
    %add3A = arith.constant 17 : i32
    %add3A_1 = arith.addi %mul3A_0, %add3A : i32
    %get3A = arith.index_cast %add3A_1 : i32 to index
    %get3A_2 = memref.load %arg1[%get3A] : memref<64xi32, #tpu.memory_space<smem>>
    %jit3A = arith.constant 128 : i32
    %div3A = arith.divsi %get3A_2, %jit3A : i32
    %sign3A = arith.constant 0 : i32
    %sign3A_3 = arith.cmpi sgt, %get3A_2, %sign3A : i32
    %sign3A_4 = arith.extui %sign3A_3 : i1 to i32
    %sign3A_5 = arith.constant 0 : i32
    %sign3A_6 = arith.cmpi slt, %get3A_2, %sign3A_5 : i32
    %sign3A_7 = arith.extui %sign3A_6 : i1 to i32
    %sign3A_8 = arith.subi %sign3A_4, %sign3A_7 : i32
    %sign3A_9 = arith.constant 0 : i32
    %sign3A_10 = arith.cmpi sgt, %jit3A, %sign3A_9 : i32
    %sign3A_11 = arith.extui %sign3A_10 : i1 to i32
    %sign3A_12 = arith.constant 0 : i32
    %sign3A_13 = arith.cmpi slt, %jit3A, %sign3A_12 : i32
    %sign3A_14 = arith.extui %sign3A_13 : i1 to i32
    %sign3A_15 = arith.subi %sign3A_11, %sign3A_14 : i32
    %ne3A = arith.cmpi ne, %sign3A_8, %sign3A_15 : i32
    %rem3A = arith.remsi %get3A_2, %jit3A : i32
    %ne3A_16 = arith.constant 0 : i32
    %ne3A_17 = arith.cmpi ne, %rem3A, %ne3A_16 : i32
    %and3A = arith.andi %ne3A, %ne3A_17 : i1
    %sub3A = arith.constant 1 : i32
    %sub3A_18 = arith.subi %div3A, %sub3A : i32
    %select_n3A = arith.select %and3A, %sub3A_18, %div3A : i32
    %c0_i32 = arith.constant 0 : i32
    %c0_i32_19 = arith.constant 0 : i32
    return %c0_i32, %select_n3A : i32, i32
  }
  func.func @transform_19(%arg0: i32, %arg1: memref<64xi32, #tpu.memory_space<smem>>) -> (i32, i32) {
    %mul3A = arith.constant 32 : i32
    %mul3A_0 = arith.muli %arg0, %mul3A : i32
    %add3A = arith.constant 18 : i32
    %add3A_1 = arith.addi %mul3A_0, %add3A : i32
    %get3A = arith.index_cast %add3A_1 : i32 to index
    %get3A_2 = memref.load %arg1[%get3A] : memref<64xi32, #tpu.memory_space<smem>>
    %jit3A = arith.constant 128 : i32
    %div3A = arith.divsi %get3A_2, %jit3A : i32
    %sign3A = arith.constant 0 : i32
    %sign3A_3 = arith.cmpi sgt, %get3A_2, %sign3A : i32
    %sign3A_4 = arith.extui %sign3A_3 : i1 to i32
    %sign3A_5 = arith.constant 0 : i32
    %sign3A_6 = arith.cmpi slt, %get3A_2, %sign3A_5 : i32
    %sign3A_7 = arith.extui %sign3A_6 : i1 to i32
    %sign3A_8 = arith.subi %sign3A_4, %sign3A_7 : i32
    %sign3A_9 = arith.constant 0 : i32
    %sign3A_10 = arith.cmpi sgt, %jit3A, %sign3A_9 : i32
    %sign3A_11 = arith.extui %sign3A_10 : i1 to i32
    %sign3A_12 = arith.constant 0 : i32
    %sign3A_13 = arith.cmpi slt, %jit3A, %sign3A_12 : i32
    %sign3A_14 = arith.extui %sign3A_13 : i1 to i32
    %sign3A_15 = arith.subi %sign3A_11, %sign3A_14 : i32
    %ne3A = arith.cmpi ne, %sign3A_8, %sign3A_15 : i32
    %rem3A = arith.remsi %get3A_2, %jit3A : i32
    %ne3A_16 = arith.constant 0 : i32
    %ne3A_17 = arith.cmpi ne, %rem3A, %ne3A_16 : i32
    %and3A = arith.andi %ne3A, %ne3A_17 : i1
    %sub3A = arith.constant 1 : i32
    %sub3A_18 = arith.subi %div3A, %sub3A : i32
    %select_n3A = arith.select %and3A, %sub3A_18, %div3A : i32
    %c0_i32 = arith.constant 0 : i32
    %c0_i32_19 = arith.constant 0 : i32
    return %c0_i32, %select_n3A : i32, i32
  }
  func.func @transform_20(%arg0: i32, %arg1: memref<64xi32, #tpu.memory_space<smem>>) -> (i32, i32) {
    %mul3A = arith.constant 32 : i32
    %mul3A_0 = arith.muli %arg0, %mul3A : i32
    %add3A = arith.constant 19 : i32
    %add3A_1 = arith.addi %mul3A_0, %add3A : i32
    %get3A = arith.index_cast %add3A_1 : i32 to index
    %get3A_2 = memref.load %arg1[%get3A] : memref<64xi32, #tpu.memory_space<smem>>
    %jit3A = arith.constant 128 : i32
    %div3A = arith.divsi %get3A_2, %jit3A : i32
    %sign3A = arith.constant 0 : i32
    %sign3A_3 = arith.cmpi sgt, %get3A_2, %sign3A : i32
    %sign3A_4 = arith.extui %sign3A_3 : i1 to i32
    %sign3A_5 = arith.constant 0 : i32
    %sign3A_6 = arith.cmpi slt, %get3A_2, %sign3A_5 : i32
    %sign3A_7 = arith.extui %sign3A_6 : i1 to i32
    %sign3A_8 = arith.subi %sign3A_4, %sign3A_7 : i32
    %sign3A_9 = arith.constant 0 : i32
    %sign3A_10 = arith.cmpi sgt, %jit3A, %sign3A_9 : i32
    %sign3A_11 = arith.extui %sign3A_10 : i1 to i32
    %sign3A_12 = arith.constant 0 : i32
    %sign3A_13 = arith.cmpi slt, %jit3A, %sign3A_12 : i32
    %sign3A_14 = arith.extui %sign3A_13 : i1 to i32
    %sign3A_15 = arith.subi %sign3A_11, %sign3A_14 : i32
    %ne3A = arith.cmpi ne, %sign3A_8, %sign3A_15 : i32
    %rem3A = arith.remsi %get3A_2, %jit3A : i32
    %ne3A_16 = arith.constant 0 : i32
    %ne3A_17 = arith.cmpi ne, %rem3A, %ne3A_16 : i32
    %and3A = arith.andi %ne3A, %ne3A_17 : i1
    %sub3A = arith.constant 1 : i32
    %sub3A_18 = arith.subi %div3A, %sub3A : i32
    %select_n3A = arith.select %and3A, %sub3A_18, %div3A : i32
    %c0_i32 = arith.constant 0 : i32
    %c0_i32_19 = arith.constant 0 : i32
    return %c0_i32, %select_n3A : i32, i32
  }
  func.func @transform_21(%arg0: i32, %arg1: memref<64xi32, #tpu.memory_space<smem>>) -> (i32, i32) {
    %mul3A = arith.constant 32 : i32
    %mul3A_0 = arith.muli %arg0, %mul3A : i32
    %add3A = arith.constant 20 : i32
    %add3A_1 = arith.addi %mul3A_0, %add3A : i32
    %get3A = arith.index_cast %add3A_1 : i32 to index
    %get3A_2 = memref.load %arg1[%get3A] : memref<64xi32, #tpu.memory_space<smem>>
    %jit3A = arith.constant 128 : i32
    %div3A = arith.divsi %get3A_2, %jit3A : i32
    %sign3A = arith.constant 0 : i32
    %sign3A_3 = arith.cmpi sgt, %get3A_2, %sign3A : i32
    %sign3A_4 = arith.extui %sign3A_3 : i1 to i32
    %sign3A_5 = arith.constant 0 : i32
    %sign3A_6 = arith.cmpi slt, %get3A_2, %sign3A_5 : i32
    %sign3A_7 = arith.extui %sign3A_6 : i1 to i32
    %sign3A_8 = arith.subi %sign3A_4, %sign3A_7 : i32
    %sign3A_9 = arith.constant 0 : i32
    %sign3A_10 = arith.cmpi sgt, %jit3A, %sign3A_9 : i32
    %sign3A_11 = arith.extui %sign3A_10 : i1 to i32
    %sign3A_12 = arith.constant 0 : i32
    %sign3A_13 = arith.cmpi slt, %jit3A, %sign3A_12 : i32
    %sign3A_14 = arith.extui %sign3A_13 : i1 to i32
    %sign3A_15 = arith.subi %sign3A_11, %sign3A_14 : i32
    %ne3A = arith.cmpi ne, %sign3A_8, %sign3A_15 : i32
    %rem3A = arith.remsi %get3A_2, %jit3A : i32
    %ne3A_16 = arith.constant 0 : i32
    %ne3A_17 = arith.cmpi ne, %rem3A, %ne3A_16 : i32
    %and3A = arith.andi %ne3A, %ne3A_17 : i1
    %sub3A = arith.constant 1 : i32
    %sub3A_18 = arith.subi %div3A, %sub3A : i32
    %select_n3A = arith.select %and3A, %sub3A_18, %div3A : i32
    %c0_i32 = arith.constant 0 : i32
    %c0_i32_19 = arith.constant 0 : i32
    return %c0_i32, %select_n3A : i32, i32
  }
  func.func @transform_22(%arg0: i32, %arg1: memref<64xi32, #tpu.memory_space<smem>>) -> (i32, i32) {
    %mul3A = arith.constant 32 : i32
    %mul3A_0 = arith.muli %arg0, %mul3A : i32
    %add3A = arith.constant 21 : i32
    %add3A_1 = arith.addi %mul3A_0, %add3A : i32
    %get3A = arith.index_cast %add3A_1 : i32 to index
    %get3A_2 = memref.load %arg1[%get3A] : memref<64xi32, #tpu.memory_space<smem>>
    %jit3A = arith.constant 128 : i32
    %div3A = arith.divsi %get3A_2, %jit3A : i32
    %sign3A = arith.constant 0 : i32
    %sign3A_3 = arith.cmpi sgt, %get3A_2, %sign3A : i32
    %sign3A_4 = arith.extui %sign3A_3 : i1 to i32
    %sign3A_5 = arith.constant 0 : i32
    %sign3A_6 = arith.cmpi slt, %get3A_2, %sign3A_5 : i32
    %sign3A_7 = arith.extui %sign3A_6 : i1 to i32
    %sign3A_8 = arith.subi %sign3A_4, %sign3A_7 : i32
    %sign3A_9 = arith.constant 0 : i32
    %sign3A_10 = arith.cmpi sgt, %jit3A, %sign3A_9 : i32
    %sign3A_11 = arith.extui %sign3A_10 : i1 to i32
    %sign3A_12 = arith.constant 0 : i32
    %sign3A_13 = arith.cmpi slt, %jit3A, %sign3A_12 : i32
    %sign3A_14 = arith.extui %sign3A_13 : i1 to i32
    %sign3A_15 = arith.subi %sign3A_11, %sign3A_14 : i32
    %ne3A = arith.cmpi ne, %sign3A_8, %sign3A_15 : i32
    %rem3A = arith.remsi %get3A_2, %jit3A : i32
    %ne3A_16 = arith.constant 0 : i32
    %ne3A_17 = arith.cmpi ne, %rem3A, %ne3A_16 : i32
    %and3A = arith.andi %ne3A, %ne3A_17 : i1
    %sub3A = arith.constant 1 : i32
    %sub3A_18 = arith.subi %div3A, %sub3A : i32
    %select_n3A = arith.select %and3A, %sub3A_18, %div3A : i32
    %c0_i32 = arith.constant 0 : i32
    %c0_i32_19 = arith.constant 0 : i32
    return %c0_i32, %select_n3A : i32, i32
  }
  func.func @transform_23(%arg0: i32, %arg1: memref<64xi32, #tpu.memory_space<smem>>) -> (i32, i32) {
    %mul3A = arith.constant 32 : i32
    %mul3A_0 = arith.muli %arg0, %mul3A : i32
    %add3A = arith.constant 22 : i32
    %add3A_1 = arith.addi %mul3A_0, %add3A : i32
    %get3A = arith.index_cast %add3A_1 : i32 to index
    %get3A_2 = memref.load %arg1[%get3A] : memref<64xi32, #tpu.memory_space<smem>>
    %jit3A = arith.constant 128 : i32
    %div3A = arith.divsi %get3A_2, %jit3A : i32
    %sign3A = arith.constant 0 : i32
    %sign3A_3 = arith.cmpi sgt, %get3A_2, %sign3A : i32
    %sign3A_4 = arith.extui %sign3A_3 : i1 to i32
    %sign3A_5 = arith.constant 0 : i32
    %sign3A_6 = arith.cmpi slt, %get3A_2, %sign3A_5 : i32
    %sign3A_7 = arith.extui %sign3A_6 : i1 to i32
    %sign3A_8 = arith.subi %sign3A_4, %sign3A_7 : i32
    %sign3A_9 = arith.constant 0 : i32
    %sign3A_10 = arith.cmpi sgt, %jit3A, %sign3A_9 : i32
    %sign3A_11 = arith.extui %sign3A_10 : i1 to i32
    %sign3A_12 = arith.constant 0 : i32
    %sign3A_13 = arith.cmpi slt, %jit3A, %sign3A_12 : i32
    %sign3A_14 = arith.extui %sign3A_13 : i1 to i32
    %sign3A_15 = arith.subi %sign3A_11, %sign3A_14 : i32
    %ne3A = arith.cmpi ne, %sign3A_8, %sign3A_15 : i32
    %rem3A = arith.remsi %get3A_2, %jit3A : i32
    %ne3A_16 = arith.constant 0 : i32
    %ne3A_17 = arith.cmpi ne, %rem3A, %ne3A_16 : i32
    %and3A = arith.andi %ne3A, %ne3A_17 : i1
    %sub3A = arith.constant 1 : i32
    %sub3A_18 = arith.subi %div3A, %sub3A : i32
    %select_n3A = arith.select %and3A, %sub3A_18, %div3A : i32
    %c0_i32 = arith.constant 0 : i32
    %c0_i32_19 = arith.constant 0 : i32
    return %c0_i32, %select_n3A : i32, i32
  }
  func.func @transform_24(%arg0: i32, %arg1: memref<64xi32, #tpu.memory_space<smem>>) -> (i32, i32) {
    %mul3A = arith.constant 32 : i32
    %mul3A_0 = arith.muli %arg0, %mul3A : i32
    %add3A = arith.constant 23 : i32
    %add3A_1 = arith.addi %mul3A_0, %add3A : i32
    %get3A = arith.index_cast %add3A_1 : i32 to index
    %get3A_2 = memref.load %arg1[%get3A] : memref<64xi32, #tpu.memory_space<smem>>
    %jit3A = arith.constant 128 : i32
    %div3A = arith.divsi %get3A_2, %jit3A : i32
    %sign3A = arith.constant 0 : i32
    %sign3A_3 = arith.cmpi sgt, %get3A_2, %sign3A : i32
    %sign3A_4 = arith.extui %sign3A_3 : i1 to i32
    %sign3A_5 = arith.constant 0 : i32
    %sign3A_6 = arith.cmpi slt, %get3A_2, %sign3A_5 : i32
    %sign3A_7 = arith.extui %sign3A_6 : i1 to i32
    %sign3A_8 = arith.subi %sign3A_4, %sign3A_7 : i32
    %sign3A_9 = arith.constant 0 : i32
    %sign3A_10 = arith.cmpi sgt, %jit3A, %sign3A_9 : i32
    %sign3A_11 = arith.extui %sign3A_10 : i1 to i32
    %sign3A_12 = arith.constant 0 : i32
    %sign3A_13 = arith.cmpi slt, %jit3A, %sign3A_12 : i32
    %sign3A_14 = arith.extui %sign3A_13 : i1 to i32
    %sign3A_15 = arith.subi %sign3A_11, %sign3A_14 : i32
    %ne3A = arith.cmpi ne, %sign3A_8, %sign3A_15 : i32
    %rem3A = arith.remsi %get3A_2, %jit3A : i32
    %ne3A_16 = arith.constant 0 : i32
    %ne3A_17 = arith.cmpi ne, %rem3A, %ne3A_16 : i32
    %and3A = arith.andi %ne3A, %ne3A_17 : i1
    %sub3A = arith.constant 1 : i32
    %sub3A_18 = arith.subi %div3A, %sub3A : i32
    %select_n3A = arith.select %and3A, %sub3A_18, %div3A : i32
    %c0_i32 = arith.constant 0 : i32
    %c0_i32_19 = arith.constant 0 : i32
    return %c0_i32, %select_n3A : i32, i32
  }
  func.func @transform_25(%arg0: i32, %arg1: memref<64xi32, #tpu.memory_space<smem>>) -> (i32, i32) {
    %mul3A = arith.constant 32 : i32
    %mul3A_0 = arith.muli %arg0, %mul3A : i32
    %add3A = arith.constant 24 : i32
    %add3A_1 = arith.addi %mul3A_0, %add3A : i32
    %get3A = arith.index_cast %add3A_1 : i32 to index
    %get3A_2 = memref.load %arg1[%get3A] : memref<64xi32, #tpu.memory_space<smem>>
    %jit3A = arith.constant 128 : i32
    %div3A = arith.divsi %get3A_2, %jit3A : i32
    %sign3A = arith.constant 0 : i32
    %sign3A_3 = arith.cmpi sgt, %get3A_2, %sign3A : i32
    %sign3A_4 = arith.extui %sign3A_3 : i1 to i32
    %sign3A_5 = arith.constant 0 : i32
    %sign3A_6 = arith.cmpi slt, %get3A_2, %sign3A_5 : i32
    %sign3A_7 = arith.extui %sign3A_6 : i1 to i32
    %sign3A_8 = arith.subi %sign3A_4, %sign3A_7 : i32
    %sign3A_9 = arith.constant 0 : i32
    %sign3A_10 = arith.cmpi sgt, %jit3A, %sign3A_9 : i32
    %sign3A_11 = arith.extui %sign3A_10 : i1 to i32
    %sign3A_12 = arith.constant 0 : i32
    %sign3A_13 = arith.cmpi slt, %jit3A, %sign3A_12 : i32
    %sign3A_14 = arith.extui %sign3A_13 : i1 to i32
    %sign3A_15 = arith.subi %sign3A_11, %sign3A_14 : i32
    %ne3A = arith.cmpi ne, %sign3A_8, %sign3A_15 : i32
    %rem3A = arith.remsi %get3A_2, %jit3A : i32
    %ne3A_16 = arith.constant 0 : i32
    %ne3A_17 = arith.cmpi ne, %rem3A, %ne3A_16 : i32
    %and3A = arith.andi %ne3A, %ne3A_17 : i1
    %sub3A = arith.constant 1 : i32
    %sub3A_18 = arith.subi %div3A, %sub3A : i32
    %select_n3A = arith.select %and3A, %sub3A_18, %div3A : i32
    %c0_i32 = arith.constant 0 : i32
    %c0_i32_19 = arith.constant 0 : i32
    return %c0_i32, %select_n3A : i32, i32
  }
  func.func @transform_26(%arg0: i32, %arg1: memref<64xi32, #tpu.memory_space<smem>>) -> (i32, i32) {
    %mul3A = arith.constant 32 : i32
    %mul3A_0 = arith.muli %arg0, %mul3A : i32
    %add3A = arith.constant 25 : i32
    %add3A_1 = arith.addi %mul3A_0, %add3A : i32
    %get3A = arith.index_cast %add3A_1 : i32 to index
    %get3A_2 = memref.load %arg1[%get3A] : memref<64xi32, #tpu.memory_space<smem>>
    %jit3A = arith.constant 128 : i32
    %div3A = arith.divsi %get3A_2, %jit3A : i32
    %sign3A = arith.constant 0 : i32
    %sign3A_3 = arith.cmpi sgt, %get3A_2, %sign3A : i32
    %sign3A_4 = arith.extui %sign3A_3 : i1 to i32
    %sign3A_5 = arith.constant 0 : i32
    %sign3A_6 = arith.cmpi slt, %get3A_2, %sign3A_5 : i32
    %sign3A_7 = arith.extui %sign3A_6 : i1 to i32
    %sign3A_8 = arith.subi %sign3A_4, %sign3A_7 : i32
    %sign3A_9 = arith.constant 0 : i32
    %sign3A_10 = arith.cmpi sgt, %jit3A, %sign3A_9 : i32
    %sign3A_11 = arith.extui %sign3A_10 : i1 to i32
    %sign3A_12 = arith.constant 0 : i32
    %sign3A_13 = arith.cmpi slt, %jit3A, %sign3A_12 : i32
    %sign3A_14 = arith.extui %sign3A_13 : i1 to i32
    %sign3A_15 = arith.subi %sign3A_11, %sign3A_14 : i32
    %ne3A = arith.cmpi ne, %sign3A_8, %sign3A_15 : i32
    %rem3A = arith.remsi %get3A_2, %jit3A : i32
    %ne3A_16 = arith.constant 0 : i32
    %ne3A_17 = arith.cmpi ne, %rem3A, %ne3A_16 : i32
    %and3A = arith.andi %ne3A, %ne3A_17 : i1
    %sub3A = arith.constant 1 : i32
    %sub3A_18 = arith.subi %div3A, %sub3A : i32
    %select_n3A = arith.select %and3A, %sub3A_18, %div3A : i32
    %c0_i32 = arith.constant 0 : i32
    %c0_i32_19 = arith.constant 0 : i32
    return %c0_i32, %select_n3A : i32, i32
  }
  func.func @transform_27(%arg0: i32, %arg1: memref<64xi32, #tpu.memory_space<smem>>) -> (i32, i32) {
    %mul3A = arith.constant 32 : i32
    %mul3A_0 = arith.muli %arg0, %mul3A : i32
    %add3A = arith.constant 26 : i32
    %add3A_1 = arith.addi %mul3A_0, %add3A : i32
    %get3A = arith.index_cast %add3A_1 : i32 to index
    %get3A_2 = memref.load %arg1[%get3A] : memref<64xi32, #tpu.memory_space<smem>>
    %jit3A = arith.constant 128 : i32
    %div3A = arith.divsi %get3A_2, %jit3A : i32
    %sign3A = arith.constant 0 : i32
    %sign3A_3 = arith.cmpi sgt, %get3A_2, %sign3A : i32
    %sign3A_4 = arith.extui %sign3A_3 : i1 to i32
    %sign3A_5 = arith.constant 0 : i32
    %sign3A_6 = arith.cmpi slt, %get3A_2, %sign3A_5 : i32
    %sign3A_7 = arith.extui %sign3A_6 : i1 to i32
    %sign3A_8 = arith.subi %sign3A_4, %sign3A_7 : i32
    %sign3A_9 = arith.constant 0 : i32
    %sign3A_10 = arith.cmpi sgt, %jit3A, %sign3A_9 : i32
    %sign3A_11 = arith.extui %sign3A_10 : i1 to i32
    %sign3A_12 = arith.constant 0 : i32
    %sign3A_13 = arith.cmpi slt, %jit3A, %sign3A_12 : i32
    %sign3A_14 = arith.extui %sign3A_13 : i1 to i32
    %sign3A_15 = arith.subi %sign3A_11, %sign3A_14 : i32
    %ne3A = arith.cmpi ne, %sign3A_8, %sign3A_15 : i32
    %rem3A = arith.remsi %get3A_2, %jit3A : i32
    %ne3A_16 = arith.constant 0 : i32
    %ne3A_17 = arith.cmpi ne, %rem3A, %ne3A_16 : i32
    %and3A = arith.andi %ne3A, %ne3A_17 : i1
    %sub3A = arith.constant 1 : i32
    %sub3A_18 = arith.subi %div3A, %sub3A : i32
    %select_n3A = arith.select %and3A, %sub3A_18, %div3A : i32
    %c0_i32 = arith.constant 0 : i32
    %c0_i32_19 = arith.constant 0 : i32
    return %c0_i32, %select_n3A : i32, i32
  }
  func.func @transform_28(%arg0: i32, %arg1: memref<64xi32, #tpu.memory_space<smem>>) -> (i32, i32) {
    %mul3A = arith.constant 32 : i32
    %mul3A_0 = arith.muli %arg0, %mul3A : i32
    %add3A = arith.constant 27 : i32
    %add3A_1 = arith.addi %mul3A_0, %add3A : i32
    %get3A = arith.index_cast %add3A_1 : i32 to index
    %get3A_2 = memref.load %arg1[%get3A] : memref<64xi32, #tpu.memory_space<smem>>
    %jit3A = arith.constant 128 : i32
    %div3A = arith.divsi %get3A_2, %jit3A : i32
    %sign3A = arith.constant 0 : i32
    %sign3A_3 = arith.cmpi sgt, %get3A_2, %sign3A : i32
    %sign3A_4 = arith.extui %sign3A_3 : i1 to i32
    %sign3A_5 = arith.constant 0 : i32
    %sign3A_6 = arith.cmpi slt, %get3A_2, %sign3A_5 : i32
    %sign3A_7 = arith.extui %sign3A_6 : i1 to i32
    %sign3A_8 = arith.subi %sign3A_4, %sign3A_7 : i32
    %sign3A_9 = arith.constant 0 : i32
    %sign3A_10 = arith.cmpi sgt, %jit3A, %sign3A_9 : i32
    %sign3A_11 = arith.extui %sign3A_10 : i1 to i32
    %sign3A_12 = arith.constant 0 : i32
    %sign3A_13 = arith.cmpi slt, %jit3A, %sign3A_12 : i32
    %sign3A_14 = arith.extui %sign3A_13 : i1 to i32
    %sign3A_15 = arith.subi %sign3A_11, %sign3A_14 : i32
    %ne3A = arith.cmpi ne, %sign3A_8, %sign3A_15 : i32
    %rem3A = arith.remsi %get3A_2, %jit3A : i32
    %ne3A_16 = arith.constant 0 : i32
    %ne3A_17 = arith.cmpi ne, %rem3A, %ne3A_16 : i32
    %and3A = arith.andi %ne3A, %ne3A_17 : i1
    %sub3A = arith.constant 1 : i32
    %sub3A_18 = arith.subi %div3A, %sub3A : i32
    %select_n3A = arith.select %and3A, %sub3A_18, %div3A : i32
    %c0_i32 = arith.constant 0 : i32
    %c0_i32_19 = arith.constant 0 : i32
    return %c0_i32, %select_n3A : i32, i32
  }
  func.func @transform_29(%arg0: i32, %arg1: memref<64xi32, #tpu.memory_space<smem>>) -> (i32, i32) {
    %mul3A = arith.constant 32 : i32
    %mul3A_0 = arith.muli %arg0, %mul3A : i32
    %add3A = arith.constant 28 : i32
    %add3A_1 = arith.addi %mul3A_0, %add3A : i32
    %get3A = arith.index_cast %add3A_1 : i32 to index
    %get3A_2 = memref.load %arg1[%get3A] : memref<64xi32, #tpu.memory_space<smem>>
    %jit3A = arith.constant 128 : i32
    %div3A = arith.divsi %get3A_2, %jit3A : i32
    %sign3A = arith.constant 0 : i32
    %sign3A_3 = arith.cmpi sgt, %get3A_2, %sign3A : i32
    %sign3A_4 = arith.extui %sign3A_3 : i1 to i32
    %sign3A_5 = arith.constant 0 : i32
    %sign3A_6 = arith.cmpi slt, %get3A_2, %sign3A_5 : i32
    %sign3A_7 = arith.extui %sign3A_6 : i1 to i32
    %sign3A_8 = arith.subi %sign3A_4, %sign3A_7 : i32
    %sign3A_9 = arith.constant 0 : i32
    %sign3A_10 = arith.cmpi sgt, %jit3A, %sign3A_9 : i32
    %sign3A_11 = arith.extui %sign3A_10 : i1 to i32
    %sign3A_12 = arith.constant 0 : i32
    %sign3A_13 = arith.cmpi slt, %jit3A, %sign3A_12 : i32
    %sign3A_14 = arith.extui %sign3A_13 : i1 to i32
    %sign3A_15 = arith.subi %sign3A_11, %sign3A_14 : i32
    %ne3A = arith.cmpi ne, %sign3A_8, %sign3A_15 : i32
    %rem3A = arith.remsi %get3A_2, %jit3A : i32
    %ne3A_16 = arith.constant 0 : i32
    %ne3A_17 = arith.cmpi ne, %rem3A, %ne3A_16 : i32
    %and3A = arith.andi %ne3A, %ne3A_17 : i1
    %sub3A = arith.constant 1 : i32
    %sub3A_18 = arith.subi %div3A, %sub3A : i32
    %select_n3A = arith.select %and3A, %sub3A_18, %div3A : i32
    %c0_i32 = arith.constant 0 : i32
    %c0_i32_19 = arith.constant 0 : i32
    return %c0_i32, %select_n3A : i32, i32
  }
  func.func @transform_30(%arg0: i32, %arg1: memref<64xi32, #tpu.memory_space<smem>>) -> (i32, i32) {
    %mul3A = arith.constant 32 : i32
    %mul3A_0 = arith.muli %arg0, %mul3A : i32
    %add3A = arith.constant 29 : i32
    %add3A_1 = arith.addi %mul3A_0, %add3A : i32
    %get3A = arith.index_cast %add3A_1 : i32 to index
    %get3A_2 = memref.load %arg1[%get3A] : memref<64xi32, #tpu.memory_space<smem>>
    %jit3A = arith.constant 128 : i32
    %div3A = arith.divsi %get3A_2, %jit3A : i32
    %sign3A = arith.constant 0 : i32
    %sign3A_3 = arith.cmpi sgt, %get3A_2, %sign3A : i32
    %sign3A_4 = arith.extui %sign3A_3 : i1 to i32
    %sign3A_5 = arith.constant 0 : i32
    %sign3A_6 = arith.cmpi slt, %get3A_2, %sign3A_5 : i32
    %sign3A_7 = arith.extui %sign3A_6 : i1 to i32
    %sign3A_8 = arith.subi %sign3A_4, %sign3A_7 : i32
    %sign3A_9 = arith.constant 0 : i32
    %sign3A_10 = arith.cmpi sgt, %jit3A, %sign3A_9 : i32
    %sign3A_11 = arith.extui %sign3A_10 : i1 to i32
    %sign3A_12 = arith.constant 0 : i32
    %sign3A_13 = arith.cmpi slt, %jit3A, %sign3A_12 : i32
    %sign3A_14 = arith.extui %sign3A_13 : i1 to i32
    %sign3A_15 = arith.subi %sign3A_11, %sign3A_14 : i32
    %ne3A = arith.cmpi ne, %sign3A_8, %sign3A_15 : i32
    %rem3A = arith.remsi %get3A_2, %jit3A : i32
    %ne3A_16 = arith.constant 0 : i32
    %ne3A_17 = arith.cmpi ne, %rem3A, %ne3A_16 : i32
    %and3A = arith.andi %ne3A, %ne3A_17 : i1
    %sub3A = arith.constant 1 : i32
    %sub3A_18 = arith.subi %div3A, %sub3A : i32
    %select_n3A = arith.select %and3A, %sub3A_18, %div3A : i32
    %c0_i32 = arith.constant 0 : i32
    %c0_i32_19 = arith.constant 0 : i32
    return %c0_i32, %select_n3A : i32, i32
  }
  func.func @transform_31(%arg0: i32, %arg1: memref<64xi32, #tpu.memory_space<smem>>) -> (i32, i32) {
    %mul3A = arith.constant 32 : i32
    %mul3A_0 = arith.muli %arg0, %mul3A : i32
    %add3A = arith.constant 30 : i32
    %add3A_1 = arith.addi %mul3A_0, %add3A : i32
    %get3A = arith.index_cast %add3A_1 : i32 to index
    %get3A_2 = memref.load %arg1[%get3A] : memref<64xi32, #tpu.memory_space<smem>>
    %jit3A = arith.constant 128 : i32
    %div3A = arith.divsi %get3A_2, %jit3A : i32
    %sign3A = arith.constant 0 : i32
    %sign3A_3 = arith.cmpi sgt, %get3A_2, %sign3A : i32
    %sign3A_4 = arith.extui %sign3A_3 : i1 to i32
    %sign3A_5 = arith.constant 0 : i32
    %sign3A_6 = arith.cmpi slt, %get3A_2, %sign3A_5 : i32
    %sign3A_7 = arith.extui %sign3A_6 : i1 to i32
    %sign3A_8 = arith.subi %sign3A_4, %sign3A_7 : i32
    %sign3A_9 = arith.constant 0 : i32
    %sign3A_10 = arith.cmpi sgt, %jit3A, %sign3A_9 : i32
    %sign3A_11 = arith.extui %sign3A_10 : i1 to i32
    %sign3A_12 = arith.constant 0 : i32
    %sign3A_13 = arith.cmpi slt, %jit3A, %sign3A_12 : i32
    %sign3A_14 = arith.extui %sign3A_13 : i1 to i32
    %sign3A_15 = arith.subi %sign3A_11, %sign3A_14 : i32
    %ne3A = arith.cmpi ne, %sign3A_8, %sign3A_15 : i32
    %rem3A = arith.remsi %get3A_2, %jit3A : i32
    %ne3A_16 = arith.constant 0 : i32
    %ne3A_17 = arith.cmpi ne, %rem3A, %ne3A_16 : i32
    %and3A = arith.andi %ne3A, %ne3A_17 : i1
    %sub3A = arith.constant 1 : i32
    %sub3A_18 = arith.subi %div3A, %sub3A : i32
    %select_n3A = arith.select %and3A, %sub3A_18, %div3A : i32
    %c0_i32 = arith.constant 0 : i32
    %c0_i32_19 = arith.constant 0 : i32
    return %c0_i32, %select_n3A : i32, i32
  }
  func.func @transform_32(%arg0: i32, %arg1: memref<64xi32, #tpu.memory_space<smem>>) -> (i32, i32) {
    %mul3A = arith.constant 32 : i32
    %mul3A_0 = arith.muli %arg0, %mul3A : i32
    %add3A = arith.constant 31 : i32
    %add3A_1 = arith.addi %mul3A_0, %add3A : i32
    %get3A = arith.index_cast %add3A_1 : i32 to index
    %get3A_2 = memref.load %arg1[%get3A] : memref<64xi32, #tpu.memory_space<smem>>
    %jit3A = arith.constant 128 : i32
    %div3A = arith.divsi %get3A_2, %jit3A : i32
    %sign3A = arith.constant 0 : i32
    %sign3A_3 = arith.cmpi sgt, %get3A_2, %sign3A : i32
    %sign3A_4 = arith.extui %sign3A_3 : i1 to i32
    %sign3A_5 = arith.constant 0 : i32
    %sign3A_6 = arith.cmpi slt, %get3A_2, %sign3A_5 : i32
    %sign3A_7 = arith.extui %sign3A_6 : i1 to i32
    %sign3A_8 = arith.subi %sign3A_4, %sign3A_7 : i32
    %sign3A_9 = arith.constant 0 : i32
    %sign3A_10 = arith.cmpi sgt, %jit3A, %sign3A_9 : i32
    %sign3A_11 = arith.extui %sign3A_10 : i1 to i32
    %sign3A_12 = arith.constant 0 : i32
    %sign3A_13 = arith.cmpi slt, %jit3A, %sign3A_12 : i32
    %sign3A_14 = arith.extui %sign3A_13 : i1 to i32
    %sign3A_15 = arith.subi %sign3A_11, %sign3A_14 : i32
    %ne3A = arith.cmpi ne, %sign3A_8, %sign3A_15 : i32
    %rem3A = arith.remsi %get3A_2, %jit3A : i32
    %ne3A_16 = arith.constant 0 : i32
    %ne3A_17 = arith.cmpi ne, %rem3A, %ne3A_16 : i32
    %and3A = arith.andi %ne3A, %ne3A_17 : i1
    %sub3A = arith.constant 1 : i32
    %sub3A_18 = arith.subi %div3A, %sub3A : i32
    %select_n3A = arith.select %and3A, %sub3A_18, %div3A : i32
    %c0_i32 = arith.constant 0 : i32
    %c0_i32_19 = arith.constant 0 : i32
    return %c0_i32, %select_n3A : i32, i32
  }
  func.func @transform_33(%arg0: i32, %arg1: memref<64xi32, #tpu.memory_space<smem>>) -> (i32, i32) {
    %c0_i32 = arith.constant 0 : i32
    %c0_i32_0 = arith.constant 0 : i32
    %c0_i32_1 = arith.constant 0 : i32
    return %c0_i32, %c0_i32_0 : i32, i32
  }
}

</mosaic_0001>

<sc_bundles>
// kernel: kernel.4.cloned.1.call-start
scs
__scs_entry_jumppad:
0x0: {  	(pc) =	sbr.rel $0x88, $3  }
0x1: {  	(tag) =	ssettag $0x0;
	lr =	simm.s32 $0x1  }
0x2: {  	[smem:$0x3F9F] =	sst lr;
	_ =	strace $0xD0000000  }
0x3: {  	_ = 	snop  }
0x4: {  	_ = 	snop  }
0x5: {  	_ = 	snop  }
0x6: {  	_ = 	snop  }
0x7: {  	_ = 	snop  }
__scs_overlays_trampoline_lowered:
0x8: {  	[smem:$0x3FAE] =	sst s0  }
0x9: {  	[smem:$0x3FAF] =	sst s1  }
0xa: {  	[smem:$0x3FB0] =	sst s2  }
0xb: {  	[smem:$0x3FB1] =	sst s3  }
0xc: {  	[smem:$0x3FB2] =	sst s4  }
0xd: {  	[smem:$0x3FB3] =	sst s5  }
0xe: {  	[smem:$0x3FB4] =	sst s6  }
0xf: {  	[smem:$0x3FB5] =	sst s7  }
0x10: {  	[smem:$0x3FB6] =	sst s8  }
0x11: {  	[smem:$0x3FB7] =	sst s9;
	s0 =	simm.s32 @!p0 $0x0  }
0x12: {  	s1 =	sld [smem:$0x3F9D];
	s0 =	simm.s32 @p0 $0x1  }
0x13: {  	[smem:$0x3FB8] =	sst s0;
	s0 =	simm.s32 @!p1 $0x0  }
0x14: {  	s2 =	sld [smem:$0x3F9C];
	s0 =	simm.s32 @p1 $0x1  }
0x15: {  	[smem:$0x3FB9] =	sst s0;
	s0 =	simm.s32 @!p2 $0x0  }
0x16: {  	s3 =	sld [smem:$0x3FDB];
	s0 =	simm.s32 @p2 $0x1  }
0x17: {  	s4 =	simm.s32 $0x1BF5;
	[smem:$0x3FBB] =	sst s0  }
0x18: {  	s0 =	sld [smem:$0x3F9E];
	_ =	swait.ge [sflag:s4], $0x0  }
0x19: {  	s7 =	sld [smem:$0x3F9F]  }
0x1a: {  	s8 =	sadd.s32 $0xFFFFE003, lr  }
0x1b: {  	s9 =	sadd.s32 $0xFFFFFEF7, lr;
	s5 =	simm.s32 $0xFFFFFFFF;
	p2 =	slt.u32 s8, $0xFFFFF086  }
0x1c: {  	p1 =	slt.u32 s9, $0xF7A;
	s5 =	simm.s32 @!p2 $0x0  }
0x1d: {  	s5 =	simm.s32 @p1 $0x1;
	p0 =	seq.s32 s7, s2  }
0x1e: {  	s7 =	smul.u32 @!p0 $0xF7A, s2;
	p2 =	seq.s32 @!p0 s5, $0x0  }
0x1f: {  	s9 =	smul.u32 $0xF7A, s1;
	s8 =	simm.s32 @!p0 $0x1BF5;
	p2 =	por !p2, p0  }
0x20: {  	[sflag:s8] =	ssyncset.s32 @!p0 $0xFFFFF086;
	s6 =	sadd.s32 @!p0 s3, s7;
	s7 =	simm.s32 @!p0 $0x108  }
0x21: {  	s3 =	sadd.s32 s3, s9;
	s6 =	sadd.s32 @!p0 $0x88, s6;
	s7 =	simm.s32 @p2 $0x1082  }
0x22: {  	[simem:s7], [sflag:s8] =	dma.local @!p0 [hbm:s6], $0xF7A  }
0x23: {  	s9 =	sor.u32 $0xD0000000, s2;
	s6 =	simm.s32 $0x108;
	_ =	swait.ge @!p0 [sflag:s8], $0x0  }
0x24: {  	s3 =	sadd.s32 $0x88, s3;
	s6 =	simm.s32 @!p1 $0x1082;
	[sflag:s4] =	ssyncset.s32 $0xFFFFF086  }
0x25: {  	[simem:s6], [sflag:s4] =	dma.local [hbm:s3], $0xF7A  }
0x26: {  	[smem:$0x3F9F] =	sst s1;
	(tag) =	ssettag s2;
	_ =	strace s9  }
0x27: {  	s1 =	sld [smem:$0x3FAF]  }
0x28: {  	s2 =	sld [smem:$0x3FB0]  }
0x29: {  	s4 =	sld [smem:$0x3FB2]  }
0x2a: {  	p0 =	seq.s32 s5, $0x0;
	s5 =	sld [smem:$0x3FB3]  }
0x2b: {  	s6 =	sld [smem:$0x3FB4]  }
0x2c: {  	s7 =	sld [smem:$0x3FB5]  }
0x2d: {  	s3 =	simm.s32 $0x108;
	s8 =	sld [smem:$0x3FB6]  }
0x2e: {  	s3 =	simm.s32 @!p0 $0x1082;
	s9 =	sld [smem:$0x3FB7]  }
0x2f: {  	lr =	sadd.s32 s0, s3;
	s0 =	sld [smem:$0x3FAE]  }
0x30: {  	s3 =	sld [smem:$0x3FB1]  }
0x31: {  	[smem:$0x3FBA] =	sst s10  }
0x32: {  	s10 =	sld [smem:$0x3FB8];
	_ =	sdelay $0x3  }
0x33: {  	p0 =	seq.s32 s10, $0x1;
	s10 =	sld [smem:$0x3FBA];
	_ =	sdelay $0x3  }
0x34: {  	[smem:$0x3FBA] =	sst s10  }
0x35: {  	s10 =	sld [smem:$0x3FB9];
	_ =	sdelay $0x3  }
0x36: {  	p1 =	seq.s32 s10, $0x1;
	s10 =	sld [smem:$0x3FBA];
	_ =	sdelay $0x3  }
0x37: {  	[smem:$0x3FBA] =	sst s10  }
0x38: {  	s10 =	sld [smem:$0x3FBB]  }
0x39: {  	_ = 	snop;
	(pc) =	sbr.ind lr, $3  }
0x3a: {  	_ = 	snop  }
0x3b: {  	_ = 	snop  }
0x3c: {  	p2 =	seq.s32 s10, $0x1;
	s10 =	sld [smem:$0x3FBA]  }
0x3d: {  	_ =	shalt  }
0x3e: {  	_ =	shalt  }
0x3f: {  	_ =	shalt  }
0x40: {  	_ =	shalt  }
0x41: {  	_ =	shalt  }
0x42: {  	_ =	shalt  }
0x43: {  	_ =	shalt  }
0x44: {  	_ =	shalt  }
0x45: {  	_ =	shalt  }
0x46: {  	_ =	shalt  }
0x47: {  	_ =	shalt  }
0x48: {  	_ =	shalt  }
0x49: {  	_ =	shalt  }
0x4a: {  	_ =	shalt  }
0x4b: {  	_ =	shalt  }
0x4c: {  	_ =	shalt  }
0x4d: {  	_ =	shalt  }
0x4e: {  	_ =	shalt  }
0x4f: {  	_ =	shalt  }
0x50: {  	_ =	shalt  }
0x51: {  	_ =	shalt  }
0x52: {  	_ =	shalt  }
0x53: {  	_ =	shalt  }
0x54: {  	_ =	shalt  }
0x55: {  	_ =	shalt  }
0x56: {  	_ =	shalt  }
0x57: {  	_ =	shalt  }
0x58: {  	_ =	shalt  }
0x59: {  	_ =	shalt  }
0x5a: {  	_ =	shalt  }
0x5b: {  	_ =	shalt  }
0x5c: {  	_ =	shalt  }
0x5d: {  	_ =	shalt  }
0x5e: {  	_ =	shalt  }
0x5f: {  	_ =	shalt  }
0x60: {  	_ =	shalt  }
0x61: {  	_ =	shalt  }
0x62: {  	_ =	shalt  }
0x63: {  	_ =	shalt  }
0x64: {  	_ =	shalt  }
0x65: {  	_ =	shalt  }
0x66: {  	_ =	shalt  }
0x67: {  	_ =	shalt  }
0x68: {  	_ =	shalt  }
0x69: {  	_ =	shalt  }
0x6a: {  	_ =	shalt  }
0x6b: {  	_ =	shalt  }
0x6c: {  	_ =	shalt  }
0x6d: {  	_ =	shalt  }
0x6e: {  	_ =	shalt  }
0x6f: {  	_ =	shalt  }
0x70: {  	_ =	shalt  }
0x71: {  	_ =	shalt  }
0x72: {  	_ =	shalt  }
0x73: {  	_ =	shalt  }
0x74: {  	_ =	shalt  }
0x75: {  	_ =	shalt  }
0x76: {  	_ =	shalt  }
0x77: {  	_ =	shalt  }
0x78: {  	_ =	shalt  }
0x79: {  	_ =	shalt  }
0x7a: {  	_ =	shalt  }
0x7b: {  	_ =	shalt  }
0x7c: {  	_ =	shalt  }
0x7d: {  	_ =	shalt  }
0x7e: {  	_ =	shalt  }
0x7f: {  	_ =	shalt  }
0x80: {  	_ =	shalt  }
0x81: {  	_ =	shalt  }
0x82: {  	_ =	shalt  }
0x83: {  	_ =	shalt  }
0x84: {  	_ =	shalt  }
0x85: {  	_ =	shalt  }
0x86: {  	_ =	shalt  }
0x87: {  	_ =	shalt  }
.Lfunc_end0:
.L_simem_size_0:
called_computation_lowered:
.L_overlay_start_0:
0x88: {  	s0 =	sld [smem:$0x3FD9]  }
0x89: {  	s1 =	sld [smem:$0x3FFE];
	_ =	sdelay $0x3  }
0x8a: {  	s0 =	sadd.s32 s1, s0  }
0x8b: {  	[smem:$0x3FC6] =	sst s0  }
0x8c: {  	_ = 	snop  }
0x8d: {  	s0 =	sld [smem:$0x3FC9]  }
0x8e: {  	s16 =	sld [smem:$0x3FD0];
	(tm) =	ssettm $0x1  }
0x8f: {  	s2 =	sld [smem:$0x3FFB];
	_ =	sdelay $0x3  }
0x90: {  	_ =	strace s2  }
0x91: {  	s2 =	sld [smem:$0x3FFC];
	_ =	sdelay $0x3  }
0x92: {  	_ =	strace s2  }
0x93: {  	s2 =	sld [smem:$0x3FFD];
	_ =	sdelay $0x3  }
0x94: {  	_ =	strace s2  }
0x95: {  	_ =	strace $0x8FFFFFFF  }
0x96: {  	s17 =	sld [smem:$0x3FDB];
	_ =	sdelay $0x1  }
0x97: {  	s3 =	simm.s32 $_scs_section_size  }
0x98: {  	s4 =	simm.s32 $_size__tile_overlayer_lowered;
	s5 =	simm.s32 $_tile_overlayer_lowered  }
0x99: {  	s20 =	simm.s32 $0x1BFF;
	s19 =	sshll.u32 s5, $0x1;
	s2 =	sadd.s32 s3, s17  }
0x9a: {  	s6 =	simm.s32 $0x0;
	s18 =	sshll.u32 s4, $0x1;
	s4 =	sadd.s32 s19, s2  }
0x9b: {  	[timem:s6], [sflag:s20] =	dma.local [hbm:s4], s18  }
0x9c: {  	_ =	swait.ge [sflag:s20], s18  }
0x9d: {  	s3 =	ssub.s32 $0x0, s18;
	[sflag:s20] =	ssyncset.done $0x0  }
0x9e: {  	[sflag:s20] =	ssyncadd.s32 s3;
	_ =	sdelay $0x1  }
0x9f: {  	s21 =	simm.s32 $0x1B8B  }
0xa0: {  	_ =	swait.ge [sflag:s21], $0x1  }
0xa1: {  	[sflag:s21] =	ssyncset.done $0x0  }
0xa2: {  	s23 =	simm.s32 $0x1B8E;
	s22 =	sld [smem:$0x3FFE];
	[sflag:s21] =	ssyncadd.s32 $0xFFFFFFFF  }
0xa3: {  	s24 =	simm.s32 $execute0_lowered;
	[smem:$0x3FD2] =	sst s23  }
0xa4: {  	s4 =	sshll.u32 s24, $0x1;
	_ =	strace $0x80000046;
	[dreg:$0x1] =	wrdreg $0xFFFFFFFF  }
0xa5: {  	s25 =	simm.s32 $_size_execute0_lowered;
	s2 =	sadd.s32 s2, s4;
	[dreg:$0x0] =	wrdreg $0x0  }
0xa6: {  	s4 =	sshll.u32 s25, $0x1;
	[dreg:$0x2] =	wrdreg s2  }
0xa7: {  	[dreg:$0x3] =	wrdreg s4  }
0xa8: {  	[dreg:$0x4] =	wrdreg $0xC0  }
0xa9: {  	_ =	task [dreg:s6], $0x5FFFF  }
0xaa: {  	[dreg:$0x1] =	wrdreg $0xFFFFFFFF  }
0xab: {  	[dreg:$0x0] =	wrdreg $0x60  }
0xac: {  	[dreg:$0x2] =	wrdreg s0  }
0xad: {  	[dreg:$0x3] =	wrdreg s16  }
0xae: {  	[dreg:$0x4] =	wrdreg s22  }
0xaf: {  	[dreg:$0x5] =	wrdreg $0xA000  }
0xb0: {  	[dreg:$0x6] =	wrdreg $0xA400  }
0xb1: {  	[dreg:$0x7] =	wrdreg $0x9  }
0xb2: {  	_ =	task.clear_ibuf [dreg:s6], $0x8FFFF;
	_ =	strace $0x90000046  }
0xb3: {  	s26 =	simm.s32 $0x9;
	_ =	strace $0x80000048  }
0xb4: {  	_ =	swait.ge [sflag:s26], $0x1  }
0xb5: {  	[sflag:s26] =	ssyncadd.s32 $0xFFFFFFFF  }
0xb6: {  	_ =	strace $0x90000048  }
0xb7: {  	_ =	sfence  }
0xb8: {  	s28 =	sld [smem:$0x0];
	_ =	sdelay $0x1  }
0xb9: {  	s29 =	srdreg.scid  }
0xba: {  	s30 =	sshll.u32 s29, $0xD;
	s31 =	sshrl.u32 s29, $0x2  }
0xbb: {  	s1 =	sand.u32 $0x1, s29;
	s2 =	sand.u32 $0x4000, s30;
	s0 =	sadd.s32 s31, s28  }
0xbc: {  	s1 =	sor.u32 s2, s1;
	s0 =	sshll.u32 s0, $0x11  }
0xbd: {  	s0 =	sor.u32 s0, s1  }
0xbe: {  	s0 =	sadd.s32 $0x8F2B, s0  }
0xbf: {  	[sflag:s0] =	ssyncadd.remote.s32 $0x1  }
0xc0: {  	_ =	sfence.sel $0xFFFF  }
0xc1: {  	[dreg:$0x0] =	wrdreg $0xFFFFFFFF;
	(pc) =	sbr.abs _section_cstart, $3  }
0xc2: {  	[dreg:$0x1] =	wrdreg $0xFFFFFFFF  }
0xc3: {  	_ =	task.clear_ibuf [dreg:s6], $0x2FFFF;
	_ =	strace $0x9FFFFFFF  }
0xc4: {  	(tm) =	ssettm $0x7FFFFFFF  }
0xc5: {  	_ =	shalt  }
tec
execute0_lowered:
.L_overlay_start_1:
0x0: {  	(tag) =	ssettag $0x1  }
0x1: {  	s3 =	rddreg [dreg:$0x0]  }
0x2: {  	s1 =	rddreg [dreg:$0x1]  }
0x3: {  	s6 =	rddreg [dreg:$0x2]  }
0x4: {  	s5 =	rddreg [dreg:$0x3]  }
0x5: {  	s4 =	rddreg [dreg:$0x4]  }
0x6: {  	s0 =	rddreg [dreg:$0x5];
	s7 =	simm.s32 $0x0;
	s2 =	stileid.u32  }
0x7: {  	[smem:$0x7FF] =	sst s7;
	s8 =	sshll.u32 s2, $0x8  }
0x8: {  	s30 =	simm.s32 $0x1;
	_ =	strace $0x80000047;
	s3 =	sadd.s32 s3, s8  }
0x9: {  	[tilespmem:s7], [sflag:$0x1] =	stream.linear.gather [hbm4b:s3+s7], $0x800, $0x38;
	[tilespmem:$0x1380] =	vst v63  }
0xa: {  	_ =	swait.ge [sflag:s30], $0x800  }
0xb: {  	[sflag:s30] =	ssyncset.done $0x0  }
0xc: {  	v0 =	vimm.s32 $0x0;
	[sflag:s30] =	ssyncadd.s32 $0xFFFFF800  }
0xd: {  	[tilespmem:$0x800] =	vst v0  }
0xe: {  	[tilespmem:$0x810] =	vst v0  }
0xf: {  	[tilespmem:$0x820] =	vst v0  }
0x10: {  	s31 =	simm.s32 $0x20;
	[tilespmem:$0x830] =	vst v0  }
0x11: {  	v1 =	vld [tilespmem:s31+$0x10];
	_ =	sdelay $0x1  }
0x12: {  	v5 =	vld [tilespmem:s31+$0xFFFFFFF0]  }
0x13: {  	v2 =	vld [tilespmem:s31+$0x0]  }
0x14: {  	v4 =	vld [tilespmem:s31+$0xFFFFFFE0]  }
0x15: {  	v3 =	vshrl.u32 v1, $0x18  }
0x16: {  	s8 =	simm.s32 $0x60  }
0x17: {  	s3 =	sadd.s32 $0xE00, s6;
	s6 =	simm.s32 $0x800;
	s7 =	simm.s32 $0x0;
	v0 =	vimm.s32 $0x1;
	v1 =	vshrl.u32 v5, $0x18  }
.LBB2_1:
0x18: {  	v5 =	vld [tilespmem:s8+$0x10];
	s7 =	sadd.s32 $0x4, s7;
	v6 =	vshrl.u32 v2, $0x18  }
0x19: {  	v7 =	vld [tilespmem:s8+$0xFFFFFFF0];
	p0 =	slt.u32 s7, $0x7C;
	v8 =	vshrl.u32 v4, $0x18  }
0x1a: {  	[tilespmem:v3+s6+$0x0] =	vst.idx.add.s32.msk $0xffff, v0  }
.Ltmp0:
0x1b: {  	v2 =	vld [tilespmem:s8+$0x0];
	(pc) =	sbr.rel @p0 .LBB2_1-.Ltmp0, $4  }
0x1c: {  	v4 =	vld [tilespmem:s8+$0xFFFFFFE0]  }
0x1d: {  	v3 =	vshrl.u32 v5, $0x18;
	[tilespmem:v1+s6+$0x0] =	vst.idx.add.s32.msk $0xffff, v0  }
0x1e: {  	v1 =	vshrl.u32 v7, $0x18;
	[tilespmem:v8+s6+$0x0] =	vst.idx.add.s32.msk $0xffff, v0  }
0x1f: {  	s8 =	sadd.s32 $0x40, s8;
	[tilespmem:v6+s6+$0x0] =	vst.idx.add.s32.msk $0xffff, v0  }
0x20: {  	_ = 	snop  }
0x21: {  	v2 =	vshrl.u32 v2, $0x18  }
0x22: {  	v4 =	vshrl.u32 v4, $0x18;
	_ =	sdelay $0x1  }
0x23: {  	[tilespmem:v3+s6+$0x0] =	vst.idx.add.s32.msk $0xffff, v0  }
0x24: {  	[tilespmem:v1+s6+$0x0] =	vst.idx.add.s32.msk $0xffff, v0  }
0x25: {  	[tilespmem:v2+s6+$0x0] =	vst.idx.add.s32.msk $0xffff, v0  }
0x26: {  	[tilespmem:v4+s6+$0x0] =	vst.idx.add.s32.msk $0xffff, v0  }
0x27: {  	v0 =	vld [tilespmem:$0x830];
	_ =	sdelay $0x1  }
0x28: {  	v3 =	vld [tilespmem:$0x820];
	_ =	sdelay $0x1  }
0x29: {  	v4 =	vld [tilespmem:$0x810]  }
0x2a: {  	(xrf0) =	vadd.scan.msk.s32 $0xffff, v0  }
0x2b: {  	v5 =	vld [tilespmem:$0x800]  }
0x2c: {  	(xrf0) =	vadd.scan.msk.s32 $0xffff, v3;
	_ =	sdelay $0x1  }
0x2d: {  	(xrf0) =	vadd.scan.msk.s32 $0xffff, v4;
	_ =	sdelay $0x1  }
0x2e: {  	v1, _, _ =	vpop (xrf0);
	(xrf0) =	vadd.scan.msk.s32 $0xffff, v5;
	_ =	sdelay $0x1  }
0x2f: {  	v2, _, _ =	vpop (xrf0);
	(v2sf) =	vpush v1, $0xF  }
0x30: {  	(v2sf) =	vpush v2, $0xF  }
0x31: {  	v6, _, _ =	vpop (xrf0)  }
0x32: {  	(v2sf) =	vpush v6, $0xF  }
0x33: {  	v7, _, _ =	vpop (xrf0)  }
0x34: {  	(v2sf) =	vpush v7, $0xF;
	_ =	sdelay $0x5  }
0x35: {  	v8 =	vbroadcast v1, $0xF;
	_ =	sdelay $0x1  }
0x36: {  	v1 =	vsub.s32 v8, v1;
	v8 =	vimm.s32 $0x0  }
0x37: {  	[tilespmem:$0x800] =	vst v8  }
0x38: {  	[tilespmem:$0x810] =	vst v8;
	s26 =	spop (v2sf)  }
0x39: {  	v0 =	vadd.s32 v0, v1;
	[tilespmem:$0x820] =	vst v8;
	s7 =	spop (v2sf)  }
0x3a: {  	vm0 =	vlt.s32 v1, $0x40;
	[tilespmem:$0x830] =	vst v8;
	vm1 =	vgt.s32 v0, $0x3F;
	s6 =	sadd.s32 s26, s7  }
0x3b: {  	[tilespmem:$0x840] =	vst v8;
	v0 =	vlaneseq.u32;
	vm0 =	vmand vm0, vm1;
	s28 =	spop (v2sf);
	v2 =	vsub.s32 s6, v2  }
0x3c: {  	[tilespmem:$0x850] =	vst v8;
	v9 =	vor.u32 $0x20, v0;
	s6 =	sadd.s32 s28, s6;
	v3 =	vadd.s32 v3, v2;
	vm2 =	vlt.s32 v2, $0x40  }
0x3d: {  	[tilespmem:$0x860] =	vst v8;
	vm1 =	vgt.s32 v3, $0x3F;
	v3 =	vsub.s32 s6, v6;
	v6 =	vor.u32 $0x30, v0;
	s29 =	spop (v2sf)  }
0x3e: {  	[tilespmem:$0x870] =	vst v8;
	v4 =	vadd.s32 v4, v3;
	v6 =	vnsel vm0, $0x0, v6;
	vm1 =	vmand vm2, vm1;
	s6 =	sadd.s32 s29, s6  }
0x3f: {  	[tilespmem:$0x880] =	vst v8;
	vm3 =	vlt.s32 v3, $0x40;
	vm2 =	vgt.s32 v4, $0x3F;
	v4 =	vsub.s32 s6, v7  }
0x40: {  	[tilespmem:$0x890] =	vst v8;
	v7 =	vnsel vm1, $0x0, v9;
	vm2 =	vmand vm3, vm2;
	v5 =	vadd.s32 v5, v4  }
0x41: {  	[tilespmem:$0x8A0] =	vst v8;
	vm4 =	vlt.s32 v4, $0x40;
	vm3 =	vgt.s32 v5, $0x3F;
	v5 =	vor.u32 $0x10, v0  }
0x42: {  	[tilespmem:$0x8B0] =	vst v8;
	v6 =	vadd.s32 v6, v7;
	vm3 =	vmand vm4, vm3;
	v5 =	vnsel vm2, $0x0, v5  }
0x43: {  	[tilespmem:$0x8C0] =	vst v8;
	v5 =	vadd.s32 v5, v6;
	v0 =	vnsel vm3, $0x0, v0  }
0x44: {  	[tilespmem:$0x8D0] =	vst v8;
	v0 =	vadd.s32 v0, v5  }
0x45: {  	[tilespmem:$0x8E0] =	vst v8;
	(xrf0) =	vadd.scan.msk.s32 $0xffff, v0  }
0x46: {  	s30 =	simm.s32 $0x20;
	[tilespmem:$0x8F0] =	vst v8  }
0x47: {  	v7 =	vld [tilespmem:s30+$0x10];
	_ =	sdelay $0x1  }
0x48: {  	v8 =	vld [tilespmem:s30+$0xFFFFFFE0]  }
0x49: {  	v10 =	vld [tilespmem:s30+$0xFFFFFFF0]  }
0x4a: {  	v11 =	vld [tilespmem:s30+$0x0];
	v0, _, _ =	vpop (xrf0)  }
0x4b: {  	v9 =	vshra.s32 v7, $0x18;
	v7 =	vshrl.u32 v7, $0x10;
	v6 =	vbroadcast v0, $0xF  }
0x4c: {  	s31 =	simm.s32 $0x60;
	v12 =	vand.u32 $0xFF, v7  }
0x4d: {  	v13 =	vld [tilespmem:s31+$0x10];
	v7 =	vshrl.u32 v8, $0x10;
	vm5 =	veq.s32 v9, v6;
	v9 =	vshra.s32 v8, $0x18  }
0x4e: {  	v14 =	vld [tilespmem:s31+$0xFFFFFFF0];
	v15 =	vand.u32 $0xFF, v7;
	vm7 =	veq.s32 v9, v6  }
0x4f: {  	v7 =	vshrl.u32 v10, $0x10;
	v8 =	vshra.s32 v10, $0x18;
	v10 =	vshra.s32 v11, $0x18;
	v9 =	vld [tilespmem:s31+$0x0]  }
0x50: {  	v5 =	vimm.s32 $0x1;
	vm6 =	veq.s32 v10, v6;
	v10 =	vld [tilespmem:s31+$0xFFFFFFE0]  }
0x51: {  	v7 =	vand.u32 $0xFF, v7;
	v11 =	vshrl.u32 v11, $0x10;
	vm4 =	veq.s32 v8, v6  }
0x52: {  	s6 =	simm.s32 $0x800;
	v8 =	vand.u32 $0xFF, v11;
	v11 =	vshra.s32 v13, $0x18;
	vm4 =	vmmov vm4  }
0x53: {  	[tilespmem:v12+s6+$0x0] =	vst.idx.add.s32.msk vm5, v5;
	v12 =	vshra.s32 v14, $0x18;
	vm5 =	veq.s32 v11, v6;
	v11 =	vshrl.u32 v13, $0x10  }
0x54: {  	s8 =	simm.s32 $0xA0;
	s7 =	simm.s32 $0x4;
	v13 =	vshrl.u32 v14, $0x10;
	v14 =	vshra.s32 v9, $0x18;
	v11 =	vand.u32 $0xFF, v11;
	[tilespmem:v15+s6+$0x0] =	vst.idx.add.s32.msk vm7, v5  }
.LBB2_3:
0x55: {  	v16 =	vshra.s32 v10, $0x18  }
0x56: {  	v15 =	vld [tilespmem:s8+$0x10];
	s7 =	sadd.s32 $0x4, s7;
	v10 =	vshrl.u32 v10, $0x10;
	v17 =	vshrl.u32 v9, $0x10;
	vm7 =	vmmov vm6  }
0x57: {  	vm9 =	veq.s32 v12, v6;
	vm6 =	veq.s32 v14, v6;
	v18 =	vld [tilespmem:s8+$0xFFFFFFF0];
	p0 =	slt.u32 s7, $0x7C;
	vm8 =	veq.s32 v16, v6  }
0x58: {  	v12 =	vand.u32 $0xFF, v13;
	v16 =	vand.u32 $0xFF, v10;
	v13 =	vand.u32 $0xFF, v17;
	v9 =	vld [tilespmem:s8+$0x0]  }
.Ltmp1:
0x59: {  	v10 =	vld [tilespmem:s8+$0xFFFFFFE0];
	(pc) =	sbr.rel @p0 .LBB2_3-.Ltmp1, $4  }
0x5a: {  	[tilespmem:v11+s6+$0x0] =	vst.idx.add.s32.msk vm5, v5  }
0x5b: {  	v11 =	vshra.s32 v15, $0x18;
	[tilespmem:v7+s6+$0x0] =	vst.idx.add.s32.msk vm4, v5;
	v7 =	vmov v12;
	vm4 =	vmmov vm9  }
0x5c: {  	v12 =	vshra.s32 v18, $0x18;
	vm5 =	veq.s32 v11, v6;
	v11 =	vshrl.u32 v15, $0x10;
	[tilespmem:v8+s6+$0x0] =	vst.idx.add.s32.msk vm7, v5;
	v8 =	vmovc v13  }
0x5d: {  	s8 =	sadd.s32 $0x40, s8;
	v13 =	vshrl.u32 v18, $0x10;
	v14 =	vshra.s32 v9, $0x18;
	v11 =	vand.u32 $0xFF, v11;
	[tilespmem:v16+s6+$0x0] =	vst.idx.add.s32.msk vm8, v5  }
0x5e: {  	_ = 	snop  }
0x5f: {  	v15 =	vshra.s32 v10, $0x18;
	vm6 =	vmmov vm6  }
0x60: {  	v10 =	vshrl.u32 v10, $0x10;
	vm8 =	veq.s32 v12, v6;
	vm7 =	veq.s32 v15, v6  }
0x61: {  	vm9 =	veq.s32 v14, v6;
	v6 =	vand.u32 $0xFF, v10;
	vm8 =	vmmov vm8  }
0x62: {  	v9 =	vshrl.u32 v9, $0x10;
	v10 =	vand.u32 $0xFF, v13;
	vm9 =	vmmov vm9  }
0x63: {  	[tilespmem:v11+s6+$0x0] =	vst.idx.add.s32.msk vm5, v5;
	v9 =	vand.u32 $0xFF, v9  }
0x64: {  	[tilespmem:v7+s6+$0x0] =	vst.idx.add.s32.msk vm4, v5;
	v1 =	vnsel vm0, $0x0, v1;
	v2 =	vnsel vm1, $0x0, v2  }
0x65: {  	v1 =	vadd.s32 v1, v2;
	v2 =	vnsel vm2, $0x0, v3;
	[tilespmem:v8+s6+$0x0] =	vst.idx.add.s32.msk vm6, v5  }
0x66: {  	v1 =	vadd.s32 v2, v1;
	v2 =	vnsel vm3, $0x0, v4;
	[tilespmem:v6+s6+$0x0] =	vst.idx.add.s32.msk vm7, v5  }
0x67: {  	v1 =	vadd.s32 v2, v1;
	[tilespmem:v10+s6+$0x0] =	vst.idx.add.s32.msk vm8, v5  }
0x68: {  	s8 =	simm.s32 $0x8F0;
	(xrf0) =	vadd.scan.msk.s32 $0xffff, v1;
	[tilespmem:v9+s6+$0x0] =	vst.idx.add.s32.msk vm9, v5  }
0x69: {  	v18 =	vld [tilespmem:s8+$0x0]  }
0x6a: {  	v19 =	vld [tilespmem:s8+$0xFFFFFFF0]  }
0x6b: {  	v3 =	vld [tilespmem:s8+$0xFFFFFFE0]  }
0x6c: {  	v4 =	vld [tilespmem:s8+$0xFFFFFFD0];
	_ =	sdelay $0x1  }
0x6d: {  	v1, _, _ =	vpop (xrf0);
	(xrf0) =	vadd.scan.msk.s32 $0xffff, v18  }
0x6e: {  	(xrf0) =	vadd.scan.msk.s32 $0xffff, v19  }
0x6f: {  	(xrf0) =	vadd.scan.msk.s32 $0xffff, v3  }
0x70: {  	(xrf0) =	vadd.scan.msk.s32 $0xffff, v4;
	_ =	sdelay $0x2  }
0x71: {  	(v2sf) =	vpush v1, $0xF;
	v9, _, _ =	vpop (xrf0)  }
0x72: {  	(v2sf) =	vpush v9, $0xF;
	v20, _, _ =	vpop (xrf0)  }
0x73: {  	s23 =	simm.s32 $0x8B0;
	(v2sf) =	vpush v20, $0xF;
	v10, _, _ =	vpop (xrf0)  }
0x74: {  	v6 =	vld [tilespmem:s23+$0x0];
	(v2sf) =	vpush v10, $0xF;
	v16, _, _ =	vpop (xrf0)  }
0x75: {  	v8 =	vld [tilespmem:s23+$0xFFFFFFF0];
	(v2sf) =	vpush v16, $0xF;
	_ =	sdelay $0x3  }
0x76: {  	(xrf0) =	vadd.scan.msk.s32 $0xffff, v6  }
0x77: {  	v11 =	vld [tilespmem:s23+$0xFFFFFFE0];
	(xrf0) =	vadd.scan.msk.s32 $0xffff, v8  }
0x78: {  	v12 =	vld [tilespmem:s23+$0xFFFFFFD0];
	_ =	sdelay $0x3  }
0x79: {  	(xrf0) =	vadd.scan.msk.s32 $0xffff, v11;
	v25, _, _ =	vpop (xrf0)  }
0x7a: {  	s22 =	spop (v2sf);
	v13, _, _ =	vpop (xrf0);
	(xrf0) =	vadd.scan.msk.s32 $0xffff, v12  }
0x7b: {  	s24 =	spop (v2sf)  }
0x7c: {  	s8 =	sadd.s32 $0x0, s24;
	s9 =	spop (v2sf)  }
0x7d: {  	s9 =	sadd.s32 s9, s8;
	s11 =	spop (v2sf)  }
0x7e: {  	(v2sf) =	vpush v25, $0xF;
	s11 =	sadd.s32 s11, s9;
	s12 =	spop (v2sf)  }
0x7f: {  	v15, _, _ =	vpop (xrf0);
	(v2sf) =	vpush v13, $0xF;
	v17 =	vsub.s32 s11, v10;
	s11 =	sadd.s32 s12, s11  }
0x80: {  	s10 =	simm.s32 $0x870;
	(v2sf) =	vpush v15, $0xF;
	v22 =	vsub.s32 s11, v16;
	v16, _, _ =	vpop (xrf0)  }
0x81: {  	v7 =	vld [tilespmem:s10+$0x0];
	(v2sf) =	vpush v16, $0xF  }
0x82: {  	v14 =	vimm.s32 $0x0;
	v5 =	vld [tilespmem:s10+$0xFFFFFFF0];
	s6 =	ssub.s32 $0x40, s22  }
0x83: {  	s7 =	simm.s32 $0xF0;
	s25 =	simm.s32 $0xE0;
	v1 =	vlaneseq.u32;
	v2 =	vmov s6;
	v21 =	vsub.s32 s8, v9;
	v10 =	vld [tilespmem:s10+$0xFFFFFFE0]  }
0x84: {  	v23 =	vor.u32 s25, v1;
	v24 =	vor.u32 s7, v1;
	v9 =	vld [tilespmem:s10+$0xFFFFFFD0];
	vm11 =	vlt.s32 v21, v2  }
0x85: {  	v18 =	vadd.s32 v18, v21;
	v26 =	vsub.s32 s9, v20;
	v3 =	vadd.s32 v3, v17  }
0x86: {  	(xrf0) =	vadd.scan.msk.s32 $0xffff, v7;
	vm12 =	vge.s32 v18, v2;
	vm8 =	vge.s32 v3, v2;
	v3 =	vadd.s32 v4, v22  }
0x87: {  	(xrf0) =	vadd.scan.msk.s32 $0xffff, v5;
	vm13 =	vlt.s32 v26, v2;
	vm9 =	vlt.s32 v22, v2;
	vm10 =	vge.s32 v3, v2  }
0x88: {  	s28 =	simm.s32 $0xD0;
	v18 =	vadd.s32 v19, v26;
	vm7 =	vlt.s32 v17, v2;
	vm1 =	vmand vm9, vm10;
	(xrf0) =	vadd.scan.msk.s32 $0xffff, v10  }
0x89: {  	s26 =	simm.s32 $0xC0;
	vm0 =	vmand vm7, vm8;
	v4 =	vnsel vm1, $0x0, v22;
	v22 =	vor.u32 s28, v1;
	(xrf0) =	vadd.scan.msk.s32 $0xffff, v9  }
0x8a: {  	vm14 =	vge.s32 v18, v2;
	v3 =	vnsel vm0, $0x0, v17;
	v17 =	vor.u32 s26, v1  }
0x8b: {  	vm15 =	vmand vm13, vm14;
	v17 =	vnsel vm1, $0x0, v17;
	vm1 =	vmand vm11, vm12  }
0x8c: {  	v27 =	vnsel vm15, $0x0, v23;
	v20 =	vnsel vm0, $0x0, v22;
	v18 =	vnsel vm1, $0x0, v21;
	v22, _, _ =	vpop (xrf0)  }
0x8d: {  	s7 =	simm.s32 $0xB0;
	s29 =	spop (v2sf);
	v19 =	vnsel vm1, $0x0, v24;
	v18 =	vadd.s32 v14, v18;
	(v2sf) =	vpush v22, $0xF;
	v21, _, _ =	vpop (xrf0)  }
0x8e: {  	s8 =	simm.s32 $0x8;
	s30 =	sadd.s32 s11, s29;
	v28 =	vadd.s32 v14, v19;
	v19 =	vnsel vm15, $0x0, v26;
	(v2sf) =	vpush v21, $0xF;
	v23, _, _ =	vpop (xrf0);
	s31 =	spop (v2sf)  }
0x8f: {  	s9 =	simm.s32 $0x830;
	v14 =	vsub.s32 s30, v25;
	v25 =	vadd.s32 v27, v28;
	(v2sf) =	vpush v23, $0xF;
	v24, _, _ =	vpop (xrf0);
	s10 =	sadd.s32 s31, s30;
	s11 =	spop (v2sf)  }
.LBB2_5:
0x90: {  	v26 =	vld [tilespmem:s9+$0x0];
	s8 =	sadd.s32 $0x4, s8;
	(v2sf) =	vpush v24, $0xF;
	s11 =	sadd.s32 s11, s10;
	s12 =	spop (v2sf);
	v18 =	vadd.s32 v19, v18;
	v19 =	vadd.s32 v20, v25;
	v25 =	vmovc v22;
	v20 =	vmovc v13  }
0x91: {  	v13 =	vmovc v21;
	v22 =	vld [tilespmem:s9+$0xFFFFFFF0];
	p0 =	slt.u32 s8, $0xC;
	v27 =	vsub.s32 s11, v15;
	s11 =	sadd.s32 s12, s11;
	v3 =	vadd.s32 v3, v18;
	v19 =	vadd.s32 v17, v19;
	v15 =	vmovc v23  }
0x92: {  	v17 =	vadd.s32 v11, v27;
	v18 =	vsub.s32 s11, v16;
	v23 =	vadd.s32 v4, v3;
	v11 =	vmovc v10;
	v10 =	vld [tilespmem:s9+$0xFFFFFFE0];
	v16 =	vmovc v24  }
0x93: {  	vm0 =	vlt.s32 v27, v2;
	vm1 =	vge.s32 v17, v2;
	v3 =	vadd.s32 v12, v18;
	v12 =	vmovc v9;
	v9 =	vld [tilespmem:s9+$0xFFFFFFD0]  }
0x94: {  	vm0 =	vmand vm0, vm1;
	vm1 =	vlt.s32 v18, v2;
	vm2 =	vge.s32 v3, v2  }
0x95: {  	s13 =	sadd.s32 $0xFFFFFFD0, s7;
	s12 =	sadd.s32 $0xFFFFFFF0, s7;
	(xrf0) =	vadd.scan.msk.s32 $0xffff, v26;
	v3 =	vnsel vm0, $0x0, v27;
	vm1 =	vmand vm1, vm2  }
0x96: {  	v24 =	vor.u32 s12, v1;
	s12 =	sadd.s32 $0xFFFFFFE0, s7;
	v17 =	vor.u32 s13, v1;
	(xrf0) =	vadd.scan.msk.s32 $0xffff, v22;
	v4 =	vnsel vm1, $0x0, v18  }
0x97: {  	v21 =	vor.u32 s12, v1;
	v18 =	vor.u32 s7, v1;
	v17 =	vnsel vm1, $0x0, v17;
	(xrf0) =	vadd.scan.msk.s32 $0xffff, v10  }
0x98: {  	v28 =	vsub.s32 s10, v20;
	v27 =	vadd.s32 v6, v14;
	v6 =	vmovc v7;
	vm1 =	vlt.s32 v14, v2;
	(xrf0) =	vadd.scan.msk.s32 $0xffff, v9  }
0x99: {  	vm3 =	vlt.s32 v28, v2;
	v7 =	vmovc v26;
	vm2 =	vge.s32 v27, v2;
	v27 =	vadd.s32 v8, v28  }
.Ltmp2:
0x9a: {  	v20 =	vnsel vm0, $0x0, v21;
	v8 =	vmovc v5;
	v5 =	vmovc v22;
	vm1 =	vmand vm1, vm2;
	vm2 =	vge.s32 v27, v2;
	(pc) =	sbr.rel @p0 .LBB2_5-.Ltmp2, $4  }
0x9b: {  	v26 =	vnsel vm1, $0x0, v18;
	v14 =	vnsel vm1, $0x0, v14;
	vm0 =	vmand vm3, vm2;
	v22, _, _ =	vpop (xrf0)  }
0x9c: {  	v18 =	vadd.s32 v23, v14;
	v27 =	vnsel vm0, $0x0, v24;
	(v2sf) =	vpush v22, $0xF;
	v21, _, _ =	vpop (xrf0);
	s10 =	spop (v2sf)  }
0x9d: {  	s7 =	sadd.s32 $0xFFFFFFC0, s7;
	v26 =	vadd.s32 v19, v26;
	v19 =	vnsel vm0, $0x0, v28;
	(v2sf) =	vpush v21, $0xF;
	v23, _, _ =	vpop (xrf0);
	s10 =	sadd.s32 s11, s10;
	s11 =	spop (v2sf)  }
0x9e: {  	s9 =	sadd.s32 $0xFFFFFFC0, s9;
	(v2sf) =	vpush v23, $0xF;
	v24, _, _ =	vpop (xrf0);
	v14 =	vsub.s32 s10, v25;
	s10 =	sadd.s32 s11, s10;
	s11 =	spop (v2sf);
	v25 =	vadd.s32 v27, v26  }
0x9f: {  	_ = 	snop  }
0xa0: {  	(v2sf) =	vpush v24, $0xF;
	_ =	sdelay $0x6  }
0xa1: {  	s8 =	sadd.s32 s11, s10;
	s9 =	spop (v2sf)  }
0xa2: {  	v6 =	vadd.s32 v6, v14;
	s9 =	sadd.s32 s9, s8;
	v15 =	vsub.s32 s8, v15  }
0xa3: {  	v16 =	vsub.s32 s9, v16;
	v11 =	vadd.s32 v11, v15;
	vm0 =	vlt.s32 v15, v2  }
0xa4: {  	v12 =	vadd.s32 v12, v16;
	vm1 =	vge.s32 v11, v2;
	vm2 =	vlt.s32 v16, v2  }
0xa5: {  	v11 =	vsub.s32 s10, v13;
	vm3 =	vge.s32 v12, v2;
	vm1 =	vmand vm0, vm1;
	s17 =	spop (v2sf)  }
0xa6: {  	v8 =	vadd.s32 v8, v11;
	vm4 =	vlt.s32 v11, v2;
	vm0 =	vmand vm2, vm3;
	s8 =	sadd.s32 s9, s17;
	s18 =	spop (v2sf)  }
0xa7: {  	vm2 =	vlt.s32 v14, v2;
	vm3 =	vge.s32 v6, v2;
	vm6 =	vge.s32 v8, v2;
	s9 =	sadd.s32 s18, s8;
	s19 =	spop (v2sf)  }
0xa8: {  	vm5 =	vmand vm2, vm3;
	vm4 =	vmand vm4, vm6;
	v8 =	vsub.s32 s8, v22;
	s10 =	sadd.s32 s19, s9  }
0xa9: {  	s21 =	sadd.s32 $0xFFFFFFF0, s7;
	s20 =	spop (v2sf);
	v7 =	vadd.s32 v7, v8;
	vm14 =	vlt.s32 v8, v2;
	v6 =	vsub.s32 s10, v23  }
0xaa: {  	s10 =	sadd.s32 s20, s10;
	vm7 =	vge.s32 v7, v2;
	v7 =	vor.u32 s21, v1;
	v10 =	vadd.s32 v10, v6  }
0xab: {  	v63 =	vsub.s32 s10, v24;
	vm2 =	vlt.s32 v6, v2;
	vm6 =	vmand vm14, vm7  }
0xac: {  	v7 =	vnsel vm4, $0x0, v7;
	vm3 =	vge.s32 v10, v2;
	v9 =	vadd.s32 v9, v63  }
0xad: {  	vm3 =	vmand vm2, vm3;
	vm13 =	vge.s32 v9, v2;
	v9 =	vsub.s32 s9, v21  }
0xae: {  	vm2 =	vlt.s32 v63, v2;
	v5 =	vadd.s32 v5, v9;
	vm8 =	vlt.s32 v9, v2  }
0xaf: {  	s22 =	sadd.s32 $0xFFFFFFE0, s7;
	vm15 =	vge.s32 v5, v2;
	v2 =	vadd.s32 v20, v25;
	v5 =	vor.u32 s7, v1  }
0xb0: {  	v10 =	vor.u32 s22, v1;
	v2 =	vadd.s32 v17, v2;
	v5 =	vnsel vm5, $0x0, v5  }
0xb1: {  	s23 =	sadd.s32 $0xFFFFFFD0, s7;
	v10 =	vnsel vm1, $0x0, v10;
	vm2 =	vmand vm2, vm13;
	v2 =	vadd.s32 v2, v5  }
0xb2: {  	s24 =	sadd.s32 $0xFFFFFFC0, s7;
	vm7 =	vmand vm8, vm15;
	v5 =	vor.u32 s23, v1;
	v2 =	vadd.s32 v7, v2  }
0xb3: {  	s25 =	sadd.s32 $0xFFFFFFF0, s24;
	v5 =	vnsel vm0, $0x0, v5;
	v7 =	vor.u32 s24, v1;
	v2 =	vadd.s32 v10, v2  }
0xb4: {  	s26 =	sadd.s32 $0xFFFFFFE0, s24;
	v7 =	vnsel vm6, $0x0, v7;
	v2 =	vadd.s32 v5, v2;
	v5 =	vor.u32 s25, v1  }
0xb5: {  	s7 =	sadd.s32 $0xFFFFFFD0, s24;
	v10 =	vor.u32 s26, v1;
	v5 =	vnsel vm7, $0x0, v5;
	v2 =	vadd.s32 v2, v7  }
0xb6: {  	v1 =	vor.u32 s7, v1;
	v7 =	vnsel vm3, $0x0, v10;
	v2 =	vadd.s32 v5, v2  }
0xb7: {  	v1 =	vnsel vm2, $0x0, v1;
	v2 =	vadd.s32 v7, v2  }
0xb8: {  	v1 =	vadd.s32 v1, v2  }
0xb9: {  	(xrf0) =	vadd.scan.msk.s32 $0xffff, v1  }
0xba: {  	v1 =	vimm.s32 $0x0  }
0xbb: {  	[tilespmem:$0x800] =	vst v1  }
0xbc: {  	[tilespmem:$0x810] =	vst v1  }
0xbd: {  	[tilespmem:$0x820] =	vst v1  }
0xbe: {  	[tilespmem:$0x830] =	vst v1  }
0xbf: {  	(v2sf) =	vpush v0, $0xF;
	[tilespmem:$0x840] =	vst v1;
	v0, _, _ =	vpop (xrf0)  }
0xc0: {  	[tilespmem:$0x850] =	vst v1;
	(v2sf) =	vpush v0, $0xF  }
0xc1: {  	[tilespmem:$0x860] =	vst v1  }
0xc2: {  	[tilespmem:$0x870] =	vst v1;
	v0 =	vadd.s32 v19, v18  }
0xc3: {  	[tilespmem:$0x880] =	vst v1;
	v0 =	vadd.s32 v3, v0  }
0xc4: {  	v2 =	vnsel vm5, $0x0, v14;
	[tilespmem:$0x890] =	vst v1;
	v0 =	vadd.s32 v4, v0  }
0xc5: {  	[tilespmem:$0x8A0] =	vst v1;
	v3 =	vnsel vm4, $0x0, v11;
	v0 =	vadd.s32 v0, v2  }
0xc6: {  	[tilespmem:$0x8B0] =	vst v1;
	v2 =	vnsel vm1, $0x0, v15;
	v0 =	vadd.s32 v3, v0  }
0xc7: {  	[tilespmem:$0x8C0] =	vst v1;
	v3 =	vnsel vm0, $0x0, v16;
	v0 =	vadd.s32 v2, v0  }
0xc8: {  	[tilespmem:$0x8D0] =	vst v1;
	v2 =	vnsel vm6, $0x0, v8;
	v0 =	vadd.s32 v3, v0  }
0xc9: {  	[tilespmem:$0x8E0] =	vst v1;
	v0 =	vadd.s32 v0, v2;
	v2 =	vnsel vm7, $0x0, v9  }
0xca: {  	s30 =	simm.s32 $0x20;
	[tilespmem:$0x8F0] =	vst v1;
	v3 =	vnsel vm3, $0x0, v6;
	v0 =	vadd.s32 v2, v0  }
0xcb: {  	v0 =	vadd.s32 v3, v0;
	v3 =	vld [tilespmem:s30+$0x10];
	_ =	sdelay $0x1  }
0xcc: {  	v4 =	vld [tilespmem:s30+$0xFFFFFFE0]  }
0xcd: {  	s28 =	spop (v2sf);
	v7 =	vld [tilespmem:s30+$0x0]  }
0xce: {  	s7 =	sshll.u32 s28, $0x8;
	v6 =	vld [tilespmem:s30+$0xFFFFFFF0];
	s29 =	spop (v2sf)  }
0xcf: {  	v2 =	vnsel vm2, $0x0, v63;
	v5 =	vshra.s32 v3, $0x10;
	v3 =	vshrl.u32 v3, $0x8;
	s7 =	sor.u32 s7, s29  }
0xd0: {  	s31 =	simm.s32 $0x60;
	v0 =	vadd.s32 v2, v0;
	v8 =	vand.u32 $0xFF, v3;
	v2 =	vmov s7  }
0xd1: {  	v9 =	vld [tilespmem:s31+$0x10];
	v3 =	vshrl.u32 v4, $0x8;
	vm1 =	veq.s32 v5, v2;
	v5 =	vshra.s32 v4, $0x10  }
0xd2: {  	v10 =	vld [tilespmem:s31+$0xFFFFFFF0];
	v11 =	vand.u32 $0xFF, v3;
	vm3 =	veq.s32 v5, v2  }
0xd3: {  	v3 =	vshrl.u32 v6, $0x8;
	v4 =	vshra.s32 v6, $0x10;
	v6 =	vshra.s32 v7, $0x10;
	v5 =	vld [tilespmem:s31+$0x0]  }
0xd4: {  	v1 =	vimm.s32 $0x1;
	vm2 =	veq.s32 v6, v2;
	v6 =	vld [tilespmem:s31+$0xFFFFFFE0]  }
0xd5: {  	v3 =	vand.u32 $0xFF, v3;
	v7 =	vshrl.u32 v7, $0x8;
	vm0 =	veq.s32 v4, v2  }
0xd6: {  	s8 =	simm.s32 $0x800;
	v4 =	vand.u32 $0xFF, v7;
	v7 =	vshra.s32 v9, $0x10;
	vm0 =	vmmov vm0  }
0xd7: {  	[tilespmem:v8+s8+$0x0] =	vst.idx.add.s32.msk vm1, v1;
	v8 =	vshra.s32 v10, $0x10;
	vm1 =	veq.s32 v7, v2;
	v7 =	vshrl.u32 v9, $0x8  }
0xd8: {  	s10 =	simm.s32 $0xA0;
	s9 =	simm.s32 $0x4;
	v9 =	vshrl.u32 v10, $0x8;
	v10 =	vshra.s32 v5, $0x10;
	v7 =	vand.u32 $0xFF, v7;
	[tilespmem:v11+s8+$0x0] =	vst.idx.add.s32.msk vm3, v1  }
.LBB2_7:
0xd9: {  	v12 =	vshra.s32 v6, $0x10  }
0xda: {  	v11 =	vld [tilespmem:s10+$0x10];
	s9 =	sadd.s32 $0x4, s9;
	v6 =	vshrl.u32 v6, $0x8;
	v13 =	vshrl.u32 v5, $0x8;
	vm3 =	vmmov vm2  }
0xdb: {  	vm5 =	veq.s32 v8, v2;
	vm2 =	veq.s32 v10, v2;
	v14 =	vld [tilespmem:s10+$0xFFFFFFF0];
	p0 =	slt.u32 s9, $0x7C;
	vm4 =	veq.s32 v12, v2  }
0xdc: {  	v8 =	vand.u32 $0xFF, v9;
	v12 =	vand.u32 $0xFF, v6;
	v9 =	vand.u32 $0xFF, v13;
	v5 =	vld [tilespmem:s10+$0x0]  }
.Ltmp3:
0xdd: {  	v6 =	vld [tilespmem:s10+$0xFFFFFFE0];
	(pc) =	sbr.rel @p0 .LBB2_7-.Ltmp3, $4  }
0xde: {  	[tilespmem:v7+s8+$0x0] =	vst.idx.add.s32.msk vm1, v1  }
0xdf: {  	v7 =	vshra.s32 v11, $0x10;
	[tilespmem:v3+s8+$0x0] =	vst.idx.add.s32.msk vm0, v1;
	v3 =	vmov v8;
	vm0 =	vmmov vm5  }
0xe0: {  	v8 =	vshra.s32 v14, $0x10;
	vm1 =	veq.s32 v7, v2;
	v7 =	vshrl.u32 v11, $0x8;
	[tilespmem:v4+s8+$0x0] =	vst.idx.add.s32.msk vm3, v1;
	v4 =	vmovc v9  }
0xe1: {  	s10 =	sadd.s32 $0x40, s10;
	v9 =	vshrl.u32 v14, $0x8;
	v10 =	vshra.s32 v5, $0x10;
	v7 =	vand.u32 $0xFF, v7;
	[tilespmem:v12+s8+$0x0] =	vst.idx.add.s32.msk vm4, v1  }
0xe2: {  	_ = 	snop  }
0xe3: {  	v11 =	vshra.s32 v6, $0x10;
	vm2 =	vmmov vm2  }
0xe4: {  	v6 =	vshrl.u32 v6, $0x8;
	vm4 =	veq.s32 v8, v2;
	vm3 =	veq.s32 v11, v2  }
0xe5: {  	vm5 =	veq.s32 v10, v2;
	v2 =	vand.u32 $0xFF, v6;
	vm4 =	vmmov vm4  }
0xe6: {  	v5 =	vshrl.u32 v5, $0x8;
	v6 =	vand.u32 $0xFF, v9;
	vm5 =	vmmov vm5  }
0xe7: {  	[tilespmem:v7+s8+$0x0] =	vst.idx.add.s32.msk vm1, v1;
	v5 =	vand.u32 $0xFF, v5  }
0xe8: {  	[tilespmem:v3+s8+$0x0] =	vst.idx.add.s32.msk vm0, v1  }
0xe9: {  	[tilespmem:v4+s8+$0x0] =	vst.idx.add.s32.msk vm2, v1  }
0xea: {  	[tilespmem:v2+s8+$0x0] =	vst.idx.add.s32.msk vm3, v1  }
0xeb: {  	[tilespmem:v6+s8+$0x0] =	vst.idx.add.s32.msk vm4, v1  }
0xec: {  	(xrf0) =	vadd.scan.msk.s32 $0xffff, v0;
	s9 =	simm.s32 $0x8F0;
	[tilespmem:v5+s8+$0x0] =	vst.idx.add.s32.msk vm5, v1  }
0xed: {  	v17 =	vld [tilespmem:s9+$0x0]  }
0xee: {  	v18 =	vld [tilespmem:s9+$0xFFFFFFF0]  }
0xef: {  	v2 =	vld [tilespmem:s9+$0xFFFFFFE0]  }
0xf0: {  	v3 =	vld [tilespmem:s9+$0xFFFFFFD0];
	_ =	sdelay $0x1  }
0xf1: {  	v0, _, _ =	vpop (xrf0);
	(xrf0) =	vadd.scan.msk.s32 $0xffff, v17  }
0xf2: {  	(xrf0) =	vadd.scan.msk.s32 $0xffff, v18  }
0xf3: {  	(xrf0) =	vadd.scan.msk.s32 $0xffff, v2  }
0xf4: {  	(xrf0) =	vadd.scan.msk.s32 $0xffff, v3;
	_ =	sdelay $0x2  }
0xf5: {  	(v2sf) =	vpush v0, $0xF;
	v8, _, _ =	vpop (xrf0)  }
0xf6: {  	(v2sf) =	vpush v8, $0xF;
	v19, _, _ =	vpop (xrf0)  }
0xf7: {  	s23 =	simm.s32 $0x8B0;
	(v2sf) =	vpush v19, $0xF;
	v9, _, _ =	vpop (xrf0)  }
0xf8: {  	v5 =	vld [tilespmem:s23+$0x0];
	(v2sf) =	vpush v9, $0xF;
	v15, _, _ =	vpop (xrf0)  }
0xf9: {  	v7 =	vld [tilespmem:s23+$0xFFFFFFF0];
	(v2sf) =	vpush v15, $0xF;
	_ =	sdelay $0x3  }
0xfa: {  	(xrf0) =	vadd.scan.msk.s32 $0xffff, v5  }
0xfb: {  	v10 =	vld [tilespmem:s23+$0xFFFFFFE0];
	(xrf0) =	vadd.scan.msk.s32 $0xffff, v7  }
0xfc: {  	v11 =	vld [tilespmem:s23+$0xFFFFFFD0];
	_ =	sdelay $0x3  }
0xfd: {  	(xrf0) =	vadd.scan.msk.s32 $0xffff, v10;
	v24, _, _ =	vpop (xrf0)  }
0xfe: {  	s21 =	spop (v2sf);
	v12, _, _ =	vpop (xrf0);
	(xrf0) =	vadd.scan.msk.s32 $0xffff, v11  }
0xff: {  	s24 =	spop (v2sf)  }
0x100: {  	s9 =	sadd.s32 $0x0, s24;
	s10 =	spop (v2sf)  }
0x101: {  	s10 =	sadd.s32 s10, s9;
	s12 =	spop (v2sf)  }
0x102: {  	(v2sf) =	vpush v24, $0xF;
	s12 =	sadd.s32 s12, s10;
	s13 =	spop (v2sf)  }
0x103: {  	v14, _, _ =	vpop (xrf0);
	(v2sf) =	vpush v12, $0xF;
	v16 =	vsub.s32 s12, v9;
	s12 =	sadd.s32 s13, s12  }
0x104: {  	s11 =	simm.s32 $0x870;
	(v2sf) =	vpush v14, $0xF;
	v21 =	vsub.s32 s12, v15;
	v15, _, _ =	vpop (xrf0)  }
0x105: {  	v6 =	vld [tilespmem:s11+$0x0];
	(v2sf) =	vpush v15, $0xF  }
0x106: {  	v13 =	vimm.s32 $0x0;
	v4 =	vld [tilespmem:s11+$0xFFFFFFF0];
	s6 =	ssub.s32 s6, s21  }
0x107: {  	s22 =	simm.s32 $0xF0;
	s25 =	simm.s32 $0xE0;
	v0 =	vlaneseq.u32;
	v1 =	vmov s6;
	v20 =	vsub.s32 s9, v8;
	v9 =	vld [tilespmem:s11+$0xFFFFFFE0]  }
0x108: {  	v22 =	vor.u32 s25, v0;
	v23 =	vor.u32 s22, v0;
	v8 =	vld [tilespmem:s11+$0xFFFFFFD0];
	vm11 =	vlt.s32 v20, v1  }
0x109: {  	v17 =	vadd.s32 v17, v20;
	v25 =	vsub.s32 s10, v19;
	v2 =	vadd.s32 v2, v16  }
0x10a: {  	(xrf0) =	vadd.scan.msk.s32 $0xffff, v6;
	vm12 =	vge.s32 v17, v1;
	vm8 =	vge.s32 v2, v1;
	v2 =	vadd.s32 v3, v21  }
0x10b: {  	(xrf0) =	vadd.scan.msk.s32 $0xffff, v4;
	vm13 =	vlt.s32 v25, v1;
	vm9 =	vlt.s32 v21, v1;
	vm10 =	vge.s32 v2, v1  }
0x10c: {  	s28 =	simm.s32 $0xD0;
	v17 =	vadd.s32 v18, v25;
	vm7 =	vlt.s32 v16, v1;
	vm1 =	vmand vm9, vm10;
	(xrf0) =	vadd.scan.msk.s32 $0xffff, v9  }
0x10d: {  	s26 =	simm.s32 $0xC0;
	vm0 =	vmand vm7, vm8;
	v3 =	vnsel vm1, $0x0, v21;
	v21 =	vor.u32 s28, v0;
	(xrf0) =	vadd.scan.msk.s32 $0xffff, v8  }
0x10e: {  	vm14 =	vge.s32 v17, v1;
	v2 =	vnsel vm0, $0x0, v16;
	v16 =	vor.u32 s26, v0  }
0x10f: {  	vm15 =	vmand vm13, vm14;
	v16 =	vnsel vm1, $0x0, v16;
	vm1 =	vmand vm11, vm12  }
0x110: {  	v26 =	vnsel vm15, $0x0, v22;
	v19 =	vnsel vm0, $0x0, v21;
	v17 =	vnsel vm1, $0x0, v20;
	v21, _, _ =	vpop (xrf0)  }
0x111: {  	s8 =	simm.s32 $0xB0;
	s29 =	spop (v2sf);
	v18 =	vnsel vm1, $0x0, v23;
	v17 =	vadd.s32 v13, v17;
	(v2sf) =	vpush v21, $0xF;
	v20, _, _ =	vpop (xrf0)  }
0x112: {  	s9 =	simm.s32 $0x8;
	s30 =	sadd.s32 s12, s29;
	v27 =	vadd.s32 v13, v18;
	v18 =	vnsel vm15, $0x0, v25;
	(v2sf) =	vpush v20, $0xF;
	v22, _, _ =	vpop (xrf0);
	s31 =	spop (v2sf)  }
0x113: {  	s10 =	simm.s32 $0x830;
	v13 =	vsub.s32 s30, v24;
	v24 =	vadd.s32 v26, v27;
	(v2sf) =	vpush v22, $0xF;
	v23, _, _ =	vpop (xrf0);
	s11 =	sadd.s32 s31, s30;
	s12 =	spop (v2sf)  }
.LBB2_9:
0x114: {  	v25 =	vld [tilespmem:s10+$0x0];
	s9 =	sadd.s32 $0x4, s9;
	(v2sf) =	vpush v23, $0xF;
	s12 =	sadd.s32 s12, s11;
	s13 =	spop (v2sf);
	v17 =	vadd.s32 v18, v17;
	v18 =	vadd.s32 v19, v24;
	v24 =	vmovc v21;
	v19 =	vmovc v12  }
0x115: {  	v12 =	vmovc v20;
	v21 =	vld [tilespmem:s10+$0xFFFFFFF0];
	p0 =	slt.u32 s9, $0xC;
	v26 =	vsub.s32 s12, v14;
	s12 =	sadd.s32 s13, s12;
	v2 =	vadd.s32 v2, v17;
	v18 =	vadd.s32 v16, v18;
	v14 =	vmovc v22  }
0x116: {  	v16 =	vadd.s32 v10, v26;
	v17 =	vsub.s32 s12, v15;
	v22 =	vadd.s32 v3, v2;
	v10 =	vmovc v9;
	v9 =	vld [tilespmem:s10+$0xFFFFFFE0];
	v15 =	vmovc v23  }
0x117: {  	vm0 =	vlt.s32 v26, v1;
	vm1 =	vge.s32 v16, v1;
	v2 =	vadd.s32 v11, v17;
	v11 =	vmovc v8;
	v8 =	vld [tilespmem:s10+$0xFFFFFFD0]  }
0x118: {  	vm0 =	vmand vm0, vm1;
	vm1 =	vlt.s32 v17, v1;
	vm2 =	vge.s32 v2, v1  }
0x119: {  	s14 =	sadd.s32 $0xFFFFFFD0, s8;
	s13 =	sadd.s32 $0xFFFFFFF0, s8;
	(xrf0) =	vadd.scan.msk.s32 $0xffff, v25;
	v2 =	vnsel vm0, $0x0, v26;
	vm1 =	vmand vm1, vm2  }
0x11a: {  	v23 =	vor.u32 s13, v0;
	s13 =	sadd.s32 $0xFFFFFFE0, s8;
	v16 =	vor.u32 s14, v0;
	(xrf0) =	vadd.scan.msk.s32 $0xffff, v21;
	v3 =	vnsel vm1, $0x0, v17  }
0x11b: {  	v20 =	vor.u32 s13, v0;
	v17 =	vor.u32 s8, v0;
	v16 =	vnsel vm1, $0x0, v16;
	(xrf0) =	vadd.scan.msk.s32 $0xffff, v9  }
0x11c: {  	v27 =	vsub.s32 s11, v19;
	v26 =	vadd.s32 v5, v13;
	v5 =	vmovc v6;
	vm1 =	vlt.s32 v13, v1;
	(xrf0) =	vadd.scan.msk.s32 $0xffff, v8  }
0x11d: {  	vm3 =	vlt.s32 v27, v1;
	v6 =	vmovc v25;
	vm2 =	vge.s32 v26, v1;
	v26 =	vadd.s32 v7, v27  }
.Ltmp4:
0x11e: {  	v19 =	vnsel vm0, $0x0, v20;
	v7 =	vmovc v4;
	v4 =	vmovc v21;
	vm1 =	vmand vm1, vm2;
	vm2 =	vge.s32 v26, v1;
	(pc) =	sbr.rel @p0 .LBB2_9-.Ltmp4, $4  }
0x11f: {  	v25 =	vnsel vm1, $0x0, v17;
	v13 =	vnsel vm1, $0x0, v13;
	vm0 =	vmand vm3, vm2;
	v21, _, _ =	vpop (xrf0)  }
0x120: {  	v17 =	vadd.s32 v22, v13;
	v26 =	vnsel vm0, $0x0, v23;
	(v2sf) =	vpush v21, $0xF;
	v20, _, _ =	vpop (xrf0);
	s11 =	spop (v2sf)  }
0x121: {  	s8 =	sadd.s32 $0xFFFFFFC0, s8;
	v25 =	vadd.s32 v18, v25;
	v18 =	vnsel vm0, $0x0, v27;
	(v2sf) =	vpush v20, $0xF;
	v22, _, _ =	vpop (xrf0);
	s11 =	sadd.s32 s12, s11;
	s12 =	spop (v2sf)  }
0x122: {  	s10 =	sadd.s32 $0xFFFFFFC0, s10;
	(v2sf) =	vpush v22, $0xF;
	v23, _, _ =	vpop (xrf0);
	v13 =	vsub.s32 s11, v24;
	s11 =	sadd.s32 s12, s11;
	s12 =	spop (v2sf);
	v24 =	vadd.s32 v26, v25  }
0x123: {  	(v2sf) =	vpush v23, $0xF;
	_ =	sdelay $0x7  }
0x124: {  	s9 =	sadd.s32 s12, s11;
	s10 =	spop (v2sf);
	v60 =	vsub.s32 s11, v12;
	v5 =	vadd.s32 v5, v13  }
0x125: {  	s24 =	sadd.s32 $0xFFFFFFE0, s8;
	s10 =	sadd.s32 s10, s9;
	v14 =	vsub.s32 s9, v14;
	v7 =	vadd.s32 v7, v60;
	vm4 =	vlt.s32 v60, v1  }
0x126: {  	v62 =	vor.u32 s24, v0;
	v15 =	vsub.s32 s10, v15;
	v10 =	vadd.s32 v10, v14  }
0x127: {  	s26 =	sadd.s32 $0xFFFFFFC0, s8;
	vm0 =	vlt.s32 v14, v1;
	vm6 =	vge.s32 v7, v1;
	v11 =	vadd.s32 v11, v15  }
0x128: {  	s29 =	sadd.s32 $0xFFFFFFE0, s26;
	vm1 =	vge.s32 v10, v1;
	vm2 =	vlt.s32 v15, v1;
	vm3 =	vge.s32 v11, v1;
	s19 =	spop (v2sf)  }
0x129: {  	v63 =	vor.u32 s29, v0;
	vm1 =	vmand vm0, vm1;
	vm0 =	vmand vm2, vm3;
	s9 =	sadd.s32 s10, s19;
	s20 =	spop (v2sf)  }
0x12a: {  	vm2 =	vlt.s32 v13, v1;
	vm3 =	vge.s32 v5, v1;
	s10 =	sadd.s32 s20, s9;
	s21 =	spop (v2sf);
	v7 =	vsub.s32 s9, v21  }
0x12b: {  	vm4 =	vmand vm4, vm6;
	vm5 =	vmand vm2, vm3;
	s11 =	sadd.s32 s21, s10;
	s22 =	spop (v2sf);
	v6 =	vadd.s32 v6, v7  }
0x12c: {  	s23 =	sadd.s32 $0xFFFFFFF0, s8;
	vm14 =	vlt.s32 v7, v1;
	v5 =	vsub.s32 s11, v22;
	s11 =	sadd.s32 s22, s11;
	vm7 =	vge.s32 v6, v1  }
0x12d: {  	v6 =	vor.u32 s23, v0;
	v9 =	vadd.s32 v9, v5;
	v61 =	vsub.s32 s11, v23  }
0x12e: {  	vm2 =	vlt.s32 v5, v1;
	vm3 =	vge.s32 v9, v1;
	v8 =	vadd.s32 v8, v61  }
0x12f: {  	vm3 =	vmand vm2, vm3;
	vm13 =	vge.s32 v8, v1;
	v8 =	vsub.s32 s10, v20  }
0x130: {  	vm2 =	vlt.s32 v61, v1;
	v4 =	vadd.s32 v4, v8;
	vm8 =	vlt.s32 v8, v1  }
0x131: {  	vm15 =	vge.s32 v4, v1;
	v1 =	vadd.s32 v19, v24;
	v4 =	vor.u32 s8, v0  }
0x132: {  	vm6 =	vmand vm14, vm7;
	v1 =	vadd.s32 v16, v1;
	v4 =	vnsel vm5, $0x0, v4  }
0x133: {  	s25 =	sadd.s32 $0xFFFFFFD0, s8;
	v6 =	vnsel vm4, $0x0, v6;
	v9 =	vnsel vm1, $0x0, v62;
	v1 =	vadd.s32 v1, v4  }
0x134: {  	vm7 =	vmand vm8, vm15;
	v4 =	vor.u32 s25, v0;
	v1 =	vadd.s32 v6, v1  }
0x135: {  	s28 =	sadd.s32 $0xFFFFFFF0, s26;
	v4 =	vnsel vm0, $0x0, v4;
	v6 =	vor.u32 s26, v0;
	v1 =	vadd.s32 v9, v1  }
0x136: {  	v6 =	vnsel vm6, $0x0, v6;
	v1 =	vadd.s32 v4, v1;
	v4 =	vor.u32 s28, v0  }
0x137: {  	vm2 =	vmand vm2, vm13;
	s8 =	sadd.s32 $0xFFFFFFD0, s26;
	v4 =	vnsel vm7, $0x0, v4;
	v1 =	vadd.s32 v1, v6  }
0x138: {  	v0 =	vor.u32 s8, v0;
	v6 =	vnsel vm3, $0x0, v63;
	v1 =	vadd.s32 v4, v1  }
0x139: {  	v0 =	vnsel vm2, $0x0, v0;
	v1 =	vadd.s32 v6, v1  }
0x13a: {  	v0 =	vadd.s32 v0, v1  }
0x13b: {  	(xrf0) =	vadd.scan.msk.s32 $0xffff, v0;
	_ =	sdelay $0x1  }
0x13c: {  	v1 =	vimm.s32 $0x0  }
0x13d: {  	[tilespmem:$0x800] =	vst v1  }
0x13e: {  	[tilespmem:$0x810] =	vst v1  }
0x13f: {  	[tilespmem:$0x820] =	vst v1  }
0x140: {  	[tilespmem:$0x830] =	vst v1;
	v0, _, _ =	vpop (xrf0)  }
0x141: {  	[tilespmem:$0x840] =	vst v1;
	(v2sf) =	vpush v0, $0xF  }
0x142: {  	[tilespmem:$0x850] =	vst v1  }
0x143: {  	[tilespmem:$0x860] =	vst v1  }
0x144: {  	[tilespmem:$0x870] =	vst v1  }
0x145: {  	[tilespmem:$0x880] =	vst v1  }
0x146: {  	[tilespmem:$0x890] =	vst v1  }
0x147: {  	[tilespmem:$0x8A0] =	vst v1  }
0x148: {  	[tilespmem:$0x8B0] =	vst v1;
	v0 =	vadd.s32 v18, v17  }
0x149: {  	[tilespmem:$0x8C0] =	vst v1;
	v0 =	vadd.s32 v2, v0  }
0x14a: {  	[tilespmem:$0x8D0] =	vst v1;
	v2 =	vnsel vm5, $0x0, v13;
	v0 =	vadd.s32 v3, v0  }
0x14b: {  	[tilespmem:$0x8E0] =	vst v1;
	v3 =	vnsel vm4, $0x0, v60;
	v0 =	vadd.s32 v0, v2  }
0x14c: {  	s31 =	simm.s32 $0x20;
	[tilespmem:$0x8F0] =	vst v1;
	v2 =	vnsel vm1, $0x0, v14;
	v0 =	vadd.s32 v3, v0  }
0x14d: {  	v6 =	vld [tilespmem:s31+$0x10];
	v3 =	vnsel vm0, $0x0, v15;
	v0 =	vadd.s32 v2, v0  }
0x14e: {  	v2 =	vnsel vm6, $0x0, v7;
	v0 =	vadd.s32 v3, v0  }
0x14f: {  	v0 =	vadd.s32 v0, v2;
	v2 =	vnsel vm7, $0x0, v8  }
0x150: {  	s7 =	sshll.u32 s7, $0x8;
	v3 =	vnsel vm3, $0x0, v5;
	v0 =	vadd.s32 v2, v0;
	s30 =	spop (v2sf)  }
0x151: {  	v4 =	vld [tilespmem:s31+$0xFFFFFFF0];
	v2 =	vnsel vm2, $0x0, v61;
	v0 =	vadd.s32 v3, v0;
	s7 =	sor.u32 s7, s30  }
0x152: {  	v5 =	vshra.s32 v6, $0x8;
	v3 =	vld [tilespmem:s31+$0x0];
	v0 =	vadd.s32 v2, v0;
	v2 =	vmov s7  }
0x153: {  	vm0 =	veq.s32 v5, v2;
	v5 =	vld [tilespmem:s31+$0xFFFFFFE0];
	_ =	sdelay $0x2  }
0x154: {  	v1 =	vimm.s32 $0x1;
	v7 =	vshra.s32 v4, $0x8;
	v4 =	vand.u32 $0xFF, v4  }
0x155: {  	s9 =	simm.s32 $0x0;
	s10 =	simm.s32 $0x60;
	s8 =	simm.s32 $0x800;
	v6 =	vand.u32 $0xFF, v6;
	vm1 =	veq.s32 v7, v2;
	v7 =	vshra.s32 v3, $0x8  }
.LBB2_11:
0x156: {  	v8 =	vld [tilespmem:s10+$0x10];
	s9 =	sadd.s32 $0x4, s9;
	v9 =	vshra.s32 v5, $0x8;
	v10 =	vand.u32 $0xFF, v5;
	vm2 =	veq.s32 v7, v2  }
0x157: {  	v7 =	vld [tilespmem:s10+$0xFFFFFFF0];
	p0 =	slt.u32 s9, $0x7C;
	vm3 =	veq.s32 v9, v2;
	v9 =	vand.u32 $0xFF, v3  }
0x158: {  	v3 =	vld [tilespmem:s10+$0x0]  }
.Ltmp5:
0x159: {  	v5 =	vld [tilespmem:s10+$0xFFFFFFE0];
	(pc) =	sbr.rel @p0 .LBB2_11-.Ltmp5, $4  }
0x15a: {  	[tilespmem:v6+s8+$0x0] =	vst.idx.add.s32.msk vm0, v1  }
0x15b: {  	v6 =	vshra.s32 v8, $0x8;
	[tilespmem:v4+s8+$0x0] =	vst.idx.add.s32.msk vm1, v1  }
0x15c: {  	v11 =	vshra.s32 v7, $0x8;
	v4 =	vand.u32 $0xFF, v7;
	vm0 =	veq.s32 v6, v2;
	[tilespmem:v9+s8+$0x0] =	vst.idx.add.s32.msk vm2, v1  }
0x15d: {  	s10 =	sadd.s32 $0x40, s10;
	v6 =	vand.u32 $0xFF, v8;
	vm1 =	veq.s32 v11, v2;
	v7 =	vshra.s32 v3, $0x8;
	[tilespmem:v10+s8+$0x0] =	vst.idx.add.s32.msk vm3, v1  }
0x15e: {  	_ = 	snop  }
0x15f: {  	v8 =	vshra.s32 v5, $0x8;
	vm2 =	veq.s32 v7, v2  }
0x160: {  	vm3 =	veq.s32 v8, v2;
	v2 =	vand.u32 $0xFF, v3  }
0x161: {  	v3 =	vand.u32 $0xFF, v5;
	_ =	sdelay $0x1  }
0x162: {  	[tilespmem:v6+s8+$0x0] =	vst.idx.add.s32.msk vm0, v1  }
0x163: {  	[tilespmem:v4+s8+$0x0] =	vst.idx.add.s32.msk vm1, v1  }
0x164: {  	[tilespmem:v2+s8+$0x0] =	vst.idx.add.s32.msk vm2, v1  }
0x165: {  	(xrf0) =	vadd.scan.msk.s32 $0xffff, v0;
	s9 =	simm.s32 $0x8F0;
	[tilespmem:v3+s8+$0x0] =	vst.idx.add.s32.msk vm3, v1  }
0x166: {  	v16 =	vld [tilespmem:s9+$0x0]  }
0x167: {  	v17 =	vld [tilespmem:s9+$0xFFFFFFF0]  }
0x168: {  	v4 =	vld [tilespmem:s9+$0xFFFFFFE0]  }
0x169: {  	v9 =	vld [tilespmem:s9+$0xFFFFFFD0];
	_ =	sdelay $0x1  }
0x16a: {  	v0, _, _ =	vpop (xrf0);
	(xrf0) =	vadd.scan.msk.s32 $0xffff, v16  }
0x16b: {  	(xrf0) =	vadd.scan.msk.s32 $0xffff, v17  }
0x16c: {  	(xrf0) =	vadd.scan.msk.s32 $0xffff, v4  }
0x16d: {  	(xrf0) =	vadd.scan.msk.s32 $0xffff, v9;
	_ =	sdelay $0x2  }
0x16e: {  	(v2sf) =	vpush v0, $0xF;
	v5, _, _ =	vpop (xrf0)  }
0x16f: {  	(v2sf) =	vpush v5, $0xF;
	v18, _, _ =	vpop (xrf0)  }
0x170: {  	s23 =	simm.s32 $0x8B0;
	(v2sf) =	vpush v18, $0xF;
	v6, _, _ =	vpop (xrf0)  }
0x171: {  	v7 =	vld [tilespmem:s23+$0x0];
	(v2sf) =	vpush v6, $0xF;
	v15, _, _ =	vpop (xrf0)  }
0x172: {  	v8 =	vld [tilespmem:s23+$0xFFFFFFF0];
	(v2sf) =	vpush v15, $0xF;
	_ =	sdelay $0x3  }
0x173: {  	(xrf0) =	vadd.scan.msk.s32 $0xffff, v7  }
0x174: {  	v12 =	vld [tilespmem:s23+$0xFFFFFFE0];
	(xrf0) =	vadd.scan.msk.s32 $0xffff, v8  }
0x175: {  	v11 =	vld [tilespmem:s23+$0xFFFFFFD0];
	_ =	sdelay $0x3  }
0x176: {  	(xrf0) =	vadd.scan.msk.s32 $0xffff, v12;
	v24, _, _ =	vpop (xrf0)  }
0x177: {  	s21 =	spop (v2sf);
	v10, _, _ =	vpop (xrf0);
	(xrf0) =	vadd.scan.msk.s32 $0xffff, v11  }
0x178: {  	s24 =	spop (v2sf)  }
0x179: {  	s9 =	sadd.s32 $0x0, s24;
	s10 =	spop (v2sf)  }
0x17a: {  	s10 =	sadd.s32 s10, s9;
	s12 =	spop (v2sf)  }
0x17b: {  	(v2sf) =	vpush v24, $0xF;
	s12 =	sadd.s32 s12, s10;
	s13 =	spop (v2sf)  }
0x17c: {  	v14, _, _ =	vpop (xrf0);
	(v2sf) =	vpush v10, $0xF;
	v19 =	vsub.s32 s12, v6;
	s12 =	sadd.s32 s13, s12  }
0x17d: {  	s11 =	simm.s32 $0x870;
	(v2sf) =	vpush v14, $0xF;
	v20 =	vsub.s32 s12, v15;
	v15, _, _ =	vpop (xrf0)  }
0x17e: {  	v3 =	vld [tilespmem:s11+$0x0];
	(v2sf) =	vpush v15, $0xF  }
0x17f: {  	s25 =	simm.s32 $0xE0;
	v0 =	vlaneseq.u32;
	v2 =	vld [tilespmem:s11+$0xFFFFFFF0]  }
0x180: {  	v13 =	vimm.s32 $0x0;
	s22 =	simm.s32 $0xF0;
	v22 =	vor.u32 s25, v0;
	s6 =	ssub.s32 s6, s21;
	v21 =	vsub.s32 s9, v5;
	v5 =	vld [tilespmem:s11+$0xFFFFFFE0]  }
0x181: {  	s28 =	simm.s32 $0xD0;
	v25 =	vor.u32 s22, v0;
	v1 =	vmov s6;
	v16 =	vadd.s32 v16, v21;
	v6 =	vld [tilespmem:s11+$0xFFFFFFD0]  }
0x182: {  	v23 =	vor.u32 s28, v0;
	v18 =	vsub.s32 s10, v18;
	vm12 =	vge.s32 v16, v1  }
0x183: {  	(xrf0) =	vadd.scan.msk.s32 $0xffff, v3;
	vm13 =	vlt.s32 v18, v1;
	v16 =	vadd.s32 v17, v18;
	v4 =	vadd.s32 v4, v19  }
0x184: {  	(xrf0) =	vadd.scan.msk.s32 $0xffff, v2;
	vm7 =	vlt.s32 v19, v1;
	vm14 =	vge.s32 v16, v1;
	vm8 =	vge.s32 v4, v1  }
0x185: {  	s26 =	simm.s32 $0xC0;
	v4 =	vadd.s32 v9, v20;
	vm15 =	vmand vm13, vm14;
	vm0 =	vmand vm7, vm8;
	(xrf0) =	vadd.scan.msk.s32 $0xffff, v5  }
0x186: {  	vm10 =	vge.s32 v4, v1;
	v4 =	vnsel vm0, $0x0, v19;
	v19 =	vor.u32 s26, v0;
	(xrf0) =	vadd.scan.msk.s32 $0xffff, v6  }
0x187: {  	vm11 =	vlt.s32 v21, v1;
	vm9 =	vlt.s32 v20, v1;
	v26 =	vnsel vm15, $0x0, v22  }
0x188: {  	v18 =	vnsel vm15, $0x0, v18;
	vm1 =	vmand vm9, vm10;
	v23 =	vnsel vm0, $0x0, v23  }
0x189: {  	v9 =	vnsel vm1, $0x0, v20;
	v20 =	vnsel vm1, $0x0, v19;
	vm1 =	vmand vm11, vm12;
	v19, _, _ =	vpop (xrf0)  }
0x18a: {  	s8 =	simm.s32 $0xB0;
	s29 =	spop (v2sf);
	v25 =	vnsel vm1, $0x0, v25;
	v16 =	vnsel vm1, $0x0, v21;
	(v2sf) =	vpush v19, $0xF;
	v17, _, _ =	vpop (xrf0)  }
0x18b: {  	s9 =	simm.s32 $0x8;
	s30 =	sadd.s32 s12, s29;
	v16 =	vadd.s32 v13, v16;
	v25 =	vadd.s32 v13, v25;
	(v2sf) =	vpush v17, $0xF;
	v21, _, _ =	vpop (xrf0);
	s31 =	spop (v2sf)  }
0x18c: {  	s10 =	simm.s32 $0x830;
	v13 =	vsub.s32 s30, v24;
	v24 =	vadd.s32 v26, v25;
	(v2sf) =	vpush v21, $0xF;
	v22, _, _ =	vpop (xrf0);
	s11 =	sadd.s32 s31, s30;
	s12 =	spop (v2sf)  }
.LBB2_13:
0x18d: {  	v25 =	vld [tilespmem:s10+$0x0];
	s9 =	sadd.s32 $0x4, s9;
	(v2sf) =	vpush v22, $0xF;
	s12 =	sadd.s32 s12, s11;
	s13 =	spop (v2sf);
	v16 =	vadd.s32 v18, v16;
	v18 =	vadd.s32 v23, v24;
	v24 =	vmovc v19;
	v19 =	vmovc v10  }
0x18e: {  	v10 =	vmovc v17;
	v26 =	vld [tilespmem:s10+$0xFFFFFFF0];
	p0 =	slt.u32 s9, $0xC;
	v23 =	vsub.s32 s12, v14;
	s12 =	sadd.s32 s13, s12;
	v4 =	vadd.s32 v4, v16;
	v18 =	vadd.s32 v20, v18;
	v14 =	vmovc v21  }
0x18f: {  	v16 =	vadd.s32 v12, v23;
	v17 =	vsub.s32 s12, v15;
	v21 =	vadd.s32 v9, v4;
	v12 =	vmovc v5;
	v5 =	vld [tilespmem:s10+$0xFFFFFFE0];
	v15 =	vmovc v22  }
0x190: {  	vm0 =	vlt.s32 v23, v1;
	vm1 =	vge.s32 v16, v1;
	v4 =	vadd.s32 v11, v17;
	v11 =	vmovc v6;
	v6 =	vld [tilespmem:s10+$0xFFFFFFD0]  }
0x191: {  	vm0 =	vmand vm0, vm1;
	vm1 =	vlt.s32 v17, v1;
	vm2 =	vge.s32 v4, v1  }
0x192: {  	s14 =	sadd.s32 $0xFFFFFFD0, s8;
	s13 =	sadd.s32 $0xFFFFFFF0, s8;
	(xrf0) =	vadd.scan.msk.s32 $0xffff, v25;
	v4 =	vnsel vm0, $0x0, v23;
	vm1 =	vmand vm1, vm2  }
0x193: {  	v22 =	vor.u32 s13, v0;
	s13 =	sadd.s32 $0xFFFFFFE0, s8;
	v16 =	vor.u32 s14, v0;
	(xrf0) =	vadd.scan.msk.s32 $0xffff, v26;
	v9 =	vnsel vm1, $0x0, v17  }
0x194: {  	v23 =	vor.u32 s13, v0;
	v17 =	vor.u32 s8, v0;
	v20 =	vnsel vm1, $0x0, v16;
	(xrf0) =	vadd.scan.msk.s32 $0xffff, v5  }
0x195: {  	v27 =	vsub.s32 s11, v19;
	vm1 =	vlt.s32 v13, v1;
	v16 =	vadd.s32 v7, v13;
	v7 =	vmovc v3;
	(xrf0) =	vadd.scan.msk.s32 $0xffff, v6  }
0x196: {  	vm3 =	vlt.s32 v27, v1;
	v3 =	vmovc v25;
	vm2 =	vge.s32 v16, v1;
	v16 =	vadd.s32 v8, v27  }
.Ltmp6:
0x197: {  	v23 =	vnsel vm0, $0x0, v23;
	v8 =	vmovc v2;
	v2 =	vmovc v26;
	vm1 =	vmand vm1, vm2;
	vm2 =	vge.s32 v16, v1;
	(pc) =	sbr.rel @p0 .LBB2_13-.Ltmp6, $4  }
0x198: {  	v25 =	vnsel vm1, $0x0, v17;
	v13 =	vnsel vm1, $0x0, v13;
	vm0 =	vmand vm3, vm2;
	v19, _, _ =	vpop (xrf0)  }
0x199: {  	v16 =	vadd.s32 v21, v13;
	v26 =	vnsel vm0, $0x0, v22;
	(v2sf) =	vpush v19, $0xF;
	v17, _, _ =	vpop (xrf0);
	s11 =	spop (v2sf)  }
0x19a: {  	s8 =	sadd.s32 $0xFFFFFFC0, s8;
	v25 =	vadd.s32 v18, v25;
	v18 =	vnsel vm0, $0x0, v27;
	(v2sf) =	vpush v17, $0xF;
	v21, _, _ =	vpop (xrf0);
	s11 =	sadd.s32 s12, s11;
	s12 =	spop (v2sf)  }
0x19b: {  	s10 =	sadd.s32 $0xFFFFFFC0, s10;
	(v2sf) =	vpush v21, $0xF;
	v22, _, _ =	vpop (xrf0);
	v13 =	vsub.s32 s11, v24;
	s11 =	sadd.s32 s12, s11;
	s12 =	spop (v2sf);
	v24 =	vadd.s32 v26, v25  }
0x19c: {  	(v2sf) =	vpush v22, $0xF;
	_ =	sdelay $0x4  }
0x19d: {  	s9 =	sadd.s32 s12, s11;
	v23 =	vadd.s32 v23, v24;
	v7 =	vadd.s32 v7, v13  }
0x19e: {  	s10 =	spop (v2sf);
	v10 =	vsub.s32 s11, v10;
	v14 =	vsub.s32 s9, v14;
	v20 =	vadd.s32 v20, v23  }
0x19f: {  	s9 =	sadd.s32 s10, s9;
	v23 =	vor.u32 s8, v0;
	vm3 =	vge.s32 v7, v1;
	v7 =	vadd.s32 v8, v10  }
0x1a0: {  	vm4 =	vlt.s32 v10, v1;
	v12 =	vadd.s32 v12, v14;
	v15 =	vsub.s32 s9, v15  }
0x1a1: {  	vm0 =	vlt.s32 v14, v1;
	vm1 =	vge.s32 v12, v1;
	v11 =	vadd.s32 v11, v15  }
0x1a2: {  	s21 =	sadd.s32 $0xFFFFFFD0, s8;
	vm0 =	vmand vm0, vm1;
	vm1 =	vlt.s32 v15, v1;
	vm2 =	vge.s32 v11, v1  }
0x1a3: {  	s20 =	sadd.s32 $0xFFFFFFF0, s8;
	v12 =	vor.u32 s21, v0;
	vm1 =	vmand vm1, vm2;
	vm2 =	vlt.s32 v13, v1  }
0x1a4: {  	s23 =	sadd.s32 $0xFFFFFFE0, s8;
	v11 =	vor.u32 s20, v0;
	vm2 =	vmand vm2, vm3;
	vm3 =	vge.s32 v7, v1;
	s22 =	spop (v2sf)  }
0x1a5: {  	v7 =	vor.u32 s23, v0;
	v8 =	vnsel vm2, $0x0, v23;
	vm3 =	vmand vm4, vm3;
	s9 =	sadd.s32 s9, s22;
	s24 =	spop (v2sf)  }
0x1a6: {  	v12 =	vnsel vm1, $0x0, v12;
	v11 =	vnsel vm3, $0x0, v11;
	v8 =	vadd.s32 v20, v8;
	s10 =	sadd.s32 s24, s9;
	s25 =	spop (v2sf)  }
0x1a7: {  	v7 =	vnsel vm0, $0x0, v7;
	v8 =	vadd.s32 v11, v8;
	v19 =	vsub.s32 s9, v19;
	s11 =	sadd.s32 s25, s10;
	s26 =	spop (v2sf)  }
0x1a8: {  	v7 =	vadd.s32 v7, v8;
	v3 =	vadd.s32 v3, v19;
	s28 =	sadd.s32 s26, s11;
	v8 =	vsub.s32 s11, v21  }
0x1a9: {  	v11 =	vsub.s32 s28, v22;
	v5 =	vadd.s32 v5, v8;
	vm4 =	vlt.s32 v8, v1  }
0x1aa: {  	v6 =	vadd.s32 v6, v11;
	vm5 =	vge.s32 v5, v1;
	vm6 =	vlt.s32 v11, v1  }
0x1ab: {  	s29 =	sadd.s32 $0xFFFFFFC0, s8;
	v5 =	vadd.s32 v12, v7;
	v7 =	vsub.s32 s10, v17;
	vm7 =	vge.s32 v6, v1  }
0x1ac: {  	vm5 =	vmand vm4, vm5;
	v6 =	vor.u32 s29, v0;
	v2 =	vadd.s32 v2, v7  }
0x1ad: {  	vm4 =	vmand vm6, vm7;
	vm6 =	vlt.s32 v19, v1;
	vm7 =	vge.s32 v3, v1  }
0x1ae: {  	s30 =	sadd.s32 $0xFFFFFFF0, s29;
	vm8 =	vlt.s32 v7, v1;
	vm6 =	vmand vm6, vm7;
	vm7 =	vge.s32 v2, v1  }
0x1af: {  	s31 =	sadd.s32 $0xFFFFFFE0, s29;
	v1 =	vor.u32 s30, v0;
	v2 =	vnsel vm6, $0x0, v6;
	vm7 =	vmand vm8, vm7  }
0x1b0: {  	s8 =	sadd.s32 $0xFFFFFFD0, s29;
	v3 =	vor.u32 s31, v0;
	v1 =	vnsel vm7, $0x0, v1;
	v2 =	vadd.s32 v5, v2  }
0x1b1: {  	v0 =	vor.u32 s8, v0;
	v3 =	vnsel vm5, $0x0, v3;
	v1 =	vadd.s32 v1, v2  }
0x1b2: {  	v0 =	vnsel vm4, $0x0, v0;
	v1 =	vadd.s32 v3, v1  }
0x1b3: {  	v0 =	vadd.s32 v0, v1  }
0x1b4: {  	(xrf0) =	vadd.scan.msk.s32 $0xffff, v0;
	_ =	sdelay $0x5  }
0x1b5: {  	v0, _, _ =	vpop (xrf0)  }
0x1b6: {  	(v2sf) =	vpush v0, $0xF;
	_ =	sdelay $0x1  }
0x1b7: {  	v0 =	vadd.s32 v18, v16  }
0x1b8: {  	v0 =	vadd.s32 v4, v0  }
0x1b9: {  	v1 =	vnsel vm2, $0x0, v13;
	v0 =	vadd.s32 v9, v0  }
0x1ba: {  	v0 =	vadd.s32 v0, v1;
	v1 =	vnsel vm3, $0x0, v10  }
0x1bb: {  	v2 =	vnsel vm0, $0x0, v14;
	v0 =	vadd.s32 v1, v0  }
0x1bc: {  	v1 =	vnsel vm1, $0x0, v15;
	v0 =	vadd.s32 v2, v0  }
0x1bd: {  	v0 =	vadd.s32 v1, v0;
	v1 =	vnsel vm6, $0x0, v19  }
0x1be: {  	v0 =	vadd.s32 v0, v1;
	v1 =	vnsel vm7, $0x0, v7  }
0x1bf: {  	v2 =	vnsel vm5, $0x0, v8;
	v0 =	vadd.s32 v1, v0  }
0x1c0: {  	v1 =	vnsel vm4, $0x0, v11;
	v0 =	vadd.s32 v2, v0  }
0x1c1: {  	s10 =	simm.s32 $0x20;
	v0 =	vadd.s32 v1, v0  }
0x1c2: {  	v15 =	vld [tilespmem:s10+$0xFFFFFFE0];
	(xrf0) =	vadd.scan.msk.s32 $0xffff, v0;
	_ =	sdelay $0x1  }
0x1c3: {  	s7 =	sshll.u32 s7, $0x8;
	v4 =	vld [tilespmem:s10+$0xFFFFFFF0];
	s11 =	spop (v2sf)  }
0x1c4: {  	s7 =	sor.u32 s7, s11  }
0x1c5: {  	v0 =	vld [tilespmem:s10+$0x0];
	v6 =	vmov s7  }
0x1c6: {  	v1 =	vimm.s32 $0x0;
	vm0 =	veq.s32 v6, v15  }
0x1c7: {  	v2, _, _ =	vpop (xrf0);
	v3 =	vsel vm0, $0x1, v1  }
0x1c8: {  	(v2sf) =	vpush v2, $0xF;
	vm1 =	veq.s32 v6, v4;
	(xrf0) =	vadd.scan.msk.s32 $0xffff, v3  }
0x1c9: {  	v2 =	vsel vm1, $0x1, v1  }
0x1ca: {  	vm2 =	veq.s32 v6, v0;
	(xrf0) =	vadd.scan.msk.s32 $0xffff, v2  }
0x1cb: {  	v5 =	vld [tilespmem:s10+$0x10];
	v2 =	vsel vm2, $0x1, v1  }
0x1cc: {  	(xrf0) =	vadd.scan.msk.s32 $0xffff, v2;
	_ =	sdelay $0x1  }
0x1cd: {  	v2, _, _ =	vpop (xrf0)  }
0x1ce: {  	(v2sf) =	vpush v2, $0xF  }
0x1cf: {  	vm3 =	veq.s32 v6, v5;
	v9, _, _ =	vpop (xrf0)  }
0x1d0: {  	v3 =	vsel vm3, $0x1, v1;
	(v2sf) =	vpush v9, $0xF  }
0x1d1: {  	(xrf0) =	vadd.scan.msk.s32 $0xffff, v3;
	v11, _, _ =	vpop (xrf0)  }
0x1d2: {  	(v2sf) =	vpush v11, $0xF;
	_ =	sdelay $0x2  }
0x1d3: {  	s14 =	simm.s32 $0x60  }
0x1d4: {  	s13 =	simm.s32 $0x0;
	v8 =	vld [tilespmem:s14+$0xFFFFFFE0];
	v3 =	vsel vm0, $0xFFFFFFFF, v1;
	s12 =	spop (v2sf)  }
0x1d5: {  	v3 =	vadd.s32 s13, v3;
	v12, _, _ =	vpop (xrf0);
	s6 =	ssub.s32 s6, s12  }
0x1d6: {  	v7 =	vld [tilespmem:s14+$0xFFFFFFF0];
	v2 =	vadd.s32 v2, v3;
	(v2sf) =	vpush v12, $0xF;
	v10 =	vmov s6  }
0x1d7: {  	vm9 =	vlt.s32 v6, v4;
	vm4 =	vlt.s32 v2, v10;
	v2 =	vld [tilespmem:s14+$0x0]  }
0x1d8: {  	vm8 =	vmmov vm1;
	vm7 =	vmmov vm2;
	vm5 =	vmmov vm3;
	v3 =	vld [tilespmem:s14+$0x10]  }
0x1d9: {  	vm1 =	vlt.s32 v6, v15;
	vm4 =	vmand vm0, vm4;
	vm0 =	veq.s32 v6, v8  }
0x1da: {  	v13 =	vsel vm8, $0xFFFFFFFF, v1;
	v14 =	vsel vm5, $0xFFFFFFFF, v1;
	v16 =	vsel vm0, $0x1, v1  }
0x1db: {  	v17 =	vsel vm7, $0xFFFFFFFF, v1;
	vm3 =	veq.s32 v6, v7;
	v9 =	vadd.s32 v13, v9;
	(xrf0) =	vadd.scan.msk.s32 $0xffff, v16;
	s15 =	spop (v2sf)  }
0x1dc: {  	v13 =	vsel vm3, $0x1, v1;
	vm6 =	vmor vm1, vm4;
	vm1 =	veq.s32 v6, v2;
	s6 =	sadd.s32 $0x0, s15  }
0x1dd: {  	vm2 =	veq.s32 v6, v3;
	(xrf0) =	vadd.scan.msk.s32 $0xffff, v13;
	v16 =	vsel vm1, $0x1, v1;
	s16 =	spop (v2sf);
	v9 =	vadd.s32 s6, v9  }
0x1de: {  	v12 =	vadd.s32 v14, v12;
	(xrf0) =	vadd.scan.msk.s32 $0xffff, v16;
	s6 =	sadd.s32 s6, s16;
	vm4 =	vlt.s32 v9, v10;
	v9 =	vadd.s32 v17, v11  }
0x1df: {  	s17 =	spop (v2sf);
	v11 =	vsel vm2, $0x1, v1;
	vm4 =	vmand vm8, vm4;
	v9 =	vadd.s32 s6, v9  }
0x1e0: {  	(xrf0) =	vadd.scan.msk.s32 $0xffff, v11;
	v11 =	vsel vm6, $0x1, v1;
	s6 =	sadd.s32 s6, s17;
	vm4 =	vmor vm9, vm4;
	vm8 =	vlt.s32 v9, v10  }
0x1e1: {  	vm9 =	vlt.s32 v6, v0;
	v9 =	vadd.s32 s6, v12;
	v12, _, _ =	vpop (xrf0);
	v13 =	vsel vm4, $0x1, v1  }
0x1e2: {  	(xrf0) =	vadd.scan.msk.s32 $0xffff, v11;
	vm7 =	vmand vm7, vm8;
	vm8 =	vlt.s32 v9, v10;
	(v2sf) =	vpush v12, $0xF  }
0x1e3: {  	v16, _, _ =	vpop (xrf0);
	(xrf0) =	vadd.scan.msk.s32 $0xffff, v13;
	vm7 =	vmor vm9, vm7;
	vm9 =	vlt.s32 v6, v5;
	vm5 =	vmand vm5, vm8  }
0x1e4: {  	(v2sf) =	vpush v16, $0xF;
	v17, _, _ =	vpop (xrf0);
	v14 =	vsel vm7, $0x1, v1;
	vm8 =	vmor vm9, vm5  }
0x1e5: {  	s18 =	spop (v2sf);
	(v2sf) =	vpush v17, $0xF;
	(xrf0) =	vadd.scan.msk.s32 $0xffff, v14;
	v19 =	vsel vm8, $0x1, v1  }
0x1e6: {  	v9 =	vsel vm0, $0xFFFFFFFF, v1;
	s6 =	sadd.s32 s6, s18;
	v18, _, _ =	vpop (xrf0);
	(xrf0) =	vadd.scan.msk.s32 $0xffff, v19  }
0x1e7: {  	vm10 =	vmmov vm2;
	v9 =	vadd.s32 s6, v9  }
0x1e8: {  	vm13 =	vlt.s32 v6, v2;
	v12 =	vadd.s32 v12, v9;
	(v2sf) =	vpush v18, $0xF;
	v20, _, _ =	vpop (xrf0)  }
0x1e9: {  	vm12 =	vmmov vm1;
	vm2 =	vlt.s32 v6, v8;
	(v2sf) =	vpush v20, $0xF;
	v21, _, _ =	vpop (xrf0)  }
0x1ea: {  	s19 =	sshll.u32 s2, $0xB;
	vm1 =	vmmov vm8;
	vm8 =	vlt.s32 v6, v3;
	(v2sf) =	vpush v21, $0xF  }
0x1eb: {  	s9 =	simm.s32 $0xA0;
	s8 =	sor.u32 $0x30, s19;
	v9 =	vlaneseq.u32;
	vm5 =	vlt.s32 v12, v10;
	v11 =	vsub.s32 v20, v11;
	v12, _, _ =	vpop (xrf0)  }
0x1ec: {  	s20 =	sadd.s32 $0xFFFFFFD0, s8;
	v20 =	vadd.s32 s13, v11;
	v11 =	vld [tilespmem:s9+$0xFFFFFFE0];
	v22 =	vsub.s32 v12, v14;
	(v2sf) =	vpush v12, $0xF;
	v12, _, _ =	vpop (xrf0)  }
0x1ed: {  	v23 =	vor.u32 s20, v9;
	vm9 =	vmand vm0, vm5;
	v14 =	vld [tilespmem:s9+$0xFFFFFFF0];
	(v2sf) =	vpush v12, $0xF  }
0x1ee: {  	vm5 =	vmmov vm3;
	vm3 =	vmmov vm4;
	v63 =	vsub.s32 v12, v19;
	v12 =	vld [tilespmem:s9+$0x0]  }
0x1ef: {  	vm0 =	vmmov vm7;
	vm2 =	vmor vm2, vm9;
	v19 =	vsel vm10, $0xFFFFFFFF, v1  }
0x1f0: {  	v21 =	vsub.s32 v21, v13;
	v13 =	vld [tilespmem:s9+$0x10];
	v18 =	vadd.s32 v19, v18;
	v19 =	vsel vm5, $0xFFFFFFFF, v1  }
0x1f1: {  	vm11 =	veq.s32 v6, v11;
	v16 =	vadd.s32 v19, v16;
	v19 =	vsel vm12, $0xFFFFFFFF, v1;
	s21 =	spop (v2sf)  }
0x1f2: {  	v17 =	vadd.s32 v19, v17;
	v19 =	vsel vm11, $0x1, v1;
	vm9 =	veq.s32 v6, v14;
	s6 =	sadd.s32 s6, s21  }
0x1f3: {  	(xrf0) =	vadd.scan.msk.s32 $0xffff, v19;
	s22 =	spop (v2sf);
	v19 =	vsel vm9, $0x1, v1;
	vm7 =	veq.s32 v6, v12;
	v16 =	vadd.s32 s6, v16  }
0x1f4: {  	vm4 =	vlt.s32 v6, v7;
	s23 =	spop (v2sf);
	s6 =	sadd.s32 s6, s22;
	(xrf0) =	vadd.scan.msk.s32 $0xffff, v19;
	vm14 =	vlt.s32 v16, v10;
	v16 =	vsel vm7, $0x1, v1  }
0x1f5: {  	s10 =	sadd.s32 s6, s23;
	v17 =	vadd.s32 s6, v17;
	s6 =	simm.s32 $0x900;
	vm14 =	vmand vm5, vm14;
	vm5 =	veq.s32 v6, v13  }
0x1f6: {  	v19 =	vsel vm11, $0xFFFFFFFF, v1;
	(xrf0) =	vadd.scan.msk.s32 $0xffff, v16;
	[tilespmem:v20+s6+$0x0] =	vst.idx.msk vm6, v15;
	v16 =	vsel vm5, $0x1, v1  }
0x1f7: {  	s7 =	simm.s32 $0x980;
	s24 =	spop (v2sf);
	vm4 =	vmor vm4, vm14;
	vm14 =	vlt.s32 v17, v10;
	(xrf0) =	vadd.scan.msk.s32 $0xffff, v16;
	v16 =	vadd.s32 s10, v18  }
0x1f8: {  	v17 =	vsel vm2, $0x1, v1;
	[tilespmem:v20+s7+$0x0] =	vst.idx.msk vm6, v23;
	s25 =	spop (v2sf);
	vm12 =	vmand vm12, vm14;
	s13 =	sadd.s32 s10, s24;
	vm14 =	vlt.s32 v16, v10  }
0x1f9: {  	s26 =	sadd.s32 $0x0, s25;
	v16 =	vsel vm4, $0x1, v1;
	v18 =	vadd.s32 s13, v19;
	v19, _, _ =	vpop (xrf0);
	vm6 =	vmor vm13, vm12;
	(xrf0) =	vadd.scan.msk.s32 $0xffff, v17;
	s28 =	spop (v2sf)  }
0x1fa: {  	vm10 =	vmand vm10, vm14;
	v21 =	vadd.s32 s26, v21;
	(v2sf) =	vpush v19, $0xF;
	v20, _, _ =	vpop (xrf0);
	(xrf0) =	vadd.scan.msk.s32 $0xffff, v16;
	s14 =	sadd.s32 s26, s28  }
0x1fb: {  	v15 =	vadd.s32 s14, v22;
	s29 =	spop (v2sf);
	v22 =	vadd.s32 v19, v18;
	v18 =	vsel vm6, $0x1, v1  }
0x1fc: {  	s11 =	smov.u32 s8;
	(v2sf) =	vpush v20, $0xF;
	vm8 =	vmor vm8, vm10;
	v23, _, _ =	vpop (xrf0);
	s30 =	sadd.s32 s14, s29;
	vm12 =	vlt.s32 v22, v10;
	s31 =	spop (v2sf);
	(xrf0) =	vadd.scan.msk.s32 $0xffff, v18  }
0x1fd: {  	s10 =	sadd.s32 $0xFFFFFFF0, s8;
	s14 =	simm.s32 $0x8;
	(v2sf) =	vpush v23, $0xF;
	vm10 =	vmand vm11, vm12;
	v19, _, _ =	vpop (xrf0);
	v22 =	vadd.s32 s30, v63;
	s12 =	sadd.s32 s30, s31  }
.LBB2_15:
0x1fe: {  	s14 =	sadd.s32 $0x4, s14;
	(v2sf) =	vpush v19, $0xF;
	v24 =	vsel vm8, $0x1, v1;
	s15 =	sadd.s32 $0xFFFFFFE0, s8;
	s11 =	sadd.s32 $0x40, s11;
	vm11 =	vmmov vm9  }
0x1ff: {  	p0 =	slt.u32 s14, $0x7C;
	s16 =	sadd.s32 $0xFFFFFFF0, s11;
	v25, _, _ =	vpop (xrf0);
	(xrf0) =	vadd.scan.msk.s32 $0xffff, v24;
	[tilespmem:v21+s6+$0x0] =	vst.idx.msk vm3, v4;
	v26 =	vor.u32 s15, v9;
	v4 =	vmov v7  }
0x200: {  	v7 =	vmov v14;
	v17 =	vsub.s32 v25, v17;
	(v2sf) =	vpush v25, $0xF;
	v25, _, _ =	vpop (xrf0);
	[tilespmem:v21+s7+$0x0] =	vst.idx.msk vm3, v26  }
0x201: {  	v17 =	vadd.s32 s12, v17;
	v21 =	vsub.s32 v25, v16;
	(v2sf) =	vpush v25, $0xF;
	[tilespmem:v15+s6+$0x0] =	vst.idx.msk vm0, v0;
	v0 =	vmovc v2  }
0x202: {  	v16 =	vor.u32 s8, v9;
	v2 =	vmov v12;
	s8 =	smov.u32 s11;
	v14, _, _ =	vpop (xrf0);
	[tilespmem:v22+s6+$0x0] =	vst.idx.msk vm1, v5;
	v5 =	vmov v3  }
0x203: {  	v3 =	vmovc v13;
	v18 =	vsub.s32 v14, v18;
	(v2sf) =	vpush v14, $0xF;
	v14 =	vor.u32 s10, v9;
	[tilespmem:v22+s7+$0x0] =	vst.idx.msk vm1, v16;
	s10 =	smov.u32 s16  }
0x204: {  	vm12 =	vmmov vm7;
	vm13 =	vmmov vm5;
	vm3 =	vmmov vm4;
	[tilespmem:v15+s7+$0x0] =	vst.idx.msk vm0, v14  }
0x205: {  	s9 =	sadd.s32 $0x40, s9;
	s15 =	sadd.s32 $0xFFFFFFD0, s11;
	vm1 =	vmmov vm8;
	vm0 =	vmmov vm6;
	v12, _, _ =	vpop (xrf0)  }
0x206: {  	v13 =	vor.u32 s15, v9;
	[tilespmem:v17+s6+$0x0] =	vst.idx.msk vm2, v8;
	v22 =	vsub.s32 v12, v24;
	(v2sf) =	vpush v12, $0xF;
	v8 =	vmovc v11;
	v11 =	vld [tilespmem:s9+$0xFFFFFFE0]  }
0x207: {  	v14 =	vld [tilespmem:s9+$0xFFFFFFF0];
	[tilespmem:v17+s7+$0x0] =	vst.idx.msk vm2, v13  }
0x208: {  	vm4 =	vlt.s32 v6, v7;
	vm8 =	vlt.s32 v6, v3;
	vm6 =	vlt.s32 v6, v2;
	v12 =	vld [tilespmem:s9+$0x0]  }
0x209: {  	v16 =	vsel vm13, $0xFFFFFFFF, v1;
	v15 =	vsel vm11, $0xFFFFFFFF, v1;
	vm2 =	vlt.s32 v6, v8;
	v13 =	vld [tilespmem:s9+$0x10]  }
0x20a: {  	v16 =	vadd.s32 v16, v19;
	v17 =	vsel vm12, $0xFFFFFFFF, v1;
	vm2 =	vmor vm2, vm10;
	s15 =	spop (v2sf)  }
0x20b: {  	v15 =	vadd.s32 v15, v20;
	v19 =	vadd.s32 v17, v23;
	vm10 =	veq.s32 v6, v11;
	s13 =	sadd.s32 s13, s15;
	s15 =	spop (v2sf)  }
0x20c: {  	v17 =	vsel vm10, $0x1, v1;
	vm9 =	veq.s32 v6, v14;
	v15 =	vadd.s32 s13, v15;
	s15 =	sadd.s32 s13, s15;
	s13 =	spop (v2sf)  }
0x20d: {  	v20 =	vsel vm10, $0xFFFFFFFF, v1;
	v23 =	vsel vm9, $0x1, v1;
	vm7 =	veq.s32 v6, v12;
	(xrf0) =	vadd.scan.msk.s32 $0xffff, v17;
	s16 =	sadd.s32 s15, s13;
	s13 =	spop (v2sf)  }
0x20e: {  	vm14 =	vlt.s32 v15, v10;
	v17 =	vsel vm7, $0x1, v1;
	vm5 =	veq.s32 v6, v13;
	(xrf0) =	vadd.scan.msk.s32 $0xffff, v23;
	s13 =	sadd.s32 s16, s13  }
0x20f: {  	vm11 =	vmand vm11, vm14;
	v23 =	vadd.s32 s16, v16;
	v15 =	vsel vm5, $0x1, v1;
	(xrf0) =	vadd.scan.msk.s32 $0xffff, v17;
	s16 =	spop (v2sf)  }
0x210: {  	v17 =	vsel vm2, $0x1, v1;
	vm4 =	vmor vm4, vm11;
	(xrf0) =	vadd.scan.msk.s32 $0xffff, v15;
	v15 =	vadd.s32 s15, v19;
	s12 =	sadd.s32 s12, s16;
	s15 =	spop (v2sf)  }
0x211: {  	vm14 =	vlt.s32 v23, v10;
	v16 =	vsel vm4, $0x1, v1;
	vm11 =	vlt.s32 v15, v10;
	s15 =	sadd.s32 s12, s15  }
.Ltmp7:
0x212: {  	vm11 =	vmand vm12, vm11;
	vm12 =	vmand vm13, vm14;
	(xrf0) =	vadd.scan.msk.s32 $0xffff, v17;
	v15 =	vadd.s32 s15, v18;
	s16 =	spop (v2sf);
	(pc) =	sbr.rel @p0 .LBB2_15-.Ltmp7, $4  }
0x213: {  	v21 =	vadd.s32 s12, v21;
	v18 =	vadd.s32 s13, v20;
	v19, _, _ =	vpop (xrf0);
	vm6 =	vmor vm6, vm11;
	(xrf0) =	vadd.scan.msk.s32 $0xffff, v16;
	s12 =	sadd.s32 s15, s16  }
0x214: {  	v24 =	vadd.s32 v19, v18;
	(v2sf) =	vpush v19, $0xF;
	v20, _, _ =	vpop (xrf0);
	v18 =	vsel vm6, $0x1, v1  }
0x215: {  	vm8 =	vmor vm8, vm12;
	vm11 =	vlt.s32 v24, v10;
	(v2sf) =	vpush v20, $0xF;
	v23, _, _ =	vpop (xrf0);
	(xrf0) =	vadd.scan.msk.s32 $0xffff, v18;
	s15 =	spop (v2sf)  }
0x216: {  	v22 =	vadd.s32 s12, v22;
	vm10 =	vmand vm10, vm11;
	(v2sf) =	vpush v23, $0xF;
	v19, _, _ =	vpop (xrf0);
	s12 =	sadd.s32 s12, s15  }
0x217: {  	_ =	sdelay $0xa  }
0x218: {  	(v2sf) =	vpush v19, $0xF;
	v24 =	vsel vm8, $0x1, v1;
	vm9 =	vmmov vm9  }
0x219: {  	vm11 =	vmmov vm7;
	vm12 =	vlt.s32 v6, v14;
	v26 =	vsel vm9, $0xFFFFFFFF, v1;
	s9 =	spop (v2sf)  }
0x21a: {  	vm14 =	vlt.s32 v6, v11;
	v27 =	vsel vm11, $0xFFFFFFFF, v1;
	v20 =	vadd.s32 v26, v20;
	s9 =	sadd.s32 s13, s9;
	s26 =	spop (v2sf)  }
0x21b: {  	v25, _, _ =	vpop (xrf0);
	vm7 =	vmor vm14, vm10;
	v23 =	vadd.s32 v27, v23;
	v20 =	vadd.s32 s9, v20;
	s9 =	sadd.s32 s9, s26  }
0x21c: {  	(xrf0) =	vadd.scan.msk.s32 $0xffff, v24;
	(v2sf) =	vpush v25, $0xF;
	vm15 =	vlt.s32 v20, v10;
	v53 =	vadd.s32 s9, v23  }
0x21d: {  	v54 =	vsel vm7, $0x1, v1;
	vm9 =	vmand vm9, vm15;
	vm13 =	vlt.s32 v53, v10  }
0x21e: {  	v55, _, _ =	vpop (xrf0);
	(xrf0) =	vadd.scan.msk.s32 $0xffff, v54;
	vm10 =	vmor vm12, vm9;
	vm12 =	vmand vm11, vm13;
	vm13 =	vlt.s32 v6, v12  }
0x21f: {  	v56, _, _ =	vpop (xrf0);
	(v2sf) =	vpush v55, $0xF;
	v57 =	vsel vm10, $0x1, v1;
	vm9 =	vmor vm13, vm12  }
0x220: {  	(v2sf) =	vpush v56, $0xF;
	(xrf0) =	vadd.scan.msk.s32 $0xffff, v57;
	v28 =	vsel vm9, $0x1, v1  }
0x221: {  	(xrf0) =	vadd.scan.msk.s32 $0xffff, v28  }
0x222: {  	vm5 =	vmmov vm5;
	v29, _, _ =	vpop (xrf0)  }
0x223: {  	v31 =	vsel vm5, $0xFFFFFFFF, v1;
	(v2sf) =	vpush v29, $0xF;
	s28 =	spop (v2sf)  }
0x224: {  	v58 =	vadd.s32 v31, v19;
	v30, _, _ =	vpop (xrf0);
	s9 =	sadd.s32 s9, s28  }
0x225: {  	(v2sf) =	vpush v30, $0xF;
	v19 =	vadd.s32 s9, v58  }
0x226: {  	vm14 =	vlt.s32 v19, v10;
	v59, _, _ =	vpop (xrf0)  }
0x227: {  	vm15 =	vlt.s32 v6, v13;
	vm5 =	vmand vm5, vm14;
	(v2sf) =	vpush v59, $0xF;
	v32, _, _ =	vpop (xrf0)  }
0x228: {  	vm5 =	vmor vm15, vm5;
	(v2sf) =	vpush v32, $0xF  }
0x229: {  	[tilespmem:v21+s6+$0x0] =	vst.idx.msk vm3, v4;
	v4 =	vsub.s32 v25, v17;
	v1 =	vsel vm5, $0x1, v1  }
0x22a: {  	v4 =	vadd.s32 s12, v4;
	(xrf0) =	vadd.scan.msk.s32 $0xffff, v1  }
0x22b: {  	s29 =	sadd.s32 $0xFFFFFFE0, s8;
	[tilespmem:v15+s6+$0x0] =	vst.idx.msk vm0, v0;
	s30 =	spop (v2sf)  }
0x22c: {  	[tilespmem:v22+s6+$0x0] =	vst.idx.msk vm1, v5;
	v6 =	vor.u32 s29, v9;
	s9 =	spop (v2sf)  }
0x22d: {  	v0 =	vor.u32 s8, v9;
	s11 =	sadd.s32 $0x40, s11;
	[tilespmem:v21+s7+$0x0] =	vst.idx.msk vm3, v6;
	v6 =	vsub.s32 v55, v16;
	s9 =	sadd.s32 s12, s9  }
0x22e: {  	[tilespmem:v22+s7+$0x0] =	vst.idx.msk vm1, v0;
	s13 =	sadd.s32 $0xFFFFFFD0, s11;
	v5 =	vadd.s32 s9, v6;
	s31 =	spop (v2sf)  }
0x22f: {  	[tilespmem:v4+s6+$0x0] =	vst.idx.msk vm2, v8;
	v61 =	vor.u32 s13, v9;
	v6 =	vsub.s32 v56, v18;
	s8 =	sadd.s32 s9, s31;
	s12 =	spop (v2sf)  }
0x230: {  	v0 =	vsub.s32 v29, v24;
	[tilespmem:v4+s7+$0x0] =	vst.idx.msk vm2, v61;
	v4, _, _ =	vpop (xrf0);
	v6 =	vadd.s32 s8, v6;
	s8 =	sadd.s32 s8, s12  }
0x231: {  	v60 =	vor.u32 s10, v9;
	(v2sf) =	vpush v4, $0xF;
	v0 =	vadd.s32 s8, v0  }
0x232: {  	[tilespmem:v15+s7+$0x0] =	vst.idx.msk vm0, v60;
	s15 =	sadd.s32 $0xFFFFFFE0, s11;
	s14 =	spop (v2sf)  }
0x233: {  	v62 =	vsub.s32 v30, v54;
	[tilespmem:v5+s6+$0x0] =	vst.idx.msk vm4, v7;
	v7 =	vor.u32 s15, v9;
	s8 =	sadd.s32 s8, s14  }
0x234: {  	[tilespmem:v5+s7+$0x0] =	vst.idx.msk vm4, v7;
	s16 =	spop (v2sf);
	v5 =	vadd.s32 s8, v62  }
0x235: {  	s17 =	sadd.s32 $0xFFFFFFF0, s11;
	v7 =	vsub.s32 v59, v57;
	s8 =	sadd.s32 s8, s16;
	[tilespmem:v6+s6+$0x0] =	vst.idx.msk vm6, v2  }
0x236: {  	v63 =	vor.u32 s17, v9;
	[tilespmem:v0+s6+$0x0] =	vst.idx.msk vm8, v3;
	v3 =	vadd.s32 s8, v7;
	s18 =	spop (v2sf)  }
0x237: {  	v2 =	vor.u32 s11, v9;
	s11 =	sadd.s32 $0x40, s11;
	v7 =	vsub.s32 v32, v28;
	[tilespmem:v6+s7+$0x0] =	vst.idx.msk vm6, v63;
	s8 =	sadd.s32 s8, s18;
	s19 =	spop (v2sf)  }
0x238: {  	s20 =	sadd.s32 $0xFFFFFFD0, s11;
	[tilespmem:v0+s7+$0x0] =	vst.idx.msk vm8, v2;
	v0 =	vsub.s32 v4, v1;
	v1 =	vadd.s32 s8, v7;
	s8 =	sadd.s32 s8, s19  }
0x239: {  	[tilespmem:v5+s6+$0x0] =	vst.idx.msk vm7, v11;
	v2 =	vor.u32 s20, v9;
	v0 =	vadd.s32 s8, v0  }
0x23a: {  	s21 =	sadd.s32 $0xFFFFFFE0, s11;
	[tilespmem:v5+s7+$0x0] =	vst.idx.msk vm7, v2  }
0x23b: {  	v2 =	vor.u32 s21, v9;
	[tilespmem:v3+s6+$0x0] =	vst.idx.msk vm10, v14  }
0x23c: {  	[tilespmem:v3+s7+$0x0] =	vst.idx.msk vm10, v2  }
0x23d: {  	s22 =	sadd.s32 $0xFFFFFFF0, s11;
	[tilespmem:v1+s6+$0x0] =	vst.idx.msk vm9, v12  }
0x23e: {  	v3 =	vor.u32 s22, v9;
	[tilespmem:v0+s6+$0x0] =	vst.idx.msk vm5, v13  }
0x23f: {  	s23 =	sshll.u32 s2, $0x6;
	s25 =	simm.s32 $0x900;
	v2 =	vor.u32 s11, v9;
	[tilespmem:v1+s7+$0x0] =	vst.idx.msk vm9, v3  }
0x240: {  	s24 =	sadd.s32 s23, s5;
	s26 =	spop (v2sf);
	[tilespmem:v0+s7+$0x0] =	vst.idx.msk vm5, v2;
	s7 =	simm.s32 $0x1  }
0x241: {  	[spmem:s24] =	stream.linear.scatter [tilespmem:s25], [sflag:$0x1], $0x40, $0x38;
	[tilespmem:$0x1380] =	vst v63  }
0x242: {  	_ =	swait.ge [sflag:s7], $0x40  }
0x243: {  	[sflag:s7] =	ssyncset.done $0x0  }
0x244: {  	s28 =	simm.s32 $0x980;
	s6 =	sadd.s32 s23, s4;
	[sflag:s7] =	ssyncadd.s32 $0xFFFFFFC0  }
0x245: {  	[spmem:s6] =	stream.linear.scatter [tilespmem:s28], [sflag:$0x1], $0x40, $0x38;
	[tilespmem:$0x1380] =	vst v63  }
0x246: {  	_ =	swait.ge [sflag:s7], $0x40  }
0x247: {  	[sflag:s7] =	ssyncset.done $0x0  }
0x248: {  	[sflag:s7] =	ssyncadd.s32 $0xFFFFFFC0  }
0x249: {  	s29 =	simm.s32 $0xA80;
	[bflag:$0x0] =	sbarrier.arrive $0xFFFF  }
0x24a: {  	[tilespmem:s29], [sflag:$0x1] =	stream.linear.gather [spmem:s5], $0x400, $0x38;
	[tilespmem:$0x1380] =	vst v63  }
0x24b: {  	_ =	swait.ge [sflag:s7], $0x400  }
0x24c: {  	[sflag:s7] =	ssyncset.done $0x0  }
0x24d: {  	s30 =	simm.s32 $0xE80;
	[sflag:s7] =	ssyncadd.s32 $0xFFFFFC00  }
0x24e: {  	[tilespmem:s30], [sflag:$0x1] =	stream.linear.gather [spmem:s4], $0x400, $0x38;
	[tilespmem:$0x1380] =	vst v63  }
0x24f: {  	_ =	swait.ge [sflag:s7], $0x400  }
0x250: {  	[sflag:s7] =	ssyncset.done $0x0  }
0x251: {  	v0 =	vimm.s32 $0x0;
	[sflag:s7] =	ssyncadd.s32 $0xFFFFFC00  }
0x252: {  	[tilespmem:$0x800] =	vst v0  }
0x253: {  	[tilespmem:$0x810] =	vst v0  }
0x254: {  	[tilespmem:$0x820] =	vst v0  }
0x255: {  	s31 =	simm.s32 $0xAA0;
	[tilespmem:$0x830] =	vst v0  }
0x256: {  	v1 =	vld [tilespmem:s31+$0x10];
	_ =	sdelay $0x1  }
0x257: {  	v5 =	vld [tilespmem:s31+$0xFFFFFFF0]  }
0x258: {  	v2 =	vld [tilespmem:s31+$0x0]  }
0x259: {  	v4 =	vld [tilespmem:s31+$0xFFFFFFE0]  }
0x25a: {  	vm12 =	vmmov vm4;
	vm13 =	vmmov vm6;
	v3 =	vshrl.u32 v1, $0x18  }
0x25b: {  	vm14 =	vmmov vm8;
	vm15 =	vmmov vm10;
	vm0 =	vmmov vm9  }
0x25c: {  	vm1 =	vmmov vm5;
	s6 =	simm.s32 $0xAE0;
	s5 =	simm.s32 $0x0;
	s4 =	simm.s32 $0x800;
	v0 =	vimm.s32 $0x1;
	v1 =	vshrl.u32 v5, $0x18  }
.LBB2_17:
0x25d: {  	v5 =	vld [tilespmem:s6+$0x10];
	s5 =	sadd.s32 $0x4, s5;
	v6 =	vshrl.u32 v2, $0x18  }
0x25e: {  	v7 =	vld [tilespmem:s6+$0xFFFFFFF0];
	p0 =	slt.u32 s5, $0x3C;
	v8 =	vshrl.u32 v4, $0x18  }
0x25f: {  	[tilespmem:v3+s4+$0x0] =	vst.idx.add.s32.msk $0xffff, v0  }
.Ltmp8:
0x260: {  	v2 =	vld [tilespmem:s6+$0x0];
	(pc) =	sbr.rel @p0 .LBB2_17-.Ltmp8, $4  }
0x261: {  	v4 =	vld [tilespmem:s6+$0xFFFFFFE0]  }
0x262: {  	v3 =	vshrl.u32 v5, $0x18;
	[tilespmem:v1+s4+$0x0] =	vst.idx.add.s32.msk $0xffff, v0  }
0x263: {  	v1 =	vshrl.u32 v7, $0x18;
	[tilespmem:v8+s4+$0x0] =	vst.idx.add.s32.msk $0xffff, v0  }
0x264: {  	s6 =	sadd.s32 $0x40, s6;
	[tilespmem:v6+s4+$0x0] =	vst.idx.add.s32.msk $0xffff, v0  }
0x265: {  	_ = 	snop  }
0x266: {  	v2 =	vshrl.u32 v2, $0x18  }
0x267: {  	v4 =	vshrl.u32 v4, $0x18;
	_ =	sdelay $0x1  }
0x268: {  	[tilespmem:v3+s4+$0x0] =	vst.idx.add.s32.msk $0xffff, v0  }
0x269: {  	[tilespmem:v1+s4+$0x0] =	vst.idx.add.s32.msk $0xffff, v0  }
0x26a: {  	[tilespmem:v2+s4+$0x0] =	vst.idx.add.s32.msk $0xffff, v0  }
0x26b: {  	[tilespmem:v4+s4+$0x0] =	vst.idx.add.s32.msk $0xffff, v0  }
0x26c: {  	v0 =	vld [tilespmem:$0x830];
	_ =	sdelay $0x1  }
0x26d: {  	v3 =	vld [tilespmem:$0x820];
	_ =	sdelay $0x1  }
0x26e: {  	v4 =	vld [tilespmem:$0x810]  }
0x26f: {  	(xrf0) =	vadd.scan.msk.s32 $0xffff, v0  }
0x270: {  	v5 =	vld [tilespmem:$0x800]  }
0x271: {  	(xrf0) =	vadd.scan.msk.s32 $0xffff, v3;
	_ =	sdelay $0x1  }
0x272: {  	(xrf0) =	vadd.scan.msk.s32 $0xffff, v4;
	_ =	sdelay $0x1  }
0x273: {  	v1, _, _ =	vpop (xrf0);
	(xrf0) =	vadd.scan.msk.s32 $0xffff, v5;
	_ =	sdelay $0x1  }
0x274: {  	v2, _, _ =	vpop (xrf0);
	(v2sf) =	vpush v1, $0xF  }
0x275: {  	(v2sf) =	vpush v2, $0xF  }
0x276: {  	v6, _, _ =	vpop (xrf0)  }
0x277: {  	(v2sf) =	vpush v6, $0xF  }
0x278: {  	v7, _, _ =	vpop (xrf0)  }
0x279: {  	(v2sf) =	vpush v7, $0xF;
	_ =	sdelay $0x5  }
0x27a: {  	v8 =	vbroadcast v1, $0xF;
	_ =	sdelay $0x1  }
0x27b: {  	v1 =	vsub.s32 v8, v1;
	v8 =	vimm.s32 $0x0  }
0x27c: {  	[tilespmem:$0x800] =	vst v8  }
0x27d: {  	[tilespmem:$0x810] =	vst v8;
	s26 =	spop (v2sf)  }
0x27e: {  	v0 =	vadd.s32 v0, v1;
	[tilespmem:$0x820] =	vst v8;
	s5 =	spop (v2sf)  }
0x27f: {  	vm0 =	vlt.s32 v1, $0x40;
	[tilespmem:$0x830] =	vst v8;
	vm1 =	vgt.s32 v0, $0x3F;
	s4 =	sadd.s32 s26, s5  }
0x280: {  	[tilespmem:$0x840] =	vst v8;
	v0 =	vlaneseq.u32;
	vm0 =	vmand vm0, vm1;
	s28 =	spop (v2sf);
	v2 =	vsub.s32 s4, v2  }
0x281: {  	[tilespmem:$0x850] =	vst v8;
	v9 =	vor.u32 $0x20, v0;
	s4 =	sadd.s32 s28, s4;
	v3 =	vadd.s32 v3, v2;
	vm2 =	vlt.s32 v2, $0x40  }
0x282: {  	[tilespmem:$0x860] =	vst v8;
	vm1 =	vgt.s32 v3, $0x3F;
	v3 =	vsub.s32 s4, v6;
	v6 =	vor.u32 $0x30, v0;
	s29 =	spop (v2sf)  }
0x283: {  	[tilespmem:$0x870] =	vst v8;
	v4 =	vadd.s32 v4, v3;
	v6 =	vnsel vm0, $0x0, v6;
	vm1 =	vmand vm2, vm1;
	s4 =	sadd.s32 s29, s4  }
0x284: {  	[tilespmem:$0x880] =	vst v8;
	vm3 =	vlt.s32 v3, $0x40;
	vm2 =	vgt.s32 v4, $0x3F;
	v4 =	vsub.s32 s4, v7  }
0x285: {  	[tilespmem:$0x890] =	vst v8;
	v7 =	vnsel vm1, $0x0, v9;
	vm2 =	vmand vm3, vm2;
	v5 =	vadd.s32 v5, v4  }
0x286: {  	[tilespmem:$0x8A0] =	vst v8;
	vm4 =	vlt.s32 v4, $0x40;
	vm3 =	vgt.s32 v5, $0x3F;
	v5 =	vor.u32 $0x10, v0  }
0x287: {  	[tilespmem:$0x8B0] =	vst v8;
	v6 =	vadd.s32 v6, v7;
	vm3 =	vmand vm4, vm3;
	v5 =	vnsel vm2, $0x0, v5  }
0x288: {  	[tilespmem:$0x8C0] =	vst v8;
	v5 =	vadd.s32 v5, v6;
	v0 =	vnsel vm3, $0x0, v0  }
0x289: {  	[tilespmem:$0x8D0] =	vst v8;
	v0 =	vadd.s32 v0, v5  }
0x28a: {  	[tilespmem:$0x8E0] =	vst v8;
	(xrf0) =	vadd.scan.msk.s32 $0xffff, v0  }
0x28b: {  	s30 =	simm.s32 $0xAA0;
	[tilespmem:$0x8F0] =	vst v8  }
0x28c: {  	v7 =	vld [tilespmem:s30+$0x10];
	_ =	sdelay $0x1  }
0x28d: {  	v8 =	vld [tilespmem:s30+$0xFFFFFFE0]  }
0x28e: {  	v10 =	vld [tilespmem:s30+$0xFFFFFFF0]  }
0x28f: {  	v11 =	vld [tilespmem:s30+$0x0];
	v0, _, _ =	vpop (xrf0)  }
0x290: {  	v9 =	vshra.s32 v7, $0x18;
	v7 =	vshrl.u32 v7, $0x10;
	v6 =	vbroadcast v0, $0xF  }
0x291: {  	s31 =	simm.s32 $0xAE0;
	v12 =	vand.u32 $0xFF, v7  }
0x292: {  	v13 =	vld [tilespmem:s31+$0x10];
	v7 =	vshrl.u32 v8, $0x10;
	vm5 =	veq.s32 v9, v6;
	v9 =	vshra.s32 v8, $0x18  }
0x293: {  	v14 =	vld [tilespmem:s31+$0xFFFFFFF0];
	v15 =	vand.u32 $0xFF, v7;
	vm7 =	veq.s32 v9, v6  }
0x294: {  	v7 =	vshrl.u32 v10, $0x10;
	v8 =	vshra.s32 v10, $0x18;
	v10 =	vshra.s32 v11, $0x18;
	v9 =	vld [tilespmem:s31+$0x0]  }
0x295: {  	v5 =	vimm.s32 $0x1;
	vm6 =	veq.s32 v10, v6;
	v10 =	vld [tilespmem:s31+$0xFFFFFFE0]  }
0x296: {  	v7 =	vand.u32 $0xFF, v7;
	v11 =	vshrl.u32 v11, $0x10;
	vm4 =	veq.s32 v8, v6  }
0x297: {  	s4 =	simm.s32 $0x800;
	v8 =	vand.u32 $0xFF, v11;
	v11 =	vshra.s32 v13, $0x18;
	vm4 =	vmmov vm4  }
0x298: {  	[tilespmem:v12+s4+$0x0] =	vst.idx.add.s32.msk vm5, v5;
	v12 =	vshra.s32 v14, $0x18;
	vm5 =	veq.s32 v11, v6;
	v11 =	vshrl.u32 v13, $0x10  }
0x299: {  	s6 =	simm.s32 $0xB20;
	s5 =	simm.s32 $0x4;
	v13 =	vshrl.u32 v14, $0x10;
	v14 =	vshra.s32 v9, $0x18;
	v11 =	vand.u32 $0xFF, v11;
	[tilespmem:v15+s4+$0x0] =	vst.idx.add.s32.msk vm7, v5  }
.LBB2_19:
0x29a: {  	v16 =	vshra.s32 v10, $0x18  }
0x29b: {  	v15 =	vld [tilespmem:s6+$0x10];
	s5 =	sadd.s32 $0x4, s5;
	v10 =	vshrl.u32 v10, $0x10;
	v17 =	vshrl.u32 v9, $0x10;
	vm7 =	vmmov vm6  }
0x29c: {  	vm9 =	veq.s32 v12, v6;
	vm6 =	veq.s32 v14, v6;
	v18 =	vld [tilespmem:s6+$0xFFFFFFF0];
	p0 =	slt.u32 s5, $0x3C;
	vm8 =	veq.s32 v16, v6  }
0x29d: {  	v12 =	vand.u32 $0xFF, v13;
	v16 =	vand.u32 $0xFF, v10;
	v13 =	vand.u32 $0xFF, v17;
	v9 =	vld [tilespmem:s6+$0x0]  }
.Ltmp9:
0x29e: {  	v10 =	vld [tilespmem:s6+$0xFFFFFFE0];
	(pc) =	sbr.rel @p0 .LBB2_19-.Ltmp9, $4  }
0x29f: {  	[tilespmem:v11+s4+$0x0] =	vst.idx.add.s32.msk vm5, v5  }
0x2a0: {  	v11 =	vshra.s32 v15, $0x18;
	[tilespmem:v7+s4+$0x0] =	vst.idx.add.s32.msk vm4, v5;
	v7 =	vmov v12;
	vm4 =	vmmov vm9  }
0x2a1: {  	v12 =	vshra.s32 v18, $0x18;
	vm5 =	veq.s32 v11, v6;
	v11 =	vshrl.u32 v15, $0x10;
	[tilespmem:v8+s4+$0x0] =	vst.idx.add.s32.msk vm7, v5;
	v8 =	vmovc v13  }
0x2a2: {  	s6 =	sadd.s32 $0x40, s6;
	v13 =	vshrl.u32 v18, $0x10;
	v14 =	vshra.s32 v9, $0x18;
	v11 =	vand.u32 $0xFF, v11;
	[tilespmem:v16+s4+$0x0] =	vst.idx.add.s32.msk vm8, v5  }
0x2a3: {  	_ = 	snop  }
0x2a4: {  	v15 =	vshra.s32 v10, $0x18;
	vm6 =	vmmov vm6  }
0x2a5: {  	v10 =	vshrl.u32 v10, $0x10;
	vm8 =	veq.s32 v12, v6;
	vm7 =	veq.s32 v15, v6  }
0x2a6: {  	vm9 =	veq.s32 v14, v6;
	v6 =	vand.u32 $0xFF, v10;
	vm8 =	vmmov vm8  }
0x2a7: {  	v9 =	vshrl.u32 v9, $0x10;
	v10 =	vand.u32 $0xFF, v13;
	vm9 =	vmmov vm9  }
0x2a8: {  	[tilespmem:v11+s4+$0x0] =	vst.idx.add.s32.msk vm5, v5;
	v9 =	vand.u32 $0xFF, v9  }
0x2a9: {  	[tilespmem:v7+s4+$0x0] =	vst.idx.add.s32.msk vm4, v5;
	v1 =	vnsel vm0, $0x0, v1;
	v2 =	vnsel vm1, $0x0, v2  }
0x2aa: {  	v1 =	vadd.s32 v1, v2;
	v2 =	vnsel vm2, $0x0, v3;
	[tilespmem:v8+s4+$0x0] =	vst.idx.add.s32.msk vm6, v5  }
0x2ab: {  	v1 =	vadd.s32 v2, v1;
	v2 =	vnsel vm3, $0x0, v4;
	[tilespmem:v6+s4+$0x0] =	vst.idx.add.s32.msk vm7, v5  }
0x2ac: {  	v1 =	vadd.s32 v2, v1;
	[tilespmem:v10+s4+$0x0] =	vst.idx.add.s32.msk vm8, v5  }
0x2ad: {  	s6 =	simm.s32 $0x8F0;
	(xrf0) =	vadd.scan.msk.s32 $0xffff, v1;
	[tilespmem:v9+s4+$0x0] =	vst.idx.add.s32.msk vm9, v5  }
0x2ae: {  	v18 =	vld [tilespmem:s6+$0x0]  }
0x2af: {  	v19 =	vld [tilespmem:s6+$0xFFFFFFF0]  }
0x2b0: {  	v3 =	vld [tilespmem:s6+$0xFFFFFFE0]  }
0x2b1: {  	v4 =	vld [tilespmem:s6+$0xFFFFFFD0];
	_ =	sdelay $0x1  }
0x2b2: {  	v1, _, _ =	vpop (xrf0);
	(xrf0) =	vadd.scan.msk.s32 $0xffff, v18  }
0x2b3: {  	(xrf0) =	vadd.scan.msk.s32 $0xffff, v19  }
0x2b4: {  	(xrf0) =	vadd.scan.msk.s32 $0xffff, v3  }
0x2b5: {  	(xrf0) =	vadd.scan.msk.s32 $0xffff, v4;
	_ =	sdelay $0x2  }
0x2b6: {  	(v2sf) =	vpush v1, $0xF;
	v9, _, _ =	vpop (xrf0)  }
0x2b7: {  	(v2sf) =	vpush v9, $0xF;
	v20, _, _ =	vpop (xrf0)  }
0x2b8: {  	s23 =	simm.s32 $0x8B0;
	(v2sf) =	vpush v20, $0xF;
	v10, _, _ =	vpop (xrf0)  }
0x2b9: {  	v6 =	vld [tilespmem:s23+$0x0];
	(v2sf) =	vpush v10, $0xF;
	v16, _, _ =	vpop (xrf0)  }
0x2ba: {  	v8 =	vld [tilespmem:s23+$0xFFFFFFF0];
	(v2sf) =	vpush v16, $0xF;
	_ =	sdelay $0x3  }
0x2bb: {  	(xrf0) =	vadd.scan.msk.s32 $0xffff, v6  }
0x2bc: {  	v11 =	vld [tilespmem:s23+$0xFFFFFFE0];
	(xrf0) =	vadd.scan.msk.s32 $0xffff, v8  }
0x2bd: {  	v12 =	vld [tilespmem:s23+$0xFFFFFFD0];
	_ =	sdelay $0x3  }
0x2be: {  	(xrf0) =	vadd.scan.msk.s32 $0xffff, v11;
	v25, _, _ =	vpop (xrf0)  }
0x2bf: {  	s22 =	spop (v2sf);
	v13, _, _ =	vpop (xrf0);
	(xrf0) =	vadd.scan.msk.s32 $0xffff, v12  }
0x2c0: {  	s24 =	spop (v2sf)  }
0x2c1: {  	s6 =	sadd.s32 $0x0, s24;
	s7 =	spop (v2sf)  }
0x2c2: {  	s7 =	sadd.s32 s7, s6;
	s9 =	spop (v2sf)  }
0x2c3: {  	(v2sf) =	vpush v25, $0xF;
	s9 =	sadd.s32 s9, s7;
	s10 =	spop (v2sf)  }
0x2c4: {  	v15, _, _ =	vpop (xrf0);
	(v2sf) =	vpush v13, $0xF;
	v17 =	vsub.s32 s9, v10;
	s9 =	sadd.s32 s10, s9  }
0x2c5: {  	s8 =	simm.s32 $0x870;
	(v2sf) =	vpush v15, $0xF;
	v22 =	vsub.s32 s9, v16;
	v16, _, _ =	vpop (xrf0)  }
0x2c6: {  	v7 =	vld [tilespmem:s8+$0x0];
	(v2sf) =	vpush v16, $0xF  }
0x2c7: {  	v14 =	vimm.s32 $0x0;
	v5 =	vld [tilespmem:s8+$0xFFFFFFF0];
	s4 =	ssub.s32 $0x40, s22  }
0x2c8: {  	s5 =	simm.s32 $0xF0;
	s25 =	simm.s32 $0xE0;
	v1 =	vlaneseq.u32;
	v2 =	vmov s4;
	v21 =	vsub.s32 s6, v9;
	v10 =	vld [tilespmem:s8+$0xFFFFFFE0]  }
0x2c9: {  	v23 =	vor.u32 s25, v1;
	v24 =	vor.u32 s5, v1;
	v9 =	vld [tilespmem:s8+$0xFFFFFFD0];
	vm11 =	vlt.s32 v21, v2  }
0x2ca: {  	v18 =	vadd.s32 v18, v21;
	v26 =	vsub.s32 s7, v20;
	v3 =	vadd.s32 v3, v17  }
0x2cb: {  	(xrf0) =	vadd.scan.msk.s32 $0xffff, v7;
	vm12 =	vge.s32 v18, v2;
	vm8 =	vge.s32 v3, v2;
	v3 =	vadd.s32 v4, v22  }
0x2cc: {  	(xrf0) =	vadd.scan.msk.s32 $0xffff, v5;
	vm13 =	vlt.s32 v26, v2;
	vm9 =	vlt.s32 v22, v2;
	vm10 =	vge.s32 v3, v2  }
0x2cd: {  	s28 =	simm.s32 $0xD0;
	v18 =	vadd.s32 v19, v26;
	vm7 =	vlt.s32 v17, v2;
	vm1 =	vmand vm9, vm10;
	(xrf0) =	vadd.scan.msk.s32 $0xffff, v10  }
0x2ce: {  	s26 =	simm.s32 $0xC0;
	vm0 =	vmand vm7, vm8;
	v4 =	vnsel vm1, $0x0, v22;
	v22 =	vor.u32 s28, v1;
	(xrf0) =	vadd.scan.msk.s32 $0xffff, v9  }
0x2cf: {  	vm14 =	vge.s32 v18, v2;
	v3 =	vnsel vm0, $0x0, v17;
	v17 =	vor.u32 s26, v1  }
0x2d0: {  	vm15 =	vmand vm13, vm14;
	v17 =	vnsel vm1, $0x0, v17;
	vm1 =	vmand vm11, vm12  }
0x2d1: {  	v27 =	vnsel vm15, $0x0, v23;
	v20 =	vnsel vm0, $0x0, v22;
	v18 =	vnsel vm1, $0x0, v21;
	v22, _, _ =	vpop (xrf0)  }
0x2d2: {  	s5 =	simm.s32 $0xB0;
	s29 =	spop (v2sf);
	v19 =	vnsel vm1, $0x0, v24;
	v18 =	vadd.s32 v14, v18;
	(v2sf) =	vpush v22, $0xF;
	v21, _, _ =	vpop (xrf0)  }
0x2d3: {  	s6 =	simm.s32 $0x8;
	s30 =	sadd.s32 s9, s29;
	v28 =	vadd.s32 v14, v19;
	v19 =	vnsel vm15, $0x0, v26;
	(v2sf) =	vpush v21, $0xF;
	v23, _, _ =	vpop (xrf0);
	s31 =	spop (v2sf)  }
0x2d4: {  	s7 =	simm.s32 $0x830;
	v14 =	vsub.s32 s30, v25;
	v25 =	vadd.s32 v27, v28;
	(v2sf) =	vpush v23, $0xF;
	v24, _, _ =	vpop (xrf0);
	s8 =	sadd.s32 s31, s30;
	s9 =	spop (v2sf)  }
.LBB2_21:
0x2d5: {  	v26 =	vld [tilespmem:s7+$0x0];
	s6 =	sadd.s32 $0x4, s6;
	(v2sf) =	vpush v24, $0xF;
	s9 =	sadd.s32 s9, s8;
	s10 =	spop (v2sf);
	v18 =	vadd.s32 v19, v18;
	v19 =	vadd.s32 v20, v25;
	v25 =	vmovc v22;
	v20 =	vmovc v13  }
0x2d6: {  	v13 =	vmovc v21;
	v22 =	vld [tilespmem:s7+$0xFFFFFFF0];
	p0 =	slt.u32 s6, $0xC;
	v27 =	vsub.s32 s9, v15;
	s9 =	sadd.s32 s10, s9;
	v3 =	vadd.s32 v3, v18;
	v19 =	vadd.s32 v17, v19;
	v15 =	vmovc v23  }
0x2d7: {  	v17 =	vadd.s32 v11, v27;
	v18 =	vsub.s32 s9, v16;
	v23 =	vadd.s32 v4, v3;
	v11 =	vmovc v10;
	v10 =	vld [tilespmem:s7+$0xFFFFFFE0];
	v16 =	vmovc v24  }
0x2d8: {  	vm0 =	vlt.s32 v27, v2;
	vm1 =	vge.s32 v17, v2;
	v3 =	vadd.s32 v12, v18;
	v12 =	vmovc v9;
	v9 =	vld [tilespmem:s7+$0xFFFFFFD0]  }
0x2d9: {  	vm0 =	vmand vm0, vm1;
	vm1 =	vlt.s32 v18, v2;
	vm2 =	vge.s32 v3, v2  }
0x2da: {  	s11 =	sadd.s32 $0xFFFFFFD0, s5;
	s10 =	sadd.s32 $0xFFFFFFF0, s5;
	(xrf0) =	vadd.scan.msk.s32 $0xffff, v26;
	v3 =	vnsel vm0, $0x0, v27;
	vm1 =	vmand vm1, vm2  }
0x2db: {  	v24 =	vor.u32 s10, v1;
	s10 =	sadd.s32 $0xFFFFFFE0, s5;
	v17 =	vor.u32 s11, v1;
	(xrf0) =	vadd.scan.msk.s32 $0xffff, v22;
	v4 =	vnsel vm1, $0x0, v18  }
0x2dc: {  	v21 =	vor.u32 s10, v1;
	v18 =	vor.u32 s5, v1;
	v17 =	vnsel vm1, $0x0, v17;
	(xrf0) =	vadd.scan.msk.s32 $0xffff, v10  }
0x2dd: {  	v28 =	vsub.s32 s8, v20;
	v27 =	vadd.s32 v6, v14;
	v6 =	vmovc v7;
	vm1 =	vlt.s32 v14, v2;
	(xrf0) =	vadd.scan.msk.s32 $0xffff, v9  }
0x2de: {  	vm3 =	vlt.s32 v28, v2;
	v7 =	vmovc v26;
	vm2 =	vge.s32 v27, v2;
	v27 =	vadd.s32 v8, v28  }
.Ltmp10:
0x2df: {  	v20 =	vnsel vm0, $0x0, v21;
	v8 =	vmovc v5;
	v5 =	vmovc v22;
	vm1 =	vmand vm1, vm2;
	vm2 =	vge.s32 v27, v2;
	(pc) =	sbr.rel @p0 .LBB2_21-.Ltmp10, $4  }
0x2e0: {  	v26 =	vnsel vm1, $0x0, v18;
	v14 =	vnsel vm1, $0x0, v14;
	vm0 =	vmand vm3, vm2;
	v22, _, _ =	vpop (xrf0)  }
0x2e1: {  	v18 =	vadd.s32 v23, v14;
	v27 =	vnsel vm0, $0x0, v24;
	(v2sf) =	vpush v22, $0xF;
	v21, _, _ =	vpop (xrf0);
	s8 =	spop (v2sf)  }
0x2e2: {  	s5 =	sadd.s32 $0xFFFFFFC0, s5;
	v26 =	vadd.s32 v19, v26;
	v19 =	vnsel vm0, $0x0, v28;
	(v2sf) =	vpush v21, $0xF;
	v23, _, _ =	vpop (xrf0);
	s8 =	sadd.s32 s9, s8;
	s9 =	spop (v2sf)  }
0x2e3: {  	s7 =	sadd.s32 $0xFFFFFFC0, s7;
	(v2sf) =	vpush v23, $0xF;
	v24, _, _ =	vpop (xrf0);
	v14 =	vsub.s32 s8, v25;
	s8 =	sadd.s32 s9, s8;
	s9 =	spop (v2sf);
	v25 =	vadd.s32 v27, v26  }
0x2e4: {  	_ = 	snop  }
0x2e5: {  	(v2sf) =	vpush v24, $0xF;
	_ =	sdelay $0x6  }
0x2e6: {  	s6 =	sadd.s32 s9, s8;
	s7 =	spop (v2sf)  }
0x2e7: {  	v6 =	vadd.s32 v6, v14;
	s7 =	sadd.s32 s7, s6;
	v15 =	vsub.s32 s6, v15  }
0x2e8: {  	v16 =	vsub.s32 s7, v16;
	v11 =	vadd.s32 v11, v15;
	vm0 =	vlt.s32 v15, v2  }
0x2e9: {  	v12 =	vadd.s32 v12, v16;
	vm1 =	vge.s32 v11, v2;
	vm2 =	vlt.s32 v16, v2  }
0x2ea: {  	v11 =	vsub.s32 s8, v13;
	vm3 =	vge.s32 v12, v2;
	vm1 =	vmand vm0, vm1;
	s17 =	spop (v2sf)  }
0x2eb: {  	v8 =	vadd.s32 v8, v11;
	vm4 =	vlt.s32 v11, v2;
	vm0 =	vmand vm2, vm3;
	s6 =	sadd.s32 s7, s17;
	s18 =	spop (v2sf)  }
0x2ec: {  	vm2 =	vlt.s32 v14, v2;
	vm3 =	vge.s32 v6, v2;
	vm6 =	vge.s32 v8, v2;
	s7 =	sadd.s32 s18, s6;
	s19 =	spop (v2sf)  }
0x2ed: {  	vm5 =	vmand vm2, vm3;
	vm4 =	vmand vm4, vm6;
	v8 =	vsub.s32 s6, v22;
	s8 =	sadd.s32 s19, s7  }
0x2ee: {  	s21 =	sadd.s32 $0xFFFFFFF0, s5;
	s20 =	spop (v2sf);
	v7 =	vadd.s32 v7, v8;
	vm14 =	vlt.s32 v8, v2;
	v6 =	vsub.s32 s8, v23  }
0x2ef: {  	s8 =	sadd.s32 s20, s8;
	vm7 =	vge.s32 v7, v2;
	v7 =	vor.u32 s21, v1;
	v10 =	vadd.s32 v10, v6  }
0x2f0: {  	v63 =	vsub.s32 s8, v24;
	vm2 =	vlt.s32 v6, v2;
	vm6 =	vmand vm14, vm7  }
0x2f1: {  	v7 =	vnsel vm4, $0x0, v7;
	vm3 =	vge.s32 v10, v2;
	v9 =	vadd.s32 v9, v63  }
0x2f2: {  	vm3 =	vmand vm2, vm3;
	vm13 =	vge.s32 v9, v2;
	v9 =	vsub.s32 s7, v21  }
0x2f3: {  	vm2 =	vlt.s32 v63, v2;
	v5 =	vadd.s32 v5, v9;
	vm8 =	vlt.s32 v9, v2  }
0x2f4: {  	s22 =	sadd.s32 $0xFFFFFFE0, s5;
	vm15 =	vge.s32 v5, v2;
	v2 =	vadd.s32 v20, v25;
	v5 =	vor.u32 s5, v1  }
0x2f5: {  	v10 =	vor.u32 s22, v1;
	v2 =	vadd.s32 v17, v2;
	v5 =	vnsel vm5, $0x0, v5  }
0x2f6: {  	s23 =	sadd.s32 $0xFFFFFFD0, s5;
	v10 =	vnsel vm1, $0x0, v10;
	vm2 =	vmand vm2, vm13;
	v2 =	vadd.s32 v2, v5  }
0x2f7: {  	s24 =	sadd.s32 $0xFFFFFFC0, s5;
	vm7 =	vmand vm8, vm15;
	v5 =	vor.u32 s23, v1;
	v2 =	vadd.s32 v7, v2  }
0x2f8: {  	s25 =	sadd.s32 $0xFFFFFFF0, s24;
	v5 =	vnsel vm0, $0x0, v5;
	v7 =	vor.u32 s24, v1;
	v2 =	vadd.s32 v10, v2  }
0x2f9: {  	s26 =	sadd.s32 $0xFFFFFFE0, s24;
	v7 =	vnsel vm6, $0x0, v7;
	v2 =	vadd.s32 v5, v2;
	v5 =	vor.u32 s25, v1  }
0x2fa: {  	s5 =	sadd.s32 $0xFFFFFFD0, s24;
	v10 =	vor.u32 s26, v1;
	v5 =	vnsel vm7, $0x0, v5;
	v2 =	vadd.s32 v2, v7  }
0x2fb: {  	v1 =	vor.u32 s5, v1;
	v7 =	vnsel vm3, $0x0, v10;
	v2 =	vadd.s32 v5, v2  }
0x2fc: {  	v1 =	vnsel vm2, $0x0, v1;
	v2 =	vadd.s32 v7, v2  }
0x2fd: {  	v1 =	vadd.s32 v1, v2  }
0x2fe: {  	(xrf0) =	vadd.scan.msk.s32 $0xffff, v1  }
0x2ff: {  	v1 =	vimm.s32 $0x0  }
0x300: {  	[tilespmem:$0x800] =	vst v1  }
0x301: {  	[tilespmem:$0x810] =	vst v1  }
0x302: {  	[tilespmem:$0x820] =	vst v1  }
0x303: {  	[tilespmem:$0x830] =	vst v1  }
0x304: {  	(v2sf) =	vpush v0, $0xF;
	[tilespmem:$0x840] =	vst v1;
	v0, _, _ =	vpop (xrf0)  }
0x305: {  	[tilespmem:$0x850] =	vst v1;
	(v2sf) =	vpush v0, $0xF  }
0x306: {  	[tilespmem:$0x860] =	vst v1  }
0x307: {  	[tilespmem:$0x870] =	vst v1;
	v0 =	vadd.s32 v19, v18  }
0x308: {  	[tilespmem:$0x880] =	vst v1;
	v0 =	vadd.s32 v3, v0  }
0x309: {  	v2 =	vnsel vm5, $0x0, v14;
	[tilespmem:$0x890] =	vst v1;
	v0 =	vadd.s32 v4, v0  }
0x30a: {  	[tilespmem:$0x8A0] =	vst v1;
	v3 =	vnsel vm4, $0x0, v11;
	v0 =	vadd.s32 v0, v2  }
0x30b: {  	[tilespmem:$0x8B0] =	vst v1;
	v2 =	vnsel vm1, $0x0, v15;
	v0 =	vadd.s32 v3, v0  }
0x30c: {  	[tilespmem:$0x8C0] =	vst v1;
	v3 =	vnsel vm0, $0x0, v16;
	v0 =	vadd.s32 v2, v0  }
0x30d: {  	[tilespmem:$0x8D0] =	vst v1;
	v2 =	vnsel vm6, $0x0, v8;
	v0 =	vadd.s32 v3, v0  }
0x30e: {  	[tilespmem:$0x8E0] =	vst v1;
	v0 =	vadd.s32 v0, v2;
	v2 =	vnsel vm7, $0x0, v9  }
0x30f: {  	s30 =	simm.s32 $0xAA0;
	[tilespmem:$0x8F0] =	vst v1;
	v3 =	vnsel vm3, $0x0, v6;
	v0 =	vadd.s32 v2, v0  }
0x310: {  	v0 =	vadd.s32 v3, v0;
	v3 =	vld [tilespmem:s30+$0x10];
	_ =	sdelay $0x1  }
0x311: {  	v4 =	vld [tilespmem:s30+$0xFFFFFFE0]  }
0x312: {  	s28 =	spop (v2sf);
	v7 =	vld [tilespmem:s30+$0x0]  }
0x313: {  	s5 =	sshll.u32 s28, $0x8;
	v6 =	vld [tilespmem:s30+$0xFFFFFFF0];
	s29 =	spop (v2sf)  }
0x314: {  	v2 =	vnsel vm2, $0x0, v63;
	v5 =	vshra.s32 v3, $0x10;
	v3 =	vshrl.u32 v3, $0x8;
	s5 =	sor.u32 s5, s29  }
0x315: {  	s31 =	simm.s32 $0xAE0;
	v0 =	vadd.s32 v2, v0;
	v8 =	vand.u32 $0xFF, v3;
	v2 =	vmov s5  }
0x316: {  	v9 =	vld [tilespmem:s31+$0x10];
	v3 =	vshrl.u32 v4, $0x8;
	vm1 =	veq.s32 v5, v2;
	v5 =	vshra.s32 v4, $0x10  }
0x317: {  	v10 =	vld [tilespmem:s31+$0xFFFFFFF0];
	v11 =	vand.u32 $0xFF, v3;
	vm3 =	veq.s32 v5, v2  }
0x318: {  	v3 =	vshrl.u32 v6, $0x8;
	v4 =	vshra.s32 v6, $0x10;
	v6 =	vshra.s32 v7, $0x10;
	v5 =	vld [tilespmem:s31+$0x0]  }
0x319: {  	v1 =	vimm.s32 $0x1;
	vm2 =	veq.s32 v6, v2;
	v6 =	vld [tilespmem:s31+$0xFFFFFFE0]  }
0x31a: {  	v3 =	vand.u32 $0xFF, v3;
	v7 =	vshrl.u32 v7, $0x8;
	vm0 =	veq.s32 v4, v2  }
0x31b: {  	s6 =	simm.s32 $0x800;
	v4 =	vand.u32 $0xFF, v7;
	v7 =	vshra.s32 v9, $0x10;
	vm0 =	vmmov vm0  }
0x31c: {  	[tilespmem:v8+s6+$0x0] =	vst.idx.add.s32.msk vm1, v1;
	v8 =	vshra.s32 v10, $0x10;
	vm1 =	veq.s32 v7, v2;
	v7 =	vshrl.u32 v9, $0x8  }
0x31d: {  	s8 =	simm.s32 $0xB20;
	s7 =	simm.s32 $0x4;
	v9 =	vshrl.u32 v10, $0x8;
	v10 =	vshra.s32 v5, $0x10;
	v7 =	vand.u32 $0xFF, v7;
	[tilespmem:v11+s6+$0x0] =	vst.idx.add.s32.msk vm3, v1  }
.LBB2_23:
0x31e: {  	v12 =	vshra.s32 v6, $0x10  }
0x31f: {  	v11 =	vld [tilespmem:s8+$0x10];
	s7 =	sadd.s32 $0x4, s7;
	v6 =	vshrl.u32 v6, $0x8;
	v13 =	vshrl.u32 v5, $0x8;
	vm3 =	vmmov vm2  }
0x320: {  	vm5 =	veq.s32 v8, v2;
	vm2 =	veq.s32 v10, v2;
	v14 =	vld [tilespmem:s8+$0xFFFFFFF0];
	p0 =	slt.u32 s7, $0x3C;
	vm4 =	veq.s32 v12, v2  }
0x321: {  	v8 =	vand.u32 $0xFF, v9;
	v12 =	vand.u32 $0xFF, v6;
	v9 =	vand.u32 $0xFF, v13;
	v5 =	vld [tilespmem:s8+$0x0]  }
.Ltmp11:
0x322: {  	v6 =	vld [tilespmem:s8+$0xFFFFFFE0];
	(pc) =	sbr.rel @p0 .LBB2_23-.Ltmp11, $4  }
0x323: {  	[tilespmem:v7+s6+$0x0] =	vst.idx.add.s32.msk vm1, v1  }
0x324: {  	v7 =	vshra.s32 v11, $0x10;
	[tilespmem:v3+s6+$0x0] =	vst.idx.add.s32.msk vm0, v1;
	v3 =	vmov v8;
	vm0 =	vmmov vm5  }
0x325: {  	v8 =	vshra.s32 v14, $0x10;
	vm1 =	veq.s32 v7, v2;
	v7 =	vshrl.u32 v11, $0x8;
	[tilespmem:v4+s6+$0x0] =	vst.idx.add.s32.msk vm3, v1;
	v4 =	vmovc v9  }
0x326: {  	s8 =	sadd.s32 $0x40, s8;
	v9 =	vshrl.u32 v14, $0x8;
	v10 =	vshra.s32 v5, $0x10;
	v7 =	vand.u32 $0xFF, v7;
	[tilespmem:v12+s6+$0x0] =	vst.idx.add.s32.msk vm4, v1  }
0x327: {  	_ = 	snop  }
0x328: {  	v11 =	vshra.s32 v6, $0x10;
	vm2 =	vmmov vm2  }
0x329: {  	v6 =	vshrl.u32 v6, $0x8;
	vm4 =	veq.s32 v8, v2;
	vm3 =	veq.s32 v11, v2  }
0x32a: {  	vm5 =	veq.s32 v10, v2;
	v2 =	vand.u32 $0xFF, v6;
	vm4 =	vmmov vm4  }
0x32b: {  	v5 =	vshrl.u32 v5, $0x8;
	v6 =	vand.u32 $0xFF, v9;
	vm5 =	vmmov vm5  }
0x32c: {  	[tilespmem:v7+s6+$0x0] =	vst.idx.add.s32.msk vm1, v1;
	v5 =	vand.u32 $0xFF, v5  }
0x32d: {  	[tilespmem:v3+s6+$0x0] =	vst.idx.add.s32.msk vm0, v1  }
0x32e: {  	[tilespmem:v4+s6+$0x0] =	vst.idx.add.s32.msk vm2, v1  }
0x32f: {  	[tilespmem:v2+s6+$0x0] =	vst.idx.add.s32.msk vm3, v1  }
0x330: {  	[tilespmem:v6+s6+$0x0] =	vst.idx.add.s32.msk vm4, v1  }
0x331: {  	(xrf0) =	vadd.scan.msk.s32 $0xffff, v0;
	s7 =	simm.s32 $0x8F0;
	[tilespmem:v5+s6+$0x0] =	vst.idx.add.s32.msk vm5, v1  }
0x332: {  	v17 =	vld [tilespmem:s7+$0x0]  }
0x333: {  	v18 =	vld [tilespmem:s7+$0xFFFFFFF0]  }
0x334: {  	v2 =	vld [tilespmem:s7+$0xFFFFFFE0]  }
0x335: {  	v3 =	vld [tilespmem:s7+$0xFFFFFFD0];
	_ =	sdelay $0x1  }
0x336: {  	v0, _, _ =	vpop (xrf0);
	(xrf0) =	vadd.scan.msk.s32 $0xffff, v17  }
0x337: {  	(xrf0) =	vadd.scan.msk.s32 $0xffff, v18  }
0x338: {  	(xrf0) =	vadd.scan.msk.s32 $0xffff, v2  }
0x339: {  	(xrf0) =	vadd.scan.msk.s32 $0xffff, v3;
	_ =	sdelay $0x2  }
0x33a: {  	(v2sf) =	vpush v0, $0xF;
	v8, _, _ =	vpop (xrf0)  }
0x33b: {  	(v2sf) =	vpush v8, $0xF;
	v19, _, _ =	vpop (xrf0)  }
0x33c: {  	s23 =	simm.s32 $0x8B0;
	(v2sf) =	vpush v19, $0xF;
	v9, _, _ =	vpop (xrf0)  }
0x33d: {  	v5 =	vld [tilespmem:s23+$0x0];
	(v2sf) =	vpush v9, $0xF;
	v15, _, _ =	vpop (xrf0)  }
0x33e: {  	v7 =	vld [tilespmem:s23+$0xFFFFFFF0];
	(v2sf) =	vpush v15, $0xF;
	_ =	sdelay $0x3  }
0x33f: {  	(xrf0) =	vadd.scan.msk.s32 $0xffff, v5  }
0x340: {  	v10 =	vld [tilespmem:s23+$0xFFFFFFE0];
	(xrf0) =	vadd.scan.msk.s32 $0xffff, v7  }
0x341: {  	v11 =	vld [tilespmem:s23+$0xFFFFFFD0];
	_ =	sdelay $0x3  }
0x342: {  	(xrf0) =	vadd.scan.msk.s32 $0xffff, v10;
	v24, _, _ =	vpop (xrf0)  }
0x343: {  	s21 =	spop (v2sf);
	v12, _, _ =	vpop (xrf0);
	(xrf0) =	vadd.scan.msk.s32 $0xffff, v11  }
0x344: {  	s24 =	spop (v2sf)  }
0x345: {  	s7 =	sadd.s32 $0x0, s24;
	s8 =	spop (v2sf)  }
0x346: {  	s8 =	sadd.s32 s8, s7;
	s10 =	spop (v2sf)  }
0x347: {  	(v2sf) =	vpush v24, $0xF;
	s10 =	sadd.s32 s10, s8;
	s11 =	spop (v2sf)  }
0x348: {  	v14, _, _ =	vpop (xrf0);
	(v2sf) =	vpush v12, $0xF;
	v16 =	vsub.s32 s10, v9;
	s10 =	sadd.s32 s11, s10  }
0x349: {  	s9 =	simm.s32 $0x870;
	(v2sf) =	vpush v14, $0xF;
	v21 =	vsub.s32 s10, v15;
	v15, _, _ =	vpop (xrf0)  }
0x34a: {  	v6 =	vld [tilespmem:s9+$0x0];
	(v2sf) =	vpush v15, $0xF  }
0x34b: {  	v13 =	vimm.s32 $0x0;
	v4 =	vld [tilespmem:s9+$0xFFFFFFF0];
	s4 =	ssub.s32 s4, s21  }
0x34c: {  	s22 =	simm.s32 $0xF0;
	s25 =	simm.s32 $0xE0;
	v0 =	vlaneseq.u32;
	v1 =	vmov s4;
	v20 =	vsub.s32 s7, v8;
	v9 =	vld [tilespmem:s9+$0xFFFFFFE0]  }
0x34d: {  	v22 =	vor.u32 s25, v0;
	v23 =	vor.u32 s22, v0;
	v8 =	vld [tilespmem:s9+$0xFFFFFFD0];
	vm11 =	vlt.s32 v20, v1  }
0x34e: {  	v17 =	vadd.s32 v17, v20;
	v25 =	vsub.s32 s8, v19;
	v2 =	vadd.s32 v2, v16  }
0x34f: {  	(xrf0) =	vadd.scan.msk.s32 $0xffff, v6;
	vm12 =	vge.s32 v17, v1;
	vm8 =	vge.s32 v2, v1;
	v2 =	vadd.s32 v3, v21  }
0x350: {  	(xrf0) =	vadd.scan.msk.s32 $0xffff, v4;
	vm13 =	vlt.s32 v25, v1;
	vm9 =	vlt.s32 v21, v1;
	vm10 =	vge.s32 v2, v1  }
0x351: {  	s28 =	simm.s32 $0xD0;
	v17 =	vadd.s32 v18, v25;
	vm7 =	vlt.s32 v16, v1;
	vm1 =	vmand vm9, vm10;
	(xrf0) =	vadd.scan.msk.s32 $0xffff, v9  }
0x352: {  	s26 =	simm.s32 $0xC0;
	vm0 =	vmand vm7, vm8;
	v3 =	vnsel vm1, $0x0, v21;
	v21 =	vor.u32 s28, v0;
	(xrf0) =	vadd.scan.msk.s32 $0xffff, v8  }
0x353: {  	vm14 =	vge.s32 v17, v1;
	v2 =	vnsel vm0, $0x0, v16;
	v16 =	vor.u32 s26, v0  }
0x354: {  	vm15 =	vmand vm13, vm14;
	v16 =	vnsel vm1, $0x0, v16;
	vm1 =	vmand vm11, vm12  }
0x355: {  	v26 =	vnsel vm15, $0x0, v22;
	v19 =	vnsel vm0, $0x0, v21;
	v17 =	vnsel vm1, $0x0, v20;
	v21, _, _ =	vpop (xrf0)  }
0x356: {  	s6 =	simm.s32 $0xB0;
	s29 =	spop (v2sf);
	v18 =	vnsel vm1, $0x0, v23;
	v17 =	vadd.s32 v13, v17;
	(v2sf) =	vpush v21, $0xF;
	v20, _, _ =	vpop (xrf0)  }
0x357: {  	s7 =	simm.s32 $0x8;
	s30 =	sadd.s32 s10, s29;
	v27 =	vadd.s32 v13, v18;
	v18 =	vnsel vm15, $0x0, v25;
	(v2sf) =	vpush v20, $0xF;
	v22, _, _ =	vpop (xrf0);
	s31 =	spop (v2sf)  }
0x358: {  	s8 =	simm.s32 $0x830;
	v13 =	vsub.s32 s30, v24;
	v24 =	vadd.s32 v26, v27;
	(v2sf) =	vpush v22, $0xF;
	v23, _, _ =	vpop (xrf0);
	s9 =	sadd.s32 s31, s30;
	s10 =	spop (v2sf)  }
.LBB2_25:
0x359: {  	v25 =	vld [tilespmem:s8+$0x0];
	s7 =	sadd.s32 $0x4, s7;
	(v2sf) =	vpush v23, $0xF;
	s10 =	sadd.s32 s10, s9;
	s11 =	spop (v2sf);
	v17 =	vadd.s32 v18, v17;
	v18 =	vadd.s32 v19, v24;
	v24 =	vmovc v21;
	v19 =	vmovc v12  }
0x35a: {  	v12 =	vmovc v20;
	v21 =	vld [tilespmem:s8+$0xFFFFFFF0];
	p0 =	slt.u32 s7, $0xC;
	v26 =	vsub.s32 s10, v14;
	s10 =	sadd.s32 s11, s10;
	v2 =	vadd.s32 v2, v17;
	v18 =	vadd.s32 v16, v18;
	v14 =	vmovc v22  }
0x35b: {  	v16 =	vadd.s32 v10, v26;
	v17 =	vsub.s32 s10, v15;
	v22 =	vadd.s32 v3, v2;
	v10 =	vmovc v9;
	v9 =	vld [tilespmem:s8+$0xFFFFFFE0];
	v15 =	vmovc v23  }
0x35c: {  	vm0 =	vlt.s32 v26, v1;
	vm1 =	vge.s32 v16, v1;
	v2 =	vadd.s32 v11, v17;
	v11 =	vmovc v8;
	v8 =	vld [tilespmem:s8+$0xFFFFFFD0]  }
0x35d: {  	vm0 =	vmand vm0, vm1;
	vm1 =	vlt.s32 v17, v1;
	vm2 =	vge.s32 v2, v1  }
0x35e: {  	s12 =	sadd.s32 $0xFFFFFFD0, s6;
	s11 =	sadd.s32 $0xFFFFFFF0, s6;
	(xrf0) =	vadd.scan.msk.s32 $0xffff, v25;
	v2 =	vnsel vm0, $0x0, v26;
	vm1 =	vmand vm1, vm2  }
0x35f: {  	v23 =	vor.u32 s11, v0;
	s11 =	sadd.s32 $0xFFFFFFE0, s6;
	v16 =	vor.u32 s12, v0;
	(xrf0) =	vadd.scan.msk.s32 $0xffff, v21;
	v3 =	vnsel vm1, $0x0, v17  }
0x360: {  	v20 =	vor.u32 s11, v0;
	v17 =	vor.u32 s6, v0;
	v16 =	vnsel vm1, $0x0, v16;
	(xrf0) =	vadd.scan.msk.s32 $0xffff, v9  }
0x361: {  	v27 =	vsub.s32 s9, v19;
	v26 =	vadd.s32 v5, v13;
	v5 =	vmovc v6;
	vm1 =	vlt.s32 v13, v1;
	(xrf0) =	vadd.scan.msk.s32 $0xffff, v8  }
0x362: {  	vm3 =	vlt.s32 v27, v1;
	v6 =	vmovc v25;
	vm2 =	vge.s32 v26, v1;
	v26 =	vadd.s32 v7, v27  }
.Ltmp12:
0x363: {  	v19 =	vnsel vm0, $0x0, v20;
	v7 =	vmovc v4;
	v4 =	vmovc v21;
	vm1 =	vmand vm1, vm2;
	vm2 =	vge.s32 v26, v1;
	(pc) =	sbr.rel @p0 .LBB2_25-.Ltmp12, $4  }
0x364: {  	v25 =	vnsel vm1, $0x0, v17;
	v13 =	vnsel vm1, $0x0, v13;
	vm0 =	vmand vm3, vm2;
	v21, _, _ =	vpop (xrf0)  }
0x365: {  	v17 =	vadd.s32 v22, v13;
	v26 =	vnsel vm0, $0x0, v23;
	(v2sf) =	vpush v21, $0xF;
	v20, _, _ =	vpop (xrf0);
	s9 =	spop (v2sf)  }
0x366: {  	s6 =	sadd.s32 $0xFFFFFFC0, s6;
	v25 =	vadd.s32 v18, v25;
	v18 =	vnsel vm0, $0x0, v27;
	(v2sf) =	vpush v20, $0xF;
	v22, _, _ =	vpop (xrf0);
	s9 =	sadd.s32 s10, s9;
	s10 =	spop (v2sf)  }
0x367: {  	s8 =	sadd.s32 $0xFFFFFFC0, s8;
	(v2sf) =	vpush v22, $0xF;
	v23, _, _ =	vpop (xrf0);
	v13 =	vsub.s32 s9, v24;
	s9 =	sadd.s32 s10, s9;
	s10 =	spop (v2sf);
	v24 =	vadd.s32 v26, v25  }
0x368: {  	(v2sf) =	vpush v23, $0xF;
	_ =	sdelay $0x7  }
0x369: {  	s7 =	sadd.s32 s10, s9;
	s8 =	spop (v2sf);
	v60 =	vsub.s32 s9, v12;
	v5 =	vadd.s32 v5, v13  }
0x36a: {  	s24 =	sadd.s32 $0xFFFFFFE0, s6;
	s8 =	sadd.s32 s8, s7;
	v14 =	vsub.s32 s7, v14;
	v7 =	vadd.s32 v7, v60;
	vm4 =	vlt.s32 v60, v1  }
0x36b: {  	v62 =	vor.u32 s24, v0;
	v15 =	vsub.s32 s8, v15;
	v10 =	vadd.s32 v10, v14  }
0x36c: {  	s26 =	sadd.s32 $0xFFFFFFC0, s6;
	vm0 =	vlt.s32 v14, v1;
	vm6 =	vge.s32 v7, v1;
	v11 =	vadd.s32 v11, v15  }
0x36d: {  	s29 =	sadd.s32 $0xFFFFFFE0, s26;
	vm1 =	vge.s32 v10, v1;
	vm2 =	vlt.s32 v15, v1;
	vm3 =	vge.s32 v11, v1;
	s19 =	spop (v2sf)  }
0x36e: {  	v63 =	vor.u32 s29, v0;
	vm1 =	vmand vm0, vm1;
	vm0 =	vmand vm2, vm3;
	s7 =	sadd.s32 s8, s19;
	s20 =	spop (v2sf)  }
0x36f: {  	vm2 =	vlt.s32 v13, v1;
	vm3 =	vge.s32 v5, v1;
	s8 =	sadd.s32 s20, s7;
	s21 =	spop (v2sf);
	v7 =	vsub.s32 s7, v21  }
0x370: {  	vm4 =	vmand vm4, vm6;
	vm5 =	vmand vm2, vm3;
	s9 =	sadd.s32 s21, s8;
	s22 =	spop (v2sf);
	v6 =	vadd.s32 v6, v7  }
0x371: {  	s23 =	sadd.s32 $0xFFFFFFF0, s6;
	vm14 =	vlt.s32 v7, v1;
	v5 =	vsub.s32 s9, v22;
	s9 =	sadd.s32 s22, s9;
	vm7 =	vge.s32 v6, v1  }
0x372: {  	v6 =	vor.u32 s23, v0;
	v9 =	vadd.s32 v9, v5;
	v61 =	vsub.s32 s9, v23  }
0x373: {  	vm2 =	vlt.s32 v5, v1;
	vm3 =	vge.s32 v9, v1;
	v8 =	vadd.s32 v8, v61  }
0x374: {  	vm3 =	vmand vm2, vm3;
	vm13 =	vge.s32 v8, v1;
	v8 =	vsub.s32 s8, v20  }
0x375: {  	vm2 =	vlt.s32 v61, v1;
	v4 =	vadd.s32 v4, v8;
	vm8 =	vlt.s32 v8, v1  }
0x376: {  	vm15 =	vge.s32 v4, v1;
	v1 =	vadd.s32 v19, v24;
	v4 =	vor.u32 s6, v0  }
0x377: {  	vm6 =	vmand vm14, vm7;
	v1 =	vadd.s32 v16, v1;
	v4 =	vnsel vm5, $0x0, v4  }
0x378: {  	s25 =	sadd.s32 $0xFFFFFFD0, s6;
	v6 =	vnsel vm4, $0x0, v6;
	v9 =	vnsel vm1, $0x0, v62;
	v1 =	vadd.s32 v1, v4  }
0x379: {  	vm7 =	vmand vm8, vm15;
	v4 =	vor.u32 s25, v0;
	v1 =	vadd.s32 v6, v1  }
0x37a: {  	s28 =	sadd.s32 $0xFFFFFFF0, s26;
	v4 =	vnsel vm0, $0x0, v4;
	v6 =	vor.u32 s26, v0;
	v1 =	vadd.s32 v9, v1  }
0x37b: {  	v6 =	vnsel vm6, $0x0, v6;
	v1 =	vadd.s32 v4, v1;
	v4 =	vor.u32 s28, v0  }
0x37c: {  	vm2 =	vmand vm2, vm13;
	s6 =	sadd.s32 $0xFFFFFFD0, s26;
	v4 =	vnsel vm7, $0x0, v4;
	v1 =	vadd.s32 v1, v6  }
0x37d: {  	v0 =	vor.u32 s6, v0;
	v6 =	vnsel vm3, $0x0, v63;
	v1 =	vadd.s32 v4, v1  }
0x37e: {  	v0 =	vnsel vm2, $0x0, v0;
	v1 =	vadd.s32 v6, v1  }
0x37f: {  	v0 =	vadd.s32 v0, v1  }
0x380: {  	(xrf0) =	vadd.scan.msk.s32 $0xffff, v0;
	_ =	sdelay $0x1  }
0x381: {  	v1 =	vimm.s32 $0x0  }
0x382: {  	[tilespmem:$0x800] =	vst v1  }
0x383: {  	[tilespmem:$0x810] =	vst v1  }
0x384: {  	[tilespmem:$0x820] =	vst v1  }
0x385: {  	[tilespmem:$0x830] =	vst v1;
	v0, _, _ =	vpop (xrf0)  }
0x386: {  	[tilespmem:$0x840] =	vst v1;
	(v2sf) =	vpush v0, $0xF  }
0x387: {  	[tilespmem:$0x850] =	vst v1  }
0x388: {  	[tilespmem:$0x860] =	vst v1  }
0x389: {  	[tilespmem:$0x870] =	vst v1  }
0x38a: {  	[tilespmem:$0x880] =	vst v1  }
0x38b: {  	[tilespmem:$0x890] =	vst v1  }
0x38c: {  	[tilespmem:$0x8A0] =	vst v1  }
0x38d: {  	[tilespmem:$0x8B0] =	vst v1;
	v0 =	vadd.s32 v18, v17  }
0x38e: {  	[tilespmem:$0x8C0] =	vst v1;
	v0 =	vadd.s32 v2, v0  }
0x38f: {  	[tilespmem:$0x8D0] =	vst v1;
	v2 =	vnsel vm5, $0x0, v13;
	v0 =	vadd.s32 v3, v0  }
0x390: {  	[tilespmem:$0x8E0] =	vst v1;
	v3 =	vnsel vm4, $0x0, v60;
	v0 =	vadd.s32 v0, v2  }
0x391: {  	s31 =	simm.s32 $0xAA0;
	[tilespmem:$0x8F0] =	vst v1;
	v2 =	vnsel vm1, $0x0, v14;
	v0 =	vadd.s32 v3, v0  }
0x392: {  	v6 =	vld [tilespmem:s31+$0x10];
	v3 =	vnsel vm0, $0x0, v15;
	v0 =	vadd.s32 v2, v0  }
0x393: {  	v2 =	vnsel vm6, $0x0, v7;
	v0 =	vadd.s32 v3, v0  }
0x394: {  	v0 =	vadd.s32 v0, v2;
	v2 =	vnsel vm7, $0x0, v8  }
0x395: {  	s5 =	sshll.u32 s5, $0x8;
	v3 =	vnsel vm3, $0x0, v5;
	v0 =	vadd.s32 v2, v0;
	s30 =	spop (v2sf)  }
0x396: {  	v4 =	vld [tilespmem:s31+$0xFFFFFFF0];
	v2 =	vnsel vm2, $0x0, v61;
	v0 =	vadd.s32 v3, v0;
	s5 =	sor.u32 s5, s30  }
0x397: {  	v5 =	vshra.s32 v6, $0x8;
	v3 =	vld [tilespmem:s31+$0x0];
	v0 =	vadd.s32 v2, v0;
	v2 =	vmov s5  }
0x398: {  	vm0 =	veq.s32 v5, v2;
	v5 =	vld [tilespmem:s31+$0xFFFFFFE0];
	_ =	sdelay $0x2  }
0x399: {  	v1 =	vimm.s32 $0x1;
	v7 =	vshra.s32 v4, $0x8;
	v4 =	vand.u32 $0xFF, v4  }
0x39a: {  	s7 =	simm.s32 $0x0;
	s8 =	simm.s32 $0xAE0;
	s6 =	simm.s32 $0x800;
	v6 =	vand.u32 $0xFF, v6;
	vm1 =	veq.s32 v7, v2;
	v7 =	vshra.s32 v3, $0x8  }
.LBB2_27:
0x39b: {  	v8 =	vld [tilespmem:s8+$0x10];
	s7 =	sadd.s32 $0x4, s7;
	v9 =	vshra.s32 v5, $0x8;
	v10 =	vand.u32 $0xFF, v5;
	vm2 =	veq.s32 v7, v2  }
0x39c: {  	v7 =	vld [tilespmem:s8+$0xFFFFFFF0];
	p0 =	slt.u32 s7, $0x3C;
	vm3 =	veq.s32 v9, v2;
	v9 =	vand.u32 $0xFF, v3  }
0x39d: {  	v3 =	vld [tilespmem:s8+$0x0]  }
.Ltmp13:
0x39e: {  	v5 =	vld [tilespmem:s8+$0xFFFFFFE0];
	(pc) =	sbr.rel @p0 .LBB2_27-.Ltmp13, $4  }
0x39f: {  	[tilespmem:v6+s6+$0x0] =	vst.idx.add.s32.msk vm0, v1  }
0x3a0: {  	v6 =	vshra.s32 v8, $0x8;
	[tilespmem:v4+s6+$0x0] =	vst.idx.add.s32.msk vm1, v1  }
0x3a1: {  	v11 =	vshra.s32 v7, $0x8;
	v4 =	vand.u32 $0xFF, v7;
	vm0 =	veq.s32 v6, v2;
	[tilespmem:v9+s6+$0x0] =	vst.idx.add.s32.msk vm2, v1  }
0x3a2: {  	s8 =	sadd.s32 $0x40, s8;
	v6 =	vand.u32 $0xFF, v8;
	vm1 =	veq.s32 v11, v2;
	v7 =	vshra.s32 v3, $0x8;
	[tilespmem:v10+s6+$0x0] =	vst.idx.add.s32.msk vm3, v1  }
0x3a3: {  	_ = 	snop  }
0x3a4: {  	v8 =	vshra.s32 v5, $0x8;
	vm2 =	veq.s32 v7, v2  }
0x3a5: {  	vm3 =	veq.s32 v8, v2;
	v2 =	vand.u32 $0xFF, v3  }
0x3a6: {  	v3 =	vand.u32 $0xFF, v5;
	_ =	sdelay $0x1  }
0x3a7: {  	[tilespmem:v6+s6+$0x0] =	vst.idx.add.s32.msk vm0, v1  }
0x3a8: {  	[tilespmem:v4+s6+$0x0] =	vst.idx.add.s32.msk vm1, v1  }
0x3a9: {  	[tilespmem:v2+s6+$0x0] =	vst.idx.add.s32.msk vm2, v1  }
0x3aa: {  	(xrf0) =	vadd.scan.msk.s32 $0xffff, v0;
	s7 =	simm.s32 $0x8F0;
	[tilespmem:v3+s6+$0x0] =	vst.idx.add.s32.msk vm3, v1  }
0x3ab: {  	v16 =	vld [tilespmem:s7+$0x0]  }
0x3ac: {  	v17 =	vld [tilespmem:s7+$0xFFFFFFF0]  }
0x3ad: {  	v4 =	vld [tilespmem:s7+$0xFFFFFFE0]  }
0x3ae: {  	v9 =	vld [tilespmem:s7+$0xFFFFFFD0];
	_ =	sdelay $0x1  }
0x3af: {  	v0, _, _ =	vpop (xrf0);
	(xrf0) =	vadd.scan.msk.s32 $0xffff, v16  }
0x3b0: {  	(xrf0) =	vadd.scan.msk.s32 $0xffff, v17  }
0x3b1: {  	(xrf0) =	vadd.scan.msk.s32 $0xffff, v4  }
0x3b2: {  	(xrf0) =	vadd.scan.msk.s32 $0xffff, v9;
	_ =	sdelay $0x2  }
0x3b3: {  	(v2sf) =	vpush v0, $0xF;
	v5, _, _ =	vpop (xrf0)  }
0x3b4: {  	(v2sf) =	vpush v5, $0xF;
	v18, _, _ =	vpop (xrf0)  }
0x3b5: {  	s23 =	simm.s32 $0x8B0;
	(v2sf) =	vpush v18, $0xF;
	v6, _, _ =	vpop (xrf0)  }
0x3b6: {  	v7 =	vld [tilespmem:s23+$0x0];
	(v2sf) =	vpush v6, $0xF;
	v15, _, _ =	vpop (xrf0)  }
0x3b7: {  	v8 =	vld [tilespmem:s23+$0xFFFFFFF0];
	(v2sf) =	vpush v15, $0xF;
	_ =	sdelay $0x3  }
0x3b8: {  	(xrf0) =	vadd.scan.msk.s32 $0xffff, v7  }
0x3b9: {  	v12 =	vld [tilespmem:s23+$0xFFFFFFE0];
	(xrf0) =	vadd.scan.msk.s32 $0xffff, v8  }
0x3ba: {  	v11 =	vld [tilespmem:s23+$0xFFFFFFD0];
	_ =	sdelay $0x3  }
0x3bb: {  	(xrf0) =	vadd.scan.msk.s32 $0xffff, v12;
	v24, _, _ =	vpop (xrf0)  }
0x3bc: {  	s21 =	spop (v2sf);
	v10, _, _ =	vpop (xrf0);
	(xrf0) =	vadd.scan.msk.s32 $0xffff, v11  }
0x3bd: {  	s24 =	spop (v2sf)  }
0x3be: {  	s7 =	sadd.s32 $0x0, s24;
	s8 =	spop (v2sf)  }
0x3bf: {  	s8 =	sadd.s32 s8, s7;
	s10 =	spop (v2sf)  }
0x3c0: {  	(v2sf) =	vpush v24, $0xF;
	s10 =	sadd.s32 s10, s8;
	s11 =	spop (v2sf)  }
0x3c1: {  	v14, _, _ =	vpop (xrf0);
	(v2sf) =	vpush v10, $0xF;
	v19 =	vsub.s32 s10, v6;
	s10 =	sadd.s32 s11, s10  }
0x3c2: {  	s9 =	simm.s32 $0x870;
	(v2sf) =	vpush v14, $0xF;
	v20 =	vsub.s32 s10, v15;
	v15, _, _ =	vpop (xrf0)  }
0x3c3: {  	v3 =	vld [tilespmem:s9+$0x0];
	(v2sf) =	vpush v15, $0xF  }
0x3c4: {  	s25 =	simm.s32 $0xE0;
	v0 =	vlaneseq.u32;
	v2 =	vld [tilespmem:s9+$0xFFFFFFF0]  }
0x3c5: {  	v13 =	vimm.s32 $0x0;
	s22 =	simm.s32 $0xF0;
	v22 =	vor.u32 s25, v0;
	s4 =	ssub.s32 s4, s21;
	v21 =	vsub.s32 s7, v5;
	v5 =	vld [tilespmem:s9+$0xFFFFFFE0]  }
0x3c6: {  	s28 =	simm.s32 $0xD0;
	v25 =	vor.u32 s22, v0;
	v1 =	vmov s4;
	v16 =	vadd.s32 v16, v21;
	v6 =	vld [tilespmem:s9+$0xFFFFFFD0]  }
0x3c7: {  	v23 =	vor.u32 s28, v0;
	v18 =	vsub.s32 s8, v18;
	vm12 =	vge.s32 v16, v1  }
0x3c8: {  	(xrf0) =	vadd.scan.msk.s32 $0xffff, v3;
	vm13 =	vlt.s32 v18, v1;
	v16 =	vadd.s32 v17, v18;
	v4 =	vadd.s32 v4, v19  }
0x3c9: {  	(xrf0) =	vadd.scan.msk.s32 $0xffff, v2;
	vm7 =	vlt.s32 v19, v1;
	vm14 =	vge.s32 v16, v1;
	vm8 =	vge.s32 v4, v1  }
0x3ca: {  	s26 =	simm.s32 $0xC0;
	v4 =	vadd.s32 v9, v20;
	vm15 =	vmand vm13, vm14;
	vm0 =	vmand vm7, vm8;
	(xrf0) =	vadd.scan.msk.s32 $0xffff, v5  }
0x3cb: {  	vm10 =	vge.s32 v4, v1;
	v4 =	vnsel vm0, $0x0, v19;
	v19 =	vor.u32 s26, v0;
	(xrf0) =	vadd.scan.msk.s32 $0xffff, v6  }
0x3cc: {  	vm11 =	vlt.s32 v21, v1;
	vm9 =	vlt.s32 v20, v1;
	v26 =	vnsel vm15, $0x0, v22  }
0x3cd: {  	v18 =	vnsel vm15, $0x0, v18;
	vm1 =	vmand vm9, vm10;
	v23 =	vnsel vm0, $0x0, v23  }
0x3ce: {  	v9 =	vnsel vm1, $0x0, v20;
	v20 =	vnsel vm1, $0x0, v19;
	vm1 =	vmand vm11, vm12;
	v19, _, _ =	vpop (xrf0)  }
0x3cf: {  	s6 =	simm.s32 $0xB0;
	s29 =	spop (v2sf);
	v25 =	vnsel vm1, $0x0, v25;
	v16 =	vnsel vm1, $0x0, v21;
	(v2sf) =	vpush v19, $0xF;
	v17, _, _ =	vpop (xrf0)  }
0x3d0: {  	s7 =	simm.s32 $0x8;
	s30 =	sadd.s32 s10, s29;
	v16 =	vadd.s32 v13, v16;
	v25 =	vadd.s32 v13, v25;
	(v2sf) =	vpush v17, $0xF;
	v21, _, _ =	vpop (xrf0);
	s31 =	spop (v2sf)  }
0x3d1: {  	s8 =	simm.s32 $0x830;
	v13 =	vsub.s32 s30, v24;
	v24 =	vadd.s32 v26, v25;
	(v2sf) =	vpush v21, $0xF;
	v22, _, _ =	vpop (xrf0);
	s9 =	sadd.s32 s31, s30;
	s10 =	spop (v2sf)  }
.LBB2_29:
0x3d2: {  	v25 =	vld [tilespmem:s8+$0x0];
	s7 =	sadd.s32 $0x4, s7;
	(v2sf) =	vpush v22, $0xF;
	s10 =	sadd.s32 s10, s9;
	s11 =	spop (v2sf);
	v16 =	vadd.s32 v18, v16;
	v18 =	vadd.s32 v23, v24;
	v24 =	vmovc v19;
	v19 =	vmovc v10  }
0x3d3: {  	v10 =	vmovc v17;
	v26 =	vld [tilespmem:s8+$0xFFFFFFF0];
	p0 =	slt.u32 s7, $0xC;
	v23 =	vsub.s32 s10, v14;
	s10 =	sadd.s32 s11, s10;
	v4 =	vadd.s32 v4, v16;
	v18 =	vadd.s32 v20, v18;
	v14 =	vmovc v21  }
0x3d4: {  	v16 =	vadd.s32 v12, v23;
	v17 =	vsub.s32 s10, v15;
	v21 =	vadd.s32 v9, v4;
	v12 =	vmovc v5;
	v5 =	vld [tilespmem:s8+$0xFFFFFFE0];
	v15 =	vmovc v22  }
0x3d5: {  	vm0 =	vlt.s32 v23, v1;
	vm1 =	vge.s32 v16, v1;
	v4 =	vadd.s32 v11, v17;
	v11 =	vmovc v6;
	v6 =	vld [tilespmem:s8+$0xFFFFFFD0]  }
0x3d6: {  	vm0 =	vmand vm0, vm1;
	vm1 =	vlt.s32 v17, v1;
	vm2 =	vge.s32 v4, v1  }
0x3d7: {  	s12 =	sadd.s32 $0xFFFFFFD0, s6;
	s11 =	sadd.s32 $0xFFFFFFF0, s6;
	(xrf0) =	vadd.scan.msk.s32 $0xffff, v25;
	v4 =	vnsel vm0, $0x0, v23;
	vm1 =	vmand vm1, vm2  }
0x3d8: {  	v22 =	vor.u32 s11, v0;
	s11 =	sadd.s32 $0xFFFFFFE0, s6;
	v16 =	vor.u32 s12, v0;
	(xrf0) =	vadd.scan.msk.s32 $0xffff, v26;
	v9 =	vnsel vm1, $0x0, v17  }
0x3d9: {  	v23 =	vor.u32 s11, v0;
	v17 =	vor.u32 s6, v0;
	v20 =	vnsel vm1, $0x0, v16;
	(xrf0) =	vadd.scan.msk.s32 $0xffff, v5  }
0x3da: {  	v27 =	vsub.s32 s9, v19;
	vm1 =	vlt.s32 v13, v1;
	v16 =	vadd.s32 v7, v13;
	v7 =	vmovc v3;
	(xrf0) =	vadd.scan.msk.s32 $0xffff, v6  }
0x3db: {  	vm3 =	vlt.s32 v27, v1;
	v3 =	vmovc v25;
	vm2 =	vge.s32 v16, v1;
	v16 =	vadd.s32 v8, v27  }
.Ltmp14:
0x3dc: {  	v23 =	vnsel vm0, $0x0, v23;
	v8 =	vmovc v2;
	v2 =	vmovc v26;
	vm1 =	vmand vm1, vm2;
	vm2 =	vge.s32 v16, v1;
	(pc) =	sbr.rel @p0 .LBB2_29-.Ltmp14, $4  }
0x3dd: {  	v25 =	vnsel vm1, $0x0, v17;
	v13 =	vnsel vm1, $0x0, v13;
	vm0 =	vmand vm3, vm2;
	v19, _, _ =	vpop (xrf0)  }
0x3de: {  	v16 =	vadd.s32 v21, v13;
	v26 =	vnsel vm0, $0x0, v22;
	(v2sf) =	vpush v19, $0xF;
	v17, _, _ =	vpop (xrf0);
	s9 =	spop (v2sf)  }
0x3df: {  	s6 =	sadd.s32 $0xFFFFFFC0, s6;
	v25 =	vadd.s32 v18, v25;
	v18 =	vnsel vm0, $0x0, v27;
	(v2sf) =	vpush v17, $0xF;
	v21, _, _ =	vpop (xrf0);
	s9 =	sadd.s32 s10, s9;
	s10 =	spop (v2sf)  }
0x3e0: {  	s8 =	sadd.s32 $0xFFFFFFC0, s8;
	(v2sf) =	vpush v21, $0xF;
	v22, _, _ =	vpop (xrf0);
	v13 =	vsub.s32 s9, v24;
	s9 =	sadd.s32 s10, s9;
	s10 =	spop (v2sf);
	v24 =	vadd.s32 v26, v25  }
0x3e1: {  	(v2sf) =	vpush v22, $0xF;
	_ =	sdelay $0x4  }
0x3e2: {  	s7 =	sadd.s32 s10, s9;
	v23 =	vadd.s32 v23, v24;
	v7 =	vadd.s32 v7, v13  }
0x3e3: {  	s8 =	spop (v2sf);
	v10 =	vsub.s32 s9, v10;
	v14 =	vsub.s32 s7, v14;
	v20 =	vadd.s32 v20, v23  }
0x3e4: {  	s7 =	sadd.s32 s8, s7;
	v23 =	vor.u32 s6, v0;
	vm3 =	vge.s32 v7, v1;
	v7 =	vadd.s32 v8, v10  }
0x3e5: {  	vm4 =	vlt.s32 v10, v1;
	v12 =	vadd.s32 v12, v14;
	v15 =	vsub.s32 s7, v15  }
0x3e6: {  	vm0 =	vlt.s32 v14, v1;
	vm1 =	vge.s32 v12, v1;
	v11 =	vadd.s32 v11, v15  }
0x3e7: {  	s24 =	sadd.s32 $0xFFFFFFD0, s6;
	vm0 =	vmand vm0, vm1;
	vm1 =	vlt.s32 v15, v1;
	vm2 =	vge.s32 v11, v1  }
0x3e8: {  	s23 =	sadd.s32 $0xFFFFFFF0, s6;
	v12 =	vor.u32 s24, v0;
	vm1 =	vmand vm1, vm2;
	vm2 =	vlt.s32 v13, v1  }
0x3e9: {  	s26 =	sadd.s32 $0xFFFFFFE0, s6;
	v11 =	vor.u32 s23, v0;
	vm2 =	vmand vm2, vm3;
	vm3 =	vge.s32 v7, v1;
	s25 =	spop (v2sf)  }
0x3ea: {  	v7 =	vor.u32 s26, v0;
	v8 =	vnsel vm2, $0x0, v23;
	vm3 =	vmand vm4, vm3;
	s7 =	sadd.s32 s7, s25;
	s28 =	spop (v2sf)  }
0x3eb: {  	v12 =	vnsel vm1, $0x0, v12;
	v11 =	vnsel vm3, $0x0, v11;
	v8 =	vadd.s32 v20, v8;
	s8 =	sadd.s32 s28, s7;
	s29 =	spop (v2sf)  }
0x3ec: {  	v7 =	vnsel vm0, $0x0, v7;
	v8 =	vadd.s32 v11, v8;
	v19 =	vsub.s32 s7, v19;
	s9 =	sadd.s32 s29, s8;
	s30 =	spop (v2sf)  }
0x3ed: {  	v7 =	vadd.s32 v7, v8;
	v3 =	vadd.s32 v3, v19;
	s31 =	sadd.s32 s30, s9;
	v8 =	vsub.s32 s9, v21  }
0x3ee: {  	v11 =	vsub.s32 s31, v22;
	v5 =	vadd.s32 v5, v8;
	vm4 =	vlt.s32 v8, v1  }
0x3ef: {  	v6 =	vadd.s32 v6, v11;
	vm5 =	vge.s32 v5, v1;
	vm6 =	vlt.s32 v11, v1  }
0x3f0: {  	s9 =	sadd.s32 $0xFFFFFFC0, s6;
	v5 =	vadd.s32 v12, v7;
	v7 =	vsub.s32 s8, v17;
	vm7 =	vge.s32 v6, v1  }
0x3f1: {  	vm5 =	vmand vm4, vm5;
	v6 =	vor.u32 s9, v0;
	v2 =	vadd.s32 v2, v7  }
0x3f2: {  	vm4 =	vmand vm6, vm7;
	vm6 =	vlt.s32 v19, v1;
	vm7 =	vge.s32 v3, v1  }
0x3f3: {  	s10 =	sadd.s32 $0xFFFFFFF0, s9;
	vm8 =	vlt.s32 v7, v1;
	vm6 =	vmand vm6, vm7;
	vm7 =	vge.s32 v2, v1  }
0x3f4: {  	s11 =	sadd.s32 $0xFFFFFFE0, s9;
	v1 =	vor.u32 s10, v0;
	v2 =	vnsel vm6, $0x0, v6;
	vm7 =	vmand vm8, vm7  }
0x3f5: {  	s6 =	sadd.s32 $0xFFFFFFD0, s9;
	v3 =	vor.u32 s11, v0;
	v1 =	vnsel vm7, $0x0, v1;
	v2 =	vadd.s32 v5, v2  }
0x3f6: {  	v0 =	vor.u32 s6, v0;
	v3 =	vnsel vm5, $0x0, v3;
	v1 =	vadd.s32 v1, v2  }
0x3f7: {  	v0 =	vnsel vm4, $0x0, v0;
	v1 =	vadd.s32 v3, v1  }
0x3f8: {  	v0 =	vadd.s32 v0, v1  }
0x3f9: {  	(xrf0) =	vadd.scan.msk.s32 $0xffff, v0;
	_ =	sdelay $0x5  }
0x3fa: {  	v0, _, _ =	vpop (xrf0)  }
0x3fb: {  	(v2sf) =	vpush v0, $0xF;
	_ =	sdelay $0x1  }
0x3fc: {  	v0 =	vadd.s32 v18, v16  }
0x3fd: {  	v0 =	vadd.s32 v4, v0  }
0x3fe: {  	v1 =	vnsel vm2, $0x0, v13;
	v0 =	vadd.s32 v9, v0  }
0x3ff: {  	v0 =	vadd.s32 v0, v1;
	v1 =	vnsel vm3, $0x0, v10  }
0x400: {  	v2 =	vnsel vm0, $0x0, v14;
	v0 =	vadd.s32 v1, v0  }
0x401: {  	v1 =	vnsel vm1, $0x0, v15;
	v0 =	vadd.s32 v2, v0  }
0x402: {  	v0 =	vadd.s32 v1, v0;
	v1 =	vnsel vm6, $0x0, v19  }
0x403: {  	v0 =	vadd.s32 v0, v1;
	v1 =	vnsel vm7, $0x0, v7  }
0x404: {  	v2 =	vnsel vm5, $0x0, v8;
	v0 =	vadd.s32 v1, v0  }
0x405: {  	v1 =	vnsel vm4, $0x0, v11;
	v0 =	vadd.s32 v2, v0  }
0x406: {  	s12 =	simm.s32 $0xAA0;
	v0 =	vadd.s32 v1, v0  }
0x407: {  	v12 =	vld [tilespmem:s12+$0x0];
	(xrf0) =	vadd.scan.msk.s32 $0xffff, v0  }
0x408: {  	v10 =	vld [tilespmem:s12+$0x10]  }
0x409: {  	s5 =	sshll.u32 s5, $0x8;
	v13 =	vld [tilespmem:s12+$0xFFFFFFE0];
	s13 =	spop (v2sf)  }
0x40a: {  	v11 =	vld [tilespmem:s12+$0xFFFFFFF0];
	s5 =	sor.u32 s5, s13  }
0x40b: {  	v2 =	vmov s5  }
0x40c: {  	v1 =	vimm.s32 $0x0;
	vm1 =	veq.s32 v2, v12  }
0x40d: {  	v0, _, _ =	vpop (xrf0);
	vm2 =	veq.s32 v2, v10;
	v3 =	vsel vm1, $0x1, v1  }
0x40e: {  	(v2sf) =	vpush v0, $0xF;
	vm0 =	veq.s32 v2, v13;
	v0 =	vsel vm2, $0x1, v1;
	(xrf0) =	vadd.scan.msk.s32 $0xffff, v3  }
0x40f: {  	vm3 =	veq.s32 v2, v11;
	(xrf0) =	vadd.scan.msk.s32 $0xffff, v0;
	v0 =	vsel vm0, $0x1, v1  }
0x410: {  	(xrf0) =	vadd.scan.msk.s32 $0xffff, v0;
	v0 =	vsel vm3, $0x1, v1  }
0x411: {  	(xrf0) =	vadd.scan.msk.s32 $0xffff, v0;
	_ =	sdelay $0x2  }
0x412: {  	v6, _, _ =	vpop (xrf0)  }
0x413: {  	v7, _, _ =	vpop (xrf0)  }
0x414: {  	v0, _, _ =	vpop (xrf0)  }
0x415: {  	(v2sf) =	vpush v0, $0xF;
	v8, _, _ =	vpop (xrf0)  }
0x416: {  	(v2sf) =	vpush v8, $0xF;
	_ =	sdelay $0x2  }
0x417: {  	(v2sf) =	vpush v6, $0xF  }
0x418: {  	s15 =	simm.s32 $0x0;
	v3 =	vsel vm0, $0xFFFFFFFF, v1  }
0x419: {  	s16 =	simm.s32 $0xAE0;
	v3 =	vadd.s32 s15, v3;
	s14 =	spop (v2sf)  }
0x41a: {  	v0 =	vadd.s32 v0, v3;
	v3 =	vld [tilespmem:s16+$0x0];
	(v2sf) =	vpush v7, $0xF;
	s4 =	ssub.s32 s4, s14  }
0x41b: {  	v4 =	vld [tilespmem:s16+$0xFFFFFFF0];
	v5 =	vmov s4  }
0x41c: {  	vm4 =	vlt.s32 v0, v5;
	v0 =	vld [tilespmem:s16+$0x10]  }
0x41d: {  	v14 =	vld [tilespmem:s16+$0xFFFFFFE0]  }
0x41e: {  	vm5 =	vlt.s32 v2, v13;
	vm9 =	vlt.s32 v2, v12;
	vm0 =	vmand vm0, vm4  }
0x41f: {  	vm8 =	vmmov vm1;
	vm1 =	veq.s32 v2, v3;
	vm0 =	vmor vm5, vm0  }
0x420: {  	vm6 =	vmmov vm2;
	v15 =	vsel vm1, $0x1, v1;
	v9 =	vsel vm0, $0x1, v1  }
0x421: {  	vm4 =	vmmov vm3;
	vm3 =	veq.s32 v2, v4;
	(xrf0) =	vadd.scan.msk.s32 $0xffff, v9;
	vm2 =	veq.s32 v2, v0  }
0x422: {  	vm5 =	veq.s32 v2, v14;
	(xrf0) =	vadd.scan.msk.s32 $0xffff, v15;
	v15 =	vsel vm4, $0xFFFFFFFF, v1;
	v16 =	vsel vm2, $0x1, v1;
	s17 =	spop (v2sf)  }
0x423: {  	v8 =	vadd.s32 v15, v8;
	v15 =	vsel vm5, $0x1, v1;
	(xrf0) =	vadd.scan.msk.s32 $0xffff, v16;
	v16 =	vsel vm8, $0xFFFFFFFF, v1;
	s4 =	sadd.s32 $0x0, s17;
	s18 =	spop (v2sf)  }
0x424: {  	(xrf0) =	vadd.scan.msk.s32 $0xffff, v15;
	v6 =	vadd.s32 v16, v6;
	v15 =	vsel vm3, $0x1, v1;
	v8 =	vadd.s32 s4, v8;
	s4 =	sadd.s32 s4, s18  }
0x425: {  	vm10 =	vlt.s32 v2, v11;
	vm11 =	vlt.s32 v8, v5;
	v6 =	vadd.s32 s4, v6  }
0x426: {  	(xrf0) =	vadd.scan.msk.s32 $0xffff, v15;
	s19 =	spop (v2sf);
	v8 =	vsel vm6, $0xFFFFFFFF, v1;
	vm4 =	vmand vm4, vm11;
	vm11 =	vlt.s32 v6, v5  }
0x427: {  	v15, _, _ =	vpop (xrf0);
	s4 =	sadd.s32 s4, s19;
	v7 =	vadd.s32 v8, v7;
	vm4 =	vmor vm10, vm4;
	vm8 =	vmand vm8, vm11  }
0x428: {  	v16, _, _ =	vpop (xrf0);
	v6 =	vadd.s32 s4, v7;
	v7 =	vsel vm4, $0x1, v1;
	vm8 =	vmor vm9, vm8  }
0x429: {  	vm7 =	vlt.s32 v2, v10;
	s20 =	spop (v2sf);
	v17, _, _ =	vpop (xrf0);
	vm10 =	vlt.s32 v6, v5;
	(xrf0) =	vadd.scan.msk.s32 $0xffff, v7;
	v8 =	vsel vm8, $0x1, v1  }
0x42a: {  	(v2sf) =	vpush v15, $0xF;
	s4 =	sadd.s32 s4, s20;
	v6 =	vsel vm5, $0xFFFFFFFF, v1;
	v18, _, _ =	vpop (xrf0);
	vm6 =	vmand vm6, vm10;
	(xrf0) =	vadd.scan.msk.s32 $0xffff, v8  }
0x42b: {  	v6 =	vadd.s32 s4, v6;
	(v2sf) =	vpush v18, $0xF;
	vm7 =	vmor vm7, vm6  }
0x42c: {  	v6 =	vadd.s32 v18, v6;
	v18, _, _ =	vpop (xrf0);
	v19 =	vsel vm7, $0x1, v1  }
0x42d: {  	(v2sf) =	vpush v18, $0xF;
	(xrf0) =	vadd.scan.msk.s32 $0xffff, v19  }
0x42e: {  	(v2sf) =	vpush v16, $0xF  }
0x42f: {  	(v2sf) =	vpush v17, $0xF;
	v20, _, _ =	vpop (xrf0)  }
0x430: {  	(v2sf) =	vpush v20, $0xF;
	v22, _, _ =	vpop (xrf0)  }
0x431: {  	vm6 =	vlt.s32 v6, v5;
	(v2sf) =	vpush v22, $0xF  }
0x432: {  	s21 =	simm.s32 $0xB20;
	v9 =	vsub.s32 v15, v9;
	vm9 =	vlt.s32 v2, v14;
	vm5 =	vmand vm5, vm6  }
0x433: {  	vm12 =	vmmov vm1;
	v23 =	vadd.s32 s15, v9;
	v9 =	vld [tilespmem:s21+$0xFFFFFFE0];
	vm9 =	vmor vm9, vm5;
	v15, _, _ =	vpop (xrf0)  }
0x434: {  	vm13 =	vmmov vm3;
	v21 =	vsel vm9, $0x1, v1;
	(v2sf) =	vpush v15, $0xF  }
0x435: {  	v56 =	vsel vm12, $0xFFFFFFFF, v1;
	v26 =	vsel vm13, $0xFFFFFFFF, v1;
	vm11 =	vlt.s32 v2, v0;
	v6 =	vld [tilespmem:s21+$0x0];
	(xrf0) =	vadd.scan.msk.s32 $0xffff, v21  }
0x436: {  	vm1 =	vmmov vm4;
	vm4 =	vlt.s32 v2, v4;
	vm3 =	vmmov vm8  }
0x437: {  	v18 =	vadd.s32 v26, v18;
	vm6 =	vmmov vm0;
	v20 =	vsub.s32 v20, v7;
	v7 =	vld [tilespmem:s21+$0x10]  }
0x438: {  	vm8 =	veq.s32 v2, v9;
	v16 =	vadd.s32 v56, v16;
	v22 =	vsub.s32 v22, v8;
	v8 =	vld [tilespmem:s21+$0xFFFFFFF0]  }
0x439: {  	vm5 =	vmmov vm2;
	vm2 =	vmmov vm7;
	v59 =	vsel vm8, $0x1, v1;
	s22 =	spop (v2sf)  }
0x43a: {  	vm0 =	vmmov vm9;
	v25 =	vsel vm5, $0xFFFFFFFF, v1;
	vm9 =	veq.s32 v2, v6;
	s23 =	spop (v2sf)  }
0x43b: {  	v17 =	vadd.s32 v25, v17;
	v57 =	vsel vm9, $0x1, v1;
	v19 =	vsub.s32 v15, v19;
	v15, _, _ =	vpop (xrf0);
	s4 =	sadd.s32 s4, s23  }
0x43c: {  	vm7 =	veq.s32 v2, v7;
	(v2sf) =	vpush v15, $0xF;
	s24 =	spop (v2sf);
	v18 =	vadd.s32 s4, v18  }
0x43d: {  	(xrf0) =	vadd.scan.msk.s32 $0xffff, v57;
	v58 =	vsel vm7, $0x1, v1;
	vm10 =	veq.s32 v2, v8;
	s4 =	sadd.s32 s4, s24;
	s25 =	spop (v2sf);
	vm14 =	vlt.s32 v18, v5  }
0x43e: {  	(xrf0) =	vadd.scan.msk.s32 $0xffff, v58;
	v18 =	vsel vm10, $0x1, v1;
	v16 =	vadd.s32 s4, v16;
	s6 =	sadd.s32 s4, s25;
	s26 =	spop (v2sf);
	vm13 =	vmand vm13, vm14  }
0x43f: {  	s5 =	sadd.s32 $0x0, s22;
	(xrf0) =	vadd.scan.msk.s32 $0xffff, v59;
	vm14 =	vlt.s32 v16, v5;
	v16 =	vadd.s32 s6, v17;
	vm4 =	vmor vm4, vm13;
	s28 =	spop (v2sf)  }
0x440: {  	s4 =	simm.s32 $0x1280;
	(xrf0) =	vadd.scan.msk.s32 $0xffff, v18;
	vm13 =	vlt.s32 v2, v3;
	v17 =	vsub.s32 v15, v21;
	vm12 =	vmand vm12, vm14;
	s8 =	sadd.s32 s5, s28;
	s30 =	spop (v2sf)  }
0x441: {  	s29 =	simm.s32 $0xEA0;
	[tilespmem:v23+s4+$0x0] =	vst.idx.msk vm6, v13;
	vm14 =	vlt.s32 v16, v5;
	v60 =	vsel vm4, $0x1, v1;
	v61 =	vadd.s32 s8, v22;
	s10 =	sadd.s32 s8, s30  }
0x442: {  	vm12 =	vmor vm13, vm12;
	v22 =	vld [tilespmem:s29+$0xFFFFFFE0];
	s8 =	sadd.s32 s6, s26;
	v18 =	vadd.s32 s10, v19;
	v19 =	vsel vm8, $0xFFFFFFFF, v1  }
0x443: {  	v15, _, _ =	vpop (xrf0);
	vm5 =	vmand vm5, vm14;
	(xrf0) =	vadd.scan.msk.s32 $0xffff, v60;
	v62 =	vsel vm12, $0x1, v1;
	s31 =	spop (v2sf);
	v19 =	vadd.s32 s8, v19  }
0x444: {  	v13, _, _ =	vpop (xrf0);
	v16 =	vadd.s32 s5, v20;
	vm5 =	vmor vm11, vm5;
	(xrf0) =	vadd.scan.msk.s32 $0xffff, v62;
	s7 =	sadd.s32 s10, s31  }
0x445: {  	v20, _, _ =	vpop (xrf0);
	v27 =	vsel vm5, $0x1, v1;
	v17 =	vadd.s32 s7, v17  }
0x446: {  	(v2sf) =	vpush v20, $0xF;
	s5 =	simm.s32 $0x1300;
	(xrf0) =	vadd.scan.msk.s32 $0xffff, v27;
	v21 =	vadd.s32 v20, v19;
	[tilespmem:v61+s4+$0x0] =	vst.idx.msk vm3, v12;
	v19, _, _ =	vpop (xrf0)  }
0x447: {  	vm11 =	vlt.s32 v21, v5;
	[tilespmem:v23+s5+$0x0] =	vst.idx.msk vm6, v22;
	(v2sf) =	vpush v19, $0xF  }
0x448: {  	vm6 =	vlt.s32 v2, v9;
	vm8 =	vmand vm8, vm11;
	v23 =	vld [tilespmem:s29+$0x0];
	[tilespmem:v18+s4+$0x0] =	vst.idx.msk vm2, v10;
	(v2sf) =	vpush v15, $0xF  }
0x449: {  	[tilespmem:v16+s4+$0x0] =	vst.idx.msk vm1, v11;
	vm8 =	vmor vm6, vm8;
	v12, _, _ =	vpop (xrf0);
	v21 =	vld [tilespmem:s29+$0x10];
	(v2sf) =	vpush v13, $0xF  }
0x44a: {  	s6 =	simm.s32 $0xEE0;
	v20 =	vsel vm8, $0x1, v1;
	v22, _, _ =	vpop (xrf0);
	[tilespmem:v17+s4+$0x0] =	vst.idx.msk vm0, v14;
	v14 =	vld [tilespmem:s29+$0xFFFFFFF0];
	(v2sf) =	vpush v12, $0xF  }
0x44b: {  	vm7 =	vmmov vm7;
	v11 =	vsub.s32 v22, v62;
	(xrf0) =	vadd.scan.msk.s32 $0xffff, v20;
	(v2sf) =	vpush v22, $0xF;
	v22 =	vld [tilespmem:s6+$0xFFFFFFE0]  }
0x44c: {  	vm11 =	vmmov vm10;
	vm6 =	vmmov vm9;
	v10 =	vsub.s32 v12, v60;
	v63, _, _ =	vpop (xrf0)  }
0x44d: {  	s9 =	simm.s32 $0x8;
	s10 =	simm.s32 $0xB60;
	s11 =	spop (v2sf);
	v12 =	vsub.s32 v63, v27;
	(v2sf) =	vpush v63, $0xF;
	[tilespmem:v61+s5+$0x0] =	vst.idx.msk vm3, v23;
	vm3 =	vmmov vm12  }
.LBB2_31:
0x44e: {  	v23 =	vld [tilespmem:s10+$0x0];
	s9 =	sadd.s32 $0x4, s9;
	[tilespmem:v18+s5+$0x0] =	vst.idx.msk vm2, v21;
	vm2 =	vmmov vm5  }
0x44f: {  	v24 =	vld [tilespmem:s10+$0x10];
	p0 =	slt.u32 s9, $0x3C;
	[tilespmem:v16+s5+$0x0] =	vst.idx.msk vm1, v14;
	vm1 =	vmmov vm4  }
0x450: {  	[tilespmem:v17+s5+$0x0] =	vst.idx.msk vm0, v22;
	vm0 =	vmmov vm8  }
0x451: {  	vm5 =	vlt.s32 v2, v7;
	v25 =	vld [tilespmem:s10+$0xFFFFFFE0];
	v14, _, _ =	vpop (xrf0)  }
0x452: {  	vm12 =	vlt.s32 v2, v6;
	v26 =	vld [tilespmem:s10+$0xFFFFFFF0];
	v17 =	vsub.s32 v14, v20;
	(v2sf) =	vpush v14, $0xF  }
0x453: {  	vm4 =	vlt.s32 v2, v8;
	v14 =	vsel vm6, $0xFFFFFFFF, v1;
	vm8 =	veq.s32 v2, v23  }
0x454: {  	v18 =	vsel vm7, $0xFFFFFFFF, v1;
	v16 =	vsel vm8, $0x1, v1;
	vm9 =	veq.s32 v2, v24  }
0x455: {  	v13 =	vadd.s32 v18, v13;
	v20 =	vsel vm9, $0x1, v1;
	(xrf0) =	vadd.scan.msk.s32 $0xffff, v16;
	v16 =	vsel vm11, $0xFFFFFFFF, v1;
	s12 =	spop (v2sf)  }
0x456: {  	v14 =	vadd.s32 v14, v15;
	vm13 =	veq.s32 v2, v25;
	(xrf0) =	vadd.scan.msk.s32 $0xffff, v20;
	s8 =	sadd.s32 s8, s12;
	v16 =	vadd.s32 v16, v19;
	s12 =	spop (v2sf)  }
0x457: {  	v15 =	vsel vm13, $0x1, v1;
	vm10 =	veq.s32 v2, v26;
	v16 =	vadd.s32 s8, v16;
	s8 =	sadd.s32 s8, s12;
	s12 =	spop (v2sf)  }
0x458: {  	v18 =	vsel vm10, $0x1, v1;
	(xrf0) =	vadd.scan.msk.s32 $0xffff, v15;
	vm14 =	vlt.s32 v16, v5;
	v14 =	vadd.s32 s8, v14;
	s8 =	sadd.s32 s8, s12;
	s12 =	spop (v2sf)  }
0x459: {  	s7 =	sadd.s32 s7, s11;
	(xrf0) =	vadd.scan.msk.s32 $0xffff, v18;
	vm11 =	vmand vm11, vm14;
	vm14 =	vlt.s32 v14, v5;
	v13 =	vadd.s32 s8, v13;
	s8 =	sadd.s32 s8, s12;
	s11 =	spop (v2sf)  }
0x45a: {  	vm4 =	vmor vm4, vm11;
	vm6 =	vmand vm6, vm14;
	vm11 =	vlt.s32 v13, v5;
	s11 =	sadd.s32 s7, s11;
	s12 =	spop (v2sf)  }
0x45b: {  	v15, _, _ =	vpop (xrf0);
	v14 =	vsel vm4, $0x1, v1;
	vm12 =	vmor vm12, vm6;
	v27 =	vadd.s32 s11, v11;
	s11 =	sadd.s32 s11, s12  }
0x45c: {  	vm6 =	vmand vm7, vm11;
	v13, _, _ =	vpop (xrf0);
	v11 =	vsel vm12, $0x1, v1;
	(xrf0) =	vadd.scan.msk.s32 $0xffff, v14;
	v18 =	vadd.s32 s11, v12;
	s12 =	spop (v2sf)  }
0x45d: {  	v20 =	vsel vm13, $0xFFFFFFFF, v1;
	v16 =	vadd.s32 s7, v10;
	vm5 =	vmor vm5, vm6;
	(xrf0) =	vadd.scan.msk.s32 $0xffff, v11;
	s7 =	sadd.s32 s11, s12  }
0x45e: {  	v10 =	vadd.s32 s8, v20;
	v28 =	vsel vm5, $0x1, v1;
	v12, _, _ =	vpop (xrf0);
	v17 =	vadd.s32 s7, v17  }
0x45f: {  	vm6 =	vmmov vm8;
	v10 =	vadd.s32 v12, v10;
	(v2sf) =	vpush v12, $0xF;
	v19, _, _ =	vpop (xrf0);
	(xrf0) =	vadd.scan.msk.s32 $0xffff, v28  }
0x460: {  	vm7 =	vlt.s32 v10, v5;
	(v2sf) =	vpush v19, $0xF;
	[tilespmem:v27+s4+$0x0] =	vst.idx.msk vm3, v3;
	v3 =	vmovc v6;
	v6 =	vmov v23  }
0x461: {  	vm8 =	vlt.s32 v2, v25;
	vm7 =	vmand vm13, vm7;
	(v2sf) =	vpush v15, $0xF;
	s11 =	spop (v2sf);
	v23 =	vld [tilespmem:s6+$0x0];
	[tilespmem:v18+s4+$0x0] =	vst.idx.msk vm2, v0;
	v0 =	vmovc v7  }
.Ltmp15:
0x462: {  	v7 =	vmov v24;
	vm8 =	vmor vm8, vm7;
	(v2sf) =	vpush v13, $0xF;
	v12, _, _ =	vpop (xrf0);
	[tilespmem:v16+s4+$0x0] =	vst.idx.msk vm1, v4;
	v21 =	vld [tilespmem:s6+$0x10];
	(pc) =	sbr.rel @p0 .LBB2_31-.Ltmp15, $4  }
0x463: {  	v20 =	vsel vm8, $0x1, v1;
	[tilespmem:v17+s4+$0x0] =	vst.idx.msk vm0, v9;
	v10 =	vsub.s32 v12, v14;
	(v2sf) =	vpush v12, $0xF;
	v4, _, _ =	vpop (xrf0);
	v14 =	vld [tilespmem:s6+$0xFFFFFFF0];
	s6 =	sadd.s32 $0x40, s6  }
0x464: {  	v9 =	vmovc v25;
	(xrf0) =	vadd.scan.msk.s32 $0xffff, v20;
	v22 =	vld [tilespmem:s6+$0xFFFFFFE0];
	v11 =	vsub.s32 v4, v11;
	(v2sf) =	vpush v4, $0xF;
	v4 =	vmov v8  }
0x465: {  	vm11 =	vmmov vm10;
	vm7 =	vmmov vm9;
	v8 =	vmov v26;
	v24, _, _ =	vpop (xrf0)  }
0x466: {  	s10 =	sadd.s32 $0x40, s10;
	v12 =	vsub.s32 v24, v28;
	(v2sf) =	vpush v24, $0xF;
	[tilespmem:v27+s5+$0x0] =	vst.idx.msk vm3, v23;
	vm3 =	vmmov vm12  }
0x467: {  	_ =	sdelay $0x6  }
0x468: {  	v23 =	vsel vm11, $0xFFFFFFFF, v1;
	s9 =	spop (v2sf)  }
0x469: {  	v24 =	vsel vm6, $0xFFFFFFFF, v1;
	v19 =	vadd.s32 v23, v19;
	s8 =	sadd.s32 s8, s9;
	s20 =	spop (v2sf)  }
0x46a: {  	v15 =	vadd.s32 v24, v15;
	v19 =	vadd.s32 s8, v19;
	s8 =	sadd.s32 s8, s20  }
0x46b: {  	vm9 =	vlt.s32 v19, v5;
	v15 =	vadd.s32 s8, v15  }
0x46c: {  	vm10 =	vlt.s32 v2, v8;
	vm9 =	vmand vm11, vm9;
	vm14 =	vlt.s32 v15, v5  }
0x46d: {  	vm12 =	vlt.s32 v2, v6;
	vm9 =	vmor vm10, vm9;
	vm15 =	vmand vm6, vm14  }
0x46e: {  	v46 =	vsel vm9, $0x1, v1;
	vm6 =	vmor vm12, vm15  }
0x46f: {  	v47 =	vsel vm6, $0x1, v1;
	(xrf0) =	vadd.scan.msk.s32 $0xffff, v46  }
0x470: {  	(xrf0) =	vadd.scan.msk.s32 $0xffff, v47;
	_ =	sdelay $0x3  }
0x471: {  	v48, _, _ =	vpop (xrf0)  }
0x472: {  	(v2sf) =	vpush v48, $0xF;
	v49, _, _ =	vpop (xrf0)  }
0x473: {  	v26 =	vsel vm7, $0xFFFFFFFF, v1;
	s21 =	spop (v2sf);
	(v2sf) =	vpush v49, $0xF;
	v25, _, _ =	vpop (xrf0)  }
0x474: {  	v13 =	vadd.s32 v26, v13;
	s8 =	sadd.s32 s8, s21;
	(v2sf) =	vpush v25, $0xF  }
0x475: {  	v13 =	vadd.s32 s8, v13  }
0x476: {  	vm13 =	vlt.s32 v13, v5  }
0x477: {  	vm14 =	vmand vm7, vm13;
	vm15 =	vlt.s32 v2, v7  }
0x478: {  	vm7 =	vmor vm15, vm14  }
0x479: {  	v50 =	vsel vm7, $0x1, v1  }
0x47a: {  	s7 =	sadd.s32 s7, s11;
	vm4 =	vmmov vm4;
	s22 =	spop (v2sf);
	(xrf0) =	vadd.scan.msk.s32 $0xffff, v50  }
0x47b: {  	v10 =	vadd.s32 s7, v10;
	s8 =	spop (v2sf)  }
0x47c: {  	s8 =	sadd.s32 s7, s8;
	s23 =	spop (v2sf)  }
0x47d: {  	vm5 =	vmmov vm5;
	v51 =	vadd.s32 s8, v11;
	s8 =	sadd.s32 s8, s23  }
0x47e: {  	v52 =	vadd.s32 s8, v12;
	_ =	sdelay $0x1  }
0x47f: {  	[tilespmem:v10+s4+$0x0] =	vst.idx.msk vm4, v4;
	s24 =	spop (v2sf);
	v54, _, _ =	vpop (xrf0)  }
0x480: {  	[tilespmem:v18+s5+$0x0] =	vst.idx.msk vm2, v21;
	v53 =	vsub.s32 v48, v20;
	v59 =	vld [tilespmem:s6+$0xFFFFFFF0];
	s25 =	sadd.s32 s8, s24;
	s26 =	spop (v2sf);
	(v2sf) =	vpush v54, $0xF  }
0x481: {  	[tilespmem:v16+s5+$0x0] =	vst.idx.msk vm1, v14;
	v11 =	vadd.s32 s25, v53;
	v57 =	vsub.s32 v49, v46;
	s7 =	sadd.s32 s25, s26;
	s28 =	spop (v2sf)  }
0x482: {  	vm13 =	vmmov vm6;
	[tilespmem:v52+s4+$0x0] =	vst.idx.msk vm5, v0;
	v55 =	vsub.s32 v25, v47;
	v0 =	vadd.s32 s7, v57;
	s8 =	sadd.s32 s7, s28;
	s29 =	spop (v2sf)  }
0x483: {  	[tilespmem:v17+s5+$0x0] =	vst.idx.msk vm0, v22;
	v1 =	vsub.s32 v54, v50;
	v56 =	vadd.s32 s8, v55;
	s8 =	sadd.s32 s8, s29  }
0x484: {  	[tilespmem:v51+s4+$0x0] =	vst.idx.msk vm3, v3;
	v1 =	vadd.s32 s8, v1  }
0x485: {  	[tilespmem:v10+s5+$0x0] =	vst.idx.msk vm4, v59;
	v3 =	vld [tilespmem:s6+$0x0]  }
0x486: {  	s30 =	sadd.s32 $0x40, s6;
	v58 =	vld [tilespmem:s6+$0x10];
	[tilespmem:v11+s4+$0x0] =	vst.idx.msk vm8, v9  }
0x487: {  	v60 =	vld [tilespmem:s30+$0xFFFFFFE0];
	[tilespmem:v0+s4+$0x0] =	vst.idx.msk vm9, v8  }
0x488: {  	v63 =	vld [tilespmem:s30+$0xFFFFFFF0];
	[tilespmem:v56+s4+$0x0] =	vst.idx.msk vm13, v6  }
0x489: {  	v61 =	vld [tilespmem:s30+$0x0];
	[tilespmem:v1+s4+$0x0] =	vst.idx.msk vm7, v7  }
0x48a: {  	[tilespmem:v51+s5+$0x0] =	vst.idx.msk vm3, v3;
	v62 =	vld [tilespmem:s30+$0x10]  }
0x48b: {  	[tilespmem:v52+s5+$0x0] =	vst.idx.msk vm5, v58  }
0x48c: {  	[tilespmem:v11+s5+$0x0] =	vst.idx.msk vm8, v60  }
0x48d: {  	[tilespmem:v0+s5+$0x0] =	vst.idx.msk vm9, v63  }
0x48e: {  	[tilespmem:v56+s5+$0x0] =	vst.idx.msk vm13, v61  }
0x48f: {  	p0 =	sne.s32 s2, $0x0;
	s31 =	spop (v2sf);
	[tilespmem:v1+s5+$0x0] =	vst.idx.msk vm7, v62  }
0x490: {  	_ =	sfence.sel @p0 $0x180000  }
0x491: {  	[bflag:$0x0] =	sbarrier.arrive @p0 $0xFFFF  }
0x492: {  	_ =	strace @p0 $0x90000047  }
0x493: {  	s2 =	simm.s32 @!p0 $0x0;
	s4 =	simm.s32 @!p0 $0x1280;
	[bflag:$0x2] =	sbarrier.arrive @p0 $0xFFFF  }
0x494: {  	[hbm4b:s1+s2] =	stream.linear.scatter @!p0 [tilespmem:s4], [sflag:$0x1], $0x80, $0x38;
	[tilespmem:$0x1380] =	vst v63  }
0x495: {  	s1 =	simm.s32 @!p0 $0x1  }
0x496: {  	_ =	swait.ge @!p0 [sflag:s1], $0x80  }
0x497: {  	[sflag:s1] =	ssyncset.done @!p0 $0x0  }
0x498: {  	s4 =	simm.s32 @!p0 $0x1300;
	[sflag:s1] =	ssyncadd.s32 @!p0 $0xFFFFFF80  }
0x499: {  	[hbm4b:s3+s2] =	stream.linear.scatter @!p0 [tilespmem:s4], [sflag:$0x1], $0x80, $0x38;
	[tilespmem:$0x1380] =	vst v63  }
0x49a: {  	_ =	swait.ge @!p0 [sflag:s1], $0x80  }
0x49b: {  	[sflag:s1] =	ssyncset.done @!p0 $0x0  }
0x49c: {  	[sflag:s1] =	ssyncadd.s32 @!p0 $0xFFFFFF80  }
0x49d: {  	_ =	sfence.sel @!p0 $0x180000  }
0x49e: {  	[bflag:$0x0] =	sbarrier.arrive @!p0 $0xFFFF  }
0x49f: {  	_ =	strace @!p0 $0x90000047  }
0x4a0: {  	s0 =	sadd.s32 @!p0 $0x100000, s0;
	[bflag:$0x2] =	sbarrier.arrive @!p0 $0xFFFF  }
0x4a1: {  	vm12 =	vmmov vm8;
	vm15 =	vmmov vm9;
	vm14 =	vmmov vm7;
	[sflag:s0] =	ssyncadd.tile.s32 @!p0 $0x1;
	_ =	shalt  }
.Lfunc_end2:
_tile_overlayer_lowered:
.L_overlay_start_2:
0x4a2: {  	(tag) =	ssettag $0x2  }
0x4a3: {  	s0 =	rddreg [dreg:$0x0];
	s2 =	stileid.u32  }
0x4a4: {  	s1 =	rddreg [dreg:$0x1];
	p0 =	sne.s32 s2, $0x0  }
0x4a5: {  	s3 =	rddreg [dreg:$0x2];
	[bflag:$0x3] =	sbarrier.arrive $0xFFFF;
	s2 =	simm.s32 @!p0 $0x1C01  }
0x4a6: {  	[timem:s3], [sflag:s2] =	dma.local @!p0 [hbm:s0], s1  }
0x4a7: {  	s0 =	simm.s32 @!p0 $0x1  }
0x4a8: {  	_ =	swait.ge @!p0 [sflag:s0], s1  }
0x4a9: {  	s1 =	ssub.s32 @!p0 $0x0, s1;
	[sflag:s0] =	ssyncset.done @!p0 $0x0  }
0x4aa: {  	[sflag:s0] =	ssyncadd.s32 @!p0 s1  }
0x4ab: {  	[bflag:$0x3] =	sbarrier.arrive $0xFFFF  }
0x4ac: {  	_ =	shalt  }

</sc_bundles>
